<compile_context>
chip_gen: v7x
topology: tpu7x:2x2x1
jax: 0.10.2.dev20260603
libtpu: 0.0.44.dev20260713+nightly
codegen_flags: <defaults>
</compile_context>

<pallas_src>
import functools

import jax
import jax.numpy as jnp
from jax import lax
from jax.experimental import pallas as pl
from jax.experimental.pallas import tpu as pltpu
from jax.experimental.pallas import tpu_sc as plsc

NC = 2
NS = 16
LANES = 16
K = 128
GB = 8


def _make_sc_segment_sum(n_pad, d, chunks):
    rows_per_tile = n_pad // NS
    zchunks = rows_per_tile // K
    ndeg = n_pad // 128

    mesh = plsc.VectorSubcoreMesh(core_axis_name="c", subcore_axis_name="s")

    @functools.partial(
        pl.kernel,
        mesh=mesh,
        out_type=(
            jax.ShapeDtypeStruct((NC, n_pad, d), jnp.float32),
            jax.ShapeDtypeStruct((NC, ndeg, 128), jnp.float32),
        ),
        scratch_types=(
            pltpu.VMEM((GB, K), jnp.int32),
            pltpu.VMEM((GB, K), jnp.int32),
            pltpu.VMEM((K // 2,), jnp.int32),
            pltpu.VMEM((K // 2,), jnp.int32),
            pltpu.VMEM((K // 2,), jnp.int32),
            pltpu.VMEM((K // 2,), jnp.int32),
            pltpu.VMEM((K // 2,), jnp.int32),
            pltpu.VMEM((K // 2,), jnp.int32),
            pltpu.VMEM((K // 2,), jnp.int32),
            pltpu.VMEM((K // 2,), jnp.int32),
            pltpu.VMEM((K // 2, d), jnp.float32),
            pltpu.VMEM((K // 2, d), jnp.float32),
            pltpu.VMEM((K // 2, 128), jnp.float32),
            pltpu.VMEM((K // 2, 128), jnp.float32),
            pltpu.VMEM_SHARED((n_pad, d), jnp.float32),
            pltpu.VMEM_SHARED((ndeg, 128), jnp.float32),
            pltpu.VMEM_SHARED((128, 128), jnp.float32),
            pltpu.SemaphoreType.DMA,
            pltpu.SemaphoreType.DMA,
            pltpu.SemaphoreType.DMA,
            pltpu.SemaphoreType.DMA,
        ),
    )
    def sc_kernel(x_hbm, src_hbm, dst_hbm, oh_hbm, agg_out, deg_out,
                  src_g, dst_g, src_v0, src_v1, dst_v0, dst_v1,
                  lo_v0, lo_v1, hi_v0, hi_v1, rows_v0, rows_v1,
                  onerows_v0, onerows_v1,
                  sh_agg, sh_degw, sh_eye, sem, sem_goh, sem_sx, sem_soh):
        src_vs = (src_v0, src_v1)
        dst_vs = (dst_v0, dst_v1)
        lo_vs = (lo_v0, lo_v1)
        hi_vs = (hi_v0, hi_v1)
        rows_vs = (rows_v0, rows_v1)
        onerows_vs = (onerows_v0, onerows_v1)
        cid = lax.axis_index("c")
        sid = lax.axis_index("s")
        wid = sid * NC + cid

        zeros16 = jnp.zeros((LANES,), jnp.float32)

        def zrow(kk, _):
            for c in range(d // LANES):
                rows_v0[kk, pl.ds(c * LANES, LANES)] = zeros16
            return _
        lax.fori_loop(0, K // 2, zrow, None)

        row_base = sid * rows_per_tile
        for j in range(2 * zchunks):
            pltpu.sync_copy(rows_v0,
                            sh_agg.at[pl.ds(row_base + j * (K // 2), K // 2)])

        @pl.when(sid < ndeg // 8)
        def _():
            pltpu.sync_copy(rows_v0.at[pl.ds(0, 8)], sh_degw.at[pl.ds(sid * 8, 8)])

        @pl.when(sid == NS - 1)
        def _():
            pltpu.sync_copy(oh_hbm.at[pl.ds(0, 64)], onerows_v0)
            pltpu.sync_copy(onerows_v0, sh_eye.at[pl.ds(0, 64)])
            pltpu.sync_copy(oh_hbm.at[pl.ds(64, 64)], onerows_v1)
            pltpu.sync_copy(onerows_v1, sh_eye.at[pl.ds(64, 64)])

        plsc.subcore_barrier()

        H = K // 2
        NH = 2 * GB

        def stage(hh, b):
            j, half = hh // 2, hh % 2
            for c in range(H // LANES):
                sl = pl.ds(c * LANES, LANES)
                gsl = pl.ds(half * H + c * LANES, LANES)
                src_vs[b][sl] = src_g[j, gsl]
                dv = dst_g[j, gsl]
                dst_vs[b][sl] = dv
                lo_vs[b][sl] = lax.rem(dv, 128)
                hi_vs[b][sl] = lax.div(dv, 128)

        def fire_gathers(b):
            gx = pltpu.async_copy(x_hbm.at[src_vs[b]], rows_vs[b], sem)
            goh = pltpu.async_copy(sh_eye.at[lo_vs[b]], onerows_vs[b], sem_goh)
            return gx, goh

        def fire_scatters(b):
            sx = pltpu.async_copy(rows_vs[b], sh_agg.at[dst_vs[b]],
                                  sem_sx, add=True)
            soh = pltpu.async_copy(onerows_vs[b], sh_degw.at[hi_vs[b]],
                                   sem_soh, add=True)
            return sx, soh

        def body(go, _):
            goff = pl.multiple_of(go * GB, GB)
            pltpu.sync_copy(src_hbm.at[wid, pl.ds(goff, GB)], src_g)
            pltpu.sync_copy(dst_hbm.at[wid, pl.ds(goff, GB)], dst_g)
            stage(0, 0)
            g = fire_gathers(0)
            s_prev = None
            for hh in range(NH):
                cur = hh % 2
                nxt = 1 - cur
                g[0].wait()
                g[1].wait()
                if s_prev is not None:
                    s_prev[0].wait()
                    s_prev[1].wait()
                if hh + 1 < NH:
                    stage(hh + 1, nxt)
                    g = fire_gathers(nxt)
                s_prev = fire_scatters(cur)
            s_prev[0].wait()
            s_prev[1].wait()
            return _
        lax.fori_loop(0, chunks // GB, body, None)

        plsc.subcore_barrier()

        for j in range(2 * zchunks):
            rb = row_base + j * (K // 2)
            pltpu.sync_copy(sh_agg.at[pl.ds(rb, K // 2)], rows_v0)
            pltpu.sync_copy(rows_v0, agg_out.at[cid, pl.ds(rb, K // 2)])

        @pl.when(sid < ndeg // 8)
        def _():
            pltpu.sync_copy(sh_degw.at[pl.ds(sid * 8, 8)], onerows_v0.at[pl.ds(0, 8)])
            pltpu.sync_copy(onerows_v0.at[pl.ds(0, 8)], deg_out.at[cid, pl.ds(sid * 8, 8)])

    return sc_kernel


def _tc_body(p_ref, degp_ref, x_ref, wl_ref, wr_ref, ws_ref, bl_ref, bs_ref,
             rr_ref, alpha_ref, out_ref):
    n_pad = p_ref.shape[1]
    ndeg = degp_ref.shape[1]
    p = p_ref[0] + p_ref[1]
    dgrid = degp_ref[0] + degp_ref[1]
    ri = lax.broadcasted_iota(jnp.int32, (n_pad, ndeg), 0)
    ci = lax.broadcasted_iota(jnp.int32, (n_pad, ndeg), 1)
    sel = jnp.where(ci == ri // 128, 1.0, 0.0)
    rep = lax.dot_general(sel, dgrid, (((1,), (0,)), ((), ())),
                          preferred_element_type=jnp.float32)
    li = lax.broadcasted_iota(jnp.int32, (n_pad, 128), 1)
    ro = lax.broadcasted_iota(jnp.int32, (n_pad, 128), 0)
    deg = jnp.sum(jnp.where(li == lax.rem(ro, 128), rep, 0.0),
                  axis=1, keepdims=True)
    agg = p / jnp.clip(deg, 1.0, None)
    dn = (((1,), (1,)), ((), ()))
    h = lax.dot_general(agg, wl_ref[...], dn, preferred_element_type=jnp.float32)
    h = h + lax.dot_general(x_ref[...], wr_ref[...], dn,
                            preferred_element_type=jnp.float32)
    h = jnp.maximum(h + bl_ref[...], 0.0)
    s = jnp.sum(h * ws_ref[...], axis=1, keepdims=True)
    s = s + bs_ref[0, 0]
    a = 1.0 / (1.0 + jnp.exp(-alpha_ref[0, 0]))
    out_ref[...] = a * rr_ref[...] + (1.0 - a) * s


def kernel(x, edge_index, reranker_scores, W_l, b_l, W_r, W_score, b_score, alpha):
    n, d = x.shape
    e = edge_index.shape[1]
    h_dim = W_l.shape[0]

    n_pad = ((n + 511) // 512) * 512
    eblk = NC * NS * K * GB
    e_pad = ((e + eblk - 1) // eblk) * eblk
    chunks = e_pad // (NC * NS * K)

    src = edge_index[0]
    dst = edge_index[1]
    pad = e_pad - e
    if pad:
        src = jnp.concatenate([src, jnp.zeros((pad,), jnp.int32)])
        dst = jnp.concatenate([dst, jnp.full((pad,), n, jnp.int32)])
    src3 = src.reshape(NC * NS, chunks, K)
    dst3 = dst.reshape(NC * NS, chunks, K)

    xp = jnp.zeros((n_pad, d), jnp.float32).at[:n, :].set(x)
    rrp = jnp.zeros((n_pad, 1), jnp.float32).at[:n, 0].set(reranker_scores)
    oh = jnp.eye(128, dtype=jnp.float32)

    sc = _make_sc_segment_sum(n_pad, d, chunks)
    partials, degs = sc(xp, src3, dst3, oh)

    out_pad = pl.pallas_call(
        _tc_body,
        out_shape=jax.ShapeDtypeStruct((n_pad, 1), jnp.float32),
    )(partials, degs, xp, W_l, W_r, W_score,
      b_l.reshape(1, h_dim), b_score.reshape(1, 1), rrp,
      jnp.asarray(alpha, jnp.float32).reshape(1, 1))

    return out_pad[:n, 0]

# --- scband reference (transcript-rebuilt; emitter-appended) ---
"""Pipeline reference for scband-sagereranker-48885317763291 (READ-ONLY COPY).

The authoritative reference and input builder live on the scoring server;
editing this copy changes nothing except your own understanding.
"""

import jax, jax.numpy as jnp
import numpy as np

N = 10000
E = 320000
D = 128
H = 128


def setup_inputs(seed: int = 0) -> dict:
    key = jax.random.key(seed)
    ks = jax.random.split(key, 9)
    x = jax.random.normal(ks[0], (N, D), dtype=jnp.float32)
    edge_index = jax.random.randint(ks[1], (2, E), 0, N, dtype=jnp.int32)
    reranker_scores = jax.random.normal(ks[2], (N,), dtype=jnp.float32)
    # SAGEConv params: lin_l (applied to aggregated neighbors, has bias), lin_r (applied to root, no bias)
    W_l = jax.random.normal(ks[3], (H, D), dtype=jnp.float32) * (1.0 / np.sqrt(D))
    b_l = jnp.zeros((H,), dtype=jnp.float32)
    W_r = jax.random.normal(ks[4], (H, D), dtype=jnp.float32) * (1.0 / np.sqrt(D))
    # score head
    W_score = jax.random.normal(ks[5], (1, H), dtype=jnp.float32) * (1.0 / np.sqrt(H))
    b_score = jnp.zeros((1,), dtype=jnp.float32)
    alpha = jnp.asarray(0.65, dtype=jnp.float32)
    return {
        "x": x,
        "edge_index": edge_index,
        "reranker_scores": reranker_scores,
        "W_l": W_l,
        "b_l": b_l,
        "W_r": W_r,
        "W_score": W_score,
        "b_score": b_score,
        "alpha": alpha,
    }


def reference(x, edge_index, reranker_scores, W_l, b_l, W_r, W_score, b_score, alpha):
    src = edge_index[0]
    dst = edge_index[1]
    # SAGEConv with mean aggregation: out = lin_l(mean_{j in N(i)} x_j) + lin_r(x_i)
    msgs = jnp.take(x, src, axis=0)
    agg = jax.ops.segment_sum(msgs, dst, num_segments=N)
    deg = jax.ops.segment_sum(jnp.ones((E,), dtype=jnp.float32), dst, num_segments=N)
    agg = agg / jnp.clip(deg, 1.0, None)[:, None]
    h = agg @ W_l.T + b_l + x @ W_r.T
    h = jax.nn.relu(h)
    # dropout is identity in eval mode
    gnn_scores = (h @ W_score.T + b_score)[:, 0]
    a = jax.nn.sigmoid(alpha)
    return a * reranker_scores + (1.0 - a) * gnn_scores

if __name__ == "__main__":
    import jax
    _d = setup_inputs()
    print(jax.jit(kernel)(*tuple(_d.values())))

</pallas_src>

<mosaic_0001>
#map = affine_map<(d0, d1) -> (0, 0)>
#map1 = affine_map<(d0, d1) -> (0, 0, 0)>
module attributes {stable_mosaic.version = 14 : i64} {
  func.func @sc_kernel(%arg0: i32, %arg1: i32, %arg2: memref<10240x128xf32, #tpu.memory_space<hbm>>, %arg3: memref<32x80x128xi32, #tpu.memory_space<hbm>>, %arg4: memref<32x80x128xi32, #tpu.memory_space<hbm>>, %arg5: memref<128x128xf32, #tpu.memory_space<hbm>>, %arg6: memref<2x10240x128xf32, #tpu.memory_space<hbm>>, %arg7: memref<2x80x128xf32, #tpu.memory_space<hbm>>, %arg8: memref<8x128xi32, #tpu.memory_space<vmem>>, %arg9: memref<8x128xi32, #tpu.memory_space<vmem>>, %arg10: memref<64xi32, #tpu.memory_space<vmem>>, %arg11: memref<64xi32, #tpu.memory_space<vmem>>, %arg12: memref<64xi32, #tpu.memory_space<vmem>>, %arg13: memref<64xi32, #tpu.memory_space<vmem>>, %arg14: memref<64xi32, #tpu.memory_space<vmem>>, %arg15: memref<64xi32, #tpu.memory_space<vmem>>, %arg16: memref<64xi32, #tpu.memory_space<vmem>>, %arg17: memref<64xi32, #tpu.memory_space<vmem>>, %arg18: memref<64x128xf32, #tpu.memory_space<vmem>>, %arg19: memref<64x128xf32, #tpu.memory_space<vmem>>, %arg20: memref<64x128xf32, #tpu.memory_space<vmem>>, %arg21: memref<64x128xf32, #tpu.memory_space<vmem>>, %arg22: memref<10240x128xf32, #tpu.memory_space<vmem_shared>>, %arg23: memref<80x128xf32, #tpu.memory_space<vmem_shared>>, %arg24: memref<128x128xf32, #tpu.memory_space<vmem_shared>>, %arg25: memref<!tpu.dma_semaphore, #tpu.memory_space<semaphore_mem>>, %arg26: memref<!tpu.dma_semaphore, #tpu.memory_space<semaphore_mem>>, %arg27: memref<!tpu.dma_semaphore, #tpu.memory_space<semaphore_mem>>, %arg28: memref<!tpu.dma_semaphore, #tpu.memory_space<semaphore_mem>>) attributes {dimension_semantics = [#tpu.dimension_semantics<core_parallel>, #tpu.dimension_semantics<subcore_parallel>], iteration_bounds = array<i64: 2, 16>, scalar_prefetch = 0 : i64, scratch_operands = 21 : i64, tpu.core_type = #tpu.core_type<sc_vector_subcore>, window_params = [{transform_indices = #map}, {transform_indices = #map1}, {transform_indices = #map1}, {transform_indices = #map}, {transform_indices = #map1}, {transform_indices = #map1}]} {
    %mul3A = arith.constant 2 : i32
    %mul3A_0 = arith.muli %arg1, %mul3A : i32
    %add3A = arith.addi %mul3A_0, %arg0 : i32
    %broadcast_in_dim3A = arith.constant 0.000000e+00 : f32
    %broadcast_in_dim3A_1 = vector.broadcast %broadcast_in_dim3A : f32 to vector<16xf32>
    %scan3A = arith.constant 0 : i32
    %scan3A_2 = arith.constant 64 : i32
    %scan3A_3 = arith.addi %scan3A, %scan3A_2 : i32
    %scan3A_4 = arith.constant 1 : i32
    scf.for %scan3A_65 = %scan3A to %scan3A_3 step %scan3A_4  : i32 {
      %swap3A = arith.index_cast %scan3A_65 : i32 to index
      %swap3A_66 = arith.constant 0 : index
      %swap3A_67 = tpu.vector_load %arg18[%swap3A, %swap3A_66] {strides = array<i32>} : memref<64x128xf32, #tpu.memory_space<vmem>>, vector<1x16xf32>,
      %swap3A_68 = vector.shape_cast %swap3A_67 : vector<1x16xf32> to vector<16xf32>
      %swap3A_69 = vector.shape_cast %broadcast_in_dim3A_1 : vector<16xf32> to vector<1x16xf32>
      tpu.vector_store %arg18[%swap3A, %swap3A_66], %swap3A_69 {strides = array<i32>} : memref<64x128xf32, #tpu.memory_space<vmem>>, vector<1x16xf32>,
      %swap3A_70 = arith.index_cast %scan3A_65 : i32 to index
      %swap3A_71 = arith.constant 16 : index
      %swap3A_72 = tpu.vector_load %arg18[%swap3A_70, %swap3A_71] {strides = array<i32>} : memref<64x128xf32, #tpu.memory_space<vmem>>, vector<1x16xf32>,
      %swap3A_73 = vector.shape_cast %swap3A_72 : vector<1x16xf32> to vector<16xf32>
      %swap3A_74 = vector.shape_cast %broadcast_in_dim3A_1 : vector<16xf32> to vector<1x16xf32>
      tpu.vector_store %arg18[%swap3A_70, %swap3A_71], %swap3A_74 {strides = array<i32>} : memref<64x128xf32, #tpu.memory_space<vmem>>, vector<1x16xf32>,
      %swap3A_75 = arith.index_cast %scan3A_65 : i32 to index
      %swap3A_76 = arith.constant 32 : index
      %swap3A_77 = tpu.vector_load %arg18[%swap3A_75, %swap3A_76] {strides = array<i32>} : memref<64x128xf32, #tpu.memory_space<vmem>>, vector<1x16xf32>,
      %swap3A_78 = vector.shape_cast %swap3A_77 : vector<1x16xf32> to vector<16xf32>
      %swap3A_79 = vector.shape_cast %broadcast_in_dim3A_1 : vector<16xf32> to vector<1x16xf32>
      tpu.vector_store %arg18[%swap3A_75, %swap3A_76], %swap3A_79 {strides = array<i32>} : memref<64x128xf32, #tpu.memory_space<vmem>>, vector<1x16xf32>,
      %swap3A_80 = arith.index_cast %scan3A_65 : i32 to index
      %swap3A_81 = arith.constant 48 : index
      %swap3A_82 = tpu.vector_load %arg18[%swap3A_80, %swap3A_81] {strides = array<i32>} : memref<64x128xf32, #tpu.memory_space<vmem>>, vector<1x16xf32>,
      %swap3A_83 = vector.shape_cast %swap3A_82 : vector<1x16xf32> to vector<16xf32>
      %swap3A_84 = vector.shape_cast %broadcast_in_dim3A_1 : vector<16xf32> to vector<1x16xf32>
      tpu.vector_store %arg18[%swap3A_80, %swap3A_81], %swap3A_84 {strides = array<i32>} : memref<64x128xf32, #tpu.memory_space<vmem>>, vector<1x16xf32>,
      %swap3A_85 = arith.index_cast %scan3A_65 : i32 to index
      %swap3A_86 = arith.constant 64 : index
      %swap3A_87 = tpu.vector_load %arg18[%swap3A_85, %swap3A_86] {strides = array<i32>} : memref<64x128xf32, #tpu.memory_space<vmem>>, vector<1x16xf32>,
      %swap3A_88 = vector.shape_cast %swap3A_87 : vector<1x16xf32> to vector<16xf32>
      %swap3A_89 = vector.shape_cast %broadcast_in_dim3A_1 : vector<16xf32> to vector<1x16xf32>
      tpu.vector_store %arg18[%swap3A_85, %swap3A_86], %swap3A_89 {strides = array<i32>} : memref<64x128xf32, #tpu.memory_space<vmem>>, vector<1x16xf32>,
      %swap3A_90 = arith.index_cast %scan3A_65 : i32 to index
      %swap3A_91 = arith.constant 80 : index
      %swap3A_92 = tpu.vector_load %arg18[%swap3A_90, %swap3A_91] {strides = array<i32>} : memref<64x128xf32, #tpu.memory_space<vmem>>, vector<1x16xf32>,
      %swap3A_93 = vector.shape_cast %swap3A_92 : vector<1x16xf32> to vector<16xf32>
      %swap3A_94 = vector.shape_cast %broadcast_in_dim3A_1 : vector<16xf32> to vector<1x16xf32>
      tpu.vector_store %arg18[%swap3A_90, %swap3A_91], %swap3A_94 {strides = array<i32>} : memref<64x128xf32, #tpu.memory_space<vmem>>, vector<1x16xf32>,
      %swap3A_95 = arith.index_cast %scan3A_65 : i32 to index
      %swap3A_96 = arith.constant 96 : index
      %swap3A_97 = tpu.vector_load %arg18[%swap3A_95, %swap3A_96] {strides = array<i32>} : memref<64x128xf32, #tpu.memory_space<vmem>>, vector<1x16xf32>,
      %swap3A_98 = vector.shape_cast %swap3A_97 : vector<1x16xf32> to vector<16xf32>
      %swap3A_99 = vector.shape_cast %broadcast_in_dim3A_1 : vector<16xf32> to vector<1x16xf32>
      tpu.vector_store %arg18[%swap3A_95, %swap3A_96], %swap3A_99 {strides = array<i32>} : memref<64x128xf32, #tpu.memory_space<vmem>>, vector<1x16xf32>,
      %swap3A_100 = arith.index_cast %scan3A_65 : i32 to index
      %swap3A_101 = arith.constant 112 : index
      %swap3A_102 = tpu.vector_load %arg18[%swap3A_100, %swap3A_101] {strides = array<i32>} : memref<64x128xf32, #tpu.memory_space<vmem>>, vector<1x16xf32>,
      %swap3A_103 = vector.shape_cast %swap3A_102 : vector<1x16xf32> to vector<16xf32>
      %swap3A_104 = vector.shape_cast %broadcast_in_dim3A_1 : vector<16xf32> to vector<1x16xf32>
      tpu.vector_store %arg18[%swap3A_100, %swap3A_101], %swap3A_104 {strides = array<i32>} : memref<64x128xf32, #tpu.memory_space<vmem>>, vector<1x16xf32>,
    }
    %scan3A_5 = arith.constant 64 : i32
    %mul3A_6 = arith.constant 640 : i32
    %mul3A_7 = arith.muli %arg1, %mul3A_6 : i32
    %add3A_8 = arith.constant 0 : i32
    %add3A_9 = arith.addi %mul3A_7, %add3A_8 : i32
    "tpu.region"() ({
      %run_scoped3A = tpu.sem_alloc : memref<!tpu.dma_semaphore, #tpu.memory_space<semaphore_mem>>
      %dma_start3A = arith.constant 0 : i32
      %dma_start3A_65 = tpu.memref_slice %arg22[%add3A_9, %dma_start3A] : memref<10240x128xf32, #tpu.memory_space<vmem_shared>> -> memref<64x128xf32, #tpu.memory_space<vmem_shared>>
      %dma_start3A_66 = arith.constant 0 : i32
      %dma_start3A_67 = tpu.memref_slice %arg22[%add3A_9, %dma_start3A_66] : memref<10240x128xf32, #tpu.memory_space<vmem_shared>> -> memref<64x128xf32, #tpu.memory_space<vmem_shared>>
      tpu.enqueue_dma source(%arg18 : memref<64x128xf32, #tpu.memory_space<vmem>>) target(%dma_start3A_67 : memref<64x128xf32, #tpu.memory_space<vmem_shared>>) target_semaphore(%run_scoped3A : memref<!tpu.dma_semaphore, #tpu.memory_space<semaphore_mem>>)
      %dma_wait3A = arith.constant 0 : i32
      %dma_wait3A_68 = tpu.memref_slice %arg22[%add3A_9, %dma_wait3A] : memref<10240x128xf32, #tpu.memory_space<vmem_shared>> -> memref<64x128xf32, #tpu.memory_space<vmem_shared>>
      %dma_wait3A_69 = arith.constant 0 : i32
      %dma_wait3A_70 = tpu.memref_slice %arg22[%add3A_9, %dma_wait3A_69] : memref<10240x128xf32, #tpu.memory_space<vmem_shared>> -> memref<64x128xf32, #tpu.memory_space<vmem_shared>>
      tpu.wait_dma2 semaphore(%run_scoped3A : memref<!tpu.dma_semaphore, #tpu.memory_space<semaphore_mem>>) src(%arg18 : memref<64x128xf32, #tpu.memory_space<vmem>>) dst(%dma_wait3A_70 : memref<64x128xf32, #tpu.memory_space<vmem_shared>>)
      tpu.yield
    }) : () -> ()
    %add3A_10 = arith.constant 64 : i32
    %add3A_11 = arith.addi %mul3A_7, %add3A_10 : i32
    "tpu.region"() ({
      %run_scoped3A = tpu.sem_alloc : memref<!tpu.dma_semaphore, #tpu.memory_space<semaphore_mem>>
      %dma_start3A = arith.constant 0 : i32
      %dma_start3A_65 = tpu.memref_slice %arg22[%add3A_11, %dma_start3A] : memref<10240x128xf32, #tpu.memory_space<vmem_shared>> -> memref<64x128xf32, #tpu.memory_space<vmem_shared>>
      %dma_start3A_66 = arith.constant 0 : i32
      %dma_start3A_67 = tpu.memref_slice %arg22[%add3A_11, %dma_start3A_66] : memref<10240x128xf32, #tpu.memory_space<vmem_shared>> -> memref<64x128xf32, #tpu.memory_space<vmem_shared>>
      tpu.enqueue_dma source(%arg18 : memref<64x128xf32, #tpu.memory_space<vmem>>) target(%dma_start3A_67 : memref<64x128xf32, #tpu.memory_space<vmem_shared>>) target_semaphore(%run_scoped3A : memref<!tpu.dma_semaphore, #tpu.memory_space<semaphore_mem>>)
      %dma_wait3A = arith.constant 0 : i32
      %dma_wait3A_68 = tpu.memref_slice %arg22[%add3A_11, %dma_wait3A] : memref<10240x128xf32, #tpu.memory_space<vmem_shared>> -> memref<64x128xf32, #tpu.memory_space<vmem_shared>>
      %dma_wait3A_69 = arith.constant 0 : i32
      %dma_wait3A_70 = tpu.memref_slice %arg22[%add3A_11, %dma_wait3A_69] : memref<10240x128xf32, #tpu.memory_space<vmem_shared>> -> memref<64x128xf32, #tpu.memory_space<vmem_shared>>
      tpu.wait_dma2 semaphore(%run_scoped3A : memref<!tpu.dma_semaphore, #tpu.memory_space<semaphore_mem>>) src(%arg18 : memref<64x128xf32, #tpu.memory_space<vmem>>) dst(%dma_wait3A_70 : memref<64x128xf32, #tpu.memory_space<vmem_shared>>)
      tpu.yield
    }) : () -> ()
    %add3A_12 = arith.constant 128 : i32
    %add3A_13 = arith.addi %mul3A_7, %add3A_12 : i32
    "tpu.region"() ({
      %run_scoped3A = tpu.sem_alloc : memref<!tpu.dma_semaphore, #tpu.memory_space<semaphore_mem>>
      %dma_start3A = arith.constant 0 : i32
      %dma_start3A_65 = tpu.memref_slice %arg22[%add3A_13, %dma_start3A] : memref<10240x128xf32, #tpu.memory_space<vmem_shared>> -> memref<64x128xf32, #tpu.memory_space<vmem_shared>>
      %dma_start3A_66 = arith.constant 0 : i32
      %dma_start3A_67 = tpu.memref_slice %arg22[%add3A_13, %dma_start3A_66] : memref<10240x128xf32, #tpu.memory_space<vmem_shared>> -> memref<64x128xf32, #tpu.memory_space<vmem_shared>>
      tpu.enqueue_dma source(%arg18 : memref<64x128xf32, #tpu.memory_space<vmem>>) target(%dma_start3A_67 : memref<64x128xf32, #tpu.memory_space<vmem_shared>>) target_semaphore(%run_scoped3A : memref<!tpu.dma_semaphore, #tpu.memory_space<semaphore_mem>>)
      %dma_wait3A = arith.constant 0 : i32
      %dma_wait3A_68 = tpu.memref_slice %arg22[%add3A_13, %dma_wait3A] : memref<10240x128xf32, #tpu.memory_space<vmem_shared>> -> memref<64x128xf32, #tpu.memory_space<vmem_shared>>
      %dma_wait3A_69 = arith.constant 0 : i32
      %dma_wait3A_70 = tpu.memref_slice %arg22[%add3A_13, %dma_wait3A_69] : memref<10240x128xf32, #tpu.memory_space<vmem_shared>> -> memref<64x128xf32, #tpu.memory_space<vmem_shared>>
      tpu.wait_dma2 semaphore(%run_scoped3A : memref<!tpu.dma_semaphore, #tpu.memory_space<semaphore_mem>>) src(%arg18 : memref<64x128xf32, #tpu.memory_space<vmem>>) dst(%dma_wait3A_70 : memref<64x128xf32, #tpu.memory_space<vmem_shared>>)
      tpu.yield
    }) : () -> ()
    %add3A_14 = arith.constant 192 : i32
    %add3A_15 = arith.addi %mul3A_7, %add3A_14 : i32
    "tpu.region"() ({
      %run_scoped3A = tpu.sem_alloc : memref<!tpu.dma_semaphore, #tpu.memory_space<semaphore_mem>>
      %dma_start3A = arith.constant 0 : i32
      %dma_start3A_65 = tpu.memref_slice %arg22[%add3A_15, %dma_start3A] : memref<10240x128xf32, #tpu.memory_space<vmem_shared>> -> memref<64x128xf32, #tpu.memory_space<vmem_shared>>
      %dma_start3A_66 = arith.constant 0 : i32
      %dma_start3A_67 = tpu.memref_slice %arg22[%add3A_15, %dma_start3A_66] : memref<10240x128xf32, #tpu.memory_space<vmem_shared>> -> memref<64x128xf32, #tpu.memory_space<vmem_shared>>
      tpu.enqueue_dma source(%arg18 : memref<64x128xf32, #tpu.memory_space<vmem>>) target(%dma_start3A_67 : memref<64x128xf32, #tpu.memory_space<vmem_shared>>) target_semaphore(%run_scoped3A : memref<!tpu.dma_semaphore, #tpu.memory_space<semaphore_mem>>)
      %dma_wait3A = arith.constant 0 : i32
      %dma_wait3A_68 = tpu.memref_slice %arg22[%add3A_15, %dma_wait3A] : memref<10240x128xf32, #tpu.memory_space<vmem_shared>> -> memref<64x128xf32, #tpu.memory_space<vmem_shared>>
      %dma_wait3A_69 = arith.constant 0 : i32
      %dma_wait3A_70 = tpu.memref_slice %arg22[%add3A_15, %dma_wait3A_69] : memref<10240x128xf32, #tpu.memory_space<vmem_shared>> -> memref<64x128xf32, #tpu.memory_space<vmem_shared>>
      tpu.wait_dma2 semaphore(%run_scoped3A : memref<!tpu.dma_semaphore, #tpu.memory_space<semaphore_mem>>) src(%arg18 : memref<64x128xf32, #tpu.memory_space<vmem>>) dst(%dma_wait3A_70 : memref<64x128xf32, #tpu.memory_space<vmem_shared>>)
      tpu.yield
    }) : () -> ()
    %add3A_16 = arith.constant 256 : i32
    %add3A_17 = arith.addi %mul3A_7, %add3A_16 : i32
    "tpu.region"() ({
      %run_scoped3A = tpu.sem_alloc : memref<!tpu.dma_semaphore, #tpu.memory_space<semaphore_mem>>
      %dma_start3A = arith.constant 0 : i32
      %dma_start3A_65 = tpu.memref_slice %arg22[%add3A_17, %dma_start3A] : memref<10240x128xf32, #tpu.memory_space<vmem_shared>> -> memref<64x128xf32, #tpu.memory_space<vmem_shared>>
      %dma_start3A_66 = arith.constant 0 : i32
      %dma_start3A_67 = tpu.memref_slice %arg22[%add3A_17, %dma_start3A_66] : memref<10240x128xf32, #tpu.memory_space<vmem_shared>> -> memref<64x128xf32, #tpu.memory_space<vmem_shared>>
      tpu.enqueue_dma source(%arg18 : memref<64x128xf32, #tpu.memory_space<vmem>>) target(%dma_start3A_67 : memref<64x128xf32, #tpu.memory_space<vmem_shared>>) target_semaphore(%run_scoped3A : memref<!tpu.dma_semaphore, #tpu.memory_space<semaphore_mem>>)
      %dma_wait3A = arith.constant 0 : i32
      %dma_wait3A_68 = tpu.memref_slice %arg22[%add3A_17, %dma_wait3A] : memref<10240x128xf32, #tpu.memory_space<vmem_shared>> -> memref<64x128xf32, #tpu.memory_space<vmem_shared>>
      %dma_wait3A_69 = arith.constant 0 : i32
      %dma_wait3A_70 = tpu.memref_slice %arg22[%add3A_17, %dma_wait3A_69] : memref<10240x128xf32, #tpu.memory_space<vmem_shared>> -> memref<64x128xf32, #tpu.memory_space<vmem_shared>>
      tpu.wait_dma2 semaphore(%run_scoped3A : memref<!tpu.dma_semaphore, #tpu.memory_space<semaphore_mem>>) src(%arg18 : memref<64x128xf32, #tpu.memory_space<vmem>>) dst(%dma_wait3A_70 : memref<64x128xf32, #tpu.memory_space<vmem_shared>>)
      tpu.yield
    }) : () -> ()
    %add3A_18 = arith.constant 320 : i32
    %add3A_19 = arith.addi %mul3A_7, %add3A_18 : i32
    "tpu.region"() ({
      %run_scoped3A = tpu.sem_alloc : memref<!tpu.dma_semaphore, #tpu.memory_space<semaphore_mem>>
      %dma_start3A = arith.constant 0 : i32
      %dma_start3A_65 = tpu.memref_slice %arg22[%add3A_19, %dma_start3A] : memref<10240x128xf32, #tpu.memory_space<vmem_shared>> -> memref<64x128xf32, #tpu.memory_space<vmem_shared>>
      %dma_start3A_66 = arith.constant 0 : i32
      %dma_start3A_67 = tpu.memref_slice %arg22[%add3A_19, %dma_start3A_66] : memref<10240x128xf32, #tpu.memory_space<vmem_shared>> -> memref<64x128xf32, #tpu.memory_space<vmem_shared>>
      tpu.enqueue_dma source(%arg18 : memref<64x128xf32, #tpu.memory_space<vmem>>) target(%dma_start3A_67 : memref<64x128xf32, #tpu.memory_space<vmem_shared>>) target_semaphore(%run_scoped3A : memref<!tpu.dma_semaphore, #tpu.memory_space<semaphore_mem>>)
      %dma_wait3A = arith.constant 0 : i32
      %dma_wait3A_68 = tpu.memref_slice %arg22[%add3A_19, %dma_wait3A] : memref<10240x128xf32, #tpu.memory_space<vmem_shared>> -> memref<64x128xf32, #tpu.memory_space<vmem_shared>>
      %dma_wait3A_69 = arith.constant 0 : i32
      %dma_wait3A_70 = tpu.memref_slice %arg22[%add3A_19, %dma_wait3A_69] : memref<10240x128xf32, #tpu.memory_space<vmem_shared>> -> memref<64x128xf32, #tpu.memory_space<vmem_shared>>
      tpu.wait_dma2 semaphore(%run_scoped3A : memref<!tpu.dma_semaphore, #tpu.memory_space<semaphore_mem>>) src(%arg18 : memref<64x128xf32, #tpu.memory_space<vmem>>) dst(%dma_wait3A_70 : memref<64x128xf32, #tpu.memory_space<vmem_shared>>)
      tpu.yield
    }) : () -> ()
    %add3A_20 = arith.constant 384 : i32
    %add3A_21 = arith.addi %mul3A_7, %add3A_20 : i32
    "tpu.region"() ({
      %run_scoped3A = tpu.sem_alloc : memref<!tpu.dma_semaphore, #tpu.memory_space<semaphore_mem>>
      %dma_start3A = arith.constant 0 : i32
      %dma_start3A_65 = tpu.memref_slice %arg22[%add3A_21, %dma_start3A] : memref<10240x128xf32, #tpu.memory_space<vmem_shared>> -> memref<64x128xf32, #tpu.memory_space<vmem_shared>>
      %dma_start3A_66 = arith.constant 0 : i32
      %dma_start3A_67 = tpu.memref_slice %arg22[%add3A_21, %dma_start3A_66] : memref<10240x128xf32, #tpu.memory_space<vmem_shared>> -> memref<64x128xf32, #tpu.memory_space<vmem_shared>>
      tpu.enqueue_dma source(%arg18 : memref<64x128xf32, #tpu.memory_space<vmem>>) target(%dma_start3A_67 : memref<64x128xf32, #tpu.memory_space<vmem_shared>>) target_semaphore(%run_scoped3A : memref<!tpu.dma_semaphore, #tpu.memory_space<semaphore_mem>>)
      %dma_wait3A = arith.constant 0 : i32
      %dma_wait3A_68 = tpu.memref_slice %arg22[%add3A_21, %dma_wait3A] : memref<10240x128xf32, #tpu.memory_space<vmem_shared>> -> memref<64x128xf32, #tpu.memory_space<vmem_shared>>
      %dma_wait3A_69 = arith.constant 0 : i32
      %dma_wait3A_70 = tpu.memref_slice %arg22[%add3A_21, %dma_wait3A_69] : memref<10240x128xf32, #tpu.memory_space<vmem_shared>> -> memref<64x128xf32, #tpu.memory_space<vmem_shared>>
      tpu.wait_dma2 semaphore(%run_scoped3A : memref<!tpu.dma_semaphore, #tpu.memory_space<semaphore_mem>>) src(%arg18 : memref<64x128xf32, #tpu.memory_space<vmem>>) dst(%dma_wait3A_70 : memref<64x128xf32, #tpu.memory_space<vmem_shared>>)
      tpu.yield
    }) : () -> ()
    %add3A_22 = arith.constant 448 : i32
    %add3A_23 = arith.addi %mul3A_7, %add3A_22 : i32
    "tpu.region"() ({
      %run_scoped3A = tpu.sem_alloc : memref<!tpu.dma_semaphore, #tpu.memory_space<semaphore_mem>>
      %dma_start3A = arith.constant 0 : i32
      %dma_start3A_65 = tpu.memref_slice %arg22[%add3A_23, %dma_start3A] : memref<10240x128xf32, #tpu.memory_space<vmem_shared>> -> memref<64x128xf32, #tpu.memory_space<vmem_shared>>
      %dma_start3A_66 = arith.constant 0 : i32
      %dma_start3A_67 = tpu.memref_slice %arg22[%add3A_23, %dma_start3A_66] : memref<10240x128xf32, #tpu.memory_space<vmem_shared>> -> memref<64x128xf32, #tpu.memory_space<vmem_shared>>
      tpu.enqueue_dma source(%arg18 : memref<64x128xf32, #tpu.memory_space<vmem>>) target(%dma_start3A_67 : memref<64x128xf32, #tpu.memory_space<vmem_shared>>) target_semaphore(%run_scoped3A : memref<!tpu.dma_semaphore, #tpu.memory_space<semaphore_mem>>)
      %dma_wait3A = arith.constant 0 : i32
      %dma_wait3A_68 = tpu.memref_slice %arg22[%add3A_23, %dma_wait3A] : memref<10240x128xf32, #tpu.memory_space<vmem_shared>> -> memref<64x128xf32, #tpu.memory_space<vmem_shared>>
      %dma_wait3A_69 = arith.constant 0 : i32
      %dma_wait3A_70 = tpu.memref_slice %arg22[%add3A_23, %dma_wait3A_69] : memref<10240x128xf32, #tpu.memory_space<vmem_shared>> -> memref<64x128xf32, #tpu.memory_space<vmem_shared>>
      tpu.wait_dma2 semaphore(%run_scoped3A : memref<!tpu.dma_semaphore, #tpu.memory_space<semaphore_mem>>) src(%arg18 : memref<64x128xf32, #tpu.memory_space<vmem>>) dst(%dma_wait3A_70 : memref<64x128xf32, #tpu.memory_space<vmem_shared>>)
      tpu.yield
    }) : () -> ()
    %add3A_24 = arith.constant 512 : i32
    %add3A_25 = arith.addi %mul3A_7, %add3A_24 : i32
    "tpu.region"() ({
      %run_scoped3A = tpu.sem_alloc : memref<!tpu.dma_semaphore, #tpu.memory_space<semaphore_mem>>
      %dma_start3A = arith.constant 0 : i32
      %dma_start3A_65 = tpu.memref_slice %arg22[%add3A_25, %dma_start3A] : memref<10240x128xf32, #tpu.memory_space<vmem_shared>> -> memref<64x128xf32, #tpu.memory_space<vmem_shared>>
      %dma_start3A_66 = arith.constant 0 : i32
      %dma_start3A_67 = tpu.memref_slice %arg22[%add3A_25, %dma_start3A_66] : memref<10240x128xf32, #tpu.memory_space<vmem_shared>> -> memref<64x128xf32, #tpu.memory_space<vmem_shared>>
      tpu.enqueue_dma source(%arg18 : memref<64x128xf32, #tpu.memory_space<vmem>>) target(%dma_start3A_67 : memref<64x128xf32, #tpu.memory_space<vmem_shared>>) target_semaphore(%run_scoped3A : memref<!tpu.dma_semaphore, #tpu.memory_space<semaphore_mem>>)
      %dma_wait3A = arith.constant 0 : i32
      %dma_wait3A_68 = tpu.memref_slice %arg22[%add3A_25, %dma_wait3A] : memref<10240x128xf32, #tpu.memory_space<vmem_shared>> -> memref<64x128xf32, #tpu.memory_space<vmem_shared>>
      %dma_wait3A_69 = arith.constant 0 : i32
      %dma_wait3A_70 = tpu.memref_slice %arg22[%add3A_25, %dma_wait3A_69] : memref<10240x128xf32, #tpu.memory_space<vmem_shared>> -> memref<64x128xf32, #tpu.memory_space<vmem_shared>>
      tpu.wait_dma2 semaphore(%run_scoped3A : memref<!tpu.dma_semaphore, #tpu.memory_space<semaphore_mem>>) src(%arg18 : memref<64x128xf32, #tpu.memory_space<vmem>>) dst(%dma_wait3A_70 : memref<64x128xf32, #tpu.memory_space<vmem_shared>>)
      tpu.yield
    }) : () -> ()
    %add3A_26 = arith.constant 576 : i32
    %add3A_27 = arith.addi %mul3A_7, %add3A_26 : i32
    "tpu.region"() ({
      %run_scoped3A = tpu.sem_alloc : memref<!tpu.dma_semaphore, #tpu.memory_space<semaphore_mem>>
      %dma_start3A = arith.constant 0 : i32
      %dma_start3A_65 = tpu.memref_slice %arg22[%add3A_27, %dma_start3A] : memref<10240x128xf32, #tpu.memory_space<vmem_shared>> -> memref<64x128xf32, #tpu.memory_space<vmem_shared>>
      %dma_start3A_66 = arith.constant 0 : i32
      %dma_start3A_67 = tpu.memref_slice %arg22[%add3A_27, %dma_start3A_66] : memref<10240x128xf32, #tpu.memory_space<vmem_shared>> -> memref<64x128xf32, #tpu.memory_space<vmem_shared>>
      tpu.enqueue_dma source(%arg18 : memref<64x128xf32, #tpu.memory_space<vmem>>) target(%dma_start3A_67 : memref<64x128xf32, #tpu.memory_space<vmem_shared>>) target_semaphore(%run_scoped3A : memref<!tpu.dma_semaphore, #tpu.memory_space<semaphore_mem>>)
      %dma_wait3A = arith.constant 0 : i32
      %dma_wait3A_68 = tpu.memref_slice %arg22[%add3A_27, %dma_wait3A] : memref<10240x128xf32, #tpu.memory_space<vmem_shared>> -> memref<64x128xf32, #tpu.memory_space<vmem_shared>>
      %dma_wait3A_69 = arith.constant 0 : i32
      %dma_wait3A_70 = tpu.memref_slice %arg22[%add3A_27, %dma_wait3A_69] : memref<10240x128xf32, #tpu.memory_space<vmem_shared>> -> memref<64x128xf32, #tpu.memory_space<vmem_shared>>
      tpu.wait_dma2 semaphore(%run_scoped3A : memref<!tpu.dma_semaphore, #tpu.memory_space<semaphore_mem>>) src(%arg18 : memref<64x128xf32, #tpu.memory_space<vmem>>) dst(%dma_wait3A_70 : memref<64x128xf32, #tpu.memory_space<vmem_shared>>)
      tpu.yield
    }) : () -> ()
    %lt3A = arith.constant 10 : i32
    %lt3A_28 = arith.cmpi slt, %arg1, %lt3A : i32
    %convert_element_type3A = arith.extui %lt3A_28 : i1 to i32
    %cond3A = arith.constant 0 : i32
    %cond3A_29 = arith.cmpi ne, %convert_element_type3A, %cond3A : i32
    scf.if %cond3A_29 {
      %mul3A_65 = arith.constant 8 : i32
      %mul3A_66 = arith.muli %arg1, %mul3A_65 : i32
      "tpu.region"() ({
        %run_scoped3A = tpu.sem_alloc : memref<!tpu.dma_semaphore, #tpu.memory_space<semaphore_mem>>
        %dma_start3A = arith.constant 0 : i32
        %dma_start3A_67 = arith.constant 0 : i32
        %dma_start3A_68 = tpu.memref_slice %arg18[%dma_start3A, %dma_start3A_67] : memref<64x128xf32, #tpu.memory_space<vmem>> -> memref<8x128xf32, #tpu.memory_space<vmem>>
        %dma_start3A_69 = arith.constant 0 : i32
        %dma_start3A_70 = tpu.memref_slice %arg23[%mul3A_66, %dma_start3A_69] : memref<80x128xf32, #tpu.memory_space<vmem_shared>> -> memref<8x128xf32, #tpu.memory_space<vmem_shared>>
        %dma_start3A_71 = arith.constant 0 : i32
        %dma_start3A_72 = tpu.memref_slice %arg23[%mul3A_66, %dma_start3A_71] : memref<80x128xf32, #tpu.memory_space<vmem_shared>> -> memref<8x128xf32, #tpu.memory_space<vmem_shared>>
        %dma_start3A_73 = arith.constant 0 : i32
        %dma_start3A_74 = arith.constant 0 : i32
        %dma_start3A_75 = tpu.memref_slice %arg18[%dma_start3A_73, %dma_start3A_74] : memref<64x128xf32, #tpu.memory_space<vmem>> -> memref<8x128xf32, #tpu.memory_space<vmem>>
        tpu.enqueue_dma source(%dma_start3A_75 : memref<8x128xf32, #tpu.memory_space<vmem>>) target(%dma_start3A_72 : memref<8x128xf32, #tpu.memory_space<vmem_shared>>) target_semaphore(%run_scoped3A : memref<!tpu.dma_semaphore, #tpu.memory_space<semaphore_mem>>)
        %dma_wait3A = arith.constant 0 : i32
        %dma_wait3A_76 = arith.constant 0 : i32
        %dma_wait3A_77 = tpu.memref_slice %arg18[%dma_wait3A, %dma_wait3A_76] : memref<64x128xf32, #tpu.memory_space<vmem>> -> memref<8x128xf32, #tpu.memory_space<vmem>>
        %dma_wait3A_78 = arith.constant 0 : i32
        %dma_wait3A_79 = tpu.memref_slice %arg23[%mul3A_66, %dma_wait3A_78] : memref<80x128xf32, #tpu.memory_space<vmem_shared>> -> memref<8x128xf32, #tpu.memory_space<vmem_shared>>
        %dma_wait3A_80 = arith.constant 0 : i32
        %dma_wait3A_81 = tpu.memref_slice %arg23[%mul3A_66, %dma_wait3A_80] : memref<80x128xf32, #tpu.memory_space<vmem_shared>> -> memref<8x128xf32, #tpu.memory_space<vmem_shared>>
        %dma_wait3A_82 = arith.constant 0 : i32
        %dma_wait3A_83 = arith.constant 0 : i32
        %dma_wait3A_84 = tpu.memref_slice %arg18[%dma_wait3A_82, %dma_wait3A_83] : memref<64x128xf32, #tpu.memory_space<vmem>> -> memref<8x128xf32, #tpu.memory_space<vmem>>
        tpu.wait_dma2 semaphore(%run_scoped3A : memref<!tpu.dma_semaphore, #tpu.memory_space<semaphore_mem>>) src(%dma_wait3A_84 : memref<8x128xf32, #tpu.memory_space<vmem>>) dst(%dma_wait3A_81 : memref<8x128xf32, #tpu.memory_space<vmem_shared>>)
        tpu.yield
      }) : () -> ()
    } else {
    }
    %eq3A = arith.constant 15 : i32
    %eq3A_30 = arith.cmpi eq, %arg1, %eq3A : i32
    %convert_element_type3A_31 = arith.extui %eq3A_30 : i1 to i32
    %cond3A_32 = arith.constant 0 : i32
    %cond3A_33 = arith.cmpi ne, %convert_element_type3A_31, %cond3A_32 : i32
    scf.if %cond3A_33 {
      "tpu.region"() ({
        %run_scoped3A = tpu.sem_alloc : memref<!tpu.dma_semaphore, #tpu.memory_space<semaphore_mem>>
        %dma_start3A = arith.constant 0 : i32
        %dma_start3A_65 = arith.constant 0 : i32
        %dma_start3A_66 = tpu.memref_slice %arg5[%dma_start3A, %dma_start3A_65] : memref<128x128xf32, #tpu.memory_space<hbm>> -> memref<64x128xf32, #tpu.memory_space<hbm>>
        %dma_start3A_67 = arith.constant 0 : i32
        %dma_start3A_68 = arith.constant 0 : i32
        %dma_start3A_69 = tpu.memref_slice %arg5[%dma_start3A_67, %dma_start3A_68] : memref<128x128xf32, #tpu.memory_space<hbm>> -> memref<64x128xf32, #tpu.memory_space<hbm>>
        tpu.enqueue_dma source(%dma_start3A_69 : memref<64x128xf32, #tpu.memory_space<hbm>>) target(%arg20 : memref<64x128xf32, #tpu.memory_space<vmem>>) target_semaphore(%run_scoped3A : memref<!tpu.dma_semaphore, #tpu.memory_space<semaphore_mem>>)
        %dma_wait3A = arith.constant 0 : i32
        %dma_wait3A_70 = arith.constant 0 : i32
        %dma_wait3A_71 = tpu.memref_slice %arg5[%dma_wait3A, %dma_wait3A_70] : memref<128x128xf32, #tpu.memory_space<hbm>> -> memref<64x128xf32, #tpu.memory_space<hbm>>
        %dma_wait3A_72 = arith.constant 0 : i32
        %dma_wait3A_73 = arith.constant 0 : i32
        %dma_wait3A_74 = tpu.memref_slice %arg5[%dma_wait3A_72, %dma_wait3A_73] : memref<128x128xf32, #tpu.memory_space<hbm>> -> memref<64x128xf32, #tpu.memory_space<hbm>>
        tpu.wait_dma2 semaphore(%run_scoped3A : memref<!tpu.dma_semaphore, #tpu.memory_space<semaphore_mem>>) src(%dma_wait3A_74 : memref<64x128xf32, #tpu.memory_space<hbm>>) dst(%arg20 : memref<64x128xf32, #tpu.memory_space<vmem>>)
        tpu.yield
      }) : () -> ()
      "tpu.region"() ({
        %run_scoped3A = tpu.sem_alloc : memref<!tpu.dma_semaphore, #tpu.memory_space<semaphore_mem>>
        %dma_start3A = arith.constant 0 : i32
        %dma_start3A_65 = arith.constant 0 : i32
        %dma_start3A_66 = tpu.memref_slice %arg24[%dma_start3A, %dma_start3A_65] : memref<128x128xf32, #tpu.memory_space<vmem_shared>> -> memref<64x128xf32, #tpu.memory_space<vmem_shared>>
        %dma_start3A_67 = arith.constant 0 : i32
        %dma_start3A_68 = arith.constant 0 : i32
        %dma_start3A_69 = tpu.memref_slice %arg24[%dma_start3A_67, %dma_start3A_68] : memref<128x128xf32, #tpu.memory_space<vmem_shared>> -> memref<64x128xf32, #tpu.memory_space<vmem_shared>>
        tpu.enqueue_dma source(%arg20 : memref<64x128xf32, #tpu.memory_space<vmem>>) target(%dma_start3A_69 : memref<64x128xf32, #tpu.memory_space<vmem_shared>>) target_semaphore(%run_scoped3A : memref<!tpu.dma_semaphore, #tpu.memory_space<semaphore_mem>>)
        %dma_wait3A = arith.constant 0 : i32
        %dma_wait3A_70 = arith.constant 0 : i32
        %dma_wait3A_71 = tpu.memref_slice %arg24[%dma_wait3A, %dma_wait3A_70] : memref<128x128xf32, #tpu.memory_space<vmem_shared>> -> memref<64x128xf32, #tpu.memory_space<vmem_shared>>
        %dma_wait3A_72 = arith.constant 0 : i32
        %dma_wait3A_73 = arith.constant 0 : i32
        %dma_wait3A_74 = tpu.memref_slice %arg24[%dma_wait3A_72, %dma_wait3A_73] : memref<128x128xf32, #tpu.memory_space<vmem_shared>> -> memref<64x128xf32, #tpu.memory_space<vmem_shared>>
        tpu.wait_dma2 semaphore(%run_scoped3A : memref<!tpu.dma_semaphore, #tpu.memory_space<semaphore_mem>>) src(%arg20 : memref<64x128xf32, #tpu.memory_space<vmem>>) dst(%dma_wait3A_74 : memref<64x128xf32, #tpu.memory_space<vmem_shared>>)
        tpu.yield
      }) : () -> ()
      "tpu.region"() ({
        %run_scoped3A = tpu.sem_alloc : memref<!tpu.dma_semaphore, #tpu.memory_space<semaphore_mem>>
        %dma_start3A = arith.constant 64 : i32
        %dma_start3A_65 = arith.constant 0 : i32
        %dma_start3A_66 = tpu.memref_slice %arg5[%dma_start3A, %dma_start3A_65] : memref<128x128xf32, #tpu.memory_space<hbm>> -> memref<64x128xf32, #tpu.memory_space<hbm>>
        %dma_start3A_67 = arith.constant 64 : i32
        %dma_start3A_68 = arith.constant 0 : i32
        %dma_start3A_69 = tpu.memref_slice %arg5[%dma_start3A_67, %dma_start3A_68] : memref<128x128xf32, #tpu.memory_space<hbm>> -> memref<64x128xf32, #tpu.memory_space<hbm>>
        tpu.enqueue_dma source(%dma_start3A_69 : memref<64x128xf32, #tpu.memory_space<hbm>>) target(%arg21 : memref<64x128xf32, #tpu.memory_space<vmem>>) target_semaphore(%run_scoped3A : memref<!tpu.dma_semaphore, #tpu.memory_space<semaphore_mem>>)
        %dma_wait3A = arith.constant 64 : i32
        %dma_wait3A_70 = arith.constant 0 : i32
        %dma_wait3A_71 = tpu.memref_slice %arg5[%dma_wait3A, %dma_wait3A_70] : memref<128x128xf32, #tpu.memory_space<hbm>> -> memref<64x128xf32, #tpu.memory_space<hbm>>
        %dma_wait3A_72 = arith.constant 64 : i32
        %dma_wait3A_73 = arith.constant 0 : i32
        %dma_wait3A_74 = tpu.memref_slice %arg5[%dma_wait3A_72, %dma_wait3A_73] : memref<128x128xf32, #tpu.memory_space<hbm>> -> memref<64x128xf32, #tpu.memory_space<hbm>>
        tpu.wait_dma2 semaphore(%run_scoped3A : memref<!tpu.dma_semaphore, #tpu.memory_space<semaphore_mem>>) src(%dma_wait3A_74 : memref<64x128xf32, #tpu.memory_space<hbm>>) dst(%arg21 : memref<64x128xf32, #tpu.memory_space<vmem>>)
        tpu.yield
      }) : () -> ()
      "tpu.region"() ({
        %run_scoped3A = tpu.sem_alloc : memref<!tpu.dma_semaphore, #tpu.memory_space<semaphore_mem>>
        %dma_start3A = arith.constant 64 : i32
        %dma_start3A_65 = arith.constant 0 : i32
        %dma_start3A_66 = tpu.memref_slice %arg24[%dma_start3A, %dma_start3A_65] : memref<128x128xf32, #tpu.memory_space<vmem_shared>> -> memref<64x128xf32, #tpu.memory_space<vmem_shared>>
        %dma_start3A_67 = arith.constant 64 : i32
        %dma_start3A_68 = arith.constant 0 : i32
        %dma_start3A_69 = tpu.memref_slice %arg24[%dma_start3A_67, %dma_start3A_68] : memref<128x128xf32, #tpu.memory_space<vmem_shared>> -> memref<64x128xf32, #tpu.memory_space<vmem_shared>>
        tpu.enqueue_dma source(%arg21 : memref<64x128xf32, #tpu.memory_space<vmem>>) target(%dma_start3A_69 : memref<64x128xf32, #tpu.memory_space<vmem_shared>>) target_semaphore(%run_scoped3A : memref<!tpu.dma_semaphore, #tpu.memory_space<semaphore_mem>>)
        %dma_wait3A = arith.constant 64 : i32
        %dma_wait3A_70 = arith.constant 0 : i32
        %dma_wait3A_71 = tpu.memref_slice %arg24[%dma_wait3A, %dma_wait3A_70] : memref<128x128xf32, #tpu.memory_space<vmem_shared>> -> memref<64x128xf32, #tpu.memory_space<vmem_shared>>
        %dma_wait3A_72 = arith.constant 64 : i32
        %dma_wait3A_73 = arith.constant 0 : i32
        %dma_wait3A_74 = tpu.memref_slice %arg24[%dma_wait3A_72, %dma_wait3A_73] : memref<128x128xf32, #tpu.memory_space<vmem_shared>> -> memref<64x128xf32, #tpu.memory_space<vmem_shared>>
        tpu.wait_dma2 semaphore(%run_scoped3A : memref<!tpu.dma_semaphore, #tpu.memory_space<semaphore_mem>>) src(%arg21 : memref<64x128xf32, #tpu.memory_space<vmem>>) dst(%dma_wait3A_74 : memref<64x128xf32, #tpu.memory_space<vmem_shared>>)
        tpu.yield
      }) : () -> ()
    } else {
    }
    %barrier3A = arith.constant 0 : index
    tpu.barrier barrier_id(%barrier3A)
    %scan3A_34 = arith.constant 0 : i32
    %scan3A_35 = arith.constant 10 : i32
    %scan3A_36 = arith.addi %scan3A_34, %scan3A_35 : i32
    %scan3A_37 = arith.constant 1 : i32
    scf.for %scan3A_65 = %scan3A_34 to %scan3A_36 step %scan3A_37  : i32 {
      %mul3A_66 = arith.constant 8 : i32
      %mul3A_67 = arith.muli %scan3A_65, %mul3A_66 : i32
      %multiple_of3A = tpu.assume_multiple %mul3A_67, 8 : i32
      "tpu.region"() ({
        %run_scoped3A = tpu.sem_alloc : memref<!tpu.dma_semaphore, #tpu.memory_space<semaphore_mem>>
        %dma_start3A_2494 = arith.constant 0 : i32
        %dma_start3A_2495 = tpu.memref_slice %arg3[%add3A, %multiple_of3A, %dma_start3A_2494] : memref<32x80x128xi32, #tpu.memory_space<hbm>> -> memref<1x8x128xi32, #tpu.memory_space<hbm>>
        %dma_start3A_2496 = tpu.memref_squeeze %dma_start3A_2495 : memref<1x8x128xi32, #tpu.memory_space<hbm>> -> memref<8x128xi32, #tpu.memory_space<hbm>>
        %dma_start3A_2497 = arith.constant 0 : i32
        %dma_start3A_2498 = tpu.memref_slice %arg3[%add3A, %multiple_of3A, %dma_start3A_2497] : memref<32x80x128xi32, #tpu.memory_space<hbm>> -> memref<1x8x128xi32, #tpu.memory_space<hbm>>
        %dma_start3A_2499 = tpu.memref_squeeze %dma_start3A_2498 : memref<1x8x128xi32, #tpu.memory_space<hbm>> -> memref<8x128xi32, #tpu.memory_space<hbm>>
        tpu.enqueue_dma source(%dma_start3A_2499 : memref<8x128xi32, #tpu.memory_space<hbm>>) target(%arg8 : memref<8x128xi32, #tpu.memory_space<vmem>>) target_semaphore(%run_scoped3A : memref<!tpu.dma_semaphore, #tpu.memory_space<semaphore_mem>>)
        %dma_wait3A_2500 = arith.constant 0 : i32
        %dma_wait3A_2501 = tpu.memref_slice %arg3[%add3A, %multiple_of3A, %dma_wait3A_2500] : memref<32x80x128xi32, #tpu.memory_space<hbm>> -> memref<1x8x128xi32, #tpu.memory_space<hbm>>
        %dma_wait3A_2502 = tpu.memref_squeeze %dma_wait3A_2501 : memref<1x8x128xi32, #tpu.memory_space<hbm>> -> memref<8x128xi32, #tpu.memory_space<hbm>>
        %dma_wait3A_2503 = arith.constant 0 : i32
        %dma_wait3A_2504 = tpu.memref_slice %arg3[%add3A, %multiple_of3A, %dma_wait3A_2503] : memref<32x80x128xi32, #tpu.memory_space<hbm>> -> memref<1x8x128xi32, #tpu.memory_space<hbm>>
        %dma_wait3A_2505 = tpu.memref_squeeze %dma_wait3A_2504 : memref<1x8x128xi32, #tpu.memory_space<hbm>> -> memref<8x128xi32, #tpu.memory_space<hbm>>
        tpu.wait_dma2 semaphore(%run_scoped3A : memref<!tpu.dma_semaphore, #tpu.memory_space<semaphore_mem>>) src(%dma_wait3A_2505 : memref<8x128xi32, #tpu.memory_space<hbm>>) dst(%arg8 : memref<8x128xi32, #tpu.memory_space<vmem>>)
        tpu.yield
      }) : () -> ()
      "tpu.region"() ({
        %run_scoped3A = tpu.sem_alloc : memref<!tpu.dma_semaphore, #tpu.memory_space<semaphore_mem>>
        %dma_start3A_2494 = arith.constant 0 : i32
        %dma_start3A_2495 = tpu.memref_slice %arg4[%add3A, %multiple_of3A, %dma_start3A_2494] : memref<32x80x128xi32, #tpu.memory_space<hbm>> -> memref<1x8x128xi32, #tpu.memory_space<hbm>>
        %dma_start3A_2496 = tpu.memref_squeeze %dma_start3A_2495 : memref<1x8x128xi32, #tpu.memory_space<hbm>> -> memref<8x128xi32, #tpu.memory_space<hbm>>
        %dma_start3A_2497 = arith.constant 0 : i32
        %dma_start3A_2498 = tpu.memref_slice %arg4[%add3A, %multiple_of3A, %dma_start3A_2497] : memref<32x80x128xi32, #tpu.memory_space<hbm>> -> memref<1x8x128xi32, #tpu.memory_space<hbm>>
        %dma_start3A_2499 = tpu.memref_squeeze %dma_start3A_2498 : memref<1x8x128xi32, #tpu.memory_space<hbm>> -> memref<8x128xi32, #tpu.memory_space<hbm>>
        tpu.enqueue_dma source(%dma_start3A_2499 : memref<8x128xi32, #tpu.memory_space<hbm>>) target(%arg9 : memref<8x128xi32, #tpu.memory_space<vmem>>) target_semaphore(%run_scoped3A : memref<!tpu.dma_semaphore, #tpu.memory_space<semaphore_mem>>)
        %dma_wait3A_2500 = arith.constant 0 : i32
        %dma_wait3A_2501 = tpu.memref_slice %arg4[%add3A, %multiple_of3A, %dma_wait3A_2500] : memref<32x80x128xi32, #tpu.memory_space<hbm>> -> memref<1x8x128xi32, #tpu.memory_space<hbm>>
        %dma_wait3A_2502 = tpu.memref_squeeze %dma_wait3A_2501 : memref<1x8x128xi32, #tpu.memory_space<hbm>> -> memref<8x128xi32, #tpu.memory_space<hbm>>
        %dma_wait3A_2503 = arith.constant 0 : i32
        %dma_wait3A_2504 = tpu.memref_slice %arg4[%add3A, %multiple_of3A, %dma_wait3A_2503] : memref<32x80x128xi32, #tpu.memory_space<hbm>> -> memref<1x8x128xi32, #tpu.memory_space<hbm>>
        %dma_wait3A_2505 = tpu.memref_squeeze %dma_wait3A_2504 : memref<1x8x128xi32, #tpu.memory_space<hbm>> -> memref<8x128xi32, #tpu.memory_space<hbm>>
        tpu.wait_dma2 semaphore(%run_scoped3A : memref<!tpu.dma_semaphore, #tpu.memory_space<semaphore_mem>>) src(%dma_wait3A_2505 : memref<8x128xi32, #tpu.memory_space<hbm>>) dst(%arg9 : memref<8x128xi32, #tpu.memory_space<vmem>>)
        tpu.yield
      }) : () -> ()
      %get3A = arith.constant 0 : i32
      %get3A_68 = arith.index_cast %get3A : i32 to index
      %get3A_69 = arith.constant 0 : index
      %get3A_70 = tpu.vector_load %arg8[%get3A_68, %get3A_69] {strides = array<i32>} : memref<8x128xi32, #tpu.memory_space<vmem>>, vector<1x16xi32>,
      %get3A_71 = vector.shape_cast %get3A_70 : vector<1x16xi32> to vector<16xi32>
      %swap3A = arith.constant 0 : index
      %swap3A_72 = tpu.vector_load %arg10[%swap3A] {strides = array<i32>} : memref<64xi32, #tpu.memory_space<vmem>>, vector<16xi32>,
      %swap3A_73 = vector.shape_cast %swap3A_72 : vector<16xi32> to vector<16xi32>
      %swap3A_74 = vector.shape_cast %get3A_71 : vector<16xi32> to vector<16xi32>
      tpu.vector_store %arg10[%swap3A], %swap3A_74 {strides = array<i32>} : memref<64xi32, #tpu.memory_space<vmem>>, vector<16xi32>,
      %get3A_75 = arith.constant 0 : i32
      %get3A_76 = arith.index_cast %get3A_75 : i32 to index
      %get3A_77 = arith.constant 0 : index
      %get3A_78 = tpu.vector_load %arg9[%get3A_76, %get3A_77] {strides = array<i32>} : memref<8x128xi32, #tpu.memory_space<vmem>>, vector<1x16xi32>,
      %get3A_79 = vector.shape_cast %get3A_78 : vector<1x16xi32> to vector<16xi32>
      %swap3A_80 = arith.constant 0 : index
      %swap3A_81 = tpu.vector_load %arg12[%swap3A_80] {strides = array<i32>} : memref<64xi32, #tpu.memory_space<vmem>>, vector<16xi32>,
      %swap3A_82 = vector.shape_cast %swap3A_81 : vector<16xi32> to vector<16xi32>
      %swap3A_83 = vector.shape_cast %get3A_79 : vector<16xi32> to vector<16xi32>
      tpu.vector_store %arg12[%swap3A_80], %swap3A_83 {strides = array<i32>} : memref<64xi32, #tpu.memory_space<vmem>>, vector<16xi32>,
      %rem3A = arith.constant 128 : i32
      %rem3A_84 = vector.broadcast %rem3A : i32 to vector<16xi32>
      %rem3A_85 = arith.remsi %get3A_79, %rem3A_84 : vector<16xi32>
      %swap3A_86 = arith.constant 0 : index
      %swap3A_87 = tpu.vector_load %arg14[%swap3A_86] {strides = array<i32>} : memref<64xi32, #tpu.memory_space<vmem>>, vector<16xi32>,
      %swap3A_88 = vector.shape_cast %swap3A_87 : vector<16xi32> to vector<16xi32>
      %swap3A_89 = vector.shape_cast %rem3A_85 : vector<16xi32> to vector<16xi32>
      tpu.vector_store %arg14[%swap3A_86], %swap3A_89 {strides = array<i32>} : memref<64xi32, #tpu.memory_space<vmem>>, vector<16xi32>,
      %div3A = arith.constant 128 : i32
      %div3A_90 = vector.broadcast %div3A : i32 to vector<16xi32>
      %div3A_91 = arith.divsi %get3A_79, %div3A_90 : vector<16xi32>
      %swap3A_92 = arith.constant 0 : index
      %swap3A_93 = tpu.vector_load %arg16[%swap3A_92] {strides = array<i32>} : memref<64xi32, #tpu.memory_space<vmem>>, vector<16xi32>,
      %swap3A_94 = vector.shape_cast %swap3A_93 : vector<16xi32> to vector<16xi32>
      %swap3A_95 = vector.shape_cast %div3A_91 : vector<16xi32> to vector<16xi32>
      tpu.vector_store %arg16[%swap3A_92], %swap3A_95 {strides = array<i32>} : memref<64xi32, #tpu.memory_space<vmem>>, vector<16xi32>,
      %get3A_96 = arith.constant 0 : i32
      %get3A_97 = arith.index_cast %get3A_96 : i32 to index
      %get3A_98 = arith.constant 16 : index
      %get3A_99 = tpu.vector_load %arg8[%get3A_97, %get3A_98] {strides = array<i32>} : memref<8x128xi32, #tpu.memory_space<vmem>>, vector<1x16xi32>,
      %get3A_100 = vector.shape_cast %get3A_99 : vector<1x16xi32> to vector<16xi32>
      %swap3A_101 = arith.constant 16 : index
      %swap3A_102 = tpu.vector_load %arg10[%swap3A_101] {strides = array<i32>} : memref<64xi32, #tpu.memory_space<vmem>>, vector<16xi32>,
      %swap3A_103 = vector.shape_cast %swap3A_102 : vector<16xi32> to vector<16xi32>
      %swap3A_104 = vector.shape_cast %get3A_100 : vector<16xi32> to vector<16xi32>
      tpu.vector_store %arg10[%swap3A_101], %swap3A_104 {strides = array<i32>} : memref<64xi32, #tpu.memory_space<vmem>>, vector<16xi32>,
      %get3A_105 = arith.constant 0 : i32
      %get3A_106 = arith.index_cast %get3A_105 : i32 to index
      %get3A_107 = arith.constant 16 : index
      %get3A_108 = tpu.vector_load %arg9[%get3A_106, %get3A_107] {strides = array<i32>} : memref<8x128xi32, #tpu.memory_space<vmem>>, vector<1x16xi32>,
      %get3A_109 = vector.shape_cast %get3A_108 : vector<1x16xi32> to vector<16xi32>
      %swap3A_110 = arith.constant 16 : index
      %swap3A_111 = tpu.vector_load %arg12[%swap3A_110] {strides = array<i32>} : memref<64xi32, #tpu.memory_space<vmem>>, vector<16xi32>,
      %swap3A_112 = vector.shape_cast %swap3A_111 : vector<16xi32> to vector<16xi32>
      %swap3A_113 = vector.shape_cast %get3A_109 : vector<16xi32> to vector<16xi32>
      tpu.vector_store %arg12[%swap3A_110], %swap3A_113 {strides = array<i32>} : memref<64xi32, #tpu.memory_space<vmem>>, vector<16xi32>,
      %rem3A_114 = arith.constant 128 : i32
      %rem3A_115 = vector.broadcast %rem3A_114 : i32 to vector<16xi32>
      %rem3A_116 = arith.remsi %get3A_109, %rem3A_115 : vector<16xi32>
      %swap3A_117 = arith.constant 16 : index
      %swap3A_118 = tpu.vector_load %arg14[%swap3A_117] {strides = array<i32>} : memref<64xi32, #tpu.memory_space<vmem>>, vector<16xi32>,
      %swap3A_119 = vector.shape_cast %swap3A_118 : vector<16xi32> to vector<16xi32>
      %swap3A_120 = vector.shape_cast %rem3A_116 : vector<16xi32> to vector<16xi32>
      tpu.vector_store %arg14[%swap3A_117], %swap3A_120 {strides = array<i32>} : memref<64xi32, #tpu.memory_space<vmem>>, vector<16xi32>,
      %div3A_121 = arith.constant 128 : i32
      %div3A_122 = vector.broadcast %div3A_121 : i32 to vector<16xi32>
      %div3A_123 = arith.divsi %get3A_109, %div3A_122 : vector<16xi32>
      %swap3A_124 = arith.constant 16 : index
      %swap3A_125 = tpu.vector_load %arg16[%swap3A_124] {strides = array<i32>} : memref<64xi32, #tpu.memory_space<vmem>>, vector<16xi32>,
      %swap3A_126 = vector.shape_cast %swap3A_125 : vector<16xi32> to vector<16xi32>
      %swap3A_127 = vector.shape_cast %div3A_123 : vector<16xi32> to vector<16xi32>
      tpu.vector_store %arg16[%swap3A_124], %swap3A_127 {strides = array<i32>} : memref<64xi32, #tpu.memory_space<vmem>>, vector<16xi32>,
      %get3A_128 = arith.constant 0 : i32
      %get3A_129 = arith.index_cast %get3A_128 : i32 to index
      %get3A_130 = arith.constant 32 : index
      %get3A_131 = tpu.vector_load %arg8[%get3A_129, %get3A_130] {strides = array<i32>} : memref<8x128xi32, #tpu.memory_space<vmem>>, vector<1x16xi32>,
      %get3A_132 = vector.shape_cast %get3A_131 : vector<1x16xi32> to vector<16xi32>
      %swap3A_133 = arith.constant 32 : index
      %swap3A_134 = tpu.vector_load %arg10[%swap3A_133] {strides = array<i32>} : memref<64xi32, #tpu.memory_space<vmem>>, vector<16xi32>,
      %swap3A_135 = vector.shape_cast %swap3A_134 : vector<16xi32> to vector<16xi32>
      %swap3A_136 = vector.shape_cast %get3A_132 : vector<16xi32> to vector<16xi32>
      tpu.vector_store %arg10[%swap3A_133], %swap3A_136 {strides = array<i32>} : memref<64xi32, #tpu.memory_space<vmem>>, vector<16xi32>,
      %get3A_137 = arith.constant 0 : i32
      %get3A_138 = arith.index_cast %get3A_137 : i32 to index
      %get3A_139 = arith.constant 32 : index
      %get3A_140 = tpu.vector_load %arg9[%get3A_138, %get3A_139] {strides = array<i32>} : memref<8x128xi32, #tpu.memory_space<vmem>>, vector<1x16xi32>,
      %get3A_141 = vector.shape_cast %get3A_140 : vector<1x16xi32> to vector<16xi32>
      %swap3A_142 = arith.constant 32 : index
      %swap3A_143 = tpu.vector_load %arg12[%swap3A_142] {strides = array<i32>} : memref<64xi32, #tpu.memory_space<vmem>>, vector<16xi32>,
      %swap3A_144 = vector.shape_cast %swap3A_143 : vector<16xi32> to vector<16xi32>
      %swap3A_145 = vector.shape_cast %get3A_141 : vector<16xi32> to vector<16xi32>
      tpu.vector_store %arg12[%swap3A_142], %swap3A_145 {strides = array<i32>} : memref<64xi32, #tpu.memory_space<vmem>>, vector<16xi32>,
      %rem3A_146 = arith.constant 128 : i32
      %rem3A_147 = vector.broadcast %rem3A_146 : i32 to vector<16xi32>
      %rem3A_148 = arith.remsi %get3A_141, %rem3A_147 : vector<16xi32>
      %swap3A_149 = arith.constant 32 : index
      %swap3A_150 = tpu.vector_load %arg14[%swap3A_149] {strides = array<i32>} : memref<64xi32, #tpu.memory_space<vmem>>, vector<16xi32>,
      %swap3A_151 = vector.shape_cast %swap3A_150 : vector<16xi32> to vector<16xi32>
      %swap3A_152 = vector.shape_cast %rem3A_148 : vector<16xi32> to vector<16xi32>
      tpu.vector_store %arg14[%swap3A_149], %swap3A_152 {strides = array<i32>} : memref<64xi32, #tpu.memory_space<vmem>>, vector<16xi32>,
      %div3A_153 = arith.constant 128 : i32
      %div3A_154 = vector.broadcast %div3A_153 : i32 to vector<16xi32>
      %div3A_155 = arith.divsi %get3A_141, %div3A_154 : vector<16xi32>
      %swap3A_156 = arith.constant 32 : index
      %swap3A_157 = tpu.vector_load %arg16[%swap3A_156] {strides = array<i32>} : memref<64xi32, #tpu.memory_space<vmem>>, vector<16xi32>,
      %swap3A_158 = vector.shape_cast %swap3A_157 : vector<16xi32> to vector<16xi32>
      %swap3A_159 = vector.shape_cast %div3A_155 : vector<16xi32> to vector<16xi32>
      tpu.vector_store %arg16[%swap3A_156], %swap3A_159 {strides = array<i32>} : memref<64xi32, #tpu.memory_space<vmem>>, vector<16xi32>,
      %get3A_160 = arith.constant 0 : i32
      %get3A_161 = arith.index_cast %get3A_160 : i32 to index
      %get3A_162 = arith.constant 48 : index
      %get3A_163 = tpu.vector_load %arg8[%get3A_161, %get3A_162] {strides = array<i32>} : memref<8x128xi32, #tpu.memory_space<vmem>>, vector<1x16xi32>,
      %get3A_164 = vector.shape_cast %get3A_163 : vector<1x16xi32> to vector<16xi32>
      %swap3A_165 = arith.constant 48 : index
      %swap3A_166 = tpu.vector_load %arg10[%swap3A_165] {strides = array<i32>} : memref<64xi32, #tpu.memory_space<vmem>>, vector<16xi32>,
      %swap3A_167 = vector.shape_cast %swap3A_166 : vector<16xi32> to vector<16xi32>
      %swap3A_168 = vector.shape_cast %get3A_164 : vector<16xi32> to vector<16xi32>
      tpu.vector_store %arg10[%swap3A_165], %swap3A_168 {strides = array<i32>} : memref<64xi32, #tpu.memory_space<vmem>>, vector<16xi32>,
      %get3A_169 = arith.constant 0 : i32
      %get3A_170 = arith.index_cast %get3A_169 : i32 to index
      %get3A_171 = arith.constant 48 : index
      %get3A_172 = tpu.vector_load %arg9[%get3A_170, %get3A_171] {strides = array<i32>} : memref<8x128xi32, #tpu.memory_space<vmem>>, vector<1x16xi32>,
      %get3A_173 = vector.shape_cast %get3A_172 : vector<1x16xi32> to vector<16xi32>
      %swap3A_174 = arith.constant 48 : index
      %swap3A_175 = tpu.vector_load %arg12[%swap3A_174] {strides = array<i32>} : memref<64xi32, #tpu.memory_space<vmem>>, vector<16xi32>,
      %swap3A_176 = vector.shape_cast %swap3A_175 : vector<16xi32> to vector<16xi32>
      %swap3A_177 = vector.shape_cast %get3A_173 : vector<16xi32> to vector<16xi32>
      tpu.vector_store %arg12[%swap3A_174], %swap3A_177 {strides = array<i32>} : memref<64xi32, #tpu.memory_space<vmem>>, vector<16xi32>,
      %rem3A_178 = arith.constant 128 : i32
      %rem3A_179 = vector.broadcast %rem3A_178 : i32 to vector<16xi32>
      %rem3A_180 = arith.remsi %get3A_173, %rem3A_179 : vector<16xi32>
      %swap3A_181 = arith.constant 48 : index
      %swap3A_182 = tpu.vector_load %arg14[%swap3A_181] {strides = array<i32>} : memref<64xi32, #tpu.memory_space<vmem>>, vector<16xi32>,
      %swap3A_183 = vector.shape_cast %swap3A_182 : vector<16xi32> to vector<16xi32>
      %swap3A_184 = vector.shape_cast %rem3A_180 : vector<16xi32> to vector<16xi32>
      tpu.vector_store %arg14[%swap3A_181], %swap3A_184 {strides = array<i32>} : memref<64xi32, #tpu.memory_space<vmem>>, vector<16xi32>,
      %div3A_185 = arith.constant 128 : i32
      %div3A_186 = vector.broadcast %div3A_185 : i32 to vector<16xi32>
      %div3A_187 = arith.divsi %get3A_173, %div3A_186 : vector<16xi32>
      %swap3A_188 = arith.constant 48 : index
      %swap3A_189 = tpu.vector_load %arg16[%swap3A_188] {strides = array<i32>} : memref<64xi32, #tpu.memory_space<vmem>>, vector<16xi32>,
      %swap3A_190 = vector.shape_cast %swap3A_189 : vector<16xi32> to vector<16xi32>
      %swap3A_191 = vector.shape_cast %div3A_187 : vector<16xi32> to vector<16xi32>
      tpu.vector_store %arg16[%swap3A_188], %swap3A_191 {strides = array<i32>} : memref<64xi32, #tpu.memory_space<vmem>>, vector<16xi32>,
      %dma_start3A = arith.constant 0 : i32
      %dma_start3A_192 = arith.constant 0 : i32
      %dma_start3A_193 = tpu.memref_slice %arg2[%dma_start3A, %dma_start3A_192] : memref<10240x128xf32, #tpu.memory_space<hbm>> -> memref<10240x128xf32, #tpu.memory_space<hbm>>
      tpu.enqueue_indirect_dma source(%dma_start3A_193 : memref<10240x128xf32, #tpu.memory_space<hbm>>) target(%arg18 : memref<64x128xf32, #tpu.memory_space<vmem>>) offsets(%arg10 : memref<64xi32, #tpu.memory_space<vmem>>) semaphore(%arg25 : memref<!tpu.dma_semaphore, #tpu.memory_space<semaphore_mem>>)
      %dma_start3A_194 = arith.constant 0 : i32
      %dma_start3A_195 = arith.constant 0 : i32
      %dma_start3A_196 = tpu.memref_slice %arg24[%dma_start3A_194, %dma_start3A_195] : memref<128x128xf32, #tpu.memory_space<vmem_shared>> -> memref<128x128xf32, #tpu.memory_space<vmem_shared>>
      tpu.enqueue_indirect_dma source(%dma_start3A_196 : memref<128x128xf32, #tpu.memory_space<vmem_shared>>) target(%arg20 : memref<64x128xf32, #tpu.memory_space<vmem>>) offsets(%arg14 : memref<64xi32, #tpu.memory_space<vmem>>) semaphore(%arg26 : memref<!tpu.dma_semaphore, #tpu.memory_space<semaphore_mem>>)
      %dma_wait3A = arith.constant 0 : i32
      %dma_wait3A_197 = arith.constant 0 : i32
      %dma_wait3A_198 = tpu.memref_slice %arg2[%dma_wait3A, %dma_wait3A_197] : memref<10240x128xf32, #tpu.memory_space<hbm>> -> memref<10240x128xf32, #tpu.memory_space<hbm>>
      tpu.wait_indirect_dma semaphore(%arg25 : memref<!tpu.dma_semaphore, #tpu.memory_space<semaphore_mem>>) src(%dma_wait3A_198 : memref<10240x128xf32, #tpu.memory_space<hbm>>) dst(%arg18 : memref<64x128xf32, #tpu.memory_space<vmem>>)
      %dma_wait3A_199 = arith.constant 0 : i32
      %dma_wait3A_200 = arith.constant 0 : i32
      %dma_wait3A_201 = tpu.memref_slice %arg24[%dma_wait3A_199, %dma_wait3A_200] : memref<128x128xf32, #tpu.memory_space<vmem_shared>> -> memref<128x128xf32, #tpu.memory_space<vmem_shared>>
      tpu.wait_indirect_dma semaphore(%arg26 : memref<!tpu.dma_semaphore, #tpu.memory_space<semaphore_mem>>) src(%dma_wait3A_201 : memref<128x128xf32, #tpu.memory_space<vmem_shared>>) dst(%arg20 : memref<64x128xf32, #tpu.memory_space<vmem>>)
      %get3A_202 = arith.constant 0 : i32
      %get3A_203 = arith.index_cast %get3A_202 : i32 to index
      %get3A_204 = arith.constant 64 : index
      %get3A_205 = tpu.vector_load %arg8[%get3A_203, %get3A_204] {strides = array<i32>} : memref<8x128xi32, #tpu.memory_space<vmem>>, vector<1x16xi32>,
      %get3A_206 = vector.shape_cast %get3A_205 : vector<1x16xi32> to vector<16xi32>
      %swap3A_207 = arith.constant 0 : index
      %swap3A_208 = tpu.vector_load %arg11[%swap3A_207] {strides = array<i32>} : memref<64xi32, #tpu.memory_space<vmem>>, vector<16xi32>,
      %swap3A_209 = vector.shape_cast %swap3A_208 : vector<16xi32> to vector<16xi32>
      %swap3A_210 = vector.shape_cast %get3A_206 : vector<16xi32> to vector<16xi32>
      tpu.vector_store %arg11[%swap3A_207], %swap3A_210 {strides = array<i32>} : memref<64xi32, #tpu.memory_space<vmem>>, vector<16xi32>,
      %get3A_211 = arith.constant 0 : i32
      %get3A_212 = arith.index_cast %get3A_211 : i32 to index
      %get3A_213 = arith.constant 64 : index
      %get3A_214 = tpu.vector_load %arg9[%get3A_212, %get3A_213] {strides = array<i32>} : memref<8x128xi32, #tpu.memory_space<vmem>>, vector<1x16xi32>,
      %get3A_215 = vector.shape_cast %get3A_214 : vector<1x16xi32> to vector<16xi32>
      %swap3A_216 = arith.constant 0 : index
      %swap3A_217 = tpu.vector_load %arg13[%swap3A_216] {strides = array<i32>} : memref<64xi32, #tpu.memory_space<vmem>>, vector<16xi32>,
      %swap3A_218 = vector.shape_cast %swap3A_217 : vector<16xi32> to vector<16xi32>
      %swap3A_219 = vector.shape_cast %get3A_215 : vector<16xi32> to vector<16xi32>
      tpu.vector_store %arg13[%swap3A_216], %swap3A_219 {strides = array<i32>} : memref<64xi32, #tpu.memory_space<vmem>>, vector<16xi32>,
      %rem3A_220 = arith.constant 128 : i32
      %rem3A_221 = vector.broadcast %rem3A_220 : i32 to vector<16xi32>
      %rem3A_222 = arith.remsi %get3A_215, %rem3A_221 : vector<16xi32>
      %swap3A_223 = arith.constant 0 : index
      %swap3A_224 = tpu.vector_load %arg15[%swap3A_223] {strides = array<i32>} : memref<64xi32, #tpu.memory_space<vmem>>, vector<16xi32>,
      %swap3A_225 = vector.shape_cast %swap3A_224 : vector<16xi32> to vector<16xi32>
      %swap3A_226 = vector.shape_cast %rem3A_222 : vector<16xi32> to vector<16xi32>
      tpu.vector_store %arg15[%swap3A_223], %swap3A_226 {strides = array<i32>} : memref<64xi32, #tpu.memory_space<vmem>>, vector<16xi32>,
      %div3A_227 = arith.constant 128 : i32
      %div3A_228 = vector.broadcast %div3A_227 : i32 to vector<16xi32>
      %div3A_229 = arith.divsi %get3A_215, %div3A_228 : vector<16xi32>
      %swap3A_230 = arith.constant 0 : index
      %swap3A_231 = tpu.vector_load %arg17[%swap3A_230] {strides = array<i32>} : memref<64xi32, #tpu.memory_space<vmem>>, vector<16xi32>,
      %swap3A_232 = vector.shape_cast %swap3A_231 : vector<16xi32> to vector<16xi32>
      %swap3A_233 = vector.shape_cast %div3A_229 : vector<16xi32> to vector<16xi32>
      tpu.vector_store %arg17[%swap3A_230], %swap3A_233 {strides = array<i32>} : memref<64xi32, #tpu.memory_space<vmem>>, vector<16xi32>,
      %get3A_234 = arith.constant 0 : i32
      %get3A_235 = arith.index_cast %get3A_234 : i32 to index
      %get3A_236 = arith.constant 80 : index
      %get3A_237 = tpu.vector_load %arg8[%get3A_235, %get3A_236] {strides = array<i32>} : memref<8x128xi32, #tpu.memory_space<vmem>>, vector<1x16xi32>,
      %get3A_238 = vector.shape_cast %get3A_237 : vector<1x16xi32> to vector<16xi32>
      %swap3A_239 = arith.constant 16 : index
      %swap3A_240 = tpu.vector_load %arg11[%swap3A_239] {strides = array<i32>} : memref<64xi32, #tpu.memory_space<vmem>>, vector<16xi32>,
      %swap3A_241 = vector.shape_cast %swap3A_240 : vector<16xi32> to vector<16xi32>
      %swap3A_242 = vector.shape_cast %get3A_238 : vector<16xi32> to vector<16xi32>
      tpu.vector_store %arg11[%swap3A_239], %swap3A_242 {strides = array<i32>} : memref<64xi32, #tpu.memory_space<vmem>>, vector<16xi32>,
      %get3A_243 = arith.constant 0 : i32
      %get3A_244 = arith.index_cast %get3A_243 : i32 to index
      %get3A_245 = arith.constant 80 : index
      %get3A_246 = tpu.vector_load %arg9[%get3A_244, %get3A_245] {strides = array<i32>} : memref<8x128xi32, #tpu.memory_space<vmem>>, vector<1x16xi32>,
      %get3A_247 = vector.shape_cast %get3A_246 : vector<1x16xi32> to vector<16xi32>
      %swap3A_248 = arith.constant 16 : index
      %swap3A_249 = tpu.vector_load %arg13[%swap3A_248] {strides = array<i32>} : memref<64xi32, #tpu.memory_space<vmem>>, vector<16xi32>,
      %swap3A_250 = vector.shape_cast %swap3A_249 : vector<16xi32> to vector<16xi32>
      %swap3A_251 = vector.shape_cast %get3A_247 : vector<16xi32> to vector<16xi32>
      tpu.vector_store %arg13[%swap3A_248], %swap3A_251 {strides = array<i32>} : memref<64xi32, #tpu.memory_space<vmem>>, vector<16xi32>,
      %rem3A_252 = arith.constant 128 : i32
      %rem3A_253 = vector.broadcast %rem3A_252 : i32 to vector<16xi32>
      %rem3A_254 = arith.remsi %get3A_247, %rem3A_253 : vector<16xi32>
      %swap3A_255 = arith.constant 16 : index
      %swap3A_256 = tpu.vector_load %arg15[%swap3A_255] {strides = array<i32>} : memref<64xi32, #tpu.memory_space<vmem>>, vector<16xi32>,
      %swap3A_257 = vector.shape_cast %swap3A_256 : vector<16xi32> to vector<16xi32>
      %swap3A_258 = vector.shape_cast %rem3A_254 : vector<16xi32> to vector<16xi32>
      tpu.vector_store %arg15[%swap3A_255], %swap3A_258 {strides = array<i32>} : memref<64xi32, #tpu.memory_space<vmem>>, vector<16xi32>,
      %div3A_259 = arith.constant 128 : i32
      %div3A_260 = vector.broadcast %div3A_259 : i32 to vector<16xi32>
      %div3A_261 = arith.divsi %get3A_247, %div3A_260 : vector<16xi32>
      %swap3A_262 = arith.constant 16 : index
      %swap3A_263 = tpu.vector_load %arg17[%swap3A_262] {strides = array<i32>} : memref<64xi32, #tpu.memory_space<vmem>>, vector<16xi32>,
      %swap3A_264 = vector.shape_cast %swap3A_263 : vector<16xi32> to vector<16xi32>
      %swap3A_265 = vector.shape_cast %div3A_261 : vector<16xi32> to vector<16xi32>
      tpu.vector_store %arg17[%swap3A_262], %swap3A_265 {strides = array<i32>} : memref<64xi32, #tpu.memory_space<vmem>>, vector<16xi32>,
      %get3A_266 = arith.constant 0 : i32
      %get3A_267 = arith.index_cast %get3A_266 : i32 to index
      %get3A_268 = arith.constant 96 : index
      %get3A_269 = tpu.vector_load %arg8[%get3A_267, %get3A_268] {strides = array<i32>} : memref<8x128xi32, #tpu.memory_space<vmem>>, vector<1x16xi32>,
      %get3A_270 = vector.shape_cast %get3A_269 : vector<1x16xi32> to vector<16xi32>
      %swap3A_271 = arith.constant 32 : index
      %swap3A_272 = tpu.vector_load %arg11[%swap3A_271] {strides = array<i32>} : memref<64xi32, #tpu.memory_space<vmem>>, vector<16xi32>,
      %swap3A_273 = vector.shape_cast %swap3A_272 : vector<16xi32> to vector<16xi32>
      %swap3A_274 = vector.shape_cast %get3A_270 : vector<16xi32> to vector<16xi32>
      tpu.vector_store %arg11[%swap3A_271], %swap3A_274 {strides = array<i32>} : memref<64xi32, #tpu.memory_space<vmem>>, vector<16xi32>,
      %get3A_275 = arith.constant 0 : i32
      %get3A_276 = arith.index_cast %get3A_275 : i32 to index
      %get3A_277 = arith.constant 96 : index
      %get3A_278 = tpu.vector_load %arg9[%get3A_276, %get3A_277] {strides = array<i32>} : memref<8x128xi32, #tpu.memory_space<vmem>>, vector<1x16xi32>,
      %get3A_279 = vector.shape_cast %get3A_278 : vector<1x16xi32> to vector<16xi32>
      %swap3A_280 = arith.constant 32 : index
      %swap3A_281 = tpu.vector_load %arg13[%swap3A_280] {strides = array<i32>} : memref<64xi32, #tpu.memory_space<vmem>>, vector<16xi32>,
      %swap3A_282 = vector.shape_cast %swap3A_281 : vector<16xi32> to vector<16xi32>
      %swap3A_283 = vector.shape_cast %get3A_279 : vector<16xi32> to vector<16xi32>
      tpu.vector_store %arg13[%swap3A_280], %swap3A_283 {strides = array<i32>} : memref<64xi32, #tpu.memory_space<vmem>>, vector<16xi32>,
      %rem3A_284 = arith.constant 128 : i32
      %rem3A_285 = vector.broadcast %rem3A_284 : i32 to vector<16xi32>
      %rem3A_286 = arith.remsi %get3A_279, %rem3A_285 : vector<16xi32>
      %swap3A_287 = arith.constant 32 : index
      %swap3A_288 = tpu.vector_load %arg15[%swap3A_287] {strides = array<i32>} : memref<64xi32, #tpu.memory_space<vmem>>, vector<16xi32>,
      %swap3A_289 = vector.shape_cast %swap3A_288 : vector<16xi32> to vector<16xi32>
      %swap3A_290 = vector.shape_cast %rem3A_286 : vector<16xi32> to vector<16xi32>
      tpu.vector_store %arg15[%swap3A_287], %swap3A_290 {strides = array<i32>} : memref<64xi32, #tpu.memory_space<vmem>>, vector<16xi32>,
      %div3A_291 = arith.constant 128 : i32
      %div3A_292 = vector.broadcast %div3A_291 : i32 to vector<16xi32>
      %div3A_293 = arith.divsi %get3A_279, %div3A_292 : vector<16xi32>
      %swap3A_294 = arith.constant 32 : index
      %swap3A_295 = tpu.vector_load %arg17[%swap3A_294] {strides = array<i32>} : memref<64xi32, #tpu.memory_space<vmem>>, vector<16xi32>,
      %swap3A_296 = vector.shape_cast %swap3A_295 : vector<16xi32> to vector<16xi32>
      %swap3A_297 = vector.shape_cast %div3A_293 : vector<16xi32> to vector<16xi32>
      tpu.vector_store %arg17[%swap3A_294], %swap3A_297 {strides = array<i32>} : memref<64xi32, #tpu.memory_space<vmem>>, vector<16xi32>,
      %get3A_298 = arith.constant 0 : i32
      %get3A_299 = arith.index_cast %get3A_298 : i32 to index
      %get3A_300 = arith.constant 112 : index
      %get3A_301 = tpu.vector_load %arg8[%get3A_299, %get3A_300] {strides = array<i32>} : memref<8x128xi32, #tpu.memory_space<vmem>>, vector<1x16xi32>,
      %get3A_302 = vector.shape_cast %get3A_301 : vector<1x16xi32> to vector<16xi32>
      %swap3A_303 = arith.constant 48 : index
      %swap3A_304 = tpu.vector_load %arg11[%swap3A_303] {strides = array<i32>} : memref<64xi32, #tpu.memory_space<vmem>>, vector<16xi32>,
      %swap3A_305 = vector.shape_cast %swap3A_304 : vector<16xi32> to vector<16xi32>
      %swap3A_306 = vector.shape_cast %get3A_302 : vector<16xi32> to vector<16xi32>
      tpu.vector_store %arg11[%swap3A_303], %swap3A_306 {strides = array<i32>} : memref<64xi32, #tpu.memory_space<vmem>>, vector<16xi32>,
      %get3A_307 = arith.constant 0 : i32
      %get3A_308 = arith.index_cast %get3A_307 : i32 to index
      %get3A_309 = arith.constant 112 : index
      %get3A_310 = tpu.vector_load %arg9[%get3A_308, %get3A_309] {strides = array<i32>} : memref<8x128xi32, #tpu.memory_space<vmem>>, vector<1x16xi32>,
      %get3A_311 = vector.shape_cast %get3A_310 : vector<1x16xi32> to vector<16xi32>
      %swap3A_312 = arith.constant 48 : index
      %swap3A_313 = tpu.vector_load %arg13[%swap3A_312] {strides = array<i32>} : memref<64xi32, #tpu.memory_space<vmem>>, vector<16xi32>,
      %swap3A_314 = vector.shape_cast %swap3A_313 : vector<16xi32> to vector<16xi32>
      %swap3A_315 = vector.shape_cast %get3A_311 : vector<16xi32> to vector<16xi32>
      tpu.vector_store %arg13[%swap3A_312], %swap3A_315 {strides = array<i32>} : memref<64xi32, #tpu.memory_space<vmem>>, vector<16xi32>,
      %rem3A_316 = arith.constant 128 : i32
      %rem3A_317 = vector.broadcast %rem3A_316 : i32 to vector<16xi32>
      %rem3A_318 = arith.remsi %get3A_311, %rem3A_317 : vector<16xi32>
      %swap3A_319 = arith.constant 48 : index
      %swap3A_320 = tpu.vector_load %arg15[%swap3A_319] {strides = array<i32>} : memref<64xi32, #tpu.memory_space<vmem>>, vector<16xi32>,
      %swap3A_321 = vector.shape_cast %swap3A_320 : vector<16xi32> to vector<16xi32>
      %swap3A_322 = vector.shape_cast %rem3A_318 : vector<16xi32> to vector<16xi32>
      tpu.vector_store %arg15[%swap3A_319], %swap3A_322 {strides = array<i32>} : memref<64xi32, #tpu.memory_space<vmem>>, vector<16xi32>,
      %div3A_323 = arith.constant 128 : i32
      %div3A_324 = vector.broadcast %div3A_323 : i32 to vector<16xi32>
      %div3A_325 = arith.divsi %get3A_311, %div3A_324 : vector<16xi32>
      %swap3A_326 = arith.constant 48 : index
      %swap3A_327 = tpu.vector_load %arg17[%swap3A_326] {strides = array<i32>} : memref<64xi32, #tpu.memory_space<vmem>>, vector<16xi32>,
      %swap3A_328 = vector.shape_cast %swap3A_327 : vector<16xi32> to vector<16xi32>
      %swap3A_329 = vector.shape_cast %div3A_325 : vector<16xi32> to vector<16xi32>
      tpu.vector_store %arg17[%swap3A_326], %swap3A_329 {strides = array<i32>} : memref<64xi32, #tpu.memory_space<vmem>>, vector<16xi32>,
      %dma_start3A_330 = arith.constant 0 : i32
      %dma_start3A_331 = arith.constant 0 : i32
      %dma_start3A_332 = tpu.memref_slice %arg2[%dma_start3A_330, %dma_start3A_331] : memref<10240x128xf32, #tpu.memory_space<hbm>> -> memref<10240x128xf32, #tpu.memory_space<hbm>>
      tpu.enqueue_indirect_dma source(%dma_start3A_332 : memref<10240x128xf32, #tpu.memory_space<hbm>>) target(%arg19 : memref<64x128xf32, #tpu.memory_space<vmem>>) offsets(%arg11 : memref<64xi32, #tpu.memory_space<vmem>>) semaphore(%arg25 : memref<!tpu.dma_semaphore, #tpu.memory_space<semaphore_mem>>)
      %dma_start3A_333 = arith.constant 0 : i32
      %dma_start3A_334 = arith.constant 0 : i32
      %dma_start3A_335 = tpu.memref_slice %arg24[%dma_start3A_333, %dma_start3A_334] : memref<128x128xf32, #tpu.memory_space<vmem_shared>> -> memref<128x128xf32, #tpu.memory_space<vmem_shared>>
      tpu.enqueue_indirect_dma source(%dma_start3A_335 : memref<128x128xf32, #tpu.memory_space<vmem_shared>>) target(%arg21 : memref<64x128xf32, #tpu.memory_space<vmem>>) offsets(%arg15 : memref<64xi32, #tpu.memory_space<vmem>>) semaphore(%arg26 : memref<!tpu.dma_semaphore, #tpu.memory_space<semaphore_mem>>)
      %dma_start3A_336 = arith.constant 0 : i32
      %dma_start3A_337 = arith.constant 0 : i32
      %dma_start3A_338 = tpu.memref_slice %arg22[%dma_start3A_336, %dma_start3A_337] : memref<10240x128xf32, #tpu.memory_space<vmem_shared>> -> memref<10240x128xf32, #tpu.memory_space<vmem_shared>>
      tpu.enqueue_indirect_dma source(%arg18 : memref<64x128xf32, #tpu.memory_space<vmem>>) target(%dma_start3A_338 : memref<10240x128xf32, #tpu.memory_space<vmem_shared>>) offsets(%arg12 : memref<64xi32, #tpu.memory_space<vmem>>) semaphore(%arg27 : memref<!tpu.dma_semaphore, #tpu.memory_space<semaphore_mem>>) {add = true}
      %dma_start3A_339 = arith.constant 0 : i32
      %dma_start3A_340 = arith.constant 0 : i32
      %dma_start3A_341 = tpu.memref_slice %arg23[%dma_start3A_339, %dma_start3A_340] : memref<80x128xf32, #tpu.memory_space<vmem_shared>> -> memref<80x128xf32, #tpu.memory_space<vmem_shared>>
      tpu.enqueue_indirect_dma source(%arg20 : memref<64x128xf32, #tpu.memory_space<vmem>>) target(%dma_start3A_341 : memref<80x128xf32, #tpu.memory_space<vmem_shared>>) offsets(%arg16 : memref<64xi32, #tpu.memory_space<vmem>>) semaphore(%arg28 : memref<!tpu.dma_semaphore, #tpu.memory_space<semaphore_mem>>) {add = true}
      %dma_wait3A_342 = arith.constant 0 : i32
      %dma_wait3A_343 = arith.constant 0 : i32
      %dma_wait3A_344 = tpu.memref_slice %arg2[%dma_wait3A_342, %dma_wait3A_343] : memref<10240x128xf32, #tpu.memory_space<hbm>> -> memref<10240x128xf32, #tpu.memory_space<hbm>>
      tpu.wait_indirect_dma semaphore(%arg25 : memref<!tpu.dma_semaphore, #tpu.memory_space<semaphore_mem>>) src(%dma_wait3A_344 : memref<10240x128xf32, #tpu.memory_space<hbm>>) dst(%arg19 : memref<64x128xf32, #tpu.memory_space<vmem>>)
      %dma_wait3A_345 = arith.constant 0 : i32
      %dma_wait3A_346 = arith.constant 0 : i32
      %dma_wait3A_347 = tpu.memref_slice %arg24[%dma_wait3A_345, %dma_wait3A_346] : memref<128x128xf32, #tpu.memory_space<vmem_shared>> -> memref<128x128xf32, #tpu.memory_space<vmem_shared>>
      tpu.wait_indirect_dma semaphore(%arg26 : memref<!tpu.dma_semaphore, #tpu.memory_space<semaphore_mem>>) src(%dma_wait3A_347 : memref<128x128xf32, #tpu.memory_space<vmem_shared>>) dst(%arg21 : memref<64x128xf32, #tpu.memory_space<vmem>>)
      %dma_wait3A_348 = arith.constant 0 : i32
      %dma_wait3A_349 = arith.constant 0 : i32
      %dma_wait3A_350 = tpu.memref_slice %arg22[%dma_wait3A_348, %dma_wait3A_349] : memref<10240x128xf32, #tpu.memory_space<vmem_shared>> -> memref<10240x128xf32, #tpu.memory_space<vmem_shared>>
      tpu.wait_indirect_dma semaphore(%arg27 : memref<!tpu.dma_semaphore, #tpu.memory_space<semaphore_mem>>) src(%arg18 : memref<64x128xf32, #tpu.memory_space<vmem>>) dst(%dma_wait3A_350 : memref<10240x128xf32, #tpu.memory_space<vmem_shared>>)
      %dma_wait3A_351 = arith.constant 0 : i32
      %dma_wait3A_352 = arith.constant 0 : i32
      %dma_wait3A_353 = tpu.memref_slice %arg23[%dma_wait3A_351, %dma_wait3A_352] : memref<80x128xf32, #tpu.memory_space<vmem_shared>> -> memref<80x128xf32, #tpu.memory_space<vmem_shared>>
      tpu.wait_indirect_dma semaphore(%arg28 : memref<!tpu.dma_semaphore, #tpu.memory_space<semaphore_mem>>) src(%arg20 : memref<64x128xf32, #tpu.memory_space<vmem>>) dst(%dma_wait3A_353 : memref<80x128xf32, #tpu.memory_space<vmem_shared>>)
      %get3A_354 = arith.constant 1 : i32
      %get3A_355 = arith.index_cast %get3A_354 : i32 to index
      %get3A_356 = arith.constant 0 : index
      %get3A_357 = tpu.vector_load %arg8[%get3A_355, %get3A_356] {strides = array<i32>} : memref<8x128xi32, #tpu.memory_space<vmem>>, vector<1x16xi32>,
      %get3A_358 = vector.shape_cast %get3A_357 : vector<1x16xi32> to vector<16xi32>
      %swap3A_359 = arith.constant 0 : index
      %swap3A_360 = tpu.vector_load %arg10[%swap3A_359] {strides = array<i32>} : memref<64xi32, #tpu.memory_space<vmem>>, vector<16xi32>,
      %swap3A_361 = vector.shape_cast %swap3A_360 : vector<16xi32> to vector<16xi32>
      %swap3A_362 = vector.shape_cast %get3A_358 : vector<16xi32> to vector<16xi32>
      tpu.vector_store %arg10[%swap3A_359], %swap3A_362 {strides = array<i32>} : memref<64xi32, #tpu.memory_space<vmem>>, vector<16xi32>,
      %get3A_363 = arith.constant 1 : i32
      %get3A_364 = arith.index_cast %get3A_363 : i32 to index
      %get3A_365 = arith.constant 0 : index
      %get3A_366 = tpu.vector_load %arg9[%get3A_364, %get3A_365] {strides = array<i32>} : memref<8x128xi32, #tpu.memory_space<vmem>>, vector<1x16xi32>,
      %get3A_367 = vector.shape_cast %get3A_366 : vector<1x16xi32> to vector<16xi32>
      %swap3A_368 = arith.constant 0 : index
      %swap3A_369 = tpu.vector_load %arg12[%swap3A_368] {strides = array<i32>} : memref<64xi32, #tpu.memory_space<vmem>>, vector<16xi32>,
      %swap3A_370 = vector.shape_cast %swap3A_369 : vector<16xi32> to vector<16xi32>
      %swap3A_371 = vector.shape_cast %get3A_367 : vector<16xi32> to vector<16xi32>
      tpu.vector_store %arg12[%swap3A_368], %swap3A_371 {strides = array<i32>} : memref<64xi32, #tpu.memory_space<vmem>>, vector<16xi32>,
      %rem3A_372 = arith.constant 128 : i32
      %rem3A_373 = vector.broadcast %rem3A_372 : i32 to vector<16xi32>
      %rem3A_374 = arith.remsi %get3A_367, %rem3A_373 : vector<16xi32>
      %swap3A_375 = arith.constant 0 : index
      %swap3A_376 = tpu.vector_load %arg14[%swap3A_375] {strides = array<i32>} : memref<64xi32, #tpu.memory_space<vmem>>, vector<16xi32>,
      %swap3A_377 = vector.shape_cast %swap3A_376 : vector<16xi32> to vector<16xi32>
      %swap3A_378 = vector.shape_cast %rem3A_374 : vector<16xi32> to vector<16xi32>
      tpu.vector_store %arg14[%swap3A_375], %swap3A_378 {strides = array<i32>} : memref<64xi32, #tpu.memory_space<vmem>>, vector<16xi32>,
      %div3A_379 = arith.constant 128 : i32
      %div3A_380 = vector.broadcast %div3A_379 : i32 to vector<16xi32>
      %div3A_381 = arith.divsi %get3A_367, %div3A_380 : vector<16xi32>
      %swap3A_382 = arith.constant 0 : index
      %swap3A_383 = tpu.vector_load %arg16[%swap3A_382] {strides = array<i32>} : memref<64xi32, #tpu.memory_space<vmem>>, vector<16xi32>,
      %swap3A_384 = vector.shape_cast %swap3A_383 : vector<16xi32> to vector<16xi32>
      %swap3A_385 = vector.shape_cast %div3A_381 : vector<16xi32> to vector<16xi32>
      tpu.vector_store %arg16[%swap3A_382], %swap3A_385 {strides = array<i32>} : memref<64xi32, #tpu.memory_space<vmem>>, vector<16xi32>,
      %get3A_386 = arith.constant 1 : i32
      %get3A_387 = arith.index_cast %get3A_386 : i32 to index
      %get3A_388 = arith.constant 16 : index
      %get3A_389 = tpu.vector_load %arg8[%get3A_387, %get3A_388] {strides = array<i32>} : memref<8x128xi32, #tpu.memory_space<vmem>>, vector<1x16xi32>,
      %get3A_390 = vector.shape_cast %get3A_389 : vector<1x16xi32> to vector<16xi32>
      %swap3A_391 = arith.constant 16 : index
      %swap3A_392 = tpu.vector_load %arg10[%swap3A_391] {strides = array<i32>} : memref<64xi32, #tpu.memory_space<vmem>>, vector<16xi32>,
      %swap3A_393 = vector.shape_cast %swap3A_392 : vector<16xi32> to vector<16xi32>
      %swap3A_394 = vector.shape_cast %get3A_390 : vector<16xi32> to vector<16xi32>
      tpu.vector_store %arg10[%swap3A_391], %swap3A_394 {strides = array<i32>} : memref<64xi32, #tpu.memory_space<vmem>>, vector<16xi32>,
      %get3A_395 = arith.constant 1 : i32
      %get3A_396 = arith.index_cast %get3A_395 : i32 to index
      %get3A_397 = arith.constant 16 : index
      %get3A_398 = tpu.vector_load %arg9[%get3A_396, %get3A_397] {strides = array<i32>} : memref<8x128xi32, #tpu.memory_space<vmem>>, vector<1x16xi32>,
      %get3A_399 = vector.shape_cast %get3A_398 : vector<1x16xi32> to vector<16xi32>
      %swap3A_400 = arith.constant 16 : index
      %swap3A_401 = tpu.vector_load %arg12[%swap3A_400] {strides = array<i32>} : memref<64xi32, #tpu.memory_space<vmem>>, vector<16xi32>,
      %swap3A_402 = vector.shape_cast %swap3A_401 : vector<16xi32> to vector<16xi32>
      %swap3A_403 = vector.shape_cast %get3A_399 : vector<16xi32> to vector<16xi32>
      tpu.vector_store %arg12[%swap3A_400], %swap3A_403 {strides = array<i32>} : memref<64xi32, #tpu.memory_space<vmem>>, vector<16xi32>,
      %rem3A_404 = arith.constant 128 : i32
      %rem3A_405 = vector.broadcast %rem3A_404 : i32 to vector<16xi32>
      %rem3A_406 = arith.remsi %get3A_399, %rem3A_405 : vector<16xi32>
      %swap3A_407 = arith.constant 16 : index
      %swap3A_408 = tpu.vector_load %arg14[%swap3A_407] {strides = array<i32>} : memref<64xi32, #tpu.memory_space<vmem>>, vector<16xi32>,
      %swap3A_409 = vector.shape_cast %swap3A_408 : vector<16xi32> to vector<16xi32>
      %swap3A_410 = vector.shape_cast %rem3A_406 : vector<16xi32> to vector<16xi32>
      tpu.vector_store %arg14[%swap3A_407], %swap3A_410 {strides = array<i32>} : memref<64xi32, #tpu.memory_space<vmem>>, vector<16xi32>,
      %div3A_411 = arith.constant 128 : i32
      %div3A_412 = vector.broadcast %div3A_411 : i32 to vector<16xi32>
      %div3A_413 = arith.divsi %get3A_399, %div3A_412 : vector<16xi32>
      %swap3A_414 = arith.constant 16 : index
      %swap3A_415 = tpu.vector_load %arg16[%swap3A_414] {strides = array<i32>} : memref<64xi32, #tpu.memory_space<vmem>>, vector<16xi32>,
      %swap3A_416 = vector.shape_cast %swap3A_415 : vector<16xi32> to vector<16xi32>
      %swap3A_417 = vector.shape_cast %div3A_413 : vector<16xi32> to vector<16xi32>
      tpu.vector_store %arg16[%swap3A_414], %swap3A_417 {strides = array<i32>} : memref<64xi32, #tpu.memory_space<vmem>>, vector<16xi32>,
      %get3A_418 = arith.constant 1 : i32
      %get3A_419 = arith.index_cast %get3A_418 : i32 to index
      %get3A_420 = arith.constant 32 : index
      %get3A_421 = tpu.vector_load %arg8[%get3A_419, %get3A_420] {strides = array<i32>} : memref<8x128xi32, #tpu.memory_space<vmem>>, vector<1x16xi32>,
      %get3A_422 = vector.shape_cast %get3A_421 : vector<1x16xi32> to vector<16xi32>
      %swap3A_423 = arith.constant 32 : index
      %swap3A_424 = tpu.vector_load %arg10[%swap3A_423] {strides = array<i32>} : memref<64xi32, #tpu.memory_space<vmem>>, vector<16xi32>,
      %swap3A_425 = vector.shape_cast %swap3A_424 : vector<16xi32> to vector<16xi32>
      %swap3A_426 = vector.shape_cast %get3A_422 : vector<16xi32> to vector<16xi32>
      tpu.vector_store %arg10[%swap3A_423], %swap3A_426 {strides = array<i32>} : memref<64xi32, #tpu.memory_space<vmem>>, vector<16xi32>,
      %get3A_427 = arith.constant 1 : i32
      %get3A_428 = arith.index_cast %get3A_427 : i32 to index
      %get3A_429 = arith.constant 32 : index
      %get3A_430 = tpu.vector_load %arg9[%get3A_428, %get3A_429] {strides = array<i32>} : memref<8x128xi32, #tpu.memory_space<vmem>>, vector<1x16xi32>,
      %get3A_431 = vector.shape_cast %get3A_430 : vector<1x16xi32> to vector<16xi32>
      %swap3A_432 = arith.constant 32 : index
      %swap3A_433 = tpu.vector_load %arg12[%swap3A_432] {strides = array<i32>} : memref<64xi32, #tpu.memory_space<vmem>>, vector<16xi32>,
      %swap3A_434 = vector.shape_cast %swap3A_433 : vector<16xi32> to vector<16xi32>
      %swap3A_435 = vector.shape_cast %get3A_431 : vector<16xi32> to vector<16xi32>
      tpu.vector_store %arg12[%swap3A_432], %swap3A_435 {strides = array<i32>} : memref<64xi32, #tpu.memory_space<vmem>>, vector<16xi32>,
      %rem3A_436 = arith.constant 128 : i32
      %rem3A_437 = vector.broadcast %rem3A_436 : i32 to vector<16xi32>
      %rem3A_438 = arith.remsi %get3A_431, %rem3A_437 : vector<16xi32>
      %swap3A_439 = arith.constant 32 : index
      %swap3A_440 = tpu.vector_load %arg14[%swap3A_439] {strides = array<i32>} : memref<64xi32, #tpu.memory_space<vmem>>, vector<16xi32>,
      %swap3A_441 = vector.shape_cast %swap3A_440 : vector<16xi32> to vector<16xi32>
      %swap3A_442 = vector.shape_cast %rem3A_438 : vector<16xi32> to vector<16xi32>
      tpu.vector_store %arg14[%swap3A_439], %swap3A_442 {strides = array<i32>} : memref<64xi32, #tpu.memory_space<vmem>>, vector<16xi32>,
      %div3A_443 = arith.constant 128 : i32
      %div3A_444 = vector.broadcast %div3A_443 : i32 to vector<16xi32>
      %div3A_445 = arith.divsi %get3A_431, %div3A_444 : vector<16xi32>
      %swap3A_446 = arith.constant 32 : index
      %swap3A_447 = tpu.vector_load %arg16[%swap3A_446] {strides = array<i32>} : memref<64xi32, #tpu.memory_space<vmem>>, vector<16xi32>,
      %swap3A_448 = vector.shape_cast %swap3A_447 : vector<16xi32> to vector<16xi32>
      %swap3A_449 = vector.shape_cast %div3A_445 : vector<16xi32> to vector<16xi32>
      tpu.vector_store %arg16[%swap3A_446], %swap3A_449 {strides = array<i32>} : memref<64xi32, #tpu.memory_space<vmem>>, vector<16xi32>,
      %get3A_450 = arith.constant 1 : i32
      %get3A_451 = arith.index_cast %get3A_450 : i32 to index
      %get3A_452 = arith.constant 48 : index
      %get3A_453 = tpu.vector_load %arg8[%get3A_451, %get3A_452] {strides = array<i32>} : memref<8x128xi32, #tpu.memory_space<vmem>>, vector<1x16xi32>,
      %get3A_454 = vector.shape_cast %get3A_453 : vector<1x16xi32> to vector<16xi32>
      %swap3A_455 = arith.constant 48 : index
      %swap3A_456 = tpu.vector_load %arg10[%swap3A_455] {strides = array<i32>} : memref<64xi32, #tpu.memory_space<vmem>>, vector<16xi32>,
      %swap3A_457 = vector.shape_cast %swap3A_456 : vector<16xi32> to vector<16xi32>
      %swap3A_458 = vector.shape_cast %get3A_454 : vector<16xi32> to vector<16xi32>
      tpu.vector_store %arg10[%swap3A_455], %swap3A_458 {strides = array<i32>} : memref<64xi32, #tpu.memory_space<vmem>>, vector<16xi32>,
      %get3A_459 = arith.constant 1 : i32
      %get3A_460 = arith.index_cast %get3A_459 : i32 to index
      %get3A_461 = arith.constant 48 : index
      %get3A_462 = tpu.vector_load %arg9[%get3A_460, %get3A_461] {strides = array<i32>} : memref<8x128xi32, #tpu.memory_space<vmem>>, vector<1x16xi32>,
      %get3A_463 = vector.shape_cast %get3A_462 : vector<1x16xi32> to vector<16xi32>
      %swap3A_464 = arith.constant 48 : index
      %swap3A_465 = tpu.vector_load %arg12[%swap3A_464] {strides = array<i32>} : memref<64xi32, #tpu.memory_space<vmem>>, vector<16xi32>,
      %swap3A_466 = vector.shape_cast %swap3A_465 : vector<16xi32> to vector<16xi32>
      %swap3A_467 = vector.shape_cast %get3A_463 : vector<16xi32> to vector<16xi32>
      tpu.vector_store %arg12[%swap3A_464], %swap3A_467 {strides = array<i32>} : memref<64xi32, #tpu.memory_space<vmem>>, vector<16xi32>,
      %rem3A_468 = arith.constant 128 : i32
      %rem3A_469 = vector.broadcast %rem3A_468 : i32 to vector<16xi32>
      %rem3A_470 = arith.remsi %get3A_463, %rem3A_469 : vector<16xi32>
      %swap3A_471 = arith.constant 48 : index
      %swap3A_472 = tpu.vector_load %arg14[%swap3A_471] {strides = array<i32>} : memref<64xi32, #tpu.memory_space<vmem>>, vector<16xi32>,
      %swap3A_473 = vector.shape_cast %swap3A_472 : vector<16xi32> to vector<16xi32>
      %swap3A_474 = vector.shape_cast %rem3A_470 : vector<16xi32> to vector<16xi32>
      tpu.vector_store %arg14[%swap3A_471], %swap3A_474 {strides = array<i32>} : memref<64xi32, #tpu.memory_space<vmem>>, vector<16xi32>,
      %div3A_475 = arith.constant 128 : i32
      %div3A_476 = vector.broadcast %div3A_475 : i32 to vector<16xi32>
      %div3A_477 = arith.divsi %get3A_463, %div3A_476 : vector<16xi32>
      %swap3A_478 = arith.constant 48 : index
      %swap3A_479 = tpu.vector_load %arg16[%swap3A_478] {strides = array<i32>} : memref<64xi32, #tpu.memory_space<vmem>>, vector<16xi32>,
      %swap3A_480 = vector.shape_cast %swap3A_479 : vector<16xi32> to vector<16xi32>
      %swap3A_481 = vector.shape_cast %div3A_477 : vector<16xi32> to vector<16xi32>
      tpu.vector_store %arg16[%swap3A_478], %swap3A_481 {strides = array<i32>} : memref<64xi32, #tpu.memory_space<vmem>>, vector<16xi32>,
      %dma_start3A_482 = arith.constant 0 : i32
      %dma_start3A_483 = arith.constant 0 : i32
      %dma_start3A_484 = tpu.memref_slice %arg2[%dma_start3A_482, %dma_start3A_483] : memref<10240x128xf32, #tpu.memory_space<hbm>> -> memref<10240x128xf32, #tpu.memory_space<hbm>>
      tpu.enqueue_indirect_dma source(%dma_start3A_484 : memref<10240x128xf32, #tpu.memory_space<hbm>>) target(%arg18 : memref<64x128xf32, #tpu.memory_space<vmem>>) offsets(%arg10 : memref<64xi32, #tpu.memory_space<vmem>>) semaphore(%arg25 : memref<!tpu.dma_semaphore, #tpu.memory_space<semaphore_mem>>)
      %dma_start3A_485 = arith.constant 0 : i32
      %dma_start3A_486 = arith.constant 0 : i32
      %dma_start3A_487 = tpu.memref_slice %arg24[%dma_start3A_485, %dma_start3A_486] : memref<128x128xf32, #tpu.memory_space<vmem_shared>> -> memref<128x128xf32, #tpu.memory_space<vmem_shared>>
      tpu.enqueue_indirect_dma source(%dma_start3A_487 : memref<128x128xf32, #tpu.memory_space<vmem_shared>>) target(%arg20 : memref<64x128xf32, #tpu.memory_space<vmem>>) offsets(%arg14 : memref<64xi32, #tpu.memory_space<vmem>>) semaphore(%arg26 : memref<!tpu.dma_semaphore, #tpu.memory_space<semaphore_mem>>)
      %dma_start3A_488 = arith.constant 0 : i32
      %dma_start3A_489 = arith.constant 0 : i32
      %dma_start3A_490 = tpu.memref_slice %arg22[%dma_start3A_488, %dma_start3A_489] : memref<10240x128xf32, #tpu.memory_space<vmem_shared>> -> memref<10240x128xf32, #tpu.memory_space<vmem_shared>>
      tpu.enqueue_indirect_dma source(%arg19 : memref<64x128xf32, #tpu.memory_space<vmem>>) target(%dma_start3A_490 : memref<10240x128xf32, #tpu.memory_space<vmem_shared>>) offsets(%arg13 : memref<64xi32, #tpu.memory_space<vmem>>) semaphore(%arg27 : memref<!tpu.dma_semaphore, #tpu.memory_space<semaphore_mem>>) {add = true}
      %dma_start3A_491 = arith.constant 0 : i32
      %dma_start3A_492 = arith.constant 0 : i32
      %dma_start3A_493 = tpu.memref_slice %arg23[%dma_start3A_491, %dma_start3A_492] : memref<80x128xf32, #tpu.memory_space<vmem_shared>> -> memref<80x128xf32, #tpu.memory_space<vmem_shared>>
      tpu.enqueue_indirect_dma source(%arg21 : memref<64x128xf32, #tpu.memory_space<vmem>>) target(%dma_start3A_493 : memref<80x128xf32, #tpu.memory_space<vmem_shared>>) offsets(%arg17 : memref<64xi32, #tpu.memory_space<vmem>>) semaphore(%arg28 : memref<!tpu.dma_semaphore, #tpu.memory_space<semaphore_mem>>) {add = true}
      %dma_wait3A_494 = arith.constant 0 : i32
      %dma_wait3A_495 = arith.constant 0 : i32
      %dma_wait3A_496 = tpu.memref_slice %arg2[%dma_wait3A_494, %dma_wait3A_495] : memref<10240x128xf32, #tpu.memory_space<hbm>> -> memref<10240x128xf32, #tpu.memory_space<hbm>>
      tpu.wait_indirect_dma semaphore(%arg25 : memref<!tpu.dma_semaphore, #tpu.memory_space<semaphore_mem>>) src(%dma_wait3A_496 : memref<10240x128xf32, #tpu.memory_space<hbm>>) dst(%arg18 : memref<64x128xf32, #tpu.memory_space<vmem>>)
      %dma_wait3A_497 = arith.constant 0 : i32
      %dma_wait3A_498 = arith.constant 0 : i32
      %dma_wait3A_499 = tpu.memref_slice %arg24[%dma_wait3A_497, %dma_wait3A_498] : memref<128x128xf32, #tpu.memory_space<vmem_shared>> -> memref<128x128xf32, #tpu.memory_space<vmem_shared>>
      tpu.wait_indirect_dma semaphore(%arg26 : memref<!tpu.dma_semaphore, #tpu.memory_space<semaphore_mem>>) src(%dma_wait3A_499 : memref<128x128xf32, #tpu.memory_space<vmem_shared>>) dst(%arg20 : memref<64x128xf32, #tpu.memory_space<vmem>>)
      %dma_wait3A_500 = arith.constant 0 : i32
      %dma_wait3A_501 = arith.constant 0 : i32
      %dma_wait3A_502 = tpu.memref_slice %arg22[%dma_wait3A_500, %dma_wait3A_501] : memref<10240x128xf32, #tpu.memory_space<vmem_shared>> -> memref<10240x128xf32, #tpu.memory_space<vmem_shared>>
      tpu.wait_indirect_dma semaphore(%arg27 : memref<!tpu.dma_semaphore, #tpu.memory_space<semaphore_mem>>) src(%arg19 : memref<64x128xf32, #tpu.memory_space<vmem>>) dst(%dma_wait3A_502 : memref<10240x128xf32, #tpu.memory_space<vmem_shared>>)
      %dma_wait3A_503 = arith.constant 0 : i32
      %dma_wait3A_504 = arith.constant 0 : i32
      %dma_wait3A_505 = tpu.memref_slice %arg23[%dma_wait3A_503, %dma_wait3A_504] : memref<80x128xf32, #tpu.memory_space<vmem_shared>> -> memref<80x128xf32, #tpu.memory_space<vmem_shared>>
      tpu.wait_indirect_dma semaphore(%arg28 : memref<!tpu.dma_semaphore, #tpu.memory_space<semaphore_mem>>) src(%arg21 : memref<64x128xf32, #tpu.memory_space<vmem>>) dst(%dma_wait3A_505 : memref<80x128xf32, #tpu.memory_space<vmem_shared>>)
      %get3A_506 = arith.constant 1 : i32
      %get3A_507 = arith.index_cast %get3A_506 : i32 to index
      %get3A_508 = arith.constant 64 : index
      %get3A_509 = tpu.vector_load %arg8[%get3A_507, %get3A_508] {strides = array<i32>} : memref<8x128xi32, #tpu.memory_space<vmem>>, vector<1x16xi32>,
      %get3A_510 = vector.shape_cast %get3A_509 : vector<1x16xi32> to vector<16xi32>
      %swap3A_511 = arith.constant 0 : index
      %swap3A_512 = tpu.vector_load %arg11[%swap3A_511] {strides = array<i32>} : memref<64xi32, #tpu.memory_space<vmem>>, vector<16xi32>,
      %swap3A_513 = vector.shape_cast %swap3A_512 : vector<16xi32> to vector<16xi32>
      %swap3A_514 = vector.shape_cast %get3A_510 : vector<16xi32> to vector<16xi32>
      tpu.vector_store %arg11[%swap3A_511], %swap3A_514 {strides = array<i32>} : memref<64xi32, #tpu.memory_space<vmem>>, vector<16xi32>,
      %get3A_515 = arith.constant 1 : i32
      %get3A_516 = arith.index_cast %get3A_515 : i32 to index
      %get3A_517 = arith.constant 64 : index
      %get3A_518 = tpu.vector_load %arg9[%get3A_516, %get3A_517] {strides = array<i32>} : memref<8x128xi32, #tpu.memory_space<vmem>>, vector<1x16xi32>,
      %get3A_519 = vector.shape_cast %get3A_518 : vector<1x16xi32> to vector<16xi32>
      %swap3A_520 = arith.constant 0 : index
      %swap3A_521 = tpu.vector_load %arg13[%swap3A_520] {strides = array<i32>} : memref<64xi32, #tpu.memory_space<vmem>>, vector<16xi32>,
      %swap3A_522 = vector.shape_cast %swap3A_521 : vector<16xi32> to vector<16xi32>
      %swap3A_523 = vector.shape_cast %get3A_519 : vector<16xi32> to vector<16xi32>
      tpu.vector_store %arg13[%swap3A_520], %swap3A_523 {strides = array<i32>} : memref<64xi32, #tpu.memory_space<vmem>>, vector<16xi32>,
      %rem3A_524 = arith.constant 128 : i32
      %rem3A_525 = vector.broadcast %rem3A_524 : i32 to vector<16xi32>
      %rem3A_526 = arith.remsi %get3A_519, %rem3A_525 : vector<16xi32>
      %swap3A_527 = arith.constant 0 : index
      %swap3A_528 = tpu.vector_load %arg15[%swap3A_527] {strides = array<i32>} : memref<64xi32, #tpu.memory_space<vmem>>, vector<16xi32>,
      %swap3A_529 = vector.shape_cast %swap3A_528 : vector<16xi32> to vector<16xi32>
      %swap3A_530 = vector.shape_cast %rem3A_526 : vector<16xi32> to vector<16xi32>
      tpu.vector_store %arg15[%swap3A_527], %swap3A_530 {strides = array<i32>} : memref<64xi32, #tpu.memory_space<vmem>>, vector<16xi32>,
      %div3A_531 = arith.constant 128 : i32
      %div3A_532 = vector.broadcast %div3A_531 : i32 to vector<16xi32>
      %div3A_533 = arith.divsi %get3A_519, %div3A_532 : vector<16xi32>
      %swap3A_534 = arith.constant 0 : index
      %swap3A_535 = tpu.vector_load %arg17[%swap3A_534] {strides = array<i32>} : memref<64xi32, #tpu.memory_space<vmem>>, vector<16xi32>,
      %swap3A_536 = vector.shape_cast %swap3A_535 : vector<16xi32> to vector<16xi32>
      %swap3A_537 = vector.shape_cast %div3A_533 : vector<16xi32> to vector<16xi32>
      tpu.vector_store %arg17[%swap3A_534], %swap3A_537 {strides = array<i32>} : memref<64xi32, #tpu.memory_space<vmem>>, vector<16xi32>,
      %get3A_538 = arith.constant 1 : i32
      %get3A_539 = arith.index_cast %get3A_538 : i32 to index
      %get3A_540 = arith.constant 80 : index
      %get3A_541 = tpu.vector_load %arg8[%get3A_539, %get3A_540] {strides = array<i32>} : memref<8x128xi32, #tpu.memory_space<vmem>>, vector<1x16xi32>,
      %get3A_542 = vector.shape_cast %get3A_541 : vector<1x16xi32> to vector<16xi32>
      %swap3A_543 = arith.constant 16 : index
      %swap3A_544 = tpu.vector_load %arg11[%swap3A_543] {strides = array<i32>} : memref<64xi32, #tpu.memory_space<vmem>>, vector<16xi32>,
      %swap3A_545 = vector.shape_cast %swap3A_544 : vector<16xi32> to vector<16xi32>
      %swap3A_546 = vector.shape_cast %get3A_542 : vector<16xi32> to vector<16xi32>
      tpu.vector_store %arg11[%swap3A_543], %swap3A_546 {strides = array<i32>} : memref<64xi32, #tpu.memory_space<vmem>>, vector<16xi32>,
      %get3A_547 = arith.constant 1 : i32
      %get3A_548 = arith.index_cast %get3A_547 : i32 to index
      %get3A_549 = arith.constant 80 : index
      %get3A_550 = tpu.vector_load %arg9[%get3A_548, %get3A_549] {strides = array<i32>} : memref<8x128xi32, #tpu.memory_space<vmem>>, vector<1x16xi32>,
      %get3A_551 = vector.shape_cast %get3A_550 : vector<1x16xi32> to vector<16xi32>
      %swap3A_552 = arith.constant 16 : index
      %swap3A_553 = tpu.vector_load %arg13[%swap3A_552] {strides = array<i32>} : memref<64xi32, #tpu.memory_space<vmem>>, vector<16xi32>,
      %swap3A_554 = vector.shape_cast %swap3A_553 : vector<16xi32> to vector<16xi32>
      %swap3A_555 = vector.shape_cast %get3A_551 : vector<16xi32> to vector<16xi32>
      tpu.vector_store %arg13[%swap3A_552], %swap3A_555 {strides = array<i32>} : memref<64xi32, #tpu.memory_space<vmem>>, vector<16xi32>,
      %rem3A_556 = arith.constant 128 : i32
      %rem3A_557 = vector.broadcast %rem3A_556 : i32 to vector<16xi32>
      %rem3A_558 = arith.remsi %get3A_551, %rem3A_557 : vector<16xi32>
      %swap3A_559 = arith.constant 16 : index
      %swap3A_560 = tpu.vector_load %arg15[%swap3A_559] {strides = array<i32>} : memref<64xi32, #tpu.memory_space<vmem>>, vector<16xi32>,
      %swap3A_561 = vector.shape_cast %swap3A_560 : vector<16xi32> to vector<16xi32>
      %swap3A_562 = vector.shape_cast %rem3A_558 : vector<16xi32> to vector<16xi32>
      tpu.vector_store %arg15[%swap3A_559], %swap3A_562 {strides = array<i32>} : memref<64xi32, #tpu.memory_space<vmem>>, vector<16xi32>,
      %div3A_563 = arith.constant 128 : i32
      %div3A_564 = vector.broadcast %div3A_563 : i32 to vector<16xi32>
      %div3A_565 = arith.divsi %get3A_551, %div3A_564 : vector<16xi32>
      %swap3A_566 = arith.constant 16 : index
      %swap3A_567 = tpu.vector_load %arg17[%swap3A_566] {strides = array<i32>} : memref<64xi32, #tpu.memory_space<vmem>>, vector<16xi32>,
      %swap3A_568 = vector.shape_cast %swap3A_567 : vector<16xi32> to vector<16xi32>
      %swap3A_569 = vector.shape_cast %div3A_565 : vector<16xi32> to vector<16xi32>
      tpu.vector_store %arg17[%swap3A_566], %swap3A_569 {strides = array<i32>} : memref<64xi32, #tpu.memory_space<vmem>>, vector<16xi32>,
      %get3A_570 = arith.constant 1 : i32
      %get3A_571 = arith.index_cast %get3A_570 : i32 to index
      %get3A_572 = arith.constant 96 : index
      %get3A_573 = tpu.vector_load %arg8[%get3A_571, %get3A_572] {strides = array<i32>} : memref<8x128xi32, #tpu.memory_space<vmem>>, vector<1x16xi32>,
      %get3A_574 = vector.shape_cast %get3A_573 : vector<1x16xi32> to vector<16xi32>
      %swap3A_575 = arith.constant 32 : index
      %swap3A_576 = tpu.vector_load %arg11[%swap3A_575] {strides = array<i32>} : memref<64xi32, #tpu.memory_space<vmem>>, vector<16xi32>,
      %swap3A_577 = vector.shape_cast %swap3A_576 : vector<16xi32> to vector<16xi32>
      %swap3A_578 = vector.shape_cast %get3A_574 : vector<16xi32> to vector<16xi32>
      tpu.vector_store %arg11[%swap3A_575], %swap3A_578 {strides = array<i32>} : memref<64xi32, #tpu.memory_space<vmem>>, vector<16xi32>,
      %get3A_579 = arith.constant 1 : i32
      %get3A_580 = arith.index_cast %get3A_579 : i32 to index
      %get3A_581 = arith.constant 96 : index
      %get3A_582 = tpu.vector_load %arg9[%get3A_580, %get3A_581] {strides = array<i32>} : memref<8x128xi32, #tpu.memory_space<vmem>>, vector<1x16xi32>,
      %get3A_583 = vector.shape_cast %get3A_582 : vector<1x16xi32> to vector<16xi32>
      %swap3A_584 = arith.constant 32 : index
      %swap3A_585 = tpu.vector_load %arg13[%swap3A_584] {strides = array<i32>} : memref<64xi32, #tpu.memory_space<vmem>>, vector<16xi32>,
      %swap3A_586 = vector.shape_cast %swap3A_585 : vector<16xi32> to vector<16xi32>
      %swap3A_587 = vector.shape_cast %get3A_583 : vector<16xi32> to vector<16xi32>
      tpu.vector_store %arg13[%swap3A_584], %swap3A_587 {strides = array<i32>} : memref<64xi32, #tpu.memory_space<vmem>>, vector<16xi32>,
      %rem3A_588 = arith.constant 128 : i32
      %rem3A_589 = vector.broadcast %rem3A_588 : i32 to vector<16xi32>
      %rem3A_590 = arith.remsi %get3A_583, %rem3A_589 : vector<16xi32>
      %swap3A_591 = arith.constant 32 : index
      %swap3A_592 = tpu.vector_load %arg15[%swap3A_591] {strides = array<i32>} : memref<64xi32, #tpu.memory_space<vmem>>, vector<16xi32>,
      %swap3A_593 = vector.shape_cast %swap3A_592 : vector<16xi32> to vector<16xi32>
      %swap3A_594 = vector.shape_cast %rem3A_590 : vector<16xi32> to vector<16xi32>
      tpu.vector_store %arg15[%swap3A_591], %swap3A_594 {strides = array<i32>} : memref<64xi32, #tpu.memory_space<vmem>>, vector<16xi32>,
      %div3A_595 = arith.constant 128 : i32
      %div3A_596 = vector.broadcast %div3A_595 : i32 to vector<16xi32>
      %div3A_597 = arith.divsi %get3A_583, %div3A_596 : vector<16xi32>
      %swap3A_598 = arith.constant 32 : index
      %swap3A_599 = tpu.vector_load %arg17[%swap3A_598] {strides = array<i32>} : memref<64xi32, #tpu.memory_space<vmem>>, vector<16xi32>,
      %swap3A_600 = vector.shape_cast %swap3A_599 : vector<16xi32> to vector<16xi32>
      %swap3A_601 = vector.shape_cast %div3A_597 : vector<16xi32> to vector<16xi32>
      tpu.vector_store %arg17[%swap3A_598], %swap3A_601 {strides = array<i32>} : memref<64xi32, #tpu.memory_space<vmem>>, vector<16xi32>,
      %get3A_602 = arith.constant 1 : i32
      %get3A_603 = arith.index_cast %get3A_602 : i32 to index
      %get3A_604 = arith.constant 112 : index
      %get3A_605 = tpu.vector_load %arg8[%get3A_603, %get3A_604] {strides = array<i32>} : memref<8x128xi32, #tpu.memory_space<vmem>>, vector<1x16xi32>,
      %get3A_606 = vector.shape_cast %get3A_605 : vector<1x16xi32> to vector<16xi32>
      %swap3A_607 = arith.constant 48 : index
      %swap3A_608 = tpu.vector_load %arg11[%swap3A_607] {strides = array<i32>} : memref<64xi32, #tpu.memory_space<vmem>>, vector<16xi32>,
      %swap3A_609 = vector.shape_cast %swap3A_608 : vector<16xi32> to vector<16xi32>
      %swap3A_610 = vector.shape_cast %get3A_606 : vector<16xi32> to vector<16xi32>
      tpu.vector_store %arg11[%swap3A_607], %swap3A_610 {strides = array<i32>} : memref<64xi32, #tpu.memory_space<vmem>>, vector<16xi32>,
      %get3A_611 = arith.constant 1 : i32
      %get3A_612 = arith.index_cast %get3A_611 : i32 to index
      %get3A_613 = arith.constant 112 : index
      %get3A_614 = tpu.vector_load %arg9[%get3A_612, %get3A_613] {strides = array<i32>} : memref<8x128xi32, #tpu.memory_space<vmem>>, vector<1x16xi32>,
      %get3A_615 = vector.shape_cast %get3A_614 : vector<1x16xi32> to vector<16xi32>
      %swap3A_616 = arith.constant 48 : index
      %swap3A_617 = tpu.vector_load %arg13[%swap3A_616] {strides = array<i32>} : memref<64xi32, #tpu.memory_space<vmem>>, vector<16xi32>,
      %swap3A_618 = vector.shape_cast %swap3A_617 : vector<16xi32> to vector<16xi32>
      %swap3A_619 = vector.shape_cast %get3A_615 : vector<16xi32> to vector<16xi32>
      tpu.vector_store %arg13[%swap3A_616], %swap3A_619 {strides = array<i32>} : memref<64xi32, #tpu.memory_space<vmem>>, vector<16xi32>,
      %rem3A_620 = arith.constant 128 : i32
      %rem3A_621 = vector.broadcast %rem3A_620 : i32 to vector<16xi32>
      %rem3A_622 = arith.remsi %get3A_615, %rem3A_621 : vector<16xi32>
      %swap3A_623 = arith.constant 48 : index
      %swap3A_624 = tpu.vector_load %arg15[%swap3A_623] {strides = array<i32>} : memref<64xi32, #tpu.memory_space<vmem>>, vector<16xi32>,
      %swap3A_625 = vector.shape_cast %swap3A_624 : vector<16xi32> to vector<16xi32>
      %swap3A_626 = vector.shape_cast %rem3A_622 : vector<16xi32> to vector<16xi32>
      tpu.vector_store %arg15[%swap3A_623], %swap3A_626 {strides = array<i32>} : memref<64xi32, #tpu.memory_space<vmem>>, vector<16xi32>,
      %div3A_627 = arith.constant 128 : i32
      %div3A_628 = vector.broadcast %div3A_627 : i32 to vector<16xi32>
      %div3A_629 = arith.divsi %get3A_615, %div3A_628 : vector<16xi32>
      %swap3A_630 = arith.constant 48 : index
      %swap3A_631 = tpu.vector_load %arg17[%swap3A_630] {strides = array<i32>} : memref<64xi32, #tpu.memory_space<vmem>>, vector<16xi32>,
      %swap3A_632 = vector.shape_cast %swap3A_631 : vector<16xi32> to vector<16xi32>
      %swap3A_633 = vector.shape_cast %div3A_629 : vector<16xi32> to vector<16xi32>
      tpu.vector_store %arg17[%swap3A_630], %swap3A_633 {strides = array<i32>} : memref<64xi32, #tpu.memory_space<vmem>>, vector<16xi32>,
      %dma_start3A_634 = arith.constant 0 : i32
      %dma_start3A_635 = arith.constant 0 : i32
      %dma_start3A_636 = tpu.memref_slice %arg2[%dma_start3A_634, %dma_start3A_635] : memref<10240x128xf32, #tpu.memory_space<hbm>> -> memref<10240x128xf32, #tpu.memory_space<hbm>>
      tpu.enqueue_indirect_dma source(%dma_start3A_636 : memref<10240x128xf32, #tpu.memory_space<hbm>>) target(%arg19 : memref<64x128xf32, #tpu.memory_space<vmem>>) offsets(%arg11 : memref<64xi32, #tpu.memory_space<vmem>>) semaphore(%arg25 : memref<!tpu.dma_semaphore, #tpu.memory_space<semaphore_mem>>)
      %dma_start3A_637 = arith.constant 0 : i32
      %dma_start3A_638 = arith.constant 0 : i32
      %dma_start3A_639 = tpu.memref_slice %arg24[%dma_start3A_637, %dma_start3A_638] : memref<128x128xf32, #tpu.memory_space<vmem_shared>> -> memref<128x128xf32, #tpu.memory_space<vmem_shared>>
      tpu.enqueue_indirect_dma source(%dma_start3A_639 : memref<128x128xf32, #tpu.memory_space<vmem_shared>>) target(%arg21 : memref<64x128xf32, #tpu.memory_space<vmem>>) offsets(%arg15 : memref<64xi32, #tpu.memory_space<vmem>>) semaphore(%arg26 : memref<!tpu.dma_semaphore, #tpu.memory_space<semaphore_mem>>)
      %dma_start3A_640 = arith.constant 0 : i32
      %dma_start3A_641 = arith.constant 0 : i32
      %dma_start3A_642 = tpu.memref_slice %arg22[%dma_start3A_640, %dma_start3A_641] : memref<10240x128xf32, #tpu.memory_space<vmem_shared>> -> memref<10240x128xf32, #tpu.memory_space<vmem_shared>>
      tpu.enqueue_indirect_dma source(%arg18 : memref<64x128xf32, #tpu.memory_space<vmem>>) target(%dma_start3A_642 : memref<10240x128xf32, #tpu.memory_space<vmem_shared>>) offsets(%arg12 : memref<64xi32, #tpu.memory_space<vmem>>) semaphore(%arg27 : memref<!tpu.dma_semaphore, #tpu.memory_space<semaphore_mem>>) {add = true}
      %dma_start3A_643 = arith.constant 0 : i32
      %dma_start3A_644 = arith.constant 0 : i32
      %dma_start3A_645 = tpu.memref_slice %arg23[%dma_start3A_643, %dma_start3A_644] : memref<80x128xf32, #tpu.memory_space<vmem_shared>> -> memref<80x128xf32, #tpu.memory_space<vmem_shared>>
      tpu.enqueue_indirect_dma source(%arg20 : memref<64x128xf32, #tpu.memory_space<vmem>>) target(%dma_start3A_645 : memref<80x128xf32, #tpu.memory_space<vmem_shared>>) offsets(%arg16 : memref<64xi32, #tpu.memory_space<vmem>>) semaphore(%arg28 : memref<!tpu.dma_semaphore, #tpu.memory_space<semaphore_mem>>) {add = true}
      %dma_wait3A_646 = arith.constant 0 : i32
      %dma_wait3A_647 = arith.constant 0 : i32
      %dma_wait3A_648 = tpu.memref_slice %arg2[%dma_wait3A_646, %dma_wait3A_647] : memref<10240x128xf32, #tpu.memory_space<hbm>> -> memref<10240x128xf32, #tpu.memory_space<hbm>>
      tpu.wait_indirect_dma semaphore(%arg25 : memref<!tpu.dma_semaphore, #tpu.memory_space<semaphore_mem>>) src(%dma_wait3A_648 : memref<10240x128xf32, #tpu.memory_space<hbm>>) dst(%arg19 : memref<64x128xf32, #tpu.memory_space<vmem>>)
      %dma_wait3A_649 = arith.constant 0 : i32
      %dma_wait3A_650 = arith.constant 0 : i32
      %dma_wait3A_651 = tpu.memref_slice %arg24[%dma_wait3A_649, %dma_wait3A_650] : memref<128x128xf32, #tpu.memory_space<vmem_shared>> -> memref<128x128xf32, #tpu.memory_space<vmem_shared>>
      tpu.wait_indirect_dma semaphore(%arg26 : memref<!tpu.dma_semaphore, #tpu.memory_space<semaphore_mem>>) src(%dma_wait3A_651 : memref<128x128xf32, #tpu.memory_space<vmem_shared>>) dst(%arg21 : memref<64x128xf32, #tpu.memory_space<vmem>>)
      %dma_wait3A_652 = arith.constant 0 : i32
      %dma_wait3A_653 = arith.constant 0 : i32
      %dma_wait3A_654 = tpu.memref_slice %arg22[%dma_wait3A_652, %dma_wait3A_653] : memref<10240x128xf32, #tpu.memory_space<vmem_shared>> -> memref<10240x128xf32, #tpu.memory_space<vmem_shared>>
      tpu.wait_indirect_dma semaphore(%arg27 : memref<!tpu.dma_semaphore, #tpu.memory_space<semaphore_mem>>) src(%arg18 : memref<64x128xf32, #tpu.memory_space<vmem>>) dst(%dma_wait3A_654 : memref<10240x128xf32, #tpu.memory_space<vmem_shared>>)
      %dma_wait3A_655 = arith.constant 0 : i32
      %dma_wait3A_656 = arith.constant 0 : i32
      %dma_wait3A_657 = tpu.memref_slice %arg23[%dma_wait3A_655, %dma_wait3A_656] : memref<80x128xf32, #tpu.memory_space<vmem_shared>> -> memref<80x128xf32, #tpu.memory_space<vmem_shared>>
      tpu.wait_indirect_dma semaphore(%arg28 : memref<!tpu.dma_semaphore, #tpu.memory_space<semaphore_mem>>) src(%arg20 : memref<64x128xf32, #tpu.memory_space<vmem>>) dst(%dma_wait3A_657 : memref<80x128xf32, #tpu.memory_space<vmem_shared>>)
      %get3A_658 = arith.constant 2 : i32
      %get3A_659 = arith.index_cast %get3A_658 : i32 to index
      %get3A_660 = arith.constant 0 : index
      %get3A_661 = tpu.vector_load %arg8[%get3A_659, %get3A_660] {strides = array<i32>} : memref<8x128xi32, #tpu.memory_space<vmem>>, vector<1x16xi32>,
      %get3A_662 = vector.shape_cast %get3A_661 : vector<1x16xi32> to vector<16xi32>
      %swap3A_663 = arith.constant 0 : index
      %swap3A_664 = tpu.vector_load %arg10[%swap3A_663] {strides = array<i32>} : memref<64xi32, #tpu.memory_space<vmem>>, vector<16xi32>,
      %swap3A_665 = vector.shape_cast %swap3A_664 : vector<16xi32> to vector<16xi32>
      %swap3A_666 = vector.shape_cast %get3A_662 : vector<16xi32> to vector<16xi32>
      tpu.vector_store %arg10[%swap3A_663], %swap3A_666 {strides = array<i32>} : memref<64xi32, #tpu.memory_space<vmem>>, vector<16xi32>,
      %get3A_667 = arith.constant 2 : i32
      %get3A_668 = arith.index_cast %get3A_667 : i32 to index
      %get3A_669 = arith.constant 0 : index
      %get3A_670 = tpu.vector_load %arg9[%get3A_668, %get3A_669] {strides = array<i32>} : memref<8x128xi32, #tpu.memory_space<vmem>>, vector<1x16xi32>,
      %get3A_671 = vector.shape_cast %get3A_670 : vector<1x16xi32> to vector<16xi32>
      %swap3A_672 = arith.constant 0 : index
      %swap3A_673 = tpu.vector_load %arg12[%swap3A_672] {strides = array<i32>} : memref<64xi32, #tpu.memory_space<vmem>>, vector<16xi32>,
      %swap3A_674 = vector.shape_cast %swap3A_673 : vector<16xi32> to vector<16xi32>
      %swap3A_675 = vector.shape_cast %get3A_671 : vector<16xi32> to vector<16xi32>
      tpu.vector_store %arg12[%swap3A_672], %swap3A_675 {strides = array<i32>} : memref<64xi32, #tpu.memory_space<vmem>>, vector<16xi32>,
      %rem3A_676 = arith.constant 128 : i32
      %rem3A_677 = vector.broadcast %rem3A_676 : i32 to vector<16xi32>
      %rem3A_678 = arith.remsi %get3A_671, %rem3A_677 : vector<16xi32>
      %swap3A_679 = arith.constant 0 : index
      %swap3A_680 = tpu.vector_load %arg14[%swap3A_679] {strides = array<i32>} : memref<64xi32, #tpu.memory_space<vmem>>, vector<16xi32>,
      %swap3A_681 = vector.shape_cast %swap3A_680 : vector<16xi32> to vector<16xi32>
      %swap3A_682 = vector.shape_cast %rem3A_678 : vector<16xi32> to vector<16xi32>
      tpu.vector_store %arg14[%swap3A_679], %swap3A_682 {strides = array<i32>} : memref<64xi32, #tpu.memory_space<vmem>>, vector<16xi32>,
      %div3A_683 = arith.constant 128 : i32
      %div3A_684 = vector.broadcast %div3A_683 : i32 to vector<16xi32>
      %div3A_685 = arith.divsi %get3A_671, %div3A_684 : vector<16xi32>
      %swap3A_686 = arith.constant 0 : index
      %swap3A_687 = tpu.vector_load %arg16[%swap3A_686] {strides = array<i32>} : memref<64xi32, #tpu.memory_space<vmem>>, vector<16xi32>,
      %swap3A_688 = vector.shape_cast %swap3A_687 : vector<16xi32> to vector<16xi32>
      %swap3A_689 = vector.shape_cast %div3A_685 : vector<16xi32> to vector<16xi32>
      tpu.vector_store %arg16[%swap3A_686], %swap3A_689 {strides = array<i32>} : memref<64xi32, #tpu.memory_space<vmem>>, vector<16xi32>,
      %get3A_690 = arith.constant 2 : i32
      %get3A_691 = arith.index_cast %get3A_690 : i32 to index
      %get3A_692 = arith.constant 16 : index
      %get3A_693 = tpu.vector_load %arg8[%get3A_691, %get3A_692] {strides = array<i32>} : memref<8x128xi32, #tpu.memory_space<vmem>>, vector<1x16xi32>,
      %get3A_694 = vector.shape_cast %get3A_693 : vector<1x16xi32> to vector<16xi32>
      %swap3A_695 = arith.constant 16 : index
      %swap3A_696 = tpu.vector_load %arg10[%swap3A_695] {strides = array<i32>} : memref<64xi32, #tpu.memory_space<vmem>>, vector<16xi32>,
      %swap3A_697 = vector.shape_cast %swap3A_696 : vector<16xi32> to vector<16xi32>
      %swap3A_698 = vector.shape_cast %get3A_694 : vector<16xi32> to vector<16xi32>
      tpu.vector_store %arg10[%swap3A_695], %swap3A_698 {strides = array<i32>} : memref<64xi32, #tpu.memory_space<vmem>>, vector<16xi32>,
      %get3A_699 = arith.constant 2 : i32
      %get3A_700 = arith.index_cast %get3A_699 : i32 to index
      %get3A_701 = arith.constant 16 : index
      %get3A_702 = tpu.vector_load %arg9[%get3A_700, %get3A_701] {strides = array<i32>} : memref<8x128xi32, #tpu.memory_space<vmem>>, vector<1x16xi32>,
      %get3A_703 = vector.shape_cast %get3A_702 : vector<1x16xi32> to vector<16xi32>
      %swap3A_704 = arith.constant 16 : index
      %swap3A_705 = tpu.vector_load %arg12[%swap3A_704] {strides = array<i32>} : memref<64xi32, #tpu.memory_space<vmem>>, vector<16xi32>,
      %swap3A_706 = vector.shape_cast %swap3A_705 : vector<16xi32> to vector<16xi32>
      %swap3A_707 = vector.shape_cast %get3A_703 : vector<16xi32> to vector<16xi32>
      tpu.vector_store %arg12[%swap3A_704], %swap3A_707 {strides = array<i32>} : memref<64xi32, #tpu.memory_space<vmem>>, vector<16xi32>,
      %rem3A_708 = arith.constant 128 : i32
      %rem3A_709 = vector.broadcast %rem3A_708 : i32 to vector<16xi32>
      %rem3A_710 = arith.remsi %get3A_703, %rem3A_709 : vector<16xi32>
      %swap3A_711 = arith.constant 16 : index
      %swap3A_712 = tpu.vector_load %arg14[%swap3A_711] {strides = array<i32>} : memref<64xi32, #tpu.memory_space<vmem>>, vector<16xi32>,
      %swap3A_713 = vector.shape_cast %swap3A_712 : vector<16xi32> to vector<16xi32>
      %swap3A_714 = vector.shape_cast %rem3A_710 : vector<16xi32> to vector<16xi32>
      tpu.vector_store %arg14[%swap3A_711], %swap3A_714 {strides = array<i32>} : memref<64xi32, #tpu.memory_space<vmem>>, vector<16xi32>,
      %div3A_715 = arith.constant 128 : i32
      %div3A_716 = vector.broadcast %div3A_715 : i32 to vector<16xi32>
      %div3A_717 = arith.divsi %get3A_703, %div3A_716 : vector<16xi32>
      %swap3A_718 = arith.constant 16 : index
      %swap3A_719 = tpu.vector_load %arg16[%swap3A_718] {strides = array<i32>} : memref<64xi32, #tpu.memory_space<vmem>>, vector<16xi32>,
      %swap3A_720 = vector.shape_cast %swap3A_719 : vector<16xi32> to vector<16xi32>
      %swap3A_721 = vector.shape_cast %div3A_717 : vector<16xi32> to vector<16xi32>
      tpu.vector_store %arg16[%swap3A_718], %swap3A_721 {strides = array<i32>} : memref<64xi32, #tpu.memory_space<vmem>>, vector<16xi32>,
      %get3A_722 = arith.constant 2 : i32
      %get3A_723 = arith.index_cast %get3A_722 : i32 to index
      %get3A_724 = arith.constant 32 : index
      %get3A_725 = tpu.vector_load %arg8[%get3A_723, %get3A_724] {strides = array<i32>} : memref<8x128xi32, #tpu.memory_space<vmem>>, vector<1x16xi32>,
      %get3A_726 = vector.shape_cast %get3A_725 : vector<1x16xi32> to vector<16xi32>
      %swap3A_727 = arith.constant 32 : index
      %swap3A_728 = tpu.vector_load %arg10[%swap3A_727] {strides = array<i32>} : memref<64xi32, #tpu.memory_space<vmem>>, vector<16xi32>,
      %swap3A_729 = vector.shape_cast %swap3A_728 : vector<16xi32> to vector<16xi32>
      %swap3A_730 = vector.shape_cast %get3A_726 : vector<16xi32> to vector<16xi32>
      tpu.vector_store %arg10[%swap3A_727], %swap3A_730 {strides = array<i32>} : memref<64xi32, #tpu.memory_space<vmem>>, vector<16xi32>,
      %get3A_731 = arith.constant 2 : i32
      %get3A_732 = arith.index_cast %get3A_731 : i32 to index
      %get3A_733 = arith.constant 32 : index
      %get3A_734 = tpu.vector_load %arg9[%get3A_732, %get3A_733] {strides = array<i32>} : memref<8x128xi32, #tpu.memory_space<vmem>>, vector<1x16xi32>,
      %get3A_735 = vector.shape_cast %get3A_734 : vector<1x16xi32> to vector<16xi32>
      %swap3A_736 = arith.constant 32 : index
      %swap3A_737 = tpu.vector_load %arg12[%swap3A_736] {strides = array<i32>} : memref<64xi32, #tpu.memory_space<vmem>>, vector<16xi32>,
      %swap3A_738 = vector.shape_cast %swap3A_737 : vector<16xi32> to vector<16xi32>
      %swap3A_739 = vector.shape_cast %get3A_735 : vector<16xi32> to vector<16xi32>
      tpu.vector_store %arg12[%swap3A_736], %swap3A_739 {strides = array<i32>} : memref<64xi32, #tpu.memory_space<vmem>>, vector<16xi32>,
      %rem3A_740 = arith.constant 128 : i32
      %rem3A_741 = vector.broadcast %rem3A_740 : i32 to vector<16xi32>
      %rem3A_742 = arith.remsi %get3A_735, %rem3A_741 : vector<16xi32>
      %swap3A_743 = arith.constant 32 : index
      %swap3A_744 = tpu.vector_load %arg14[%swap3A_743] {strides = array<i32>} : memref<64xi32, #tpu.memory_space<vmem>>, vector<16xi32>,
      %swap3A_745 = vector.shape_cast %swap3A_744 : vector<16xi32> to vector<16xi32>
      %swap3A_746 = vector.shape_cast %rem3A_742 : vector<16xi32> to vector<16xi32>
      tpu.vector_store %arg14[%swap3A_743], %swap3A_746 {strides = array<i32>} : memref<64xi32, #tpu.memory_space<vmem>>, vector<16xi32>,
      %div3A_747 = arith.constant 128 : i32
      %div3A_748 = vector.broadcast %div3A_747 : i32 to vector<16xi32>
      %div3A_749 = arith.divsi %get3A_735, %div3A_748 : vector<16xi32>
      %swap3A_750 = arith.constant 32 : index
      %swap3A_751 = tpu.vector_load %arg16[%swap3A_750] {strides = array<i32>} : memref<64xi32, #tpu.memory_space<vmem>>, vector<16xi32>,
      %swap3A_752 = vector.shape_cast %swap3A_751 : vector<16xi32> to vector<16xi32>
      %swap3A_753 = vector.shape_cast %div3A_749 : vector<16xi32> to vector<16xi32>
      tpu.vector_store %arg16[%swap3A_750], %swap3A_753 {strides = array<i32>} : memref<64xi32, #tpu.memory_space<vmem>>, vector<16xi32>,
      %get3A_754 = arith.constant 2 : i32
      %get3A_755 = arith.index_cast %get3A_754 : i32 to index
      %get3A_756 = arith.constant 48 : index
      %get3A_757 = tpu.vector_load %arg8[%get3A_755, %get3A_756] {strides = array<i32>} : memref<8x128xi32, #tpu.memory_space<vmem>>, vector<1x16xi32>,
      %get3A_758 = vector.shape_cast %get3A_757 : vector<1x16xi32> to vector<16xi32>
      %swap3A_759 = arith.constant 48 : index
      %swap3A_760 = tpu.vector_load %arg10[%swap3A_759] {strides = array<i32>} : memref<64xi32, #tpu.memory_space<vmem>>, vector<16xi32>,
      %swap3A_761 = vector.shape_cast %swap3A_760 : vector<16xi32> to vector<16xi32>
      %swap3A_762 = vector.shape_cast %get3A_758 : vector<16xi32> to vector<16xi32>
      tpu.vector_store %arg10[%swap3A_759], %swap3A_762 {strides = array<i32>} : memref<64xi32, #tpu.memory_space<vmem>>, vector<16xi32>,
      %get3A_763 = arith.constant 2 : i32
      %get3A_764 = arith.index_cast %get3A_763 : i32 to index
      %get3A_765 = arith.constant 48 : index
      %get3A_766 = tpu.vector_load %arg9[%get3A_764, %get3A_765] {strides = array<i32>} : memref<8x128xi32, #tpu.memory_space<vmem>>, vector<1x16xi32>,
      %get3A_767 = vector.shape_cast %get3A_766 : vector<1x16xi32> to vector<16xi32>
      %swap3A_768 = arith.constant 48 : index
      %swap3A_769 = tpu.vector_load %arg12[%swap3A_768] {strides = array<i32>} : memref<64xi32, #tpu.memory_space<vmem>>, vector<16xi32>,
      %swap3A_770 = vector.shape_cast %swap3A_769 : vector<16xi32> to vector<16xi32>
      %swap3A_771 = vector.shape_cast %get3A_767 : vector<16xi32> to vector<16xi32>
      tpu.vector_store %arg12[%swap3A_768], %swap3A_771 {strides = array<i32>} : memref<64xi32, #tpu.memory_space<vmem>>, vector<16xi32>,
      %rem3A_772 = arith.constant 128 : i32
      %rem3A_773 = vector.broadcast %rem3A_772 : i32 to vector<16xi32>
      %rem3A_774 = arith.remsi %get3A_767, %rem3A_773 : vector<16xi32>
      %swap3A_775 = arith.constant 48 : index
      %swap3A_776 = tpu.vector_load %arg14[%swap3A_775] {strides = array<i32>} : memref<64xi32, #tpu.memory_space<vmem>>, vector<16xi32>,
      %swap3A_777 = vector.shape_cast %swap3A_776 : vector<16xi32> to vector<16xi32>
      %swap3A_778 = vector.shape_cast %rem3A_774 : vector<16xi32> to vector<16xi32>
      tpu.vector_store %arg14[%swap3A_775], %swap3A_778 {strides = array<i32>} : memref<64xi32, #tpu.memory_space<vmem>>, vector<16xi32>,
      %div3A_779 = arith.constant 128 : i32
      %div3A_780 = vector.broadcast %div3A_779 : i32 to vector<16xi32>
      %div3A_781 = arith.divsi %get3A_767, %div3A_780 : vector<16xi32>
      %swap3A_782 = arith.constant 48 : index
      %swap3A_783 = tpu.vector_load %arg16[%swap3A_782] {strides = array<i32>} : memref<64xi32, #tpu.memory_space<vmem>>, vector<16xi32>,
      %swap3A_784 = vector.shape_cast %swap3A_783 : vector<16xi32> to vector<16xi32>
      %swap3A_785 = vector.shape_cast %div3A_781 : vector<16xi32> to vector<16xi32>
      tpu.vector_store %arg16[%swap3A_782], %swap3A_785 {strides = array<i32>} : memref<64xi32, #tpu.memory_space<vmem>>, vector<16xi32>,
      %dma_start3A_786 = arith.constant 0 : i32
      %dma_start3A_787 = arith.constant 0 : i32
      %dma_start3A_788 = tpu.memref_slice %arg2[%dma_start3A_786, %dma_start3A_787] : memref<10240x128xf32, #tpu.memory_space<hbm>> -> memref<10240x128xf32, #tpu.memory_space<hbm>>
      tpu.enqueue_indirect_dma source(%dma_start3A_788 : memref<10240x128xf32, #tpu.memory_space<hbm>>) target(%arg18 : memref<64x128xf32, #tpu.memory_space<vmem>>) offsets(%arg10 : memref<64xi32, #tpu.memory_space<vmem>>) semaphore(%arg25 : memref<!tpu.dma_semaphore, #tpu.memory_space<semaphore_mem>>)
      %dma_start3A_789 = arith.constant 0 : i32
      %dma_start3A_790 = arith.constant 0 : i32
      %dma_start3A_791 = tpu.memref_slice %arg24[%dma_start3A_789, %dma_start3A_790] : memref<128x128xf32, #tpu.memory_space<vmem_shared>> -> memref<128x128xf32, #tpu.memory_space<vmem_shared>>
      tpu.enqueue_indirect_dma source(%dma_start3A_791 : memref<128x128xf32, #tpu.memory_space<vmem_shared>>) target(%arg20 : memref<64x128xf32, #tpu.memory_space<vmem>>) offsets(%arg14 : memref<64xi32, #tpu.memory_space<vmem>>) semaphore(%arg26 : memref<!tpu.dma_semaphore, #tpu.memory_space<semaphore_mem>>)
      %dma_start3A_792 = arith.constant 0 : i32
      %dma_start3A_793 = arith.constant 0 : i32
      %dma_start3A_794 = tpu.memref_slice %arg22[%dma_start3A_792, %dma_start3A_793] : memref<10240x128xf32, #tpu.memory_space<vmem_shared>> -> memref<10240x128xf32, #tpu.memory_space<vmem_shared>>
      tpu.enqueue_indirect_dma source(%arg19 : memref<64x128xf32, #tpu.memory_space<vmem>>) target(%dma_start3A_794 : memref<10240x128xf32, #tpu.memory_space<vmem_shared>>) offsets(%arg13 : memref<64xi32, #tpu.memory_space<vmem>>) semaphore(%arg27 : memref<!tpu.dma_semaphore, #tpu.memory_space<semaphore_mem>>) {add = true}
      %dma_start3A_795 = arith.constant 0 : i32
      %dma_start3A_796 = arith.constant 0 : i32
      %dma_start3A_797 = tpu.memref_slice %arg23[%dma_start3A_795, %dma_start3A_796] : memref<80x128xf32, #tpu.memory_space<vmem_shared>> -> memref<80x128xf32, #tpu.memory_space<vmem_shared>>
      tpu.enqueue_indirect_dma source(%arg21 : memref<64x128xf32, #tpu.memory_space<vmem>>) target(%dma_start3A_797 : memref<80x128xf32, #tpu.memory_space<vmem_shared>>) offsets(%arg17 : memref<64xi32, #tpu.memory_space<vmem>>) semaphore(%arg28 : memref<!tpu.dma_semaphore, #tpu.memory_space<semaphore_mem>>) {add = true}
      %dma_wait3A_798 = arith.constant 0 : i32
      %dma_wait3A_799 = arith.constant 0 : i32
      %dma_wait3A_800 = tpu.memref_slice %arg2[%dma_wait3A_798, %dma_wait3A_799] : memref<10240x128xf32, #tpu.memory_space<hbm>> -> memref<10240x128xf32, #tpu.memory_space<hbm>>
      tpu.wait_indirect_dma semaphore(%arg25 : memref<!tpu.dma_semaphore, #tpu.memory_space<semaphore_mem>>) src(%dma_wait3A_800 : memref<10240x128xf32, #tpu.memory_space<hbm>>) dst(%arg18 : memref<64x128xf32, #tpu.memory_space<vmem>>)
      %dma_wait3A_801 = arith.constant 0 : i32
      %dma_wait3A_802 = arith.constant 0 : i32
      %dma_wait3A_803 = tpu.memref_slice %arg24[%dma_wait3A_801, %dma_wait3A_802] : memref<128x128xf32, #tpu.memory_space<vmem_shared>> -> memref<128x128xf32, #tpu.memory_space<vmem_shared>>
      tpu.wait_indirect_dma semaphore(%arg26 : memref<!tpu.dma_semaphore, #tpu.memory_space<semaphore_mem>>) src(%dma_wait3A_803 : memref<128x128xf32, #tpu.memory_space<vmem_shared>>) dst(%arg20 : memref<64x128xf32, #tpu.memory_space<vmem>>)
      %dma_wait3A_804 = arith.constant 0 : i32
      %dma_wait3A_805 = arith.constant 0 : i32
      %dma_wait3A_806 = tpu.memref_slice %arg22[%dma_wait3A_804, %dma_wait3A_805] : memref<10240x128xf32, #tpu.memory_space<vmem_shared>> -> memref<10240x128xf32, #tpu.memory_space<vmem_shared>>
      tpu.wait_indirect_dma semaphore(%arg27 : memref<!tpu.dma_semaphore, #tpu.memory_space<semaphore_mem>>) src(%arg19 : memref<64x128xf32, #tpu.memory_space<vmem>>) dst(%dma_wait3A_806 : memref<10240x128xf32, #tpu.memory_space<vmem_shared>>)
      %dma_wait3A_807 = arith.constant 0 : i32
      %dma_wait3A_808 = arith.constant 0 : i32
      %dma_wait3A_809 = tpu.memref_slice %arg23[%dma_wait3A_807, %dma_wait3A_808] : memref<80x128xf32, #tpu.memory_space<vmem_shared>> -> memref<80x128xf32, #tpu.memory_space<vmem_shared>>
      tpu.wait_indirect_dma semaphore(%arg28 : memref<!tpu.dma_semaphore, #tpu.memory_space<semaphore_mem>>) src(%arg21 : memref<64x128xf32, #tpu.memory_space<vmem>>) dst(%dma_wait3A_809 : memref<80x128xf32, #tpu.memory_space<vmem_shared>>)
      %get3A_810 = arith.constant 2 : i32
      %get3A_811 = arith.index_cast %get3A_810 : i32 to index
      %get3A_812 = arith.constant 64 : index
      %get3A_813 = tpu.vector_load %arg8[%get3A_811, %get3A_812] {strides = array<i32>} : memref<8x128xi32, #tpu.memory_space<vmem>>, vector<1x16xi32>,
      %get3A_814 = vector.shape_cast %get3A_813 : vector<1x16xi32> to vector<16xi32>
      %swap3A_815 = arith.constant 0 : index
      %swap3A_816 = tpu.vector_load %arg11[%swap3A_815] {strides = array<i32>} : memref<64xi32, #tpu.memory_space<vmem>>, vector<16xi32>,
      %swap3A_817 = vector.shape_cast %swap3A_816 : vector<16xi32> to vector<16xi32>
      %swap3A_818 = vector.shape_cast %get3A_814 : vector<16xi32> to vector<16xi32>
      tpu.vector_store %arg11[%swap3A_815], %swap3A_818 {strides = array<i32>} : memref<64xi32, #tpu.memory_space<vmem>>, vector<16xi32>,
      %get3A_819 = arith.constant 2 : i32
      %get3A_820 = arith.index_cast %get3A_819 : i32 to index
      %get3A_821 = arith.constant 64 : index
      %get3A_822 = tpu.vector_load %arg9[%get3A_820, %get3A_821] {strides = array<i32>} : memref<8x128xi32, #tpu.memory_space<vmem>>, vector<1x16xi32>,
      %get3A_823 = vector.shape_cast %get3A_822 : vector<1x16xi32> to vector<16xi32>
      %swap3A_824 = arith.constant 0 : index
      %swap3A_825 = tpu.vector_load %arg13[%swap3A_824] {strides = array<i32>} : memref<64xi32, #tpu.memory_space<vmem>>, vector<16xi32>,
      %swap3A_826 = vector.shape_cast %swap3A_825 : vector<16xi32> to vector<16xi32>
      %swap3A_827 = vector.shape_cast %get3A_823 : vector<16xi32> to vector<16xi32>
      tpu.vector_store %arg13[%swap3A_824], %swap3A_827 {strides = array<i32>} : memref<64xi32, #tpu.memory_space<vmem>>, vector<16xi32>,
      %rem3A_828 = arith.constant 128 : i32
      %rem3A_829 = vector.broadcast %rem3A_828 : i32 to vector<16xi32>
      %rem3A_830 = arith.remsi %get3A_823, %rem3A_829 : vector<16xi32>
      %swap3A_831 = arith.constant 0 : index
      %swap3A_832 = tpu.vector_load %arg15[%swap3A_831] {strides = array<i32>} : memref<64xi32, #tpu.memory_space<vmem>>, vector<16xi32>,
      %swap3A_833 = vector.shape_cast %swap3A_832 : vector<16xi32> to vector<16xi32>
      %swap3A_834 = vector.shape_cast %rem3A_830 : vector<16xi32> to vector<16xi32>
      tpu.vector_store %arg15[%swap3A_831], %swap3A_834 {strides = array<i32>} : memref<64xi32, #tpu.memory_space<vmem>>, vector<16xi32>,
      %div3A_835 = arith.constant 128 : i32
      %div3A_836 = vector.broadcast %div3A_835 : i32 to vector<16xi32>
      %div3A_837 = arith.divsi %get3A_823, %div3A_836 : vector<16xi32>
      %swap3A_838 = arith.constant 0 : index
      %swap3A_839 = tpu.vector_load %arg17[%swap3A_838] {strides = array<i32>} : memref<64xi32, #tpu.memory_space<vmem>>, vector<16xi32>,
      %swap3A_840 = vector.shape_cast %swap3A_839 : vector<16xi32> to vector<16xi32>
      %swap3A_841 = vector.shape_cast %div3A_837 : vector<16xi32> to vector<16xi32>
      tpu.vector_store %arg17[%swap3A_838], %swap3A_841 {strides = array<i32>} : memref<64xi32, #tpu.memory_space<vmem>>, vector<16xi32>,
      %get3A_842 = arith.constant 2 : i32
      %get3A_843 = arith.index_cast %get3A_842 : i32 to index
      %get3A_844 = arith.constant 80 : index
      %get3A_845 = tpu.vector_load %arg8[%get3A_843, %get3A_844] {strides = array<i32>} : memref<8x128xi32, #tpu.memory_space<vmem>>, vector<1x16xi32>,
      %get3A_846 = vector.shape_cast %get3A_845 : vector<1x16xi32> to vector<16xi32>
      %swap3A_847 = arith.constant 16 : index
      %swap3A_848 = tpu.vector_load %arg11[%swap3A_847] {strides = array<i32>} : memref<64xi32, #tpu.memory_space<vmem>>, vector<16xi32>,
      %swap3A_849 = vector.shape_cast %swap3A_848 : vector<16xi32> to vector<16xi32>
      %swap3A_850 = vector.shape_cast %get3A_846 : vector<16xi32> to vector<16xi32>
      tpu.vector_store %arg11[%swap3A_847], %swap3A_850 {strides = array<i32>} : memref<64xi32, #tpu.memory_space<vmem>>, vector<16xi32>,
      %get3A_851 = arith.constant 2 : i32
      %get3A_852 = arith.index_cast %get3A_851 : i32 to index
      %get3A_853 = arith.constant 80 : index
      %get3A_854 = tpu.vector_load %arg9[%get3A_852, %get3A_853] {strides = array<i32>} : memref<8x128xi32, #tpu.memory_space<vmem>>, vector<1x16xi32>,
      %get3A_855 = vector.shape_cast %get3A_854 : vector<1x16xi32> to vector<16xi32>
      %swap3A_856 = arith.constant 16 : index
      %swap3A_857 = tpu.vector_load %arg13[%swap3A_856] {strides = array<i32>} : memref<64xi32, #tpu.memory_space<vmem>>, vector<16xi32>,
      %swap3A_858 = vector.shape_cast %swap3A_857 : vector<16xi32> to vector<16xi32>
      %swap3A_859 = vector.shape_cast %get3A_855 : vector<16xi32> to vector<16xi32>
      tpu.vector_store %arg13[%swap3A_856], %swap3A_859 {strides = array<i32>} : memref<64xi32, #tpu.memory_space<vmem>>, vector<16xi32>,
      %rem3A_860 = arith.constant 128 : i32
      %rem3A_861 = vector.broadcast %rem3A_860 : i32 to vector<16xi32>
      %rem3A_862 = arith.remsi %get3A_855, %rem3A_861 : vector<16xi32>
      %swap3A_863 = arith.constant 16 : index
      %swap3A_864 = tpu.vector_load %arg15[%swap3A_863] {strides = array<i32>} : memref<64xi32, #tpu.memory_space<vmem>>, vector<16xi32>,
      %swap3A_865 = vector.shape_cast %swap3A_864 : vector<16xi32> to vector<16xi32>
      %swap3A_866 = vector.shape_cast %rem3A_862 : vector<16xi32> to vector<16xi32>
      tpu.vector_store %arg15[%swap3A_863], %swap3A_866 {strides = array<i32>} : memref<64xi32, #tpu.memory_space<vmem>>, vector<16xi32>,
      %div3A_867 = arith.constant 128 : i32
      %div3A_868 = vector.broadcast %div3A_867 : i32 to vector<16xi32>
      %div3A_869 = arith.divsi %get3A_855, %div3A_868 : vector<16xi32>
      %swap3A_870 = arith.constant 16 : index
      %swap3A_871 = tpu.vector_load %arg17[%swap3A_870] {strides = array<i32>} : memref<64xi32, #tpu.memory_space<vmem>>, vector<16xi32>,
      %swap3A_872 = vector.shape_cast %swap3A_871 : vector<16xi32> to vector<16xi32>
      %swap3A_873 = vector.shape_cast %div3A_869 : vector<16xi32> to vector<16xi32>
      tpu.vector_store %arg17[%swap3A_870], %swap3A_873 {strides = array<i32>} : memref<64xi32, #tpu.memory_space<vmem>>, vector<16xi32>,
      %get3A_874 = arith.constant 2 : i32
      %get3A_875 = arith.index_cast %get3A_874 : i32 to index
      %get3A_876 = arith.constant 96 : index
      %get3A_877 = tpu.vector_load %arg8[%get3A_875, %get3A_876] {strides = array<i32>} : memref<8x128xi32, #tpu.memory_space<vmem>>, vector<1x16xi32>,
      %get3A_878 = vector.shape_cast %get3A_877 : vector<1x16xi32> to vector<16xi32>
      %swap3A_879 = arith.constant 32 : index
      %swap3A_880 = tpu.vector_load %arg11[%swap3A_879] {strides = array<i32>} : memref<64xi32, #tpu.memory_space<vmem>>, vector<16xi32>,
      %swap3A_881 = vector.shape_cast %swap3A_880 : vector<16xi32> to vector<16xi32>
      %swap3A_882 = vector.shape_cast %get3A_878 : vector<16xi32> to vector<16xi32>
      tpu.vector_store %arg11[%swap3A_879], %swap3A_882 {strides = array<i32>} : memref<64xi32, #tpu.memory_space<vmem>>, vector<16xi32>,
      %get3A_883 = arith.constant 2 : i32
      %get3A_884 = arith.index_cast %get3A_883 : i32 to index
      %get3A_885 = arith.constant 96 : index
      %get3A_886 = tpu.vector_load %arg9[%get3A_884, %get3A_885] {strides = array<i32>} : memref<8x128xi32, #tpu.memory_space<vmem>>, vector<1x16xi32>,
      %get3A_887 = vector.shape_cast %get3A_886 : vector<1x16xi32> to vector<16xi32>
      %swap3A_888 = arith.constant 32 : index
      %swap3A_889 = tpu.vector_load %arg13[%swap3A_888] {strides = array<i32>} : memref<64xi32, #tpu.memory_space<vmem>>, vector<16xi32>,
      %swap3A_890 = vector.shape_cast %swap3A_889 : vector<16xi32> to vector<16xi32>
      %swap3A_891 = vector.shape_cast %get3A_887 : vector<16xi32> to vector<16xi32>
      tpu.vector_store %arg13[%swap3A_888], %swap3A_891 {strides = array<i32>} : memref<64xi32, #tpu.memory_space<vmem>>, vector<16xi32>,
      %rem3A_892 = arith.constant 128 : i32
      %rem3A_893 = vector.broadcast %rem3A_892 : i32 to vector<16xi32>
      %rem3A_894 = arith.remsi %get3A_887, %rem3A_893 : vector<16xi32>
      %swap3A_895 = arith.constant 32 : index
      %swap3A_896 = tpu.vector_load %arg15[%swap3A_895] {strides = array<i32>} : memref<64xi32, #tpu.memory_space<vmem>>, vector<16xi32>,
      %swap3A_897 = vector.shape_cast %swap3A_896 : vector<16xi32> to vector<16xi32>
      %swap3A_898 = vector.shape_cast %rem3A_894 : vector<16xi32> to vector<16xi32>
      tpu.vector_store %arg15[%swap3A_895], %swap3A_898 {strides = array<i32>} : memref<64xi32, #tpu.memory_space<vmem>>, vector<16xi32>,
      %div3A_899 = arith.constant 128 : i32
      %div3A_900 = vector.broadcast %div3A_899 : i32 to vector<16xi32>
      %div3A_901 = arith.divsi %get3A_887, %div3A_900 : vector<16xi32>
      %swap3A_902 = arith.constant 32 : index
      %swap3A_903 = tpu.vector_load %arg17[%swap3A_902] {strides = array<i32>} : memref<64xi32, #tpu.memory_space<vmem>>, vector<16xi32>,
      %swap3A_904 = vector.shape_cast %swap3A_903 : vector<16xi32> to vector<16xi32>
      %swap3A_905 = vector.shape_cast %div3A_901 : vector<16xi32> to vector<16xi32>
      tpu.vector_store %arg17[%swap3A_902], %swap3A_905 {strides = array<i32>} : memref<64xi32, #tpu.memory_space<vmem>>, vector<16xi32>,
      %get3A_906 = arith.constant 2 : i32
      %get3A_907 = arith.index_cast %get3A_906 : i32 to index
      %get3A_908 = arith.constant 112 : index
      %get3A_909 = tpu.vector_load %arg8[%get3A_907, %get3A_908] {strides = array<i32>} : memref<8x128xi32, #tpu.memory_space<vmem>>, vector<1x16xi32>,
      %get3A_910 = vector.shape_cast %get3A_909 : vector<1x16xi32> to vector<16xi32>
      %swap3A_911 = arith.constant 48 : index
      %swap3A_912 = tpu.vector_load %arg11[%swap3A_911] {strides = array<i32>} : memref<64xi32, #tpu.memory_space<vmem>>, vector<16xi32>,
      %swap3A_913 = vector.shape_cast %swap3A_912 : vector<16xi32> to vector<16xi32>
      %swap3A_914 = vector.shape_cast %get3A_910 : vector<16xi32> to vector<16xi32>
      tpu.vector_store %arg11[%swap3A_911], %swap3A_914 {strides = array<i32>} : memref<64xi32, #tpu.memory_space<vmem>>, vector<16xi32>,
      %get3A_915 = arith.constant 2 : i32
      %get3A_916 = arith.index_cast %get3A_915 : i32 to index
      %get3A_917 = arith.constant 112 : index
      %get3A_918 = tpu.vector_load %arg9[%get3A_916, %get3A_917] {strides = array<i32>} : memref<8x128xi32, #tpu.memory_space<vmem>>, vector<1x16xi32>,
      %get3A_919 = vector.shape_cast %get3A_918 : vector<1x16xi32> to vector<16xi32>
      %swap3A_920 = arith.constant 48 : index
      %swap3A_921 = tpu.vector_load %arg13[%swap3A_920] {strides = array<i32>} : memref<64xi32, #tpu.memory_space<vmem>>, vector<16xi32>,
      %swap3A_922 = vector.shape_cast %swap3A_921 : vector<16xi32> to vector<16xi32>
      %swap3A_923 = vector.shape_cast %get3A_919 : vector<16xi32> to vector<16xi32>
      tpu.vector_store %arg13[%swap3A_920], %swap3A_923 {strides = array<i32>} : memref<64xi32, #tpu.memory_space<vmem>>, vector<16xi32>,
      %rem3A_924 = arith.constant 128 : i32
      %rem3A_925 = vector.broadcast %rem3A_924 : i32 to vector<16xi32>
      %rem3A_926 = arith.remsi %get3A_919, %rem3A_925 : vector<16xi32>
      %swap3A_927 = arith.constant 48 : index
      %swap3A_928 = tpu.vector_load %arg15[%swap3A_927] {strides = array<i32>} : memref<64xi32, #tpu.memory_space<vmem>>, vector<16xi32>,
      %swap3A_929 = vector.shape_cast %swap3A_928 : vector<16xi32> to vector<16xi32>
      %swap3A_930 = vector.shape_cast %rem3A_926 : vector<16xi32> to vector<16xi32>
      tpu.vector_store %arg15[%swap3A_927], %swap3A_930 {strides = array<i32>} : memref<64xi32, #tpu.memory_space<vmem>>, vector<16xi32>,
      %div3A_931 = arith.constant 128 : i32
      %div3A_932 = vector.broadcast %div3A_931 : i32 to vector<16xi32>
      %div3A_933 = arith.divsi %get3A_919, %div3A_932 : vector<16xi32>
      %swap3A_934 = arith.constant 48 : index
      %swap3A_935 = tpu.vector_load %arg17[%swap3A_934] {strides = array<i32>} : memref<64xi32, #tpu.memory_space<vmem>>, vector<16xi32>,
      %swap3A_936 = vector.shape_cast %swap3A_935 : vector<16xi32> to vector<16xi32>
      %swap3A_937 = vector.shape_cast %div3A_933 : vector<16xi32> to vector<16xi32>
      tpu.vector_store %arg17[%swap3A_934], %swap3A_937 {strides = array<i32>} : memref<64xi32, #tpu.memory_space<vmem>>, vector<16xi32>,
      %dma_start3A_938 = arith.constant 0 : i32
      %dma_start3A_939 = arith.constant 0 : i32
      %dma_start3A_940 = tpu.memref_slice %arg2[%dma_start3A_938, %dma_start3A_939] : memref<10240x128xf32, #tpu.memory_space<hbm>> -> memref<10240x128xf32, #tpu.memory_space<hbm>>
      tpu.enqueue_indirect_dma source(%dma_start3A_940 : memref<10240x128xf32, #tpu.memory_space<hbm>>) target(%arg19 : memref<64x128xf32, #tpu.memory_space<vmem>>) offsets(%arg11 : memref<64xi32, #tpu.memory_space<vmem>>) semaphore(%arg25 : memref<!tpu.dma_semaphore, #tpu.memory_space<semaphore_mem>>)
      %dma_start3A_941 = arith.constant 0 : i32
      %dma_start3A_942 = arith.constant 0 : i32
      %dma_start3A_943 = tpu.memref_slice %arg24[%dma_start3A_941, %dma_start3A_942] : memref<128x128xf32, #tpu.memory_space<vmem_shared>> -> memref<128x128xf32, #tpu.memory_space<vmem_shared>>
      tpu.enqueue_indirect_dma source(%dma_start3A_943 : memref<128x128xf32, #tpu.memory_space<vmem_shared>>) target(%arg21 : memref<64x128xf32, #tpu.memory_space<vmem>>) offsets(%arg15 : memref<64xi32, #tpu.memory_space<vmem>>) semaphore(%arg26 : memref<!tpu.dma_semaphore, #tpu.memory_space<semaphore_mem>>)
      %dma_start3A_944 = arith.constant 0 : i32
      %dma_start3A_945 = arith.constant 0 : i32
      %dma_start3A_946 = tpu.memref_slice %arg22[%dma_start3A_944, %dma_start3A_945] : memref<10240x128xf32, #tpu.memory_space<vmem_shared>> -> memref<10240x128xf32, #tpu.memory_space<vmem_shared>>
      tpu.enqueue_indirect_dma source(%arg18 : memref<64x128xf32, #tpu.memory_space<vmem>>) target(%dma_start3A_946 : memref<10240x128xf32, #tpu.memory_space<vmem_shared>>) offsets(%arg12 : memref<64xi32, #tpu.memory_space<vmem>>) semaphore(%arg27 : memref<!tpu.dma_semaphore, #tpu.memory_space<semaphore_mem>>) {add = true}
      %dma_start3A_947 = arith.constant 0 : i32
      %dma_start3A_948 = arith.constant 0 : i32
      %dma_start3A_949 = tpu.memref_slice %arg23[%dma_start3A_947, %dma_start3A_948] : memref<80x128xf32, #tpu.memory_space<vmem_shared>> -> memref<80x128xf32, #tpu.memory_space<vmem_shared>>
      tpu.enqueue_indirect_dma source(%arg20 : memref<64x128xf32, #tpu.memory_space<vmem>>) target(%dma_start3A_949 : memref<80x128xf32, #tpu.memory_space<vmem_shared>>) offsets(%arg16 : memref<64xi32, #tpu.memory_space<vmem>>) semaphore(%arg28 : memref<!tpu.dma_semaphore, #tpu.memory_space<semaphore_mem>>) {add = true}
      %dma_wait3A_950 = arith.constant 0 : i32
      %dma_wait3A_951 = arith.constant 0 : i32
      %dma_wait3A_952 = tpu.memref_slice %arg2[%dma_wait3A_950, %dma_wait3A_951] : memref<10240x128xf32, #tpu.memory_space<hbm>> -> memref<10240x128xf32, #tpu.memory_space<hbm>>
      tpu.wait_indirect_dma semaphore(%arg25 : memref<!tpu.dma_semaphore, #tpu.memory_space<semaphore_mem>>) src(%dma_wait3A_952 : memref<10240x128xf32, #tpu.memory_space<hbm>>) dst(%arg19 : memref<64x128xf32, #tpu.memory_space<vmem>>)
      %dma_wait3A_953 = arith.constant 0 : i32
      %dma_wait3A_954 = arith.constant 0 : i32
      %dma_wait3A_955 = tpu.memref_slice %arg24[%dma_wait3A_953, %dma_wait3A_954] : memref<128x128xf32, #tpu.memory_space<vmem_shared>> -> memref<128x128xf32, #tpu.memory_space<vmem_shared>>
      tpu.wait_indirect_dma semaphore(%arg26 : memref<!tpu.dma_semaphore, #tpu.memory_space<semaphore_mem>>) src(%dma_wait3A_955 : memref<128x128xf32, #tpu.memory_space<vmem_shared>>) dst(%arg21 : memref<64x128xf32, #tpu.memory_space<vmem>>)
      %dma_wait3A_956 = arith.constant 0 : i32
      %dma_wait3A_957 = arith.constant 0 : i32
      %dma_wait3A_958 = tpu.memref_slice %arg22[%dma_wait3A_956, %dma_wait3A_957] : memref<10240x128xf32, #tpu.memory_space<vmem_shared>> -> memref<10240x128xf32, #tpu.memory_space<vmem_shared>>
      tpu.wait_indirect_dma semaphore(%arg27 : memref<!tpu.dma_semaphore, #tpu.memory_space<semaphore_mem>>) src(%arg18 : memref<64x128xf32, #tpu.memory_space<vmem>>) dst(%dma_wait3A_958 : memref<10240x128xf32, #tpu.memory_space<vmem_shared>>)
      %dma_wait3A_959 = arith.constant 0 : i32
      %dma_wait3A_960 = arith.constant 0 : i32
      %dma_wait3A_961 = tpu.memref_slice %arg23[%dma_wait3A_959, %dma_wait3A_960] : memref<80x128xf32, #tpu.memory_space<vmem_shared>> -> memref<80x128xf32, #tpu.memory_space<vmem_shared>>
      tpu.wait_indirect_dma semaphore(%arg28 : memref<!tpu.dma_semaphore, #tpu.memory_space<semaphore_mem>>) src(%arg20 : memref<64x128xf32, #tpu.memory_space<vmem>>) dst(%dma_wait3A_961 : memref<80x128xf32, #tpu.memory_space<vmem_shared>>)
      %get3A_962 = arith.constant 3 : i32
      %get3A_963 = arith.index_cast %get3A_962 : i32 to index
      %get3A_964 = arith.constant 0 : index
      %get3A_965 = tpu.vector_load %arg8[%get3A_963, %get3A_964] {strides = array<i32>} : memref<8x128xi32, #tpu.memory_space<vmem>>, vector<1x16xi32>,
      %get3A_966 = vector.shape_cast %get3A_965 : vector<1x16xi32> to vector<16xi32>
      %swap3A_967 = arith.constant 0 : index
      %swap3A_968 = tpu.vector_load %arg10[%swap3A_967] {strides = array<i32>} : memref<64xi32, #tpu.memory_space<vmem>>, vector<16xi32>,
      %swap3A_969 = vector.shape_cast %swap3A_968 : vector<16xi32> to vector<16xi32>
      %swap3A_970 = vector.shape_cast %get3A_966 : vector<16xi32> to vector<16xi32>
      tpu.vector_store %arg10[%swap3A_967], %swap3A_970 {strides = array<i32>} : memref<64xi32, #tpu.memory_space<vmem>>, vector<16xi32>,
      %get3A_971 = arith.constant 3 : i32
      %get3A_972 = arith.index_cast %get3A_971 : i32 to index
      %get3A_973 = arith.constant 0 : index
      %get3A_974 = tpu.vector_load %arg9[%get3A_972, %get3A_973] {strides = array<i32>} : memref<8x128xi32, #tpu.memory_space<vmem>>, vector<1x16xi32>,
      %get3A_975 = vector.shape_cast %get3A_974 : vector<1x16xi32> to vector<16xi32>
      %swap3A_976 = arith.constant 0 : index
      %swap3A_977 = tpu.vector_load %arg12[%swap3A_976] {strides = array<i32>} : memref<64xi32, #tpu.memory_space<vmem>>, vector<16xi32>,
      %swap3A_978 = vector.shape_cast %swap3A_977 : vector<16xi32> to vector<16xi32>
      %swap3A_979 = vector.shape_cast %get3A_975 : vector<16xi32> to vector<16xi32>
      tpu.vector_store %arg12[%swap3A_976], %swap3A_979 {strides = array<i32>} : memref<64xi32, #tpu.memory_space<vmem>>, vector<16xi32>,
      %rem3A_980 = arith.constant 128 : i32
      %rem3A_981 = vector.broadcast %rem3A_980 : i32 to vector<16xi32>
      %rem3A_982 = arith.remsi %get3A_975, %rem3A_981 : vector<16xi32>
      %swap3A_983 = arith.constant 0 : index
      %swap3A_984 = tpu.vector_load %arg14[%swap3A_983] {strides = array<i32>} : memref<64xi32, #tpu.memory_space<vmem>>, vector<16xi32>,
      %swap3A_985 = vector.shape_cast %swap3A_984 : vector<16xi32> to vector<16xi32>
      %swap3A_986 = vector.shape_cast %rem3A_982 : vector<16xi32> to vector<16xi32>
      tpu.vector_store %arg14[%swap3A_983], %swap3A_986 {strides = array<i32>} : memref<64xi32, #tpu.memory_space<vmem>>, vector<16xi32>,
      %div3A_987 = arith.constant 128 : i32
      %div3A_988 = vector.broadcast %div3A_987 : i32 to vector<16xi32>
      %div3A_989 = arith.divsi %get3A_975, %div3A_988 : vector<16xi32>
      %swap3A_990 = arith.constant 0 : index
      %swap3A_991 = tpu.vector_load %arg16[%swap3A_990] {strides = array<i32>} : memref<64xi32, #tpu.memory_space<vmem>>, vector<16xi32>,
      %swap3A_992 = vector.shape_cast %swap3A_991 : vector<16xi32> to vector<16xi32>
      %swap3A_993 = vector.shape_cast %div3A_989 : vector<16xi32> to vector<16xi32>
      tpu.vector_store %arg16[%swap3A_990], %swap3A_993 {strides = array<i32>} : memref<64xi32, #tpu.memory_space<vmem>>, vector<16xi32>,
      %get3A_994 = arith.constant 3 : i32
      %get3A_995 = arith.index_cast %get3A_994 : i32 to index
      %get3A_996 = arith.constant 16 : index
      %get3A_997 = tpu.vector_load %arg8[%get3A_995, %get3A_996] {strides = array<i32>} : memref<8x128xi32, #tpu.memory_space<vmem>>, vector<1x16xi32>,
      %get3A_998 = vector.shape_cast %get3A_997 : vector<1x16xi32> to vector<16xi32>
      %swap3A_999 = arith.constant 16 : index
      %swap3A_1000 = tpu.vector_load %arg10[%swap3A_999] {strides = array<i32>} : memref<64xi32, #tpu.memory_space<vmem>>, vector<16xi32>,
      %swap3A_1001 = vector.shape_cast %swap3A_1000 : vector<16xi32> to vector<16xi32>
      %swap3A_1002 = vector.shape_cast %get3A_998 : vector<16xi32> to vector<16xi32>
      tpu.vector_store %arg10[%swap3A_999], %swap3A_1002 {strides = array<i32>} : memref<64xi32, #tpu.memory_space<vmem>>, vector<16xi32>,
      %get3A_1003 = arith.constant 3 : i32
      %get3A_1004 = arith.index_cast %get3A_1003 : i32 to index
      %get3A_1005 = arith.constant 16 : index
      %get3A_1006 = tpu.vector_load %arg9[%get3A_1004, %get3A_1005] {strides = array<i32>} : memref<8x128xi32, #tpu.memory_space<vmem>>, vector<1x16xi32>,
      %get3A_1007 = vector.shape_cast %get3A_1006 : vector<1x16xi32> to vector<16xi32>
      %swap3A_1008 = arith.constant 16 : index
      %swap3A_1009 = tpu.vector_load %arg12[%swap3A_1008] {strides = array<i32>} : memref<64xi32, #tpu.memory_space<vmem>>, vector<16xi32>,
      %swap3A_1010 = vector.shape_cast %swap3A_1009 : vector<16xi32> to vector<16xi32>
      %swap3A_1011 = vector.shape_cast %get3A_1007 : vector<16xi32> to vector<16xi32>
      tpu.vector_store %arg12[%swap3A_1008], %swap3A_1011 {strides = array<i32>} : memref<64xi32, #tpu.memory_space<vmem>>, vector<16xi32>,
      %rem3A_1012 = arith.constant 128 : i32
      %rem3A_1013 = vector.broadcast %rem3A_1012 : i32 to vector<16xi32>
      %rem3A_1014 = arith.remsi %get3A_1007, %rem3A_1013 : vector<16xi32>
      %swap3A_1015 = arith.constant 16 : index
      %swap3A_1016 = tpu.vector_load %arg14[%swap3A_1015] {strides = array<i32>} : memref<64xi32, #tpu.memory_space<vmem>>, vector<16xi32>,
      %swap3A_1017 = vector.shape_cast %swap3A_1016 : vector<16xi32> to vector<16xi32>
      %swap3A_1018 = vector.shape_cast %rem3A_1014 : vector<16xi32> to vector<16xi32>
      tpu.vector_store %arg14[%swap3A_1015], %swap3A_1018 {strides = array<i32>} : memref<64xi32, #tpu.memory_space<vmem>>, vector<16xi32>,
      %div3A_1019 = arith.constant 128 : i32
      %div3A_1020 = vector.broadcast %div3A_1019 : i32 to vector<16xi32>
      %div3A_1021 = arith.divsi %get3A_1007, %div3A_1020 : vector<16xi32>
      %swap3A_1022 = arith.constant 16 : index
      %swap3A_1023 = tpu.vector_load %arg16[%swap3A_1022] {strides = array<i32>} : memref<64xi32, #tpu.memory_space<vmem>>, vector<16xi32>,
      %swap3A_1024 = vector.shape_cast %swap3A_1023 : vector<16xi32> to vector<16xi32>
      %swap3A_1025 = vector.shape_cast %div3A_1021 : vector<16xi32> to vector<16xi32>
      tpu.vector_store %arg16[%swap3A_1022], %swap3A_1025 {strides = array<i32>} : memref<64xi32, #tpu.memory_space<vmem>>, vector<16xi32>,
      %get3A_1026 = arith.constant 3 : i32
      %get3A_1027 = arith.index_cast %get3A_1026 : i32 to index
      %get3A_1028 = arith.constant 32 : index
      %get3A_1029 = tpu.vector_load %arg8[%get3A_1027, %get3A_1028] {strides = array<i32>} : memref<8x128xi32, #tpu.memory_space<vmem>>, vector<1x16xi32>,
      %get3A_1030 = vector.shape_cast %get3A_1029 : vector<1x16xi32> to vector<16xi32>
      %swap3A_1031 = arith.constant 32 : index
      %swap3A_1032 = tpu.vector_load %arg10[%swap3A_1031] {strides = array<i32>} : memref<64xi32, #tpu.memory_space<vmem>>, vector<16xi32>,
      %swap3A_1033 = vector.shape_cast %swap3A_1032 : vector<16xi32> to vector<16xi32>
      %swap3A_1034 = vector.shape_cast %get3A_1030 : vector<16xi32> to vector<16xi32>
      tpu.vector_store %arg10[%swap3A_1031], %swap3A_1034 {strides = array<i32>} : memref<64xi32, #tpu.memory_space<vmem>>, vector<16xi32>,
      %get3A_1035 = arith.constant 3 : i32
      %get3A_1036 = arith.index_cast %get3A_1035 : i32 to index
      %get3A_1037 = arith.constant 32 : index
      %get3A_1038 = tpu.vector_load %arg9[%get3A_1036, %get3A_1037] {strides = array<i32>} : memref<8x128xi32, #tpu.memory_space<vmem>>, vector<1x16xi32>,
      %get3A_1039 = vector.shape_cast %get3A_1038 : vector<1x16xi32> to vector<16xi32>
      %swap3A_1040 = arith.constant 32 : index
      %swap3A_1041 = tpu.vector_load %arg12[%swap3A_1040] {strides = array<i32>} : memref<64xi32, #tpu.memory_space<vmem>>, vector<16xi32>,
      %swap3A_1042 = vector.shape_cast %swap3A_1041 : vector<16xi32> to vector<16xi32>
      %swap3A_1043 = vector.shape_cast %get3A_1039 : vector<16xi32> to vector<16xi32>
      tpu.vector_store %arg12[%swap3A_1040], %swap3A_1043 {strides = array<i32>} : memref<64xi32, #tpu.memory_space<vmem>>, vector<16xi32>,
      %rem3A_1044 = arith.constant 128 : i32
      %rem3A_1045 = vector.broadcast %rem3A_1044 : i32 to vector<16xi32>
      %rem3A_1046 = arith.remsi %get3A_1039, %rem3A_1045 : vector<16xi32>
      %swap3A_1047 = arith.constant 32 : index
      %swap3A_1048 = tpu.vector_load %arg14[%swap3A_1047] {strides = array<i32>} : memref<64xi32, #tpu.memory_space<vmem>>, vector<16xi32>,
      %swap3A_1049 = vector.shape_cast %swap3A_1048 : vector<16xi32> to vector<16xi32>
      %swap3A_1050 = vector.shape_cast %rem3A_1046 : vector<16xi32> to vector<16xi32>
      tpu.vector_store %arg14[%swap3A_1047], %swap3A_1050 {strides = array<i32>} : memref<64xi32, #tpu.memory_space<vmem>>, vector<16xi32>,
      %div3A_1051 = arith.constant 128 : i32
      %div3A_1052 = vector.broadcast %div3A_1051 : i32 to vector<16xi32>
      %div3A_1053 = arith.divsi %get3A_1039, %div3A_1052 : vector<16xi32>
      %swap3A_1054 = arith.constant 32 : index
      %swap3A_1055 = tpu.vector_load %arg16[%swap3A_1054] {strides = array<i32>} : memref<64xi32, #tpu.memory_space<vmem>>, vector<16xi32>,
      %swap3A_1056 = vector.shape_cast %swap3A_1055 : vector<16xi32> to vector<16xi32>
      %swap3A_1057 = vector.shape_cast %div3A_1053 : vector<16xi32> to vector<16xi32>
      tpu.vector_store %arg16[%swap3A_1054], %swap3A_1057 {strides = array<i32>} : memref<64xi32, #tpu.memory_space<vmem>>, vector<16xi32>,
      %get3A_1058 = arith.constant 3 : i32
      %get3A_1059 = arith.index_cast %get3A_1058 : i32 to index
      %get3A_1060 = arith.constant 48 : index
      %get3A_1061 = tpu.vector_load %arg8[%get3A_1059, %get3A_1060] {strides = array<i32>} : memref<8x128xi32, #tpu.memory_space<vmem>>, vector<1x16xi32>,
      %get3A_1062 = vector.shape_cast %get3A_1061 : vector<1x16xi32> to vector<16xi32>
      %swap3A_1063 = arith.constant 48 : index
      %swap3A_1064 = tpu.vector_load %arg10[%swap3A_1063] {strides = array<i32>} : memref<64xi32, #tpu.memory_space<vmem>>, vector<16xi32>,
      %swap3A_1065 = vector.shape_cast %swap3A_1064 : vector<16xi32> to vector<16xi32>
      %swap3A_1066 = vector.shape_cast %get3A_1062 : vector<16xi32> to vector<16xi32>
      tpu.vector_store %arg10[%swap3A_1063], %swap3A_1066 {strides = array<i32>} : memref<64xi32, #tpu.memory_space<vmem>>, vector<16xi32>,
      %get3A_1067 = arith.constant 3 : i32
      %get3A_1068 = arith.index_cast %get3A_1067 : i32 to index
      %get3A_1069 = arith.constant 48 : index
      %get3A_1070 = tpu.vector_load %arg9[%get3A_1068, %get3A_1069] {strides = array<i32>} : memref<8x128xi32, #tpu.memory_space<vmem>>, vector<1x16xi32>,
      %get3A_1071 = vector.shape_cast %get3A_1070 : vector<1x16xi32> to vector<16xi32>
      %swap3A_1072 = arith.constant 48 : index
      %swap3A_1073 = tpu.vector_load %arg12[%swap3A_1072] {strides = array<i32>} : memref<64xi32, #tpu.memory_space<vmem>>, vector<16xi32>,
      %swap3A_1074 = vector.shape_cast %swap3A_1073 : vector<16xi32> to vector<16xi32>
      %swap3A_1075 = vector.shape_cast %get3A_1071 : vector<16xi32> to vector<16xi32>
      tpu.vector_store %arg12[%swap3A_1072], %swap3A_1075 {strides = array<i32>} : memref<64xi32, #tpu.memory_space<vmem>>, vector<16xi32>,
      %rem3A_1076 = arith.constant 128 : i32
      %rem3A_1077 = vector.broadcast %rem3A_1076 : i32 to vector<16xi32>
      %rem3A_1078 = arith.remsi %get3A_1071, %rem3A_1077 : vector<16xi32>
      %swap3A_1079 = arith.constant 48 : index
      %swap3A_1080 = tpu.vector_load %arg14[%swap3A_1079] {strides = array<i32>} : memref<64xi32, #tpu.memory_space<vmem>>, vector<16xi32>,
      %swap3A_1081 = vector.shape_cast %swap3A_1080 : vector<16xi32> to vector<16xi32>
      %swap3A_1082 = vector.shape_cast %rem3A_1078 : vector<16xi32> to vector<16xi32>
      tpu.vector_store %arg14[%swap3A_1079], %swap3A_1082 {strides = array<i32>} : memref<64xi32, #tpu.memory_space<vmem>>, vector<16xi32>,
      %div3A_1083 = arith.constant 128 : i32
      %div3A_1084 = vector.broadcast %div3A_1083 : i32 to vector<16xi32>
      %div3A_1085 = arith.divsi %get3A_1071, %div3A_1084 : vector<16xi32>
      %swap3A_1086 = arith.constant 48 : index
      %swap3A_1087 = tpu.vector_load %arg16[%swap3A_1086] {strides = array<i32>} : memref<64xi32, #tpu.memory_space<vmem>>, vector<16xi32>,
      %swap3A_1088 = vector.shape_cast %swap3A_1087 : vector<16xi32> to vector<16xi32>
      %swap3A_1089 = vector.shape_cast %div3A_1085 : vector<16xi32> to vector<16xi32>
      tpu.vector_store %arg16[%swap3A_1086], %swap3A_1089 {strides = array<i32>} : memref<64xi32, #tpu.memory_space<vmem>>, vector<16xi32>,
      %dma_start3A_1090 = arith.constant 0 : i32
      %dma_start3A_1091 = arith.constant 0 : i32
      %dma_start3A_1092 = tpu.memref_slice %arg2[%dma_start3A_1090, %dma_start3A_1091] : memref<10240x128xf32, #tpu.memory_space<hbm>> -> memref<10240x128xf32, #tpu.memory_space<hbm>>
      tpu.enqueue_indirect_dma source(%dma_start3A_1092 : memref<10240x128xf32, #tpu.memory_space<hbm>>) target(%arg18 : memref<64x128xf32, #tpu.memory_space<vmem>>) offsets(%arg10 : memref<64xi32, #tpu.memory_space<vmem>>) semaphore(%arg25 : memref<!tpu.dma_semaphore, #tpu.memory_space<semaphore_mem>>)
      %dma_start3A_1093 = arith.constant 0 : i32
      %dma_start3A_1094 = arith.constant 0 : i32
      %dma_start3A_1095 = tpu.memref_slice %arg24[%dma_start3A_1093, %dma_start3A_1094] : memref<128x128xf32, #tpu.memory_space<vmem_shared>> -> memref<128x128xf32, #tpu.memory_space<vmem_shared>>
      tpu.enqueue_indirect_dma source(%dma_start3A_1095 : memref<128x128xf32, #tpu.memory_space<vmem_shared>>) target(%arg20 : memref<64x128xf32, #tpu.memory_space<vmem>>) offsets(%arg14 : memref<64xi32, #tpu.memory_space<vmem>>) semaphore(%arg26 : memref<!tpu.dma_semaphore, #tpu.memory_space<semaphore_mem>>)
      %dma_start3A_1096 = arith.constant 0 : i32
      %dma_start3A_1097 = arith.constant 0 : i32
      %dma_start3A_1098 = tpu.memref_slice %arg22[%dma_start3A_1096, %dma_start3A_1097] : memref<10240x128xf32, #tpu.memory_space<vmem_shared>> -> memref<10240x128xf32, #tpu.memory_space<vmem_shared>>
      tpu.enqueue_indirect_dma source(%arg19 : memref<64x128xf32, #tpu.memory_space<vmem>>) target(%dma_start3A_1098 : memref<10240x128xf32, #tpu.memory_space<vmem_shared>>) offsets(%arg13 : memref<64xi32, #tpu.memory_space<vmem>>) semaphore(%arg27 : memref<!tpu.dma_semaphore, #tpu.memory_space<semaphore_mem>>) {add = true}
      %dma_start3A_1099 = arith.constant 0 : i32
      %dma_start3A_1100 = arith.constant 0 : i32
      %dma_start3A_1101 = tpu.memref_slice %arg23[%dma_start3A_1099, %dma_start3A_1100] : memref<80x128xf32, #tpu.memory_space<vmem_shared>> -> memref<80x128xf32, #tpu.memory_space<vmem_shared>>
      tpu.enqueue_indirect_dma source(%arg21 : memref<64x128xf32, #tpu.memory_space<vmem>>) target(%dma_start3A_1101 : memref<80x128xf32, #tpu.memory_space<vmem_shared>>) offsets(%arg17 : memref<64xi32, #tpu.memory_space<vmem>>) semaphore(%arg28 : memref<!tpu.dma_semaphore, #tpu.memory_space<semaphore_mem>>) {add = true}
      %dma_wait3A_1102 = arith.constant 0 : i32
      %dma_wait3A_1103 = arith.constant 0 : i32
      %dma_wait3A_1104 = tpu.memref_slice %arg2[%dma_wait3A_1102, %dma_wait3A_1103] : memref<10240x128xf32, #tpu.memory_space<hbm>> -> memref<10240x128xf32, #tpu.memory_space<hbm>>
      tpu.wait_indirect_dma semaphore(%arg25 : memref<!tpu.dma_semaphore, #tpu.memory_space<semaphore_mem>>) src(%dma_wait3A_1104 : memref<10240x128xf32, #tpu.memory_space<hbm>>) dst(%arg18 : memref<64x128xf32, #tpu.memory_space<vmem>>)
      %dma_wait3A_1105 = arith.constant 0 : i32
      %dma_wait3A_1106 = arith.constant 0 : i32
      %dma_wait3A_1107 = tpu.memref_slice %arg24[%dma_wait3A_1105, %dma_wait3A_1106] : memref<128x128xf32, #tpu.memory_space<vmem_shared>> -> memref<128x128xf32, #tpu.memory_space<vmem_shared>>
      tpu.wait_indirect_dma semaphore(%arg26 : memref<!tpu.dma_semaphore, #tpu.memory_space<semaphore_mem>>) src(%dma_wait3A_1107 : memref<128x128xf32, #tpu.memory_space<vmem_shared>>) dst(%arg20 : memref<64x128xf32, #tpu.memory_space<vmem>>)
      %dma_wait3A_1108 = arith.constant 0 : i32
      %dma_wait3A_1109 = arith.constant 0 : i32
      %dma_wait3A_1110 = tpu.memref_slice %arg22[%dma_wait3A_1108, %dma_wait3A_1109] : memref<10240x128xf32, #tpu.memory_space<vmem_shared>> -> memref<10240x128xf32, #tpu.memory_space<vmem_shared>>
      tpu.wait_indirect_dma semaphore(%arg27 : memref<!tpu.dma_semaphore, #tpu.memory_space<semaphore_mem>>) src(%arg19 : memref<64x128xf32, #tpu.memory_space<vmem>>) dst(%dma_wait3A_1110 : memref<10240x128xf32, #tpu.memory_space<vmem_shared>>)
      %dma_wait3A_1111 = arith.constant 0 : i32
      %dma_wait3A_1112 = arith.constant 0 : i32
      %dma_wait3A_1113 = tpu.memref_slice %arg23[%dma_wait3A_1111, %dma_wait3A_1112] : memref<80x128xf32, #tpu.memory_space<vmem_shared>> -> memref<80x128xf32, #tpu.memory_space<vmem_shared>>
      tpu.wait_indirect_dma semaphore(%arg28 : memref<!tpu.dma_semaphore, #tpu.memory_space<semaphore_mem>>) src(%arg21 : memref<64x128xf32, #tpu.memory_space<vmem>>) dst(%dma_wait3A_1113 : memref<80x128xf32, #tpu.memory_space<vmem_shared>>)
      %get3A_1114 = arith.constant 3 : i32
      %get3A_1115 = arith.index_cast %get3A_1114 : i32 to index
      %get3A_1116 = arith.constant 64 : index
      %get3A_1117 = tpu.vector_load %arg8[%get3A_1115, %get3A_1116] {strides = array<i32>} : memref<8x128xi32, #tpu.memory_space<vmem>>, vector<1x16xi32>,
      %get3A_1118 = vector.shape_cast %get3A_1117 : vector<1x16xi32> to vector<16xi32>
      %swap3A_1119 = arith.constant 0 : index
      %swap3A_1120 = tpu.vector_load %arg11[%swap3A_1119] {strides = array<i32>} : memref<64xi32, #tpu.memory_space<vmem>>, vector<16xi32>,
      %swap3A_1121 = vector.shape_cast %swap3A_1120 : vector<16xi32> to vector<16xi32>
      %swap3A_1122 = vector.shape_cast %get3A_1118 : vector<16xi32> to vector<16xi32>
      tpu.vector_store %arg11[%swap3A_1119], %swap3A_1122 {strides = array<i32>} : memref<64xi32, #tpu.memory_space<vmem>>, vector<16xi32>,
      %get3A_1123 = arith.constant 3 : i32
      %get3A_1124 = arith.index_cast %get3A_1123 : i32 to index
      %get3A_1125 = arith.constant 64 : index
      %get3A_1126 = tpu.vector_load %arg9[%get3A_1124, %get3A_1125] {strides = array<i32>} : memref<8x128xi32, #tpu.memory_space<vmem>>, vector<1x16xi32>,
      %get3A_1127 = vector.shape_cast %get3A_1126 : vector<1x16xi32> to vector<16xi32>
      %swap3A_1128 = arith.constant 0 : index
      %swap3A_1129 = tpu.vector_load %arg13[%swap3A_1128] {strides = array<i32>} : memref<64xi32, #tpu.memory_space<vmem>>, vector<16xi32>,
      %swap3A_1130 = vector.shape_cast %swap3A_1129 : vector<16xi32> to vector<16xi32>
      %swap3A_1131 = vector.shape_cast %get3A_1127 : vector<16xi32> to vector<16xi32>
      tpu.vector_store %arg13[%swap3A_1128], %swap3A_1131 {strides = array<i32>} : memref<64xi32, #tpu.memory_space<vmem>>, vector<16xi32>,
      %rem3A_1132 = arith.constant 128 : i32
      %rem3A_1133 = vector.broadcast %rem3A_1132 : i32 to vector<16xi32>
      %rem3A_1134 = arith.remsi %get3A_1127, %rem3A_1133 : vector<16xi32>
      %swap3A_1135 = arith.constant 0 : index
      %swap3A_1136 = tpu.vector_load %arg15[%swap3A_1135] {strides = array<i32>} : memref<64xi32, #tpu.memory_space<vmem>>, vector<16xi32>,
      %swap3A_1137 = vector.shape_cast %swap3A_1136 : vector<16xi32> to vector<16xi32>
      %swap3A_1138 = vector.shape_cast %rem3A_1134 : vector<16xi32> to vector<16xi32>
      tpu.vector_store %arg15[%swap3A_1135], %swap3A_1138 {strides = array<i32>} : memref<64xi32, #tpu.memory_space<vmem>>, vector<16xi32>,
      %div3A_1139 = arith.constant 128 : i32
      %div3A_1140 = vector.broadcast %div3A_1139 : i32 to vector<16xi32>
      %div3A_1141 = arith.divsi %get3A_1127, %div3A_1140 : vector<16xi32>
      %swap3A_1142 = arith.constant 0 : index
      %swap3A_1143 = tpu.vector_load %arg17[%swap3A_1142] {strides = array<i32>} : memref<64xi32, #tpu.memory_space<vmem>>, vector<16xi32>,
      %swap3A_1144 = vector.shape_cast %swap3A_1143 : vector<16xi32> to vector<16xi32>
      %swap3A_1145 = vector.shape_cast %div3A_1141 : vector<16xi32> to vector<16xi32>
      tpu.vector_store %arg17[%swap3A_1142], %swap3A_1145 {strides = array<i32>} : memref<64xi32, #tpu.memory_space<vmem>>, vector<16xi32>,
      %get3A_1146 = arith.constant 3 : i32
      %get3A_1147 = arith.index_cast %get3A_1146 : i32 to index
      %get3A_1148 = arith.constant 80 : index
      %get3A_1149 = tpu.vector_load %arg8[%get3A_1147, %get3A_1148] {strides = array<i32>} : memref<8x128xi32, #tpu.memory_space<vmem>>, vector<1x16xi32>,
      %get3A_1150 = vector.shape_cast %get3A_1149 : vector<1x16xi32> to vector<16xi32>
      %swap3A_1151 = arith.constant 16 : index
      %swap3A_1152 = tpu.vector_load %arg11[%swap3A_1151] {strides = array<i32>} : memref<64xi32, #tpu.memory_space<vmem>>, vector<16xi32>,
      %swap3A_1153 = vector.shape_cast %swap3A_1152 : vector<16xi32> to vector<16xi32>
      %swap3A_1154 = vector.shape_cast %get3A_1150 : vector<16xi32> to vector<16xi32>
      tpu.vector_store %arg11[%swap3A_1151], %swap3A_1154 {strides = array<i32>} : memref<64xi32, #tpu.memory_space<vmem>>, vector<16xi32>,
      %get3A_1155 = arith.constant 3 : i32
      %get3A_1156 = arith.index_cast %get3A_1155 : i32 to index
      %get3A_1157 = arith.constant 80 : index
      %get3A_1158 = tpu.vector_load %arg9[%get3A_1156, %get3A_1157] {strides = array<i32>} : memref<8x128xi32, #tpu.memory_space<vmem>>, vector<1x16xi32>,
      %get3A_1159 = vector.shape_cast %get3A_1158 : vector<1x16xi32> to vector<16xi32>
      %swap3A_1160 = arith.constant 16 : index
      %swap3A_1161 = tpu.vector_load %arg13[%swap3A_1160] {strides = array<i32>} : memref<64xi32, #tpu.memory_space<vmem>>, vector<16xi32>,
      %swap3A_1162 = vector.shape_cast %swap3A_1161 : vector<16xi32> to vector<16xi32>
      %swap3A_1163 = vector.shape_cast %get3A_1159 : vector<16xi32> to vector<16xi32>
      tpu.vector_store %arg13[%swap3A_1160], %swap3A_1163 {strides = array<i32>} : memref<64xi32, #tpu.memory_space<vmem>>, vector<16xi32>,
      %rem3A_1164 = arith.constant 128 : i32
      %rem3A_1165 = vector.broadcast %rem3A_1164 : i32 to vector<16xi32>
      %rem3A_1166 = arith.remsi %get3A_1159, %rem3A_1165 : vector<16xi32>
      %swap3A_1167 = arith.constant 16 : index
      %swap3A_1168 = tpu.vector_load %arg15[%swap3A_1167] {strides = array<i32>} : memref<64xi32, #tpu.memory_space<vmem>>, vector<16xi32>,
      %swap3A_1169 = vector.shape_cast %swap3A_1168 : vector<16xi32> to vector<16xi32>
      %swap3A_1170 = vector.shape_cast %rem3A_1166 : vector<16xi32> to vector<16xi32>
      tpu.vector_store %arg15[%swap3A_1167], %swap3A_1170 {strides = array<i32>} : memref<64xi32, #tpu.memory_space<vmem>>, vector<16xi32>,
      %div3A_1171 = arith.constant 128 : i32
      %div3A_1172 = vector.broadcast %div3A_1171 : i32 to vector<16xi32>
      %div3A_1173 = arith.divsi %get3A_1159, %div3A_1172 : vector<16xi32>
      %swap3A_1174 = arith.constant 16 : index
      %swap3A_1175 = tpu.vector_load %arg17[%swap3A_1174] {strides = array<i32>} : memref<64xi32, #tpu.memory_space<vmem>>, vector<16xi32>,
      %swap3A_1176 = vector.shape_cast %swap3A_1175 : vector<16xi32> to vector<16xi32>
      %swap3A_1177 = vector.shape_cast %div3A_1173 : vector<16xi32> to vector<16xi32>
      tpu.vector_store %arg17[%swap3A_1174], %swap3A_1177 {strides = array<i32>} : memref<64xi32, #tpu.memory_space<vmem>>, vector<16xi32>,
      %get3A_1178 = arith.constant 3 : i32
      %get3A_1179 = arith.index_cast %get3A_1178 : i32 to index
      %get3A_1180 = arith.constant 96 : index
      %get3A_1181 = tpu.vector_load %arg8[%get3A_1179, %get3A_1180] {strides = array<i32>} : memref<8x128xi32, #tpu.memory_space<vmem>>, vector<1x16xi32>,
      %get3A_1182 = vector.shape_cast %get3A_1181 : vector<1x16xi32> to vector<16xi32>
      %swap3A_1183 = arith.constant 32 : index
      %swap3A_1184 = tpu.vector_load %arg11[%swap3A_1183] {strides = array<i32>} : memref<64xi32, #tpu.memory_space<vmem>>, vector<16xi32>,
      %swap3A_1185 = vector.shape_cast %swap3A_1184 : vector<16xi32> to vector<16xi32>
      %swap3A_1186 = vector.shape_cast %get3A_1182 : vector<16xi32> to vector<16xi32>
      tpu.vector_store %arg11[%swap3A_1183], %swap3A_1186 {strides = array<i32>} : memref<64xi32, #tpu.memory_space<vmem>>, vector<16xi32>,
      %get3A_1187 = arith.constant 3 : i32
      %get3A_1188 = arith.index_cast %get3A_1187 : i32 to index
      %get3A_1189 = arith.constant 96 : index
      %get3A_1190 = tpu.vector_load %arg9[%get3A_1188, %get3A_1189] {strides = array<i32>} : memref<8x128xi32, #tpu.memory_space<vmem>>, vector<1x16xi32>,
      %get3A_1191 = vector.shape_cast %get3A_1190 : vector<1x16xi32> to vector<16xi32>
      %swap3A_1192 = arith.constant 32 : index
      %swap3A_1193 = tpu.vector_load %arg13[%swap3A_1192] {strides = array<i32>} : memref<64xi32, #tpu.memory_space<vmem>>, vector<16xi32>,
      %swap3A_1194 = vector.shape_cast %swap3A_1193 : vector<16xi32> to vector<16xi32>
      %swap3A_1195 = vector.shape_cast %get3A_1191 : vector<16xi32> to vector<16xi32>
      tpu.vector_store %arg13[%swap3A_1192], %swap3A_1195 {strides = array<i32>} : memref<64xi32, #tpu.memory_space<vmem>>, vector<16xi32>,
      %rem3A_1196 = arith.constant 128 : i32
      %rem3A_1197 = vector.broadcast %rem3A_1196 : i32 to vector<16xi32>
      %rem3A_1198 = arith.remsi %get3A_1191, %rem3A_1197 : vector<16xi32>
      %swap3A_1199 = arith.constant 32 : index
      %swap3A_1200 = tpu.vector_load %arg15[%swap3A_1199] {strides = array<i32>} : memref<64xi32, #tpu.memory_space<vmem>>, vector<16xi32>,
      %swap3A_1201 = vector.shape_cast %swap3A_1200 : vector<16xi32> to vector<16xi32>
      %swap3A_1202 = vector.shape_cast %rem3A_1198 : vector<16xi32> to vector<16xi32>
      tpu.vector_store %arg15[%swap3A_1199], %swap3A_1202 {strides = array<i32>} : memref<64xi32, #tpu.memory_space<vmem>>, vector<16xi32>,
      %div3A_1203 = arith.constant 128 : i32
      %div3A_1204 = vector.broadcast %div3A_1203 : i32 to vector<16xi32>
      %div3A_1205 = arith.divsi %get3A_1191, %div3A_1204 : vector<16xi32>
      %swap3A_1206 = arith.constant 32 : index
      %swap3A_1207 = tpu.vector_load %arg17[%swap3A_1206] {strides = array<i32>} : memref<64xi32, #tpu.memory_space<vmem>>, vector<16xi32>,
      %swap3A_1208 = vector.shape_cast %swap3A_1207 : vector<16xi32> to vector<16xi32>
      %swap3A_1209 = vector.shape_cast %div3A_1205 : vector<16xi32> to vector<16xi32>
      tpu.vector_store %arg17[%swap3A_1206], %swap3A_1209 {strides = array<i32>} : memref<64xi32, #tpu.memory_space<vmem>>, vector<16xi32>,
      %get3A_1210 = arith.constant 3 : i32
      %get3A_1211 = arith.index_cast %get3A_1210 : i32 to index
      %get3A_1212 = arith.constant 112 : index
      %get3A_1213 = tpu.vector_load %arg8[%get3A_1211, %get3A_1212] {strides = array<i32>} : memref<8x128xi32, #tpu.memory_space<vmem>>, vector<1x16xi32>,
      %get3A_1214 = vector.shape_cast %get3A_1213 : vector<1x16xi32> to vector<16xi32>
      %swap3A_1215 = arith.constant 48 : index
      %swap3A_1216 = tpu.vector_load %arg11[%swap3A_1215] {strides = array<i32>} : memref<64xi32, #tpu.memory_space<vmem>>, vector<16xi32>,
      %swap3A_1217 = vector.shape_cast %swap3A_1216 : vector<16xi32> to vector<16xi32>
      %swap3A_1218 = vector.shape_cast %get3A_1214 : vector<16xi32> to vector<16xi32>
      tpu.vector_store %arg11[%swap3A_1215], %swap3A_1218 {strides = array<i32>} : memref<64xi32, #tpu.memory_space<vmem>>, vector<16xi32>,
      %get3A_1219 = arith.constant 3 : i32
      %get3A_1220 = arith.index_cast %get3A_1219 : i32 to index
      %get3A_1221 = arith.constant 112 : index
      %get3A_1222 = tpu.vector_load %arg9[%get3A_1220, %get3A_1221] {strides = array<i32>} : memref<8x128xi32, #tpu.memory_space<vmem>>, vector<1x16xi32>,
      %get3A_1223 = vector.shape_cast %get3A_1222 : vector<1x16xi32> to vector<16xi32>
      %swap3A_1224 = arith.constant 48 : index
      %swap3A_1225 = tpu.vector_load %arg13[%swap3A_1224] {strides = array<i32>} : memref<64xi32, #tpu.memory_space<vmem>>, vector<16xi32>,
      %swap3A_1226 = vector.shape_cast %swap3A_1225 : vector<16xi32> to vector<16xi32>
      %swap3A_1227 = vector.shape_cast %get3A_1223 : vector<16xi32> to vector<16xi32>
      tpu.vector_store %arg13[%swap3A_1224], %swap3A_1227 {strides = array<i32>} : memref<64xi32, #tpu.memory_space<vmem>>, vector<16xi32>,
      %rem3A_1228 = arith.constant 128 : i32
      %rem3A_1229 = vector.broadcast %rem3A_1228 : i32 to vector<16xi32>
      %rem3A_1230 = arith.remsi %get3A_1223, %rem3A_1229 : vector<16xi32>
      %swap3A_1231 = arith.constant 48 : index
      %swap3A_1232 = tpu.vector_load %arg15[%swap3A_1231] {strides = array<i32>} : memref<64xi32, #tpu.memory_space<vmem>>, vector<16xi32>,
      %swap3A_1233 = vector.shape_cast %swap3A_1232 : vector<16xi32> to vector<16xi32>
      %swap3A_1234 = vector.shape_cast %rem3A_1230 : vector<16xi32> to vector<16xi32>
      tpu.vector_store %arg15[%swap3A_1231], %swap3A_1234 {strides = array<i32>} : memref<64xi32, #tpu.memory_space<vmem>>, vector<16xi32>,
      %div3A_1235 = arith.constant 128 : i32
      %div3A_1236 = vector.broadcast %div3A_1235 : i32 to vector<16xi32>
      %div3A_1237 = arith.divsi %get3A_1223, %div3A_1236 : vector<16xi32>
      %swap3A_1238 = arith.constant 48 : index
      %swap3A_1239 = tpu.vector_load %arg17[%swap3A_1238] {strides = array<i32>} : memref<64xi32, #tpu.memory_space<vmem>>, vector<16xi32>,
      %swap3A_1240 = vector.shape_cast %swap3A_1239 : vector<16xi32> to vector<16xi32>
      %swap3A_1241 = vector.shape_cast %div3A_1237 : vector<16xi32> to vector<16xi32>
      tpu.vector_store %arg17[%swap3A_1238], %swap3A_1241 {strides = array<i32>} : memref<64xi32, #tpu.memory_space<vmem>>, vector<16xi32>,
      %dma_start3A_1242 = arith.constant 0 : i32
      %dma_start3A_1243 = arith.constant 0 : i32
      %dma_start3A_1244 = tpu.memref_slice %arg2[%dma_start3A_1242, %dma_start3A_1243] : memref<10240x128xf32, #tpu.memory_space<hbm>> -> memref<10240x128xf32, #tpu.memory_space<hbm>>
      tpu.enqueue_indirect_dma source(%dma_start3A_1244 : memref<10240x128xf32, #tpu.memory_space<hbm>>) target(%arg19 : memref<64x128xf32, #tpu.memory_space<vmem>>) offsets(%arg11 : memref<64xi32, #tpu.memory_space<vmem>>) semaphore(%arg25 : memref<!tpu.dma_semaphore, #tpu.memory_space<semaphore_mem>>)
      %dma_start3A_1245 = arith.constant 0 : i32
      %dma_start3A_1246 = arith.constant 0 : i32
      %dma_start3A_1247 = tpu.memref_slice %arg24[%dma_start3A_1245, %dma_start3A_1246] : memref<128x128xf32, #tpu.memory_space<vmem_shared>> -> memref<128x128xf32, #tpu.memory_space<vmem_shared>>
      tpu.enqueue_indirect_dma source(%dma_start3A_1247 : memref<128x128xf32, #tpu.memory_space<vmem_shared>>) target(%arg21 : memref<64x128xf32, #tpu.memory_space<vmem>>) offsets(%arg15 : memref<64xi32, #tpu.memory_space<vmem>>) semaphore(%arg26 : memref<!tpu.dma_semaphore, #tpu.memory_space<semaphore_mem>>)
      %dma_start3A_1248 = arith.constant 0 : i32
      %dma_start3A_1249 = arith.constant 0 : i32
      %dma_start3A_1250 = tpu.memref_slice %arg22[%dma_start3A_1248, %dma_start3A_1249] : memref<10240x128xf32, #tpu.memory_space<vmem_shared>> -> memref<10240x128xf32, #tpu.memory_space<vmem_shared>>
      tpu.enqueue_indirect_dma source(%arg18 : memref<64x128xf32, #tpu.memory_space<vmem>>) target(%dma_start3A_1250 : memref<10240x128xf32, #tpu.memory_space<vmem_shared>>) offsets(%arg12 : memref<64xi32, #tpu.memory_space<vmem>>) semaphore(%arg27 : memref<!tpu.dma_semaphore, #tpu.memory_space<semaphore_mem>>) {add = true}
      %dma_start3A_1251 = arith.constant 0 : i32
      %dma_start3A_1252 = arith.constant 0 : i32
      %dma_start3A_1253 = tpu.memref_slice %arg23[%dma_start3A_1251, %dma_start3A_1252] : memref<80x128xf32, #tpu.memory_space<vmem_shared>> -> memref<80x128xf32, #tpu.memory_space<vmem_shared>>
      tpu.enqueue_indirect_dma source(%arg20 : memref<64x128xf32, #tpu.memory_space<vmem>>) target(%dma_start3A_1253 : memref<80x128xf32, #tpu.memory_space<vmem_shared>>) offsets(%arg16 : memref<64xi32, #tpu.memory_space<vmem>>) semaphore(%arg28 : memref<!tpu.dma_semaphore, #tpu.memory_space<semaphore_mem>>) {add = true}
      %dma_wait3A_1254 = arith.constant 0 : i32
      %dma_wait3A_1255 = arith.constant 0 : i32
      %dma_wait3A_1256 = tpu.memref_slice %arg2[%dma_wait3A_1254, %dma_wait3A_1255] : memref<10240x128xf32, #tpu.memory_space<hbm>> -> memref<10240x128xf32, #tpu.memory_space<hbm>>
      tpu.wait_indirect_dma semaphore(%arg25 : memref<!tpu.dma_semaphore, #tpu.memory_space<semaphore_mem>>) src(%dma_wait3A_1256 : memref<10240x128xf32, #tpu.memory_space<hbm>>) dst(%arg19 : memref<64x128xf32, #tpu.memory_space<vmem>>)
      %dma_wait3A_1257 = arith.constant 0 : i32
      %dma_wait3A_1258 = arith.constant 0 : i32
      %dma_wait3A_1259 = tpu.memref_slice %arg24[%dma_wait3A_1257, %dma_wait3A_1258] : memref<128x128xf32, #tpu.memory_space<vmem_shared>> -> memref<128x128xf32, #tpu.memory_space<vmem_shared>>
      tpu.wait_indirect_dma semaphore(%arg26 : memref<!tpu.dma_semaphore, #tpu.memory_space<semaphore_mem>>) src(%dma_wait3A_1259 : memref<128x128xf32, #tpu.memory_space<vmem_shared>>) dst(%arg21 : memref<64x128xf32, #tpu.memory_space<vmem>>)
      %dma_wait3A_1260 = arith.constant 0 : i32
      %dma_wait3A_1261 = arith.constant 0 : i32
      %dma_wait3A_1262 = tpu.memref_slice %arg22[%dma_wait3A_1260, %dma_wait3A_1261] : memref<10240x128xf32, #tpu.memory_space<vmem_shared>> -> memref<10240x128xf32, #tpu.memory_space<vmem_shared>>
      tpu.wait_indirect_dma semaphore(%arg27 : memref<!tpu.dma_semaphore, #tpu.memory_space<semaphore_mem>>) src(%arg18 : memref<64x128xf32, #tpu.memory_space<vmem>>) dst(%dma_wait3A_1262 : memref<10240x128xf32, #tpu.memory_space<vmem_shared>>)
      %dma_wait3A_1263 = arith.constant 0 : i32
      %dma_wait3A_1264 = arith.constant 0 : i32
      %dma_wait3A_1265 = tpu.memref_slice %arg23[%dma_wait3A_1263, %dma_wait3A_1264] : memref<80x128xf32, #tpu.memory_space<vmem_shared>> -> memref<80x128xf32, #tpu.memory_space<vmem_shared>>
      tpu.wait_indirect_dma semaphore(%arg28 : memref<!tpu.dma_semaphore, #tpu.memory_space<semaphore_mem>>) src(%arg20 : memref<64x128xf32, #tpu.memory_space<vmem>>) dst(%dma_wait3A_1265 : memref<80x128xf32, #tpu.memory_space<vmem_shared>>)
      %get3A_1266 = arith.constant 4 : i32
      %get3A_1267 = arith.index_cast %get3A_1266 : i32 to index
      %get3A_1268 = arith.constant 0 : index
      %get3A_1269 = tpu.vector_load %arg8[%get3A_1267, %get3A_1268] {strides = array<i32>} : memref<8x128xi32, #tpu.memory_space<vmem>>, vector<1x16xi32>,
      %get3A_1270 = vector.shape_cast %get3A_1269 : vector<1x16xi32> to vector<16xi32>
      %swap3A_1271 = arith.constant 0 : index
      %swap3A_1272 = tpu.vector_load %arg10[%swap3A_1271] {strides = array<i32>} : memref<64xi32, #tpu.memory_space<vmem>>, vector<16xi32>,
      %swap3A_1273 = vector.shape_cast %swap3A_1272 : vector<16xi32> to vector<16xi32>
      %swap3A_1274 = vector.shape_cast %get3A_1270 : vector<16xi32> to vector<16xi32>
      tpu.vector_store %arg10[%swap3A_1271], %swap3A_1274 {strides = array<i32>} : memref<64xi32, #tpu.memory_space<vmem>>, vector<16xi32>,
      %get3A_1275 = arith.constant 4 : i32
      %get3A_1276 = arith.index_cast %get3A_1275 : i32 to index
      %get3A_1277 = arith.constant 0 : index
      %get3A_1278 = tpu.vector_load %arg9[%get3A_1276, %get3A_1277] {strides = array<i32>} : memref<8x128xi32, #tpu.memory_space<vmem>>, vector<1x16xi32>,
      %get3A_1279 = vector.shape_cast %get3A_1278 : vector<1x16xi32> to vector<16xi32>
      %swap3A_1280 = arith.constant 0 : index
      %swap3A_1281 = tpu.vector_load %arg12[%swap3A_1280] {strides = array<i32>} : memref<64xi32, #tpu.memory_space<vmem>>, vector<16xi32>,
      %swap3A_1282 = vector.shape_cast %swap3A_1281 : vector<16xi32> to vector<16xi32>
      %swap3A_1283 = vector.shape_cast %get3A_1279 : vector<16xi32> to vector<16xi32>
      tpu.vector_store %arg12[%swap3A_1280], %swap3A_1283 {strides = array<i32>} : memref<64xi32, #tpu.memory_space<vmem>>, vector<16xi32>,
      %rem3A_1284 = arith.constant 128 : i32
      %rem3A_1285 = vector.broadcast %rem3A_1284 : i32 to vector<16xi32>
      %rem3A_1286 = arith.remsi %get3A_1279, %rem3A_1285 : vector<16xi32>
      %swap3A_1287 = arith.constant 0 : index
      %swap3A_1288 = tpu.vector_load %arg14[%swap3A_1287] {strides = array<i32>} : memref<64xi32, #tpu.memory_space<vmem>>, vector<16xi32>,
      %swap3A_1289 = vector.shape_cast %swap3A_1288 : vector<16xi32> to vector<16xi32>
      %swap3A_1290 = vector.shape_cast %rem3A_1286 : vector<16xi32> to vector<16xi32>
      tpu.vector_store %arg14[%swap3A_1287], %swap3A_1290 {strides = array<i32>} : memref<64xi32, #tpu.memory_space<vmem>>, vector<16xi32>,
      %div3A_1291 = arith.constant 128 : i32
      %div3A_1292 = vector.broadcast %div3A_1291 : i32 to vector<16xi32>
      %div3A_1293 = arith.divsi %get3A_1279, %div3A_1292 : vector<16xi32>
      %swap3A_1294 = arith.constant 0 : index
      %swap3A_1295 = tpu.vector_load %arg16[%swap3A_1294] {strides = array<i32>} : memref<64xi32, #tpu.memory_space<vmem>>, vector<16xi32>,
      %swap3A_1296 = vector.shape_cast %swap3A_1295 : vector<16xi32> to vector<16xi32>
      %swap3A_1297 = vector.shape_cast %div3A_1293 : vector<16xi32> to vector<16xi32>
      tpu.vector_store %arg16[%swap3A_1294], %swap3A_1297 {strides = array<i32>} : memref<64xi32, #tpu.memory_space<vmem>>, vector<16xi32>,
      %get3A_1298 = arith.constant 4 : i32
      %get3A_1299 = arith.index_cast %get3A_1298 : i32 to index
      %get3A_1300 = arith.constant 16 : index
      %get3A_1301 = tpu.vector_load %arg8[%get3A_1299, %get3A_1300] {strides = array<i32>} : memref<8x128xi32, #tpu.memory_space<vmem>>, vector<1x16xi32>,
      %get3A_1302 = vector.shape_cast %get3A_1301 : vector<1x16xi32> to vector<16xi32>
      %swap3A_1303 = arith.constant 16 : index
      %swap3A_1304 = tpu.vector_load %arg10[%swap3A_1303] {strides = array<i32>} : memref<64xi32, #tpu.memory_space<vmem>>, vector<16xi32>,
      %swap3A_1305 = vector.shape_cast %swap3A_1304 : vector<16xi32> to vector<16xi32>
      %swap3A_1306 = vector.shape_cast %get3A_1302 : vector<16xi32> to vector<16xi32>
      tpu.vector_store %arg10[%swap3A_1303], %swap3A_1306 {strides = array<i32>} : memref<64xi32, #tpu.memory_space<vmem>>, vector<16xi32>,
      %get3A_1307 = arith.constant 4 : i32
      %get3A_1308 = arith.index_cast %get3A_1307 : i32 to index
      %get3A_1309 = arith.constant 16 : index
      %get3A_1310 = tpu.vector_load %arg9[%get3A_1308, %get3A_1309] {strides = array<i32>} : memref<8x128xi32, #tpu.memory_space<vmem>>, vector<1x16xi32>,
      %get3A_1311 = vector.shape_cast %get3A_1310 : vector<1x16xi32> to vector<16xi32>
      %swap3A_1312 = arith.constant 16 : index
      %swap3A_1313 = tpu.vector_load %arg12[%swap3A_1312] {strides = array<i32>} : memref<64xi32, #tpu.memory_space<vmem>>, vector<16xi32>,
      %swap3A_1314 = vector.shape_cast %swap3A_1313 : vector<16xi32> to vector<16xi32>
      %swap3A_1315 = vector.shape_cast %get3A_1311 : vector<16xi32> to vector<16xi32>
      tpu.vector_store %arg12[%swap3A_1312], %swap3A_1315 {strides = array<i32>} : memref<64xi32, #tpu.memory_space<vmem>>, vector<16xi32>,
      %rem3A_1316 = arith.constant 128 : i32
      %rem3A_1317 = vector.broadcast %rem3A_1316 : i32 to vector<16xi32>
      %rem3A_1318 = arith.remsi %get3A_1311, %rem3A_1317 : vector<16xi32>
      %swap3A_1319 = arith.constant 16 : index
      %swap3A_1320 = tpu.vector_load %arg14[%swap3A_1319] {strides = array<i32>} : memref<64xi32, #tpu.memory_space<vmem>>, vector<16xi32>,
      %swap3A_1321 = vector.shape_cast %swap3A_1320 : vector<16xi32> to vector<16xi32>
      %swap3A_1322 = vector.shape_cast %rem3A_1318 : vector<16xi32> to vector<16xi32>
      tpu.vector_store %arg14[%swap3A_1319], %swap3A_1322 {strides = array<i32>} : memref<64xi32, #tpu.memory_space<vmem>>, vector<16xi32>,
      %div3A_1323 = arith.constant 128 : i32
      %div3A_1324 = vector.broadcast %div3A_1323 : i32 to vector<16xi32>
      %div3A_1325 = arith.divsi %get3A_1311, %div3A_1324 : vector<16xi32>
      %swap3A_1326 = arith.constant 16 : index
      %swap3A_1327 = tpu.vector_load %arg16[%swap3A_1326] {strides = array<i32>} : memref<64xi32, #tpu.memory_space<vmem>>, vector<16xi32>,
      %swap3A_1328 = vector.shape_cast %swap3A_1327 : vector<16xi32> to vector<16xi32>
      %swap3A_1329 = vector.shape_cast %div3A_1325 : vector<16xi32> to vector<16xi32>
      tpu.vector_store %arg16[%swap3A_1326], %swap3A_1329 {strides = array<i32>} : memref<64xi32, #tpu.memory_space<vmem>>, vector<16xi32>,
      %get3A_1330 = arith.constant 4 : i32
      %get3A_1331 = arith.index_cast %get3A_1330 : i32 to index
      %get3A_1332 = arith.constant 32 : index
      %get3A_1333 = tpu.vector_load %arg8[%get3A_1331, %get3A_1332] {strides = array<i32>} : memref<8x128xi32, #tpu.memory_space<vmem>>, vector<1x16xi32>,
      %get3A_1334 = vector.shape_cast %get3A_1333 : vector<1x16xi32> to vector<16xi32>
      %swap3A_1335 = arith.constant 32 : index
      %swap3A_1336 = tpu.vector_load %arg10[%swap3A_1335] {strides = array<i32>} : memref<64xi32, #tpu.memory_space<vmem>>, vector<16xi32>,
      %swap3A_1337 = vector.shape_cast %swap3A_1336 : vector<16xi32> to vector<16xi32>
      %swap3A_1338 = vector.shape_cast %get3A_1334 : vector<16xi32> to vector<16xi32>
      tpu.vector_store %arg10[%swap3A_1335], %swap3A_1338 {strides = array<i32>} : memref<64xi32, #tpu.memory_space<vmem>>, vector<16xi32>,
      %get3A_1339 = arith.constant 4 : i32
      %get3A_1340 = arith.index_cast %get3A_1339 : i32 to index
      %get3A_1341 = arith.constant 32 : index
      %get3A_1342 = tpu.vector_load %arg9[%get3A_1340, %get3A_1341] {strides = array<i32>} : memref<8x128xi32, #tpu.memory_space<vmem>>, vector<1x16xi32>,
      %get3A_1343 = vector.shape_cast %get3A_1342 : vector<1x16xi32> to vector<16xi32>
      %swap3A_1344 = arith.constant 32 : index
      %swap3A_1345 = tpu.vector_load %arg12[%swap3A_1344] {strides = array<i32>} : memref<64xi32, #tpu.memory_space<vmem>>, vector<16xi32>,
      %swap3A_1346 = vector.shape_cast %swap3A_1345 : vector<16xi32> to vector<16xi32>
      %swap3A_1347 = vector.shape_cast %get3A_1343 : vector<16xi32> to vector<16xi32>
      tpu.vector_store %arg12[%swap3A_1344], %swap3A_1347 {strides = array<i32>} : memref<64xi32, #tpu.memory_space<vmem>>, vector<16xi32>,
      %rem3A_1348 = arith.constant 128 : i32
      %rem3A_1349 = vector.broadcast %rem3A_1348 : i32 to vector<16xi32>
      %rem3A_1350 = arith.remsi %get3A_1343, %rem3A_1349 : vector<16xi32>
      %swap3A_1351 = arith.constant 32 : index
      %swap3A_1352 = tpu.vector_load %arg14[%swap3A_1351] {strides = array<i32>} : memref<64xi32, #tpu.memory_space<vmem>>, vector<16xi32>,
      %swap3A_1353 = vector.shape_cast %swap3A_1352 : vector<16xi32> to vector<16xi32>
      %swap3A_1354 = vector.shape_cast %rem3A_1350 : vector<16xi32> to vector<16xi32>
      tpu.vector_store %arg14[%swap3A_1351], %swap3A_1354 {strides = array<i32>} : memref<64xi32, #tpu.memory_space<vmem>>, vector<16xi32>,
      %div3A_1355 = arith.constant 128 : i32
      %div3A_1356 = vector.broadcast %div3A_1355 : i32 to vector<16xi32>
      %div3A_1357 = arith.divsi %get3A_1343, %div3A_1356 : vector<16xi32>
      %swap3A_1358 = arith.constant 32 : index
      %swap3A_1359 = tpu.vector_load %arg16[%swap3A_1358] {strides = array<i32>} : memref<64xi32, #tpu.memory_space<vmem>>, vector<16xi32>,
      %swap3A_1360 = vector.shape_cast %swap3A_1359 : vector<16xi32> to vector<16xi32>
      %swap3A_1361 = vector.shape_cast %div3A_1357 : vector<16xi32> to vector<16xi32>
      tpu.vector_store %arg16[%swap3A_1358], %swap3A_1361 {strides = array<i32>} : memref<64xi32, #tpu.memory_space<vmem>>, vector<16xi32>,
      %get3A_1362 = arith.constant 4 : i32
      %get3A_1363 = arith.index_cast %get3A_1362 : i32 to index
      %get3A_1364 = arith.constant 48 : index
      %get3A_1365 = tpu.vector_load %arg8[%get3A_1363, %get3A_1364] {strides = array<i32>} : memref<8x128xi32, #tpu.memory_space<vmem>>, vector<1x16xi32>,
      %get3A_1366 = vector.shape_cast %get3A_1365 : vector<1x16xi32> to vector<16xi32>
      %swap3A_1367 = arith.constant 48 : index
      %swap3A_1368 = tpu.vector_load %arg10[%swap3A_1367] {strides = array<i32>} : memref<64xi32, #tpu.memory_space<vmem>>, vector<16xi32>,
      %swap3A_1369 = vector.shape_cast %swap3A_1368 : vector<16xi32> to vector<16xi32>
      %swap3A_1370 = vector.shape_cast %get3A_1366 : vector<16xi32> to vector<16xi32>
      tpu.vector_store %arg10[%swap3A_1367], %swap3A_1370 {strides = array<i32>} : memref<64xi32, #tpu.memory_space<vmem>>, vector<16xi32>,
      %get3A_1371 = arith.constant 4 : i32
      %get3A_1372 = arith.index_cast %get3A_1371 : i32 to index
      %get3A_1373 = arith.constant 48 : index
      %get3A_1374 = tpu.vector_load %arg9[%get3A_1372, %get3A_1373] {strides = array<i32>} : memref<8x128xi32, #tpu.memory_space<vmem>>, vector<1x16xi32>,
      %get3A_1375 = vector.shape_cast %get3A_1374 : vector<1x16xi32> to vector<16xi32>
      %swap3A_1376 = arith.constant 48 : index
      %swap3A_1377 = tpu.vector_load %arg12[%swap3A_1376] {strides = array<i32>} : memref<64xi32, #tpu.memory_space<vmem>>, vector<16xi32>,
      %swap3A_1378 = vector.shape_cast %swap3A_1377 : vector<16xi32> to vector<16xi32>
      %swap3A_1379 = vector.shape_cast %get3A_1375 : vector<16xi32> to vector<16xi32>
      tpu.vector_store %arg12[%swap3A_1376], %swap3A_1379 {strides = array<i32>} : memref<64xi32, #tpu.memory_space<vmem>>, vector<16xi32>,
      %rem3A_1380 = arith.constant 128 : i32
      %rem3A_1381 = vector.broadcast %rem3A_1380 : i32 to vector<16xi32>
      %rem3A_1382 = arith.remsi %get3A_1375, %rem3A_1381 : vector<16xi32>
      %swap3A_1383 = arith.constant 48 : index
      %swap3A_1384 = tpu.vector_load %arg14[%swap3A_1383] {strides = array<i32>} : memref<64xi32, #tpu.memory_space<vmem>>, vector<16xi32>,
      %swap3A_1385 = vector.shape_cast %swap3A_1384 : vector<16xi32> to vector<16xi32>
      %swap3A_1386 = vector.shape_cast %rem3A_1382 : vector<16xi32> to vector<16xi32>
      tpu.vector_store %arg14[%swap3A_1383], %swap3A_1386 {strides = array<i32>} : memref<64xi32, #tpu.memory_space<vmem>>, vector<16xi32>,
      %div3A_1387 = arith.constant 128 : i32
      %div3A_1388 = vector.broadcast %div3A_1387 : i32 to vector<16xi32>
      %div3A_1389 = arith.divsi %get3A_1375, %div3A_1388 : vector<16xi32>
      %swap3A_1390 = arith.constant 48 : index
      %swap3A_1391 = tpu.vector_load %arg16[%swap3A_1390] {strides = array<i32>} : memref<64xi32, #tpu.memory_space<vmem>>, vector<16xi32>,
      %swap3A_1392 = vector.shape_cast %swap3A_1391 : vector<16xi32> to vector<16xi32>
      %swap3A_1393 = vector.shape_cast %div3A_1389 : vector<16xi32> to vector<16xi32>
      tpu.vector_store %arg16[%swap3A_1390], %swap3A_1393 {strides = array<i32>} : memref<64xi32, #tpu.memory_space<vmem>>, vector<16xi32>,
      %dma_start3A_1394 = arith.constant 0 : i32
      %dma_start3A_1395 = arith.constant 0 : i32
      %dma_start3A_1396 = tpu.memref_slice %arg2[%dma_start3A_1394, %dma_start3A_1395] : memref<10240x128xf32, #tpu.memory_space<hbm>> -> memref<10240x128xf32, #tpu.memory_space<hbm>>
      tpu.enqueue_indirect_dma source(%dma_start3A_1396 : memref<10240x128xf32, #tpu.memory_space<hbm>>) target(%arg18 : memref<64x128xf32, #tpu.memory_space<vmem>>) offsets(%arg10 : memref<64xi32, #tpu.memory_space<vmem>>) semaphore(%arg25 : memref<!tpu.dma_semaphore, #tpu.memory_space<semaphore_mem>>)
      %dma_start3A_1397 = arith.constant 0 : i32
      %dma_start3A_1398 = arith.constant 0 : i32
      %dma_start3A_1399 = tpu.memref_slice %arg24[%dma_start3A_1397, %dma_start3A_1398] : memref<128x128xf32, #tpu.memory_space<vmem_shared>> -> memref<128x128xf32, #tpu.memory_space<vmem_shared>>
      tpu.enqueue_indirect_dma source(%dma_start3A_1399 : memref<128x128xf32, #tpu.memory_space<vmem_shared>>) target(%arg20 : memref<64x128xf32, #tpu.memory_space<vmem>>) offsets(%arg14 : memref<64xi32, #tpu.memory_space<vmem>>) semaphore(%arg26 : memref<!tpu.dma_semaphore, #tpu.memory_space<semaphore_mem>>)
      %dma_start3A_1400 = arith.constant 0 : i32
      %dma_start3A_1401 = arith.constant 0 : i32
      %dma_start3A_1402 = tpu.memref_slice %arg22[%dma_start3A_1400, %dma_start3A_1401] : memref<10240x128xf32, #tpu.memory_space<vmem_shared>> -> memref<10240x128xf32, #tpu.memory_space<vmem_shared>>
      tpu.enqueue_indirect_dma source(%arg19 : memref<64x128xf32, #tpu.memory_space<vmem>>) target(%dma_start3A_1402 : memref<10240x128xf32, #tpu.memory_space<vmem_shared>>) offsets(%arg13 : memref<64xi32, #tpu.memory_space<vmem>>) semaphore(%arg27 : memref<!tpu.dma_semaphore, #tpu.memory_space<semaphore_mem>>) {add = true}
      %dma_start3A_1403 = arith.constant 0 : i32
      %dma_start3A_1404 = arith.constant 0 : i32
      %dma_start3A_1405 = tpu.memref_slice %arg23[%dma_start3A_1403, %dma_start3A_1404] : memref<80x128xf32, #tpu.memory_space<vmem_shared>> -> memref<80x128xf32, #tpu.memory_space<vmem_shared>>
      tpu.enqueue_indirect_dma source(%arg21 : memref<64x128xf32, #tpu.memory_space<vmem>>) target(%dma_start3A_1405 : memref<80x128xf32, #tpu.memory_space<vmem_shared>>) offsets(%arg17 : memref<64xi32, #tpu.memory_space<vmem>>) semaphore(%arg28 : memref<!tpu.dma_semaphore, #tpu.memory_space<semaphore_mem>>) {add = true}
      %dma_wait3A_1406 = arith.constant 0 : i32
      %dma_wait3A_1407 = arith.constant 0 : i32
      %dma_wait3A_1408 = tpu.memref_slice %arg2[%dma_wait3A_1406, %dma_wait3A_1407] : memref<10240x128xf32, #tpu.memory_space<hbm>> -> memref<10240x128xf32, #tpu.memory_space<hbm>>
      tpu.wait_indirect_dma semaphore(%arg25 : memref<!tpu.dma_semaphore, #tpu.memory_space<semaphore_mem>>) src(%dma_wait3A_1408 : memref<10240x128xf32, #tpu.memory_space<hbm>>) dst(%arg18 : memref<64x128xf32, #tpu.memory_space<vmem>>)
      %dma_wait3A_1409 = arith.constant 0 : i32
      %dma_wait3A_1410 = arith.constant 0 : i32
      %dma_wait3A_1411 = tpu.memref_slice %arg24[%dma_wait3A_1409, %dma_wait3A_1410] : memref<128x128xf32, #tpu.memory_space<vmem_shared>> -> memref<128x128xf32, #tpu.memory_space<vmem_shared>>
      tpu.wait_indirect_dma semaphore(%arg26 : memref<!tpu.dma_semaphore, #tpu.memory_space<semaphore_mem>>) src(%dma_wait3A_1411 : memref<128x128xf32, #tpu.memory_space<vmem_shared>>) dst(%arg20 : memref<64x128xf32, #tpu.memory_space<vmem>>)
      %dma_wait3A_1412 = arith.constant 0 : i32
      %dma_wait3A_1413 = arith.constant 0 : i32
      %dma_wait3A_1414 = tpu.memref_slice %arg22[%dma_wait3A_1412, %dma_wait3A_1413] : memref<10240x128xf32, #tpu.memory_space<vmem_shared>> -> memref<10240x128xf32, #tpu.memory_space<vmem_shared>>
      tpu.wait_indirect_dma semaphore(%arg27 : memref<!tpu.dma_semaphore, #tpu.memory_space<semaphore_mem>>) src(%arg19 : memref<64x128xf32, #tpu.memory_space<vmem>>) dst(%dma_wait3A_1414 : memref<10240x128xf32, #tpu.memory_space<vmem_shared>>)
      %dma_wait3A_1415 = arith.constant 0 : i32
      %dma_wait3A_1416 = arith.constant 0 : i32
      %dma_wait3A_1417 = tpu.memref_slice %arg23[%dma_wait3A_1415, %dma_wait3A_1416] : memref<80x128xf32, #tpu.memory_space<vmem_shared>> -> memref<80x128xf32, #tpu.memory_space<vmem_shared>>
      tpu.wait_indirect_dma semaphore(%arg28 : memref<!tpu.dma_semaphore, #tpu.memory_space<semaphore_mem>>) src(%arg21 : memref<64x128xf32, #tpu.memory_space<vmem>>) dst(%dma_wait3A_1417 : memref<80x128xf32, #tpu.memory_space<vmem_shared>>)
      %get3A_1418 = arith.constant 4 : i32
      %get3A_1419 = arith.index_cast %get3A_1418 : i32 to index
      %get3A_1420 = arith.constant 64 : index
      %get3A_1421 = tpu.vector_load %arg8[%get3A_1419, %get3A_1420] {strides = array<i32>} : memref<8x128xi32, #tpu.memory_space<vmem>>, vector<1x16xi32>,
      %get3A_1422 = vector.shape_cast %get3A_1421 : vector<1x16xi32> to vector<16xi32>
      %swap3A_1423 = arith.constant 0 : index
      %swap3A_1424 = tpu.vector_load %arg11[%swap3A_1423] {strides = array<i32>} : memref<64xi32, #tpu.memory_space<vmem>>, vector<16xi32>,
      %swap3A_1425 = vector.shape_cast %swap3A_1424 : vector<16xi32> to vector<16xi32>
      %swap3A_1426 = vector.shape_cast %get3A_1422 : vector<16xi32> to vector<16xi32>
      tpu.vector_store %arg11[%swap3A_1423], %swap3A_1426 {strides = array<i32>} : memref<64xi32, #tpu.memory_space<vmem>>, vector<16xi32>,
      %get3A_1427 = arith.constant 4 : i32
      %get3A_1428 = arith.index_cast %get3A_1427 : i32 to index
      %get3A_1429 = arith.constant 64 : index
      %get3A_1430 = tpu.vector_load %arg9[%get3A_1428, %get3A_1429] {strides = array<i32>} : memref<8x128xi32, #tpu.memory_space<vmem>>, vector<1x16xi32>,
      %get3A_1431 = vector.shape_cast %get3A_1430 : vector<1x16xi32> to vector<16xi32>
      %swap3A_1432 = arith.constant 0 : index
      %swap3A_1433 = tpu.vector_load %arg13[%swap3A_1432] {strides = array<i32>} : memref<64xi32, #tpu.memory_space<vmem>>, vector<16xi32>,
      %swap3A_1434 = vector.shape_cast %swap3A_1433 : vector<16xi32> to vector<16xi32>
      %swap3A_1435 = vector.shape_cast %get3A_1431 : vector<16xi32> to vector<16xi32>
      tpu.vector_store %arg13[%swap3A_1432], %swap3A_1435 {strides = array<i32>} : memref<64xi32, #tpu.memory_space<vmem>>, vector<16xi32>,
      %rem3A_1436 = arith.constant 128 : i32
      %rem3A_1437 = vector.broadcast %rem3A_1436 : i32 to vector<16xi32>
      %rem3A_1438 = arith.remsi %get3A_1431, %rem3A_1437 : vector<16xi32>
      %swap3A_1439 = arith.constant 0 : index
      %swap3A_1440 = tpu.vector_load %arg15[%swap3A_1439] {strides = array<i32>} : memref<64xi32, #tpu.memory_space<vmem>>, vector<16xi32>,
      %swap3A_1441 = vector.shape_cast %swap3A_1440 : vector<16xi32> to vector<16xi32>
      %swap3A_1442 = vector.shape_cast %rem3A_1438 : vector<16xi32> to vector<16xi32>
      tpu.vector_store %arg15[%swap3A_1439], %swap3A_1442 {strides = array<i32>} : memref<64xi32, #tpu.memory_space<vmem>>, vector<16xi32>,
      %div3A_1443 = arith.constant 128 : i32
      %div3A_1444 = vector.broadcast %div3A_1443 : i32 to vector<16xi32>
      %div3A_1445 = arith.divsi %get3A_1431, %div3A_1444 : vector<16xi32>
      %swap3A_1446 = arith.constant 0 : index
      %swap3A_1447 = tpu.vector_load %arg17[%swap3A_1446] {strides = array<i32>} : memref<64xi32, #tpu.memory_space<vmem>>, vector<16xi32>,
      %swap3A_1448 = vector.shape_cast %swap3A_1447 : vector<16xi32> to vector<16xi32>
      %swap3A_1449 = vector.shape_cast %div3A_1445 : vector<16xi32> to vector<16xi32>
      tpu.vector_store %arg17[%swap3A_1446], %swap3A_1449 {strides = array<i32>} : memref<64xi32, #tpu.memory_space<vmem>>, vector<16xi32>,
      %get3A_1450 = arith.constant 4 : i32
      %get3A_1451 = arith.index_cast %get3A_1450 : i32 to index
      %get3A_1452 = arith.constant 80 : index
      %get3A_1453 = tpu.vector_load %arg8[%get3A_1451, %get3A_1452] {strides = array<i32>} : memref<8x128xi32, #tpu.memory_space<vmem>>, vector<1x16xi32>,
      %get3A_1454 = vector.shape_cast %get3A_1453 : vector<1x16xi32> to vector<16xi32>
      %swap3A_1455 = arith.constant 16 : index
      %swap3A_1456 = tpu.vector_load %arg11[%swap3A_1455] {strides = array<i32>} : memref<64xi32, #tpu.memory_space<vmem>>, vector<16xi32>,
      %swap3A_1457 = vector.shape_cast %swap3A_1456 : vector<16xi32> to vector<16xi32>
      %swap3A_1458 = vector.shape_cast %get3A_1454 : vector<16xi32> to vector<16xi32>
      tpu.vector_store %arg11[%swap3A_1455], %swap3A_1458 {strides = array<i32>} : memref<64xi32, #tpu.memory_space<vmem>>, vector<16xi32>,
      %get3A_1459 = arith.constant 4 : i32
      %get3A_1460 = arith.index_cast %get3A_1459 : i32 to index
      %get3A_1461 = arith.constant 80 : index
      %get3A_1462 = tpu.vector_load %arg9[%get3A_1460, %get3A_1461] {strides = array<i32>} : memref<8x128xi32, #tpu.memory_space<vmem>>, vector<1x16xi32>,
      %get3A_1463 = vector.shape_cast %get3A_1462 : vector<1x16xi32> to vector<16xi32>
      %swap3A_1464 = arith.constant 16 : index
      %swap3A_1465 = tpu.vector_load %arg13[%swap3A_1464] {strides = array<i32>} : memref<64xi32, #tpu.memory_space<vmem>>, vector<16xi32>,
      %swap3A_1466 = vector.shape_cast %swap3A_1465 : vector<16xi32> to vector<16xi32>
      %swap3A_1467 = vector.shape_cast %get3A_1463 : vector<16xi32> to vector<16xi32>
      tpu.vector_store %arg13[%swap3A_1464], %swap3A_1467 {strides = array<i32>} : memref<64xi32, #tpu.memory_space<vmem>>, vector<16xi32>,
      %rem3A_1468 = arith.constant 128 : i32
      %rem3A_1469 = vector.broadcast %rem3A_1468 : i32 to vector<16xi32>
      %rem3A_1470 = arith.remsi %get3A_1463, %rem3A_1469 : vector<16xi32>
      %swap3A_1471 = arith.constant 16 : index
      %swap3A_1472 = tpu.vector_load %arg15[%swap3A_1471] {strides = array<i32>} : memref<64xi32, #tpu.memory_space<vmem>>, vector<16xi32>,
      %swap3A_1473 = vector.shape_cast %swap3A_1472 : vector<16xi32> to vector<16xi32>
      %swap3A_1474 = vector.shape_cast %rem3A_1470 : vector<16xi32> to vector<16xi32>
      tpu.vector_store %arg15[%swap3A_1471], %swap3A_1474 {strides = array<i32>} : memref<64xi32, #tpu.memory_space<vmem>>, vector<16xi32>,
      %div3A_1475 = arith.constant 128 : i32
      %div3A_1476 = vector.broadcast %div3A_1475 : i32 to vector<16xi32>
      %div3A_1477 = arith.divsi %get3A_1463, %div3A_1476 : vector<16xi32>
      %swap3A_1478 = arith.constant 16 : index
      %swap3A_1479 = tpu.vector_load %arg17[%swap3A_1478] {strides = array<i32>} : memref<64xi32, #tpu.memory_space<vmem>>, vector<16xi32>,
      %swap3A_1480 = vector.shape_cast %swap3A_1479 : vector<16xi32> to vector<16xi32>
      %swap3A_1481 = vector.shape_cast %div3A_1477 : vector<16xi32> to vector<16xi32>
      tpu.vector_store %arg17[%swap3A_1478], %swap3A_1481 {strides = array<i32>} : memref<64xi32, #tpu.memory_space<vmem>>, vector<16xi32>,
      %get3A_1482 = arith.constant 4 : i32
      %get3A_1483 = arith.index_cast %get3A_1482 : i32 to index
      %get3A_1484 = arith.constant 96 : index
      %get3A_1485 = tpu.vector_load %arg8[%get3A_1483, %get3A_1484] {strides = array<i32>} : memref<8x128xi32, #tpu.memory_space<vmem>>, vector<1x16xi32>,
      %get3A_1486 = vector.shape_cast %get3A_1485 : vector<1x16xi32> to vector<16xi32>
      %swap3A_1487 = arith.constant 32 : index
      %swap3A_1488 = tpu.vector_load %arg11[%swap3A_1487] {strides = array<i32>} : memref<64xi32, #tpu.memory_space<vmem>>, vector<16xi32>,
      %swap3A_1489 = vector.shape_cast %swap3A_1488 : vector<16xi32> to vector<16xi32>
      %swap3A_1490 = vector.shape_cast %get3A_1486 : vector<16xi32> to vector<16xi32>
      tpu.vector_store %arg11[%swap3A_1487], %swap3A_1490 {strides = array<i32>} : memref<64xi32, #tpu.memory_space<vmem>>, vector<16xi32>,
      %get3A_1491 = arith.constant 4 : i32
      %get3A_1492 = arith.index_cast %get3A_1491 : i32 to index
      %get3A_1493 = arith.constant 96 : index
      %get3A_1494 = tpu.vector_load %arg9[%get3A_1492, %get3A_1493] {strides = array<i32>} : memref<8x128xi32, #tpu.memory_space<vmem>>, vector<1x16xi32>,
      %get3A_1495 = vector.shape_cast %get3A_1494 : vector<1x16xi32> to vector<16xi32>
      %swap3A_1496 = arith.constant 32 : index
      %swap3A_1497 = tpu.vector_load %arg13[%swap3A_1496] {strides = array<i32>} : memref<64xi32, #tpu.memory_space<vmem>>, vector<16xi32>,
      %swap3A_1498 = vector.shape_cast %swap3A_1497 : vector<16xi32> to vector<16xi32>
      %swap3A_1499 = vector.shape_cast %get3A_1495 : vector<16xi32> to vector<16xi32>
      tpu.vector_store %arg13[%swap3A_1496], %swap3A_1499 {strides = array<i32>} : memref<64xi32, #tpu.memory_space<vmem>>, vector<16xi32>,
      %rem3A_1500 = arith.constant 128 : i32
      %rem3A_1501 = vector.broadcast %rem3A_1500 : i32 to vector<16xi32>
      %rem3A_1502 = arith.remsi %get3A_1495, %rem3A_1501 : vector<16xi32>
      %swap3A_1503 = arith.constant 32 : index
      %swap3A_1504 = tpu.vector_load %arg15[%swap3A_1503] {strides = array<i32>} : memref<64xi32, #tpu.memory_space<vmem>>, vector<16xi32>,
      %swap3A_1505 = vector.shape_cast %swap3A_1504 : vector<16xi32> to vector<16xi32>
      %swap3A_1506 = vector.shape_cast %rem3A_1502 : vector<16xi32> to vector<16xi32>
      tpu.vector_store %arg15[%swap3A_1503], %swap3A_1506 {strides = array<i32>} : memref<64xi32, #tpu.memory_space<vmem>>, vector<16xi32>,
      %div3A_1507 = arith.constant 128 : i32
      %div3A_1508 = vector.broadcast %div3A_1507 : i32 to vector<16xi32>
      %div3A_1509 = arith.divsi %get3A_1495, %div3A_1508 : vector<16xi32>
      %swap3A_1510 = arith.constant 32 : index
      %swap3A_1511 = tpu.vector_load %arg17[%swap3A_1510] {strides = array<i32>} : memref<64xi32, #tpu.memory_space<vmem>>, vector<16xi32>,
      %swap3A_1512 = vector.shape_cast %swap3A_1511 : vector<16xi32> to vector<16xi32>
      %swap3A_1513 = vector.shape_cast %div3A_1509 : vector<16xi32> to vector<16xi32>
      tpu.vector_store %arg17[%swap3A_1510], %swap3A_1513 {strides = array<i32>} : memref<64xi32, #tpu.memory_space<vmem>>, vector<16xi32>,
      %get3A_1514 = arith.constant 4 : i32
      %get3A_1515 = arith.index_cast %get3A_1514 : i32 to index
      %get3A_1516 = arith.constant 112 : index
      %get3A_1517 = tpu.vector_load %arg8[%get3A_1515, %get3A_1516] {strides = array<i32>} : memref<8x128xi32, #tpu.memory_space<vmem>>, vector<1x16xi32>,
      %get3A_1518 = vector.shape_cast %get3A_1517 : vector<1x16xi32> to vector<16xi32>
      %swap3A_1519 = arith.constant 48 : index
      %swap3A_1520 = tpu.vector_load %arg11[%swap3A_1519] {strides = array<i32>} : memref<64xi32, #tpu.memory_space<vmem>>, vector<16xi32>,
      %swap3A_1521 = vector.shape_cast %swap3A_1520 : vector<16xi32> to vector<16xi32>
      %swap3A_1522 = vector.shape_cast %get3A_1518 : vector<16xi32> to vector<16xi32>
      tpu.vector_store %arg11[%swap3A_1519], %swap3A_1522 {strides = array<i32>} : memref<64xi32, #tpu.memory_space<vmem>>, vector<16xi32>,
      %get3A_1523 = arith.constant 4 : i32
      %get3A_1524 = arith.index_cast %get3A_1523 : i32 to index
      %get3A_1525 = arith.constant 112 : index
      %get3A_1526 = tpu.vector_load %arg9[%get3A_1524, %get3A_1525] {strides = array<i32>} : memref<8x128xi32, #tpu.memory_space<vmem>>, vector<1x16xi32>,
      %get3A_1527 = vector.shape_cast %get3A_1526 : vector<1x16xi32> to vector<16xi32>
      %swap3A_1528 = arith.constant 48 : index
      %swap3A_1529 = tpu.vector_load %arg13[%swap3A_1528] {strides = array<i32>} : memref<64xi32, #tpu.memory_space<vmem>>, vector<16xi32>,
      %swap3A_1530 = vector.shape_cast %swap3A_1529 : vector<16xi32> to vector<16xi32>
      %swap3A_1531 = vector.shape_cast %get3A_1527 : vector<16xi32> to vector<16xi32>
      tpu.vector_store %arg13[%swap3A_1528], %swap3A_1531 {strides = array<i32>} : memref<64xi32, #tpu.memory_space<vmem>>, vector<16xi32>,
      %rem3A_1532 = arith.constant 128 : i32
      %rem3A_1533 = vector.broadcast %rem3A_1532 : i32 to vector<16xi32>
      %rem3A_1534 = arith.remsi %get3A_1527, %rem3A_1533 : vector<16xi32>
      %swap3A_1535 = arith.constant 48 : index
      %swap3A_1536 = tpu.vector_load %arg15[%swap3A_1535] {strides = array<i32>} : memref<64xi32, #tpu.memory_space<vmem>>, vector<16xi32>,
      %swap3A_1537 = vector.shape_cast %swap3A_1536 : vector<16xi32> to vector<16xi32>
      %swap3A_1538 = vector.shape_cast %rem3A_1534 : vector<16xi32> to vector<16xi32>
      tpu.vector_store %arg15[%swap3A_1535], %swap3A_1538 {strides = array<i32>} : memref<64xi32, #tpu.memory_space<vmem>>, vector<16xi32>,
      %div3A_1539 = arith.constant 128 : i32
      %div3A_1540 = vector.broadcast %div3A_1539 : i32 to vector<16xi32>
      %div3A_1541 = arith.divsi %get3A_1527, %div3A_1540 : vector<16xi32>
      %swap3A_1542 = arith.constant 48 : index
      %swap3A_1543 = tpu.vector_load %arg17[%swap3A_1542] {strides = array<i32>} : memref<64xi32, #tpu.memory_space<vmem>>, vector<16xi32>,
      %swap3A_1544 = vector.shape_cast %swap3A_1543 : vector<16xi32> to vector<16xi32>
      %swap3A_1545 = vector.shape_cast %div3A_1541 : vector<16xi32> to vector<16xi32>
      tpu.vector_store %arg17[%swap3A_1542], %swap3A_1545 {strides = array<i32>} : memref<64xi32, #tpu.memory_space<vmem>>, vector<16xi32>,
      %dma_start3A_1546 = arith.constant 0 : i32
      %dma_start3A_1547 = arith.constant 0 : i32
      %dma_start3A_1548 = tpu.memref_slice %arg2[%dma_start3A_1546, %dma_start3A_1547] : memref<10240x128xf32, #tpu.memory_space<hbm>> -> memref<10240x128xf32, #tpu.memory_space<hbm>>
      tpu.enqueue_indirect_dma source(%dma_start3A_1548 : memref<10240x128xf32, #tpu.memory_space<hbm>>) target(%arg19 : memref<64x128xf32, #tpu.memory_space<vmem>>) offsets(%arg11 : memref<64xi32, #tpu.memory_space<vmem>>) semaphore(%arg25 : memref<!tpu.dma_semaphore, #tpu.memory_space<semaphore_mem>>)
      %dma_start3A_1549 = arith.constant 0 : i32
      %dma_start3A_1550 = arith.constant 0 : i32
      %dma_start3A_1551 = tpu.memref_slice %arg24[%dma_start3A_1549, %dma_start3A_1550] : memref<128x128xf32, #tpu.memory_space<vmem_shared>> -> memref<128x128xf32, #tpu.memory_space<vmem_shared>>
      tpu.enqueue_indirect_dma source(%dma_start3A_1551 : memref<128x128xf32, #tpu.memory_space<vmem_shared>>) target(%arg21 : memref<64x128xf32, #tpu.memory_space<vmem>>) offsets(%arg15 : memref<64xi32, #tpu.memory_space<vmem>>) semaphore(%arg26 : memref<!tpu.dma_semaphore, #tpu.memory_space<semaphore_mem>>)
      %dma_start3A_1552 = arith.constant 0 : i32
      %dma_start3A_1553 = arith.constant 0 : i32
      %dma_start3A_1554 = tpu.memref_slice %arg22[%dma_start3A_1552, %dma_start3A_1553] : memref<10240x128xf32, #tpu.memory_space<vmem_shared>> -> memref<10240x128xf32, #tpu.memory_space<vmem_shared>>
      tpu.enqueue_indirect_dma source(%arg18 : memref<64x128xf32, #tpu.memory_space<vmem>>) target(%dma_start3A_1554 : memref<10240x128xf32, #tpu.memory_space<vmem_shared>>) offsets(%arg12 : memref<64xi32, #tpu.memory_space<vmem>>) semaphore(%arg27 : memref<!tpu.dma_semaphore, #tpu.memory_space<semaphore_mem>>) {add = true}
      %dma_start3A_1555 = arith.constant 0 : i32
      %dma_start3A_1556 = arith.constant 0 : i32
      %dma_start3A_1557 = tpu.memref_slice %arg23[%dma_start3A_1555, %dma_start3A_1556] : memref<80x128xf32, #tpu.memory_space<vmem_shared>> -> memref<80x128xf32, #tpu.memory_space<vmem_shared>>
      tpu.enqueue_indirect_dma source(%arg20 : memref<64x128xf32, #tpu.memory_space<vmem>>) target(%dma_start3A_1557 : memref<80x128xf32, #tpu.memory_space<vmem_shared>>) offsets(%arg16 : memref<64xi32, #tpu.memory_space<vmem>>) semaphore(%arg28 : memref<!tpu.dma_semaphore, #tpu.memory_space<semaphore_mem>>) {add = true}
      %dma_wait3A_1558 = arith.constant 0 : i32
      %dma_wait3A_1559 = arith.constant 0 : i32
      %dma_wait3A_1560 = tpu.memref_slice %arg2[%dma_wait3A_1558, %dma_wait3A_1559] : memref<10240x128xf32, #tpu.memory_space<hbm>> -> memref<10240x128xf32, #tpu.memory_space<hbm>>
      tpu.wait_indirect_dma semaphore(%arg25 : memref<!tpu.dma_semaphore, #tpu.memory_space<semaphore_mem>>) src(%dma_wait3A_1560 : memref<10240x128xf32, #tpu.memory_space<hbm>>) dst(%arg19 : memref<64x128xf32, #tpu.memory_space<vmem>>)
      %dma_wait3A_1561 = arith.constant 0 : i32
      %dma_wait3A_1562 = arith.constant 0 : i32
      %dma_wait3A_1563 = tpu.memref_slice %arg24[%dma_wait3A_1561, %dma_wait3A_1562] : memref<128x128xf32, #tpu.memory_space<vmem_shared>> -> memref<128x128xf32, #tpu.memory_space<vmem_shared>>
      tpu.wait_indirect_dma semaphore(%arg26 : memref<!tpu.dma_semaphore, #tpu.memory_space<semaphore_mem>>) src(%dma_wait3A_1563 : memref<128x128xf32, #tpu.memory_space<vmem_shared>>) dst(%arg21 : memref<64x128xf32, #tpu.memory_space<vmem>>)
      %dma_wait3A_1564 = arith.constant 0 : i32
      %dma_wait3A_1565 = arith.constant 0 : i32
      %dma_wait3A_1566 = tpu.memref_slice %arg22[%dma_wait3A_1564, %dma_wait3A_1565] : memref<10240x128xf32, #tpu.memory_space<vmem_shared>> -> memref<10240x128xf32, #tpu.memory_space<vmem_shared>>
      tpu.wait_indirect_dma semaphore(%arg27 : memref<!tpu.dma_semaphore, #tpu.memory_space<semaphore_mem>>) src(%arg18 : memref<64x128xf32, #tpu.memory_space<vmem>>) dst(%dma_wait3A_1566 : memref<10240x128xf32, #tpu.memory_space<vmem_shared>>)
      %dma_wait3A_1567 = arith.constant 0 : i32
      %dma_wait3A_1568 = arith.constant 0 : i32
      %dma_wait3A_1569 = tpu.memref_slice %arg23[%dma_wait3A_1567, %dma_wait3A_1568] : memref<80x128xf32, #tpu.memory_space<vmem_shared>> -> memref<80x128xf32, #tpu.memory_space<vmem_shared>>
      tpu.wait_indirect_dma semaphore(%arg28 : memref<!tpu.dma_semaphore, #tpu.memory_space<semaphore_mem>>) src(%arg20 : memref<64x128xf32, #tpu.memory_space<vmem>>) dst(%dma_wait3A_1569 : memref<80x128xf32, #tpu.memory_space<vmem_shared>>)
      %get3A_1570 = arith.constant 5 : i32
      %get3A_1571 = arith.index_cast %get3A_1570 : i32 to index
      %get3A_1572 = arith.constant 0 : index
      %get3A_1573 = tpu.vector_load %arg8[%get3A_1571, %get3A_1572] {strides = array<i32>} : memref<8x128xi32, #tpu.memory_space<vmem>>, vector<1x16xi32>,
      %get3A_1574 = vector.shape_cast %get3A_1573 : vector<1x16xi32> to vector<16xi32>
      %swap3A_1575 = arith.constant 0 : index
      %swap3A_1576 = tpu.vector_load %arg10[%swap3A_1575] {strides = array<i32>} : memref<64xi32, #tpu.memory_space<vmem>>, vector<16xi32>,
      %swap3A_1577 = vector.shape_cast %swap3A_1576 : vector<16xi32> to vector<16xi32>
      %swap3A_1578 = vector.shape_cast %get3A_1574 : vector<16xi32> to vector<16xi32>
      tpu.vector_store %arg10[%swap3A_1575], %swap3A_1578 {strides = array<i32>} : memref<64xi32, #tpu.memory_space<vmem>>, vector<16xi32>,
      %get3A_1579 = arith.constant 5 : i32
      %get3A_1580 = arith.index_cast %get3A_1579 : i32 to index
      %get3A_1581 = arith.constant 0 : index
      %get3A_1582 = tpu.vector_load %arg9[%get3A_1580, %get3A_1581] {strides = array<i32>} : memref<8x128xi32, #tpu.memory_space<vmem>>, vector<1x16xi32>,
      %get3A_1583 = vector.shape_cast %get3A_1582 : vector<1x16xi32> to vector<16xi32>
      %swap3A_1584 = arith.constant 0 : index
      %swap3A_1585 = tpu.vector_load %arg12[%swap3A_1584] {strides = array<i32>} : memref<64xi32, #tpu.memory_space<vmem>>, vector<16xi32>,
      %swap3A_1586 = vector.shape_cast %swap3A_1585 : vector<16xi32> to vector<16xi32>
      %swap3A_1587 = vector.shape_cast %get3A_1583 : vector<16xi32> to vector<16xi32>
      tpu.vector_store %arg12[%swap3A_1584], %swap3A_1587 {strides = array<i32>} : memref<64xi32, #tpu.memory_space<vmem>>, vector<16xi32>,
      %rem3A_1588 = arith.constant 128 : i32
      %rem3A_1589 = vector.broadcast %rem3A_1588 : i32 to vector<16xi32>
      %rem3A_1590 = arith.remsi %get3A_1583, %rem3A_1589 : vector<16xi32>
      %swap3A_1591 = arith.constant 0 : index
      %swap3A_1592 = tpu.vector_load %arg14[%swap3A_1591] {strides = array<i32>} : memref<64xi32, #tpu.memory_space<vmem>>, vector<16xi32>,
      %swap3A_1593 = vector.shape_cast %swap3A_1592 : vector<16xi32> to vector<16xi32>
      %swap3A_1594 = vector.shape_cast %rem3A_1590 : vector<16xi32> to vector<16xi32>
      tpu.vector_store %arg14[%swap3A_1591], %swap3A_1594 {strides = array<i32>} : memref<64xi32, #tpu.memory_space<vmem>>, vector<16xi32>,
      %div3A_1595 = arith.constant 128 : i32
      %div3A_1596 = vector.broadcast %div3A_1595 : i32 to vector<16xi32>
      %div3A_1597 = arith.divsi %get3A_1583, %div3A_1596 : vector<16xi32>
      %swap3A_1598 = arith.constant 0 : index
      %swap3A_1599 = tpu.vector_load %arg16[%swap3A_1598] {strides = array<i32>} : memref<64xi32, #tpu.memory_space<vmem>>, vector<16xi32>,
      %swap3A_1600 = vector.shape_cast %swap3A_1599 : vector<16xi32> to vector<16xi32>
      %swap3A_1601 = vector.shape_cast %div3A_1597 : vector<16xi32> to vector<16xi32>
      tpu.vector_store %arg16[%swap3A_1598], %swap3A_1601 {strides = array<i32>} : memref<64xi32, #tpu.memory_space<vmem>>, vector<16xi32>,
      %get3A_1602 = arith.constant 5 : i32
      %get3A_1603 = arith.index_cast %get3A_1602 : i32 to index
      %get3A_1604 = arith.constant 16 : index
      %get3A_1605 = tpu.vector_load %arg8[%get3A_1603, %get3A_1604] {strides = array<i32>} : memref<8x128xi32, #tpu.memory_space<vmem>>, vector<1x16xi32>,
      %get3A_1606 = vector.shape_cast %get3A_1605 : vector<1x16xi32> to vector<16xi32>
      %swap3A_1607 = arith.constant 16 : index
      %swap3A_1608 = tpu.vector_load %arg10[%swap3A_1607] {strides = array<i32>} : memref<64xi32, #tpu.memory_space<vmem>>, vector<16xi32>,
      %swap3A_1609 = vector.shape_cast %swap3A_1608 : vector<16xi32> to vector<16xi32>
      %swap3A_1610 = vector.shape_cast %get3A_1606 : vector<16xi32> to vector<16xi32>
      tpu.vector_store %arg10[%swap3A_1607], %swap3A_1610 {strides = array<i32>} : memref<64xi32, #tpu.memory_space<vmem>>, vector<16xi32>,
      %get3A_1611 = arith.constant 5 : i32
      %get3A_1612 = arith.index_cast %get3A_1611 : i32 to index
      %get3A_1613 = arith.constant 16 : index
      %get3A_1614 = tpu.vector_load %arg9[%get3A_1612, %get3A_1613] {strides = array<i32>} : memref<8x128xi32, #tpu.memory_space<vmem>>, vector<1x16xi32>,
      %get3A_1615 = vector.shape_cast %get3A_1614 : vector<1x16xi32> to vector<16xi32>
      %swap3A_1616 = arith.constant 16 : index
      %swap3A_1617 = tpu.vector_load %arg12[%swap3A_1616] {strides = array<i32>} : memref<64xi32, #tpu.memory_space<vmem>>, vector<16xi32>,
      %swap3A_1618 = vector.shape_cast %swap3A_1617 : vector<16xi32> to vector<16xi32>
      %swap3A_1619 = vector.shape_cast %get3A_1615 : vector<16xi32> to vector<16xi32>
      tpu.vector_store %arg12[%swap3A_1616], %swap3A_1619 {strides = array<i32>} : memref<64xi32, #tpu.memory_space<vmem>>, vector<16xi32>,
      %rem3A_1620 = arith.constant 128 : i32
      %rem3A_1621 = vector.broadcast %rem3A_1620 : i32 to vector<16xi32>
      %rem3A_1622 = arith.remsi %get3A_1615, %rem3A_1621 : vector<16xi32>
      %swap3A_1623 = arith.constant 16 : index
      %swap3A_1624 = tpu.vector_load %arg14[%swap3A_1623] {strides = array<i32>} : memref<64xi32, #tpu.memory_space<vmem>>, vector<16xi32>,
      %swap3A_1625 = vector.shape_cast %swap3A_1624 : vector<16xi32> to vector<16xi32>
      %swap3A_1626 = vector.shape_cast %rem3A_1622 : vector<16xi32> to vector<16xi32>
      tpu.vector_store %arg14[%swap3A_1623], %swap3A_1626 {strides = array<i32>} : memref<64xi32, #tpu.memory_space<vmem>>, vector<16xi32>,
      %div3A_1627 = arith.constant 128 : i32
      %div3A_1628 = vector.broadcast %div3A_1627 : i32 to vector<16xi32>
      %div3A_1629 = arith.divsi %get3A_1615, %div3A_1628 : vector<16xi32>
      %swap3A_1630 = arith.constant 16 : index
      %swap3A_1631 = tpu.vector_load %arg16[%swap3A_1630] {strides = array<i32>} : memref<64xi32, #tpu.memory_space<vmem>>, vector<16xi32>,
      %swap3A_1632 = vector.shape_cast %swap3A_1631 : vector<16xi32> to vector<16xi32>
      %swap3A_1633 = vector.shape_cast %div3A_1629 : vector<16xi32> to vector<16xi32>
      tpu.vector_store %arg16[%swap3A_1630], %swap3A_1633 {strides = array<i32>} : memref<64xi32, #tpu.memory_space<vmem>>, vector<16xi32>,
      %get3A_1634 = arith.constant 5 : i32
      %get3A_1635 = arith.index_cast %get3A_1634 : i32 to index
      %get3A_1636 = arith.constant 32 : index
      %get3A_1637 = tpu.vector_load %arg8[%get3A_1635, %get3A_1636] {strides = array<i32>} : memref<8x128xi32, #tpu.memory_space<vmem>>, vector<1x16xi32>,
      %get3A_1638 = vector.shape_cast %get3A_1637 : vector<1x16xi32> to vector<16xi32>
      %swap3A_1639 = arith.constant 32 : index
      %swap3A_1640 = tpu.vector_load %arg10[%swap3A_1639] {strides = array<i32>} : memref<64xi32, #tpu.memory_space<vmem>>, vector<16xi32>,
      %swap3A_1641 = vector.shape_cast %swap3A_1640 : vector<16xi32> to vector<16xi32>
      %swap3A_1642 = vector.shape_cast %get3A_1638 : vector<16xi32> to vector<16xi32>
      tpu.vector_store %arg10[%swap3A_1639], %swap3A_1642 {strides = array<i32>} : memref<64xi32, #tpu.memory_space<vmem>>, vector<16xi32>,
      %get3A_1643 = arith.constant 5 : i32
      %get3A_1644 = arith.index_cast %get3A_1643 : i32 to index
      %get3A_1645 = arith.constant 32 : index
      %get3A_1646 = tpu.vector_load %arg9[%get3A_1644, %get3A_1645] {strides = array<i32>} : memref<8x128xi32, #tpu.memory_space<vmem>>, vector<1x16xi32>,
      %get3A_1647 = vector.shape_cast %get3A_1646 : vector<1x16xi32> to vector<16xi32>
      %swap3A_1648 = arith.constant 32 : index
      %swap3A_1649 = tpu.vector_load %arg12[%swap3A_1648] {strides = array<i32>} : memref<64xi32, #tpu.memory_space<vmem>>, vector<16xi32>,
      %swap3A_1650 = vector.shape_cast %swap3A_1649 : vector<16xi32> to vector<16xi32>
      %swap3A_1651 = vector.shape_cast %get3A_1647 : vector<16xi32> to vector<16xi32>
      tpu.vector_store %arg12[%swap3A_1648], %swap3A_1651 {strides = array<i32>} : memref<64xi32, #tpu.memory_space<vmem>>, vector<16xi32>,
      %rem3A_1652 = arith.constant 128 : i32
      %rem3A_1653 = vector.broadcast %rem3A_1652 : i32 to vector<16xi32>
      %rem3A_1654 = arith.remsi %get3A_1647, %rem3A_1653 : vector<16xi32>
      %swap3A_1655 = arith.constant 32 : index
      %swap3A_1656 = tpu.vector_load %arg14[%swap3A_1655] {strides = array<i32>} : memref<64xi32, #tpu.memory_space<vmem>>, vector<16xi32>,
      %swap3A_1657 = vector.shape_cast %swap3A_1656 : vector<16xi32> to vector<16xi32>
      %swap3A_1658 = vector.shape_cast %rem3A_1654 : vector<16xi32> to vector<16xi32>
      tpu.vector_store %arg14[%swap3A_1655], %swap3A_1658 {strides = array<i32>} : memref<64xi32, #tpu.memory_space<vmem>>, vector<16xi32>,
      %div3A_1659 = arith.constant 128 : i32
      %div3A_1660 = vector.broadcast %div3A_1659 : i32 to vector<16xi32>
      %div3A_1661 = arith.divsi %get3A_1647, %div3A_1660 : vector<16xi32>
      %swap3A_1662 = arith.constant 32 : index
      %swap3A_1663 = tpu.vector_load %arg16[%swap3A_1662] {strides = array<i32>} : memref<64xi32, #tpu.memory_space<vmem>>, vector<16xi32>,
      %swap3A_1664 = vector.shape_cast %swap3A_1663 : vector<16xi32> to vector<16xi32>
      %swap3A_1665 = vector.shape_cast %div3A_1661 : vector<16xi32> to vector<16xi32>
      tpu.vector_store %arg16[%swap3A_1662], %swap3A_1665 {strides = array<i32>} : memref<64xi32, #tpu.memory_space<vmem>>, vector<16xi32>,
      %get3A_1666 = arith.constant 5 : i32
      %get3A_1667 = arith.index_cast %get3A_1666 : i32 to index
      %get3A_1668 = arith.constant 48 : index
      %get3A_1669 = tpu.vector_load %arg8[%get3A_1667, %get3A_1668] {strides = array<i32>} : memref<8x128xi32, #tpu.memory_space<vmem>>, vector<1x16xi32>,
      %get3A_1670 = vector.shape_cast %get3A_1669 : vector<1x16xi32> to vector<16xi32>
      %swap3A_1671 = arith.constant 48 : index
      %swap3A_1672 = tpu.vector_load %arg10[%swap3A_1671] {strides = array<i32>} : memref<64xi32, #tpu.memory_space<vmem>>, vector<16xi32>,
      %swap3A_1673 = vector.shape_cast %swap3A_1672 : vector<16xi32> to vector<16xi32>
      %swap3A_1674 = vector.shape_cast %get3A_1670 : vector<16xi32> to vector<16xi32>
      tpu.vector_store %arg10[%swap3A_1671], %swap3A_1674 {strides = array<i32>} : memref<64xi32, #tpu.memory_space<vmem>>, vector<16xi32>,
      %get3A_1675 = arith.constant 5 : i32
      %get3A_1676 = arith.index_cast %get3A_1675 : i32 to index
      %get3A_1677 = arith.constant 48 : index
      %get3A_1678 = tpu.vector_load %arg9[%get3A_1676, %get3A_1677] {strides = array<i32>} : memref<8x128xi32, #tpu.memory_space<vmem>>, vector<1x16xi32>,
      %get3A_1679 = vector.shape_cast %get3A_1678 : vector<1x16xi32> to vector<16xi32>
      %swap3A_1680 = arith.constant 48 : index
      %swap3A_1681 = tpu.vector_load %arg12[%swap3A_1680] {strides = array<i32>} : memref<64xi32, #tpu.memory_space<vmem>>, vector<16xi32>,
      %swap3A_1682 = vector.shape_cast %swap3A_1681 : vector<16xi32> to vector<16xi32>
      %swap3A_1683 = vector.shape_cast %get3A_1679 : vector<16xi32> to vector<16xi32>
      tpu.vector_store %arg12[%swap3A_1680], %swap3A_1683 {strides = array<i32>} : memref<64xi32, #tpu.memory_space<vmem>>, vector<16xi32>,
      %rem3A_1684 = arith.constant 128 : i32
      %rem3A_1685 = vector.broadcast %rem3A_1684 : i32 to vector<16xi32>
      %rem3A_1686 = arith.remsi %get3A_1679, %rem3A_1685 : vector<16xi32>
      %swap3A_1687 = arith.constant 48 : index
      %swap3A_1688 = tpu.vector_load %arg14[%swap3A_1687] {strides = array<i32>} : memref<64xi32, #tpu.memory_space<vmem>>, vector<16xi32>,
      %swap3A_1689 = vector.shape_cast %swap3A_1688 : vector<16xi32> to vector<16xi32>
      %swap3A_1690 = vector.shape_cast %rem3A_1686 : vector<16xi32> to vector<16xi32>
      tpu.vector_store %arg14[%swap3A_1687], %swap3A_1690 {strides = array<i32>} : memref<64xi32, #tpu.memory_space<vmem>>, vector<16xi32>,
      %div3A_1691 = arith.constant 128 : i32
      %div3A_1692 = vector.broadcast %div3A_1691 : i32 to vector<16xi32>
      %div3A_1693 = arith.divsi %get3A_1679, %div3A_1692 : vector<16xi32>
      %swap3A_1694 = arith.constant 48 : index
      %swap3A_1695 = tpu.vector_load %arg16[%swap3A_1694] {strides = array<i32>} : memref<64xi32, #tpu.memory_space<vmem>>, vector<16xi32>,
      %swap3A_1696 = vector.shape_cast %swap3A_1695 : vector<16xi32> to vector<16xi32>
      %swap3A_1697 = vector.shape_cast %div3A_1693 : vector<16xi32> to vector<16xi32>
      tpu.vector_store %arg16[%swap3A_1694], %swap3A_1697 {strides = array<i32>} : memref<64xi32, #tpu.memory_space<vmem>>, vector<16xi32>,
      %dma_start3A_1698 = arith.constant 0 : i32
      %dma_start3A_1699 = arith.constant 0 : i32
      %dma_start3A_1700 = tpu.memref_slice %arg2[%dma_start3A_1698, %dma_start3A_1699] : memref<10240x128xf32, #tpu.memory_space<hbm>> -> memref<10240x128xf32, #tpu.memory_space<hbm>>
      tpu.enqueue_indirect_dma source(%dma_start3A_1700 : memref<10240x128xf32, #tpu.memory_space<hbm>>) target(%arg18 : memref<64x128xf32, #tpu.memory_space<vmem>>) offsets(%arg10 : memref<64xi32, #tpu.memory_space<vmem>>) semaphore(%arg25 : memref<!tpu.dma_semaphore, #tpu.memory_space<semaphore_mem>>)
      %dma_start3A_1701 = arith.constant 0 : i32
      %dma_start3A_1702 = arith.constant 0 : i32
      %dma_start3A_1703 = tpu.memref_slice %arg24[%dma_start3A_1701, %dma_start3A_1702] : memref<128x128xf32, #tpu.memory_space<vmem_shared>> -> memref<128x128xf32, #tpu.memory_space<vmem_shared>>
      tpu.enqueue_indirect_dma source(%dma_start3A_1703 : memref<128x128xf32, #tpu.memory_space<vmem_shared>>) target(%arg20 : memref<64x128xf32, #tpu.memory_space<vmem>>) offsets(%arg14 : memref<64xi32, #tpu.memory_space<vmem>>) semaphore(%arg26 : memref<!tpu.dma_semaphore, #tpu.memory_space<semaphore_mem>>)
      %dma_start3A_1704 = arith.constant 0 : i32
      %dma_start3A_1705 = arith.constant 0 : i32
      %dma_start3A_1706 = tpu.memref_slice %arg22[%dma_start3A_1704, %dma_start3A_1705] : memref<10240x128xf32, #tpu.memory_space<vmem_shared>> -> memref<10240x128xf32, #tpu.memory_space<vmem_shared>>
      tpu.enqueue_indirect_dma source(%arg19 : memref<64x128xf32, #tpu.memory_space<vmem>>) target(%dma_start3A_1706 : memref<10240x128xf32, #tpu.memory_space<vmem_shared>>) offsets(%arg13 : memref<64xi32, #tpu.memory_space<vmem>>) semaphore(%arg27 : memref<!tpu.dma_semaphore, #tpu.memory_space<semaphore_mem>>) {add = true}
      %dma_start3A_1707 = arith.constant 0 : i32
      %dma_start3A_1708 = arith.constant 0 : i32
      %dma_start3A_1709 = tpu.memref_slice %arg23[%dma_start3A_1707, %dma_start3A_1708] : memref<80x128xf32, #tpu.memory_space<vmem_shared>> -> memref<80x128xf32, #tpu.memory_space<vmem_shared>>
      tpu.enqueue_indirect_dma source(%arg21 : memref<64x128xf32, #tpu.memory_space<vmem>>) target(%dma_start3A_1709 : memref<80x128xf32, #tpu.memory_space<vmem_shared>>) offsets(%arg17 : memref<64xi32, #tpu.memory_space<vmem>>) semaphore(%arg28 : memref<!tpu.dma_semaphore, #tpu.memory_space<semaphore_mem>>) {add = true}
      %dma_wait3A_1710 = arith.constant 0 : i32
      %dma_wait3A_1711 = arith.constant 0 : i32
      %dma_wait3A_1712 = tpu.memref_slice %arg2[%dma_wait3A_1710, %dma_wait3A_1711] : memref<10240x128xf32, #tpu.memory_space<hbm>> -> memref<10240x128xf32, #tpu.memory_space<hbm>>
      tpu.wait_indirect_dma semaphore(%arg25 : memref<!tpu.dma_semaphore, #tpu.memory_space<semaphore_mem>>) src(%dma_wait3A_1712 : memref<10240x128xf32, #tpu.memory_space<hbm>>) dst(%arg18 : memref<64x128xf32, #tpu.memory_space<vmem>>)
      %dma_wait3A_1713 = arith.constant 0 : i32
      %dma_wait3A_1714 = arith.constant 0 : i32
      %dma_wait3A_1715 = tpu.memref_slice %arg24[%dma_wait3A_1713, %dma_wait3A_1714] : memref<128x128xf32, #tpu.memory_space<vmem_shared>> -> memref<128x128xf32, #tpu.memory_space<vmem_shared>>
      tpu.wait_indirect_dma semaphore(%arg26 : memref<!tpu.dma_semaphore, #tpu.memory_space<semaphore_mem>>) src(%dma_wait3A_1715 : memref<128x128xf32, #tpu.memory_space<vmem_shared>>) dst(%arg20 : memref<64x128xf32, #tpu.memory_space<vmem>>)
      %dma_wait3A_1716 = arith.constant 0 : i32
      %dma_wait3A_1717 = arith.constant 0 : i32
      %dma_wait3A_1718 = tpu.memref_slice %arg22[%dma_wait3A_1716, %dma_wait3A_1717] : memref<10240x128xf32, #tpu.memory_space<vmem_shared>> -> memref<10240x128xf32, #tpu.memory_space<vmem_shared>>
      tpu.wait_indirect_dma semaphore(%arg27 : memref<!tpu.dma_semaphore, #tpu.memory_space<semaphore_mem>>) src(%arg19 : memref<64x128xf32, #tpu.memory_space<vmem>>) dst(%dma_wait3A_1718 : memref<10240x128xf32, #tpu.memory_space<vmem_shared>>)
      %dma_wait3A_1719 = arith.constant 0 : i32
      %dma_wait3A_1720 = arith.constant 0 : i32
      %dma_wait3A_1721 = tpu.memref_slice %arg23[%dma_wait3A_1719, %dma_wait3A_1720] : memref<80x128xf32, #tpu.memory_space<vmem_shared>> -> memref<80x128xf32, #tpu.memory_space<vmem_shared>>
      tpu.wait_indirect_dma semaphore(%arg28 : memref<!tpu.dma_semaphore, #tpu.memory_space<semaphore_mem>>) src(%arg21 : memref<64x128xf32, #tpu.memory_space<vmem>>) dst(%dma_wait3A_1721 : memref<80x128xf32, #tpu.memory_space<vmem_shared>>)
      %get3A_1722 = arith.constant 5 : i32
      %get3A_1723 = arith.index_cast %get3A_1722 : i32 to index
      %get3A_1724 = arith.constant 64 : index
      %get3A_1725 = tpu.vector_load %arg8[%get3A_1723, %get3A_1724] {strides = array<i32>} : memref<8x128xi32, #tpu.memory_space<vmem>>, vector<1x16xi32>,
      %get3A_1726 = vector.shape_cast %get3A_1725 : vector<1x16xi32> to vector<16xi32>
      %swap3A_1727 = arith.constant 0 : index
      %swap3A_1728 = tpu.vector_load %arg11[%swap3A_1727] {strides = array<i32>} : memref<64xi32, #tpu.memory_space<vmem>>, vector<16xi32>,
      %swap3A_1729 = vector.shape_cast %swap3A_1728 : vector<16xi32> to vector<16xi32>
      %swap3A_1730 = vector.shape_cast %get3A_1726 : vector<16xi32> to vector<16xi32>
      tpu.vector_store %arg11[%swap3A_1727], %swap3A_1730 {strides = array<i32>} : memref<64xi32, #tpu.memory_space<vmem>>, vector<16xi32>,
      %get3A_1731 = arith.constant 5 : i32
      %get3A_1732 = arith.index_cast %get3A_1731 : i32 to index
      %get3A_1733 = arith.constant 64 : index
      %get3A_1734 = tpu.vector_load %arg9[%get3A_1732, %get3A_1733] {strides = array<i32>} : memref<8x128xi32, #tpu.memory_space<vmem>>, vector<1x16xi32>,
      %get3A_1735 = vector.shape_cast %get3A_1734 : vector<1x16xi32> to vector<16xi32>
      %swap3A_1736 = arith.constant 0 : index
      %swap3A_1737 = tpu.vector_load %arg13[%swap3A_1736] {strides = array<i32>} : memref<64xi32, #tpu.memory_space<vmem>>, vector<16xi32>,
      %swap3A_1738 = vector.shape_cast %swap3A_1737 : vector<16xi32> to vector<16xi32>
      %swap3A_1739 = vector.shape_cast %get3A_1735 : vector<16xi32> to vector<16xi32>
      tpu.vector_store %arg13[%swap3A_1736], %swap3A_1739 {strides = array<i32>} : memref<64xi32, #tpu.memory_space<vmem>>, vector<16xi32>,
      %rem3A_1740 = arith.constant 128 : i32
      %rem3A_1741 = vector.broadcast %rem3A_1740 : i32 to vector<16xi32>
      %rem3A_1742 = arith.remsi %get3A_1735, %rem3A_1741 : vector<16xi32>
      %swap3A_1743 = arith.constant 0 : index
      %swap3A_1744 = tpu.vector_load %arg15[%swap3A_1743] {strides = array<i32>} : memref<64xi32, #tpu.memory_space<vmem>>, vector<16xi32>,
      %swap3A_1745 = vector.shape_cast %swap3A_1744 : vector<16xi32> to vector<16xi32>
      %swap3A_1746 = vector.shape_cast %rem3A_1742 : vector<16xi32> to vector<16xi32>
      tpu.vector_store %arg15[%swap3A_1743], %swap3A_1746 {strides = array<i32>} : memref<64xi32, #tpu.memory_space<vmem>>, vector<16xi32>,
      %div3A_1747 = arith.constant 128 : i32
      %div3A_1748 = vector.broadcast %div3A_1747 : i32 to vector<16xi32>
      %div3A_1749 = arith.divsi %get3A_1735, %div3A_1748 : vector<16xi32>
      %swap3A_1750 = arith.constant 0 : index
      %swap3A_1751 = tpu.vector_load %arg17[%swap3A_1750] {strides = array<i32>} : memref<64xi32, #tpu.memory_space<vmem>>, vector<16xi32>,
      %swap3A_1752 = vector.shape_cast %swap3A_1751 : vector<16xi32> to vector<16xi32>
      %swap3A_1753 = vector.shape_cast %div3A_1749 : vector<16xi32> to vector<16xi32>
      tpu.vector_store %arg17[%swap3A_1750], %swap3A_1753 {strides = array<i32>} : memref<64xi32, #tpu.memory_space<vmem>>, vector<16xi32>,
      %get3A_1754 = arith.constant 5 : i32
      %get3A_1755 = arith.index_cast %get3A_1754 : i32 to index
      %get3A_1756 = arith.constant 80 : index
      %get3A_1757 = tpu.vector_load %arg8[%get3A_1755, %get3A_1756] {strides = array<i32>} : memref<8x128xi32, #tpu.memory_space<vmem>>, vector<1x16xi32>,
      %get3A_1758 = vector.shape_cast %get3A_1757 : vector<1x16xi32> to vector<16xi32>
      %swap3A_1759 = arith.constant 16 : index
      %swap3A_1760 = tpu.vector_load %arg11[%swap3A_1759] {strides = array<i32>} : memref<64xi32, #tpu.memory_space<vmem>>, vector<16xi32>,
      %swap3A_1761 = vector.shape_cast %swap3A_1760 : vector<16xi32> to vector<16xi32>
      %swap3A_1762 = vector.shape_cast %get3A_1758 : vector<16xi32> to vector<16xi32>
      tpu.vector_store %arg11[%swap3A_1759], %swap3A_1762 {strides = array<i32>} : memref<64xi32, #tpu.memory_space<vmem>>, vector<16xi32>,
      %get3A_1763 = arith.constant 5 : i32
      %get3A_1764 = arith.index_cast %get3A_1763 : i32 to index
      %get3A_1765 = arith.constant 80 : index
      %get3A_1766 = tpu.vector_load %arg9[%get3A_1764, %get3A_1765] {strides = array<i32>} : memref<8x128xi32, #tpu.memory_space<vmem>>, vector<1x16xi32>,
      %get3A_1767 = vector.shape_cast %get3A_1766 : vector<1x16xi32> to vector<16xi32>
      %swap3A_1768 = arith.constant 16 : index
      %swap3A_1769 = tpu.vector_load %arg13[%swap3A_1768] {strides = array<i32>} : memref<64xi32, #tpu.memory_space<vmem>>, vector<16xi32>,
      %swap3A_1770 = vector.shape_cast %swap3A_1769 : vector<16xi32> to vector<16xi32>
      %swap3A_1771 = vector.shape_cast %get3A_1767 : vector<16xi32> to vector<16xi32>
      tpu.vector_store %arg13[%swap3A_1768], %swap3A_1771 {strides = array<i32>} : memref<64xi32, #tpu.memory_space<vmem>>, vector<16xi32>,
      %rem3A_1772 = arith.constant 128 : i32
      %rem3A_1773 = vector.broadcast %rem3A_1772 : i32 to vector<16xi32>
      %rem3A_1774 = arith.remsi %get3A_1767, %rem3A_1773 : vector<16xi32>
      %swap3A_1775 = arith.constant 16 : index
      %swap3A_1776 = tpu.vector_load %arg15[%swap3A_1775] {strides = array<i32>} : memref<64xi32, #tpu.memory_space<vmem>>, vector<16xi32>,
      %swap3A_1777 = vector.shape_cast %swap3A_1776 : vector<16xi32> to vector<16xi32>
      %swap3A_1778 = vector.shape_cast %rem3A_1774 : vector<16xi32> to vector<16xi32>
      tpu.vector_store %arg15[%swap3A_1775], %swap3A_1778 {strides = array<i32>} : memref<64xi32, #tpu.memory_space<vmem>>, vector<16xi32>,
      %div3A_1779 = arith.constant 128 : i32
      %div3A_1780 = vector.broadcast %div3A_1779 : i32 to vector<16xi32>
      %div3A_1781 = arith.divsi %get3A_1767, %div3A_1780 : vector<16xi32>
      %swap3A_1782 = arith.constant 16 : index
      %swap3A_1783 = tpu.vector_load %arg17[%swap3A_1782] {strides = array<i32>} : memref<64xi32, #tpu.memory_space<vmem>>, vector<16xi32>,
      %swap3A_1784 = vector.shape_cast %swap3A_1783 : vector<16xi32> to vector<16xi32>
      %swap3A_1785 = vector.shape_cast %div3A_1781 : vector<16xi32> to vector<16xi32>
      tpu.vector_store %arg17[%swap3A_1782], %swap3A_1785 {strides = array<i32>} : memref<64xi32, #tpu.memory_space<vmem>>, vector<16xi32>,
      %get3A_1786 = arith.constant 5 : i32
      %get3A_1787 = arith.index_cast %get3A_1786 : i32 to index
      %get3A_1788 = arith.constant 96 : index
      %get3A_1789 = tpu.vector_load %arg8[%get3A_1787, %get3A_1788] {strides = array<i32>} : memref<8x128xi32, #tpu.memory_space<vmem>>, vector<1x16xi32>,
      %get3A_1790 = vector.shape_cast %get3A_1789 : vector<1x16xi32> to vector<16xi32>
      %swap3A_1791 = arith.constant 32 : index
      %swap3A_1792 = tpu.vector_load %arg11[%swap3A_1791] {strides = array<i32>} : memref<64xi32, #tpu.memory_space<vmem>>, vector<16xi32>,
      %swap3A_1793 = vector.shape_cast %swap3A_1792 : vector<16xi32> to vector<16xi32>
      %swap3A_1794 = vector.shape_cast %get3A_1790 : vector<16xi32> to vector<16xi32>
      tpu.vector_store %arg11[%swap3A_1791], %swap3A_1794 {strides = array<i32>} : memref<64xi32, #tpu.memory_space<vmem>>, vector<16xi32>,
      %get3A_1795 = arith.constant 5 : i32
      %get3A_1796 = arith.index_cast %get3A_1795 : i32 to index
      %get3A_1797 = arith.constant 96 : index
      %get3A_1798 = tpu.vector_load %arg9[%get3A_1796, %get3A_1797] {strides = array<i32>} : memref<8x128xi32, #tpu.memory_space<vmem>>, vector<1x16xi32>,
      %get3A_1799 = vector.shape_cast %get3A_1798 : vector<1x16xi32> to vector<16xi32>
      %swap3A_1800 = arith.constant 32 : index
      %swap3A_1801 = tpu.vector_load %arg13[%swap3A_1800] {strides = array<i32>} : memref<64xi32, #tpu.memory_space<vmem>>, vector<16xi32>,
      %swap3A_1802 = vector.shape_cast %swap3A_1801 : vector<16xi32> to vector<16xi32>
      %swap3A_1803 = vector.shape_cast %get3A_1799 : vector<16xi32> to vector<16xi32>
      tpu.vector_store %arg13[%swap3A_1800], %swap3A_1803 {strides = array<i32>} : memref<64xi32, #tpu.memory_space<vmem>>, vector<16xi32>,
      %rem3A_1804 = arith.constant 128 : i32
      %rem3A_1805 = vector.broadcast %rem3A_1804 : i32 to vector<16xi32>
      %rem3A_1806 = arith.remsi %get3A_1799, %rem3A_1805 : vector<16xi32>
      %swap3A_1807 = arith.constant 32 : index
      %swap3A_1808 = tpu.vector_load %arg15[%swap3A_1807] {strides = array<i32>} : memref<64xi32, #tpu.memory_space<vmem>>, vector<16xi32>,
      %swap3A_1809 = vector.shape_cast %swap3A_1808 : vector<16xi32> to vector<16xi32>
      %swap3A_1810 = vector.shape_cast %rem3A_1806 : vector<16xi32> to vector<16xi32>
      tpu.vector_store %arg15[%swap3A_1807], %swap3A_1810 {strides = array<i32>} : memref<64xi32, #tpu.memory_space<vmem>>, vector<16xi32>,
      %div3A_1811 = arith.constant 128 : i32
      %div3A_1812 = vector.broadcast %div3A_1811 : i32 to vector<16xi32>
      %div3A_1813 = arith.divsi %get3A_1799, %div3A_1812 : vector<16xi32>
      %swap3A_1814 = arith.constant 32 : index
      %swap3A_1815 = tpu.vector_load %arg17[%swap3A_1814] {strides = array<i32>} : memref<64xi32, #tpu.memory_space<vmem>>, vector<16xi32>,
      %swap3A_1816 = vector.shape_cast %swap3A_1815 : vector<16xi32> to vector<16xi32>
      %swap3A_1817 = vector.shape_cast %div3A_1813 : vector<16xi32> to vector<16xi32>
      tpu.vector_store %arg17[%swap3A_1814], %swap3A_1817 {strides = array<i32>} : memref<64xi32, #tpu.memory_space<vmem>>, vector<16xi32>,
      %get3A_1818 = arith.constant 5 : i32
      %get3A_1819 = arith.index_cast %get3A_1818 : i32 to index
      %get3A_1820 = arith.constant 112 : index
      %get3A_1821 = tpu.vector_load %arg8[%get3A_1819, %get3A_1820] {strides = array<i32>} : memref<8x128xi32, #tpu.memory_space<vmem>>, vector<1x16xi32>,
      %get3A_1822 = vector.shape_cast %get3A_1821 : vector<1x16xi32> to vector<16xi32>
      %swap3A_1823 = arith.constant 48 : index
      %swap3A_1824 = tpu.vector_load %arg11[%swap3A_1823] {strides = array<i32>} : memref<64xi32, #tpu.memory_space<vmem>>, vector<16xi32>,
      %swap3A_1825 = vector.shape_cast %swap3A_1824 : vector<16xi32> to vector<16xi32>
      %swap3A_1826 = vector.shape_cast %get3A_1822 : vector<16xi32> to vector<16xi32>
      tpu.vector_store %arg11[%swap3A_1823], %swap3A_1826 {strides = array<i32>} : memref<64xi32, #tpu.memory_space<vmem>>, vector<16xi32>,
      %get3A_1827 = arith.constant 5 : i32
      %get3A_1828 = arith.index_cast %get3A_1827 : i32 to index
      %get3A_1829 = arith.constant 112 : index
      %get3A_1830 = tpu.vector_load %arg9[%get3A_1828, %get3A_1829] {strides = array<i32>} : memref<8x128xi32, #tpu.memory_space<vmem>>, vector<1x16xi32>,
      %get3A_1831 = vector.shape_cast %get3A_1830 : vector<1x16xi32> to vector<16xi32>
      %swap3A_1832 = arith.constant 48 : index
      %swap3A_1833 = tpu.vector_load %arg13[%swap3A_1832] {strides = array<i32>} : memref<64xi32, #tpu.memory_space<vmem>>, vector<16xi32>,
      %swap3A_1834 = vector.shape_cast %swap3A_1833 : vector<16xi32> to vector<16xi32>
      %swap3A_1835 = vector.shape_cast %get3A_1831 : vector<16xi32> to vector<16xi32>
      tpu.vector_store %arg13[%swap3A_1832], %swap3A_1835 {strides = array<i32>} : memref<64xi32, #tpu.memory_space<vmem>>, vector<16xi32>,
      %rem3A_1836 = arith.constant 128 : i32
      %rem3A_1837 = vector.broadcast %rem3A_1836 : i32 to vector<16xi32>
      %rem3A_1838 = arith.remsi %get3A_1831, %rem3A_1837 : vector<16xi32>
      %swap3A_1839 = arith.constant 48 : index
      %swap3A_1840 = tpu.vector_load %arg15[%swap3A_1839] {strides = array<i32>} : memref<64xi32, #tpu.memory_space<vmem>>, vector<16xi32>,
      %swap3A_1841 = vector.shape_cast %swap3A_1840 : vector<16xi32> to vector<16xi32>
      %swap3A_1842 = vector.shape_cast %rem3A_1838 : vector<16xi32> to vector<16xi32>
      tpu.vector_store %arg15[%swap3A_1839], %swap3A_1842 {strides = array<i32>} : memref<64xi32, #tpu.memory_space<vmem>>, vector<16xi32>,
      %div3A_1843 = arith.constant 128 : i32
      %div3A_1844 = vector.broadcast %div3A_1843 : i32 to vector<16xi32>
      %div3A_1845 = arith.divsi %get3A_1831, %div3A_1844 : vector<16xi32>
      %swap3A_1846 = arith.constant 48 : index
      %swap3A_1847 = tpu.vector_load %arg17[%swap3A_1846] {strides = array<i32>} : memref<64xi32, #tpu.memory_space<vmem>>, vector<16xi32>,
      %swap3A_1848 = vector.shape_cast %swap3A_1847 : vector<16xi32> to vector<16xi32>
      %swap3A_1849 = vector.shape_cast %div3A_1845 : vector<16xi32> to vector<16xi32>
      tpu.vector_store %arg17[%swap3A_1846], %swap3A_1849 {strides = array<i32>} : memref<64xi32, #tpu.memory_space<vmem>>, vector<16xi32>,
      %dma_start3A_1850 = arith.constant 0 : i32
      %dma_start3A_1851 = arith.constant 0 : i32
      %dma_start3A_1852 = tpu.memref_slice %arg2[%dma_start3A_1850, %dma_start3A_1851] : memref<10240x128xf32, #tpu.memory_space<hbm>> -> memref<10240x128xf32, #tpu.memory_space<hbm>>
      tpu.enqueue_indirect_dma source(%dma_start3A_1852 : memref<10240x128xf32, #tpu.memory_space<hbm>>) target(%arg19 : memref<64x128xf32, #tpu.memory_space<vmem>>) offsets(%arg11 : memref<64xi32, #tpu.memory_space<vmem>>) semaphore(%arg25 : memref<!tpu.dma_semaphore, #tpu.memory_space<semaphore_mem>>)
      %dma_start3A_1853 = arith.constant 0 : i32
      %dma_start3A_1854 = arith.constant 0 : i32
      %dma_start3A_1855 = tpu.memref_slice %arg24[%dma_start3A_1853, %dma_start3A_1854] : memref<128x128xf32, #tpu.memory_space<vmem_shared>> -> memref<128x128xf32, #tpu.memory_space<vmem_shared>>
      tpu.enqueue_indirect_dma source(%dma_start3A_1855 : memref<128x128xf32, #tpu.memory_space<vmem_shared>>) target(%arg21 : memref<64x128xf32, #tpu.memory_space<vmem>>) offsets(%arg15 : memref<64xi32, #tpu.memory_space<vmem>>) semaphore(%arg26 : memref<!tpu.dma_semaphore, #tpu.memory_space<semaphore_mem>>)
      %dma_start3A_1856 = arith.constant 0 : i32
      %dma_start3A_1857 = arith.constant 0 : i32
      %dma_start3A_1858 = tpu.memref_slice %arg22[%dma_start3A_1856, %dma_start3A_1857] : memref<10240x128xf32, #tpu.memory_space<vmem_shared>> -> memref<10240x128xf32, #tpu.memory_space<vmem_shared>>
      tpu.enqueue_indirect_dma source(%arg18 : memref<64x128xf32, #tpu.memory_space<vmem>>) target(%dma_start3A_1858 : memref<10240x128xf32, #tpu.memory_space<vmem_shared>>) offsets(%arg12 : memref<64xi32, #tpu.memory_space<vmem>>) semaphore(%arg27 : memref<!tpu.dma_semaphore, #tpu.memory_space<semaphore_mem>>) {add = true}
      %dma_start3A_1859 = arith.constant 0 : i32
      %dma_start3A_1860 = arith.constant 0 : i32
      %dma_start3A_1861 = tpu.memref_slice %arg23[%dma_start3A_1859, %dma_start3A_1860] : memref<80x128xf32, #tpu.memory_space<vmem_shared>> -> memref<80x128xf32, #tpu.memory_space<vmem_shared>>
      tpu.enqueue_indirect_dma source(%arg20 : memref<64x128xf32, #tpu.memory_space<vmem>>) target(%dma_start3A_1861 : memref<80x128xf32, #tpu.memory_space<vmem_shared>>) offsets(%arg16 : memref<64xi32, #tpu.memory_space<vmem>>) semaphore(%arg28 : memref<!tpu.dma_semaphore, #tpu.memory_space<semaphore_mem>>) {add = true}
      %dma_wait3A_1862 = arith.constant 0 : i32
      %dma_wait3A_1863 = arith.constant 0 : i32
      %dma_wait3A_1864 = tpu.memref_slice %arg2[%dma_wait3A_1862, %dma_wait3A_1863] : memref<10240x128xf32, #tpu.memory_space<hbm>> -> memref<10240x128xf32, #tpu.memory_space<hbm>>
      tpu.wait_indirect_dma semaphore(%arg25 : memref<!tpu.dma_semaphore, #tpu.memory_space<semaphore_mem>>) src(%dma_wait3A_1864 : memref<10240x128xf32, #tpu.memory_space<hbm>>) dst(%arg19 : memref<64x128xf32, #tpu.memory_space<vmem>>)
      %dma_wait3A_1865 = arith.constant 0 : i32
      %dma_wait3A_1866 = arith.constant 0 : i32
      %dma_wait3A_1867 = tpu.memref_slice %arg24[%dma_wait3A_1865, %dma_wait3A_1866] : memref<128x128xf32, #tpu.memory_space<vmem_shared>> -> memref<128x128xf32, #tpu.memory_space<vmem_shared>>
      tpu.wait_indirect_dma semaphore(%arg26 : memref<!tpu.dma_semaphore, #tpu.memory_space<semaphore_mem>>) src(%dma_wait3A_1867 : memref<128x128xf32, #tpu.memory_space<vmem_shared>>) dst(%arg21 : memref<64x128xf32, #tpu.memory_space<vmem>>)
      %dma_wait3A_1868 = arith.constant 0 : i32
      %dma_wait3A_1869 = arith.constant 0 : i32
      %dma_wait3A_1870 = tpu.memref_slice %arg22[%dma_wait3A_1868, %dma_wait3A_1869] : memref<10240x128xf32, #tpu.memory_space<vmem_shared>> -> memref<10240x128xf32, #tpu.memory_space<vmem_shared>>
      tpu.wait_indirect_dma semaphore(%arg27 : memref<!tpu.dma_semaphore, #tpu.memory_space<semaphore_mem>>) src(%arg18 : memref<64x128xf32, #tpu.memory_space<vmem>>) dst(%dma_wait3A_1870 : memref<10240x128xf32, #tpu.memory_space<vmem_shared>>)
      %dma_wait3A_1871 = arith.constant 0 : i32
      %dma_wait3A_1872 = arith.constant 0 : i32
      %dma_wait3A_1873 = tpu.memref_slice %arg23[%dma_wait3A_1871, %dma_wait3A_1872] : memref<80x128xf32, #tpu.memory_space<vmem_shared>> -> memref<80x128xf32, #tpu.memory_space<vmem_shared>>
      tpu.wait_indirect_dma semaphore(%arg28 : memref<!tpu.dma_semaphore, #tpu.memory_space<semaphore_mem>>) src(%arg20 : memref<64x128xf32, #tpu.memory_space<vmem>>) dst(%dma_wait3A_1873 : memref<80x128xf32, #tpu.memory_space<vmem_shared>>)
      %get3A_1874 = arith.constant 6 : i32
      %get3A_1875 = arith.index_cast %get3A_1874 : i32 to index
      %get3A_1876 = arith.constant 0 : index
      %get3A_1877 = tpu.vector_load %arg8[%get3A_1875, %get3A_1876] {strides = array<i32>} : memref<8x128xi32, #tpu.memory_space<vmem>>, vector<1x16xi32>,
      %get3A_1878 = vector.shape_cast %get3A_1877 : vector<1x16xi32> to vector<16xi32>
      %swap3A_1879 = arith.constant 0 : index
      %swap3A_1880 = tpu.vector_load %arg10[%swap3A_1879] {strides = array<i32>} : memref<64xi32, #tpu.memory_space<vmem>>, vector<16xi32>,
      %swap3A_1881 = vector.shape_cast %swap3A_1880 : vector<16xi32> to vector<16xi32>
      %swap3A_1882 = vector.shape_cast %get3A_1878 : vector<16xi32> to vector<16xi32>
      tpu.vector_store %arg10[%swap3A_1879], %swap3A_1882 {strides = array<i32>} : memref<64xi32, #tpu.memory_space<vmem>>, vector<16xi32>,
      %get3A_1883 = arith.constant 6 : i32
      %get3A_1884 = arith.index_cast %get3A_1883 : i32 to index
      %get3A_1885 = arith.constant 0 : index
      %get3A_1886 = tpu.vector_load %arg9[%get3A_1884, %get3A_1885] {strides = array<i32>} : memref<8x128xi32, #tpu.memory_space<vmem>>, vector<1x16xi32>,
      %get3A_1887 = vector.shape_cast %get3A_1886 : vector<1x16xi32> to vector<16xi32>
      %swap3A_1888 = arith.constant 0 : index
      %swap3A_1889 = tpu.vector_load %arg12[%swap3A_1888] {strides = array<i32>} : memref<64xi32, #tpu.memory_space<vmem>>, vector<16xi32>,
      %swap3A_1890 = vector.shape_cast %swap3A_1889 : vector<16xi32> to vector<16xi32>
      %swap3A_1891 = vector.shape_cast %get3A_1887 : vector<16xi32> to vector<16xi32>
      tpu.vector_store %arg12[%swap3A_1888], %swap3A_1891 {strides = array<i32>} : memref<64xi32, #tpu.memory_space<vmem>>, vector<16xi32>,
      %rem3A_1892 = arith.constant 128 : i32
      %rem3A_1893 = vector.broadcast %rem3A_1892 : i32 to vector<16xi32>
      %rem3A_1894 = arith.remsi %get3A_1887, %rem3A_1893 : vector<16xi32>
      %swap3A_1895 = arith.constant 0 : index
      %swap3A_1896 = tpu.vector_load %arg14[%swap3A_1895] {strides = array<i32>} : memref<64xi32, #tpu.memory_space<vmem>>, vector<16xi32>,
      %swap3A_1897 = vector.shape_cast %swap3A_1896 : vector<16xi32> to vector<16xi32>
      %swap3A_1898 = vector.shape_cast %rem3A_1894 : vector<16xi32> to vector<16xi32>
      tpu.vector_store %arg14[%swap3A_1895], %swap3A_1898 {strides = array<i32>} : memref<64xi32, #tpu.memory_space<vmem>>, vector<16xi32>,
      %div3A_1899 = arith.constant 128 : i32
      %div3A_1900 = vector.broadcast %div3A_1899 : i32 to vector<16xi32>
      %div3A_1901 = arith.divsi %get3A_1887, %div3A_1900 : vector<16xi32>
      %swap3A_1902 = arith.constant 0 : index
      %swap3A_1903 = tpu.vector_load %arg16[%swap3A_1902] {strides = array<i32>} : memref<64xi32, #tpu.memory_space<vmem>>, vector<16xi32>,
      %swap3A_1904 = vector.shape_cast %swap3A_1903 : vector<16xi32> to vector<16xi32>
      %swap3A_1905 = vector.shape_cast %div3A_1901 : vector<16xi32> to vector<16xi32>
      tpu.vector_store %arg16[%swap3A_1902], %swap3A_1905 {strides = array<i32>} : memref<64xi32, #tpu.memory_space<vmem>>, vector<16xi32>,
      %get3A_1906 = arith.constant 6 : i32
      %get3A_1907 = arith.index_cast %get3A_1906 : i32 to index
      %get3A_1908 = arith.constant 16 : index
      %get3A_1909 = tpu.vector_load %arg8[%get3A_1907, %get3A_1908] {strides = array<i32>} : memref<8x128xi32, #tpu.memory_space<vmem>>, vector<1x16xi32>,
      %get3A_1910 = vector.shape_cast %get3A_1909 : vector<1x16xi32> to vector<16xi32>
      %swap3A_1911 = arith.constant 16 : index
      %swap3A_1912 = tpu.vector_load %arg10[%swap3A_1911] {strides = array<i32>} : memref<64xi32, #tpu.memory_space<vmem>>, vector<16xi32>,
      %swap3A_1913 = vector.shape_cast %swap3A_1912 : vector<16xi32> to vector<16xi32>
      %swap3A_1914 = vector.shape_cast %get3A_1910 : vector<16xi32> to vector<16xi32>
      tpu.vector_store %arg10[%swap3A_1911], %swap3A_1914 {strides = array<i32>} : memref<64xi32, #tpu.memory_space<vmem>>, vector<16xi32>,
      %get3A_1915 = arith.constant 6 : i32
      %get3A_1916 = arith.index_cast %get3A_1915 : i32 to index
      %get3A_1917 = arith.constant 16 : index
      %get3A_1918 = tpu.vector_load %arg9[%get3A_1916, %get3A_1917] {strides = array<i32>} : memref<8x128xi32, #tpu.memory_space<vmem>>, vector<1x16xi32>,
      %get3A_1919 = vector.shape_cast %get3A_1918 : vector<1x16xi32> to vector<16xi32>
      %swap3A_1920 = arith.constant 16 : index
      %swap3A_1921 = tpu.vector_load %arg12[%swap3A_1920] {strides = array<i32>} : memref<64xi32, #tpu.memory_space<vmem>>, vector<16xi32>,
      %swap3A_1922 = vector.shape_cast %swap3A_1921 : vector<16xi32> to vector<16xi32>
      %swap3A_1923 = vector.shape_cast %get3A_1919 : vector<16xi32> to vector<16xi32>
      tpu.vector_store %arg12[%swap3A_1920], %swap3A_1923 {strides = array<i32>} : memref<64xi32, #tpu.memory_space<vmem>>, vector<16xi32>,
      %rem3A_1924 = arith.constant 128 : i32
      %rem3A_1925 = vector.broadcast %rem3A_1924 : i32 to vector<16xi32>
      %rem3A_1926 = arith.remsi %get3A_1919, %rem3A_1925 : vector<16xi32>
      %swap3A_1927 = arith.constant 16 : index
      %swap3A_1928 = tpu.vector_load %arg14[%swap3A_1927] {strides = array<i32>} : memref<64xi32, #tpu.memory_space<vmem>>, vector<16xi32>,
      %swap3A_1929 = vector.shape_cast %swap3A_1928 : vector<16xi32> to vector<16xi32>
      %swap3A_1930 = vector.shape_cast %rem3A_1926 : vector<16xi32> to vector<16xi32>
      tpu.vector_store %arg14[%swap3A_1927], %swap3A_1930 {strides = array<i32>} : memref<64xi32, #tpu.memory_space<vmem>>, vector<16xi32>,
      %div3A_1931 = arith.constant 128 : i32
      %div3A_1932 = vector.broadcast %div3A_1931 : i32 to vector<16xi32>
      %div3A_1933 = arith.divsi %get3A_1919, %div3A_1932 : vector<16xi32>
      %swap3A_1934 = arith.constant 16 : index
      %swap3A_1935 = tpu.vector_load %arg16[%swap3A_1934] {strides = array<i32>} : memref<64xi32, #tpu.memory_space<vmem>>, vector<16xi32>,
      %swap3A_1936 = vector.shape_cast %swap3A_1935 : vector<16xi32> to vector<16xi32>
      %swap3A_1937 = vector.shape_cast %div3A_1933 : vector<16xi32> to vector<16xi32>
      tpu.vector_store %arg16[%swap3A_1934], %swap3A_1937 {strides = array<i32>} : memref<64xi32, #tpu.memory_space<vmem>>, vector<16xi32>,
      %get3A_1938 = arith.constant 6 : i32
      %get3A_1939 = arith.index_cast %get3A_1938 : i32 to index
      %get3A_1940 = arith.constant 32 : index
      %get3A_1941 = tpu.vector_load %arg8[%get3A_1939, %get3A_1940] {strides = array<i32>} : memref<8x128xi32, #tpu.memory_space<vmem>>, vector<1x16xi32>,
      %get3A_1942 = vector.shape_cast %get3A_1941 : vector<1x16xi32> to vector<16xi32>
      %swap3A_1943 = arith.constant 32 : index
      %swap3A_1944 = tpu.vector_load %arg10[%swap3A_1943] {strides = array<i32>} : memref<64xi32, #tpu.memory_space<vmem>>, vector<16xi32>,
      %swap3A_1945 = vector.shape_cast %swap3A_1944 : vector<16xi32> to vector<16xi32>
      %swap3A_1946 = vector.shape_cast %get3A_1942 : vector<16xi32> to vector<16xi32>
      tpu.vector_store %arg10[%swap3A_1943], %swap3A_1946 {strides = array<i32>} : memref<64xi32, #tpu.memory_space<vmem>>, vector<16xi32>,
      %get3A_1947 = arith.constant 6 : i32
      %get3A_1948 = arith.index_cast %get3A_1947 : i32 to index
      %get3A_1949 = arith.constant 32 : index
      %get3A_1950 = tpu.vector_load %arg9[%get3A_1948, %get3A_1949] {strides = array<i32>} : memref<8x128xi32, #tpu.memory_space<vmem>>, vector<1x16xi32>,
      %get3A_1951 = vector.shape_cast %get3A_1950 : vector<1x16xi32> to vector<16xi32>
      %swap3A_1952 = arith.constant 32 : index
      %swap3A_1953 = tpu.vector_load %arg12[%swap3A_1952] {strides = array<i32>} : memref<64xi32, #tpu.memory_space<vmem>>, vector<16xi32>,
      %swap3A_1954 = vector.shape_cast %swap3A_1953 : vector<16xi32> to vector<16xi32>
      %swap3A_1955 = vector.shape_cast %get3A_1951 : vector<16xi32> to vector<16xi32>
      tpu.vector_store %arg12[%swap3A_1952], %swap3A_1955 {strides = array<i32>} : memref<64xi32, #tpu.memory_space<vmem>>, vector<16xi32>,
      %rem3A_1956 = arith.constant 128 : i32
      %rem3A_1957 = vector.broadcast %rem3A_1956 : i32 to vector<16xi32>
      %rem3A_1958 = arith.remsi %get3A_1951, %rem3A_1957 : vector<16xi32>
      %swap3A_1959 = arith.constant 32 : index
      %swap3A_1960 = tpu.vector_load %arg14[%swap3A_1959] {strides = array<i32>} : memref<64xi32, #tpu.memory_space<vmem>>, vector<16xi32>,
      %swap3A_1961 = vector.shape_cast %swap3A_1960 : vector<16xi32> to vector<16xi32>
      %swap3A_1962 = vector.shape_cast %rem3A_1958 : vector<16xi32> to vector<16xi32>
      tpu.vector_store %arg14[%swap3A_1959], %swap3A_1962 {strides = array<i32>} : memref<64xi32, #tpu.memory_space<vmem>>, vector<16xi32>,
      %div3A_1963 = arith.constant 128 : i32
      %div3A_1964 = vector.broadcast %div3A_1963 : i32 to vector<16xi32>
      %div3A_1965 = arith.divsi %get3A_1951, %div3A_1964 : vector<16xi32>
      %swap3A_1966 = arith.constant 32 : index
      %swap3A_1967 = tpu.vector_load %arg16[%swap3A_1966] {strides = array<i32>} : memref<64xi32, #tpu.memory_space<vmem>>, vector<16xi32>,
      %swap3A_1968 = vector.shape_cast %swap3A_1967 : vector<16xi32> to vector<16xi32>
      %swap3A_1969 = vector.shape_cast %div3A_1965 : vector<16xi32> to vector<16xi32>
      tpu.vector_store %arg16[%swap3A_1966], %swap3A_1969 {strides = array<i32>} : memref<64xi32, #tpu.memory_space<vmem>>, vector<16xi32>,
      %get3A_1970 = arith.constant 6 : i32
      %get3A_1971 = arith.index_cast %get3A_1970 : i32 to index
      %get3A_1972 = arith.constant 48 : index
      %get3A_1973 = tpu.vector_load %arg8[%get3A_1971, %get3A_1972] {strides = array<i32>} : memref<8x128xi32, #tpu.memory_space<vmem>>, vector<1x16xi32>,
      %get3A_1974 = vector.shape_cast %get3A_1973 : vector<1x16xi32> to vector<16xi32>
      %swap3A_1975 = arith.constant 48 : index
      %swap3A_1976 = tpu.vector_load %arg10[%swap3A_1975] {strides = array<i32>} : memref<64xi32, #tpu.memory_space<vmem>>, vector<16xi32>,
      %swap3A_1977 = vector.shape_cast %swap3A_1976 : vector<16xi32> to vector<16xi32>
      %swap3A_1978 = vector.shape_cast %get3A_1974 : vector<16xi32> to vector<16xi32>
      tpu.vector_store %arg10[%swap3A_1975], %swap3A_1978 {strides = array<i32>} : memref<64xi32, #tpu.memory_space<vmem>>, vector<16xi32>,
      %get3A_1979 = arith.constant 6 : i32
      %get3A_1980 = arith.index_cast %get3A_1979 : i32 to index
      %get3A_1981 = arith.constant 48 : index
      %get3A_1982 = tpu.vector_load %arg9[%get3A_1980, %get3A_1981] {strides = array<i32>} : memref<8x128xi32, #tpu.memory_space<vmem>>, vector<1x16xi32>,
      %get3A_1983 = vector.shape_cast %get3A_1982 : vector<1x16xi32> to vector<16xi32>
      %swap3A_1984 = arith.constant 48 : index
      %swap3A_1985 = tpu.vector_load %arg12[%swap3A_1984] {strides = array<i32>} : memref<64xi32, #tpu.memory_space<vmem>>, vector<16xi32>,
      %swap3A_1986 = vector.shape_cast %swap3A_1985 : vector<16xi32> to vector<16xi32>
      %swap3A_1987 = vector.shape_cast %get3A_1983 : vector<16xi32> to vector<16xi32>
      tpu.vector_store %arg12[%swap3A_1984], %swap3A_1987 {strides = array<i32>} : memref<64xi32, #tpu.memory_space<vmem>>, vector<16xi32>,
      %rem3A_1988 = arith.constant 128 : i32
      %rem3A_1989 = vector.broadcast %rem3A_1988 : i32 to vector<16xi32>
      %rem3A_1990 = arith.remsi %get3A_1983, %rem3A_1989 : vector<16xi32>
      %swap3A_1991 = arith.constant 48 : index
      %swap3A_1992 = tpu.vector_load %arg14[%swap3A_1991] {strides = array<i32>} : memref<64xi32, #tpu.memory_space<vmem>>, vector<16xi32>,
      %swap3A_1993 = vector.shape_cast %swap3A_1992 : vector<16xi32> to vector<16xi32>
      %swap3A_1994 = vector.shape_cast %rem3A_1990 : vector<16xi32> to vector<16xi32>
      tpu.vector_store %arg14[%swap3A_1991], %swap3A_1994 {strides = array<i32>} : memref<64xi32, #tpu.memory_space<vmem>>, vector<16xi32>,
      %div3A_1995 = arith.constant 128 : i32
      %div3A_1996 = vector.broadcast %div3A_1995 : i32 to vector<16xi32>
      %div3A_1997 = arith.divsi %get3A_1983, %div3A_1996 : vector<16xi32>
      %swap3A_1998 = arith.constant 48 : index
      %swap3A_1999 = tpu.vector_load %arg16[%swap3A_1998] {strides = array<i32>} : memref<64xi32, #tpu.memory_space<vmem>>, vector<16xi32>,
      %swap3A_2000 = vector.shape_cast %swap3A_1999 : vector<16xi32> to vector<16xi32>
      %swap3A_2001 = vector.shape_cast %div3A_1997 : vector<16xi32> to vector<16xi32>
      tpu.vector_store %arg16[%swap3A_1998], %swap3A_2001 {strides = array<i32>} : memref<64xi32, #tpu.memory_space<vmem>>, vector<16xi32>,
      %dma_start3A_2002 = arith.constant 0 : i32
      %dma_start3A_2003 = arith.constant 0 : i32
      %dma_start3A_2004 = tpu.memref_slice %arg2[%dma_start3A_2002, %dma_start3A_2003] : memref<10240x128xf32, #tpu.memory_space<hbm>> -> memref<10240x128xf32, #tpu.memory_space<hbm>>
      tpu.enqueue_indirect_dma source(%dma_start3A_2004 : memref<10240x128xf32, #tpu.memory_space<hbm>>) target(%arg18 : memref<64x128xf32, #tpu.memory_space<vmem>>) offsets(%arg10 : memref<64xi32, #tpu.memory_space<vmem>>) semaphore(%arg25 : memref<!tpu.dma_semaphore, #tpu.memory_space<semaphore_mem>>)
      %dma_start3A_2005 = arith.constant 0 : i32
      %dma_start3A_2006 = arith.constant 0 : i32
      %dma_start3A_2007 = tpu.memref_slice %arg24[%dma_start3A_2005, %dma_start3A_2006] : memref<128x128xf32, #tpu.memory_space<vmem_shared>> -> memref<128x128xf32, #tpu.memory_space<vmem_shared>>
      tpu.enqueue_indirect_dma source(%dma_start3A_2007 : memref<128x128xf32, #tpu.memory_space<vmem_shared>>) target(%arg20 : memref<64x128xf32, #tpu.memory_space<vmem>>) offsets(%arg14 : memref<64xi32, #tpu.memory_space<vmem>>) semaphore(%arg26 : memref<!tpu.dma_semaphore, #tpu.memory_space<semaphore_mem>>)
      %dma_start3A_2008 = arith.constant 0 : i32
      %dma_start3A_2009 = arith.constant 0 : i32
      %dma_start3A_2010 = tpu.memref_slice %arg22[%dma_start3A_2008, %dma_start3A_2009] : memref<10240x128xf32, #tpu.memory_space<vmem_shared>> -> memref<10240x128xf32, #tpu.memory_space<vmem_shared>>
      tpu.enqueue_indirect_dma source(%arg19 : memref<64x128xf32, #tpu.memory_space<vmem>>) target(%dma_start3A_2010 : memref<10240x128xf32, #tpu.memory_space<vmem_shared>>) offsets(%arg13 : memref<64xi32, #tpu.memory_space<vmem>>) semaphore(%arg27 : memref<!tpu.dma_semaphore, #tpu.memory_space<semaphore_mem>>) {add = true}
      %dma_start3A_2011 = arith.constant 0 : i32
      %dma_start3A_2012 = arith.constant 0 : i32
      %dma_start3A_2013 = tpu.memref_slice %arg23[%dma_start3A_2011, %dma_start3A_2012] : memref<80x128xf32, #tpu.memory_space<vmem_shared>> -> memref<80x128xf32, #tpu.memory_space<vmem_shared>>
      tpu.enqueue_indirect_dma source(%arg21 : memref<64x128xf32, #tpu.memory_space<vmem>>) target(%dma_start3A_2013 : memref<80x128xf32, #tpu.memory_space<vmem_shared>>) offsets(%arg17 : memref<64xi32, #tpu.memory_space<vmem>>) semaphore(%arg28 : memref<!tpu.dma_semaphore, #tpu.memory_space<semaphore_mem>>) {add = true}
      %dma_wait3A_2014 = arith.constant 0 : i32
      %dma_wait3A_2015 = arith.constant 0 : i32
      %dma_wait3A_2016 = tpu.memref_slice %arg2[%dma_wait3A_2014, %dma_wait3A_2015] : memref<10240x128xf32, #tpu.memory_space<hbm>> -> memref<10240x128xf32, #tpu.memory_space<hbm>>
      tpu.wait_indirect_dma semaphore(%arg25 : memref<!tpu.dma_semaphore, #tpu.memory_space<semaphore_mem>>) src(%dma_wait3A_2016 : memref<10240x128xf32, #tpu.memory_space<hbm>>) dst(%arg18 : memref<64x128xf32, #tpu.memory_space<vmem>>)
      %dma_wait3A_2017 = arith.constant 0 : i32
      %dma_wait3A_2018 = arith.constant 0 : i32
      %dma_wait3A_2019 = tpu.memref_slice %arg24[%dma_wait3A_2017, %dma_wait3A_2018] : memref<128x128xf32, #tpu.memory_space<vmem_shared>> -> memref<128x128xf32, #tpu.memory_space<vmem_shared>>
      tpu.wait_indirect_dma semaphore(%arg26 : memref<!tpu.dma_semaphore, #tpu.memory_space<semaphore_mem>>) src(%dma_wait3A_2019 : memref<128x128xf32, #tpu.memory_space<vmem_shared>>) dst(%arg20 : memref<64x128xf32, #tpu.memory_space<vmem>>)
      %dma_wait3A_2020 = arith.constant 0 : i32
      %dma_wait3A_2021 = arith.constant 0 : i32
      %dma_wait3A_2022 = tpu.memref_slice %arg22[%dma_wait3A_2020, %dma_wait3A_2021] : memref<10240x128xf32, #tpu.memory_space<vmem_shared>> -> memref<10240x128xf32, #tpu.memory_space<vmem_shared>>
      tpu.wait_indirect_dma semaphore(%arg27 : memref<!tpu.dma_semaphore, #tpu.memory_space<semaphore_mem>>) src(%arg19 : memref<64x128xf32, #tpu.memory_space<vmem>>) dst(%dma_wait3A_2022 : memref<10240x128xf32, #tpu.memory_space<vmem_shared>>)
      %dma_wait3A_2023 = arith.constant 0 : i32
      %dma_wait3A_2024 = arith.constant 0 : i32
      %dma_wait3A_2025 = tpu.memref_slice %arg23[%dma_wait3A_2023, %dma_wait3A_2024] : memref<80x128xf32, #tpu.memory_space<vmem_shared>> -> memref<80x128xf32, #tpu.memory_space<vmem_shared>>
      tpu.wait_indirect_dma semaphore(%arg28 : memref<!tpu.dma_semaphore, #tpu.memory_space<semaphore_mem>>) src(%arg21 : memref<64x128xf32, #tpu.memory_space<vmem>>) dst(%dma_wait3A_2025 : memref<80x128xf32, #tpu.memory_space<vmem_shared>>)
      %get3A_2026 = arith.constant 6 : i32
      %get3A_2027 = arith.index_cast %get3A_2026 : i32 to index
      %get3A_2028 = arith.constant 64 : index
      %get3A_2029 = tpu.vector_load %arg8[%get3A_2027, %get3A_2028] {strides = array<i32>} : memref<8x128xi32, #tpu.memory_space<vmem>>, vector<1x16xi32>,
      %get3A_2030 = vector.shape_cast %get3A_2029 : vector<1x16xi32> to vector<16xi32>
      %swap3A_2031 = arith.constant 0 : index
      %swap3A_2032 = tpu.vector_load %arg11[%swap3A_2031] {strides = array<i32>} : memref<64xi32, #tpu.memory_space<vmem>>, vector<16xi32>,
      %swap3A_2033 = vector.shape_cast %swap3A_2032 : vector<16xi32> to vector<16xi32>
      %swap3A_2034 = vector.shape_cast %get3A_2030 : vector<16xi32> to vector<16xi32>
      tpu.vector_store %arg11[%swap3A_2031], %swap3A_2034 {strides = array<i32>} : memref<64xi32, #tpu.memory_space<vmem>>, vector<16xi32>,
      %get3A_2035 = arith.constant 6 : i32
      %get3A_2036 = arith.index_cast %get3A_2035 : i32 to index
      %get3A_2037 = arith.constant 64 : index
      %get3A_2038 = tpu.vector_load %arg9[%get3A_2036, %get3A_2037] {strides = array<i32>} : memref<8x128xi32, #tpu.memory_space<vmem>>, vector<1x16xi32>,
      %get3A_2039 = vector.shape_cast %get3A_2038 : vector<1x16xi32> to vector<16xi32>
      %swap3A_2040 = arith.constant 0 : index
      %swap3A_2041 = tpu.vector_load %arg13[%swap3A_2040] {strides = array<i32>} : memref<64xi32, #tpu.memory_space<vmem>>, vector<16xi32>,
      %swap3A_2042 = vector.shape_cast %swap3A_2041 : vector<16xi32> to vector<16xi32>
      %swap3A_2043 = vector.shape_cast %get3A_2039 : vector<16xi32> to vector<16xi32>
      tpu.vector_store %arg13[%swap3A_2040], %swap3A_2043 {strides = array<i32>} : memref<64xi32, #tpu.memory_space<vmem>>, vector<16xi32>,
      %rem3A_2044 = arith.constant 128 : i32
      %rem3A_2045 = vector.broadcast %rem3A_2044 : i32 to vector<16xi32>
      %rem3A_2046 = arith.remsi %get3A_2039, %rem3A_2045 : vector<16xi32>
      %swap3A_2047 = arith.constant 0 : index
      %swap3A_2048 = tpu.vector_load %arg15[%swap3A_2047] {strides = array<i32>} : memref<64xi32, #tpu.memory_space<vmem>>, vector<16xi32>,
      %swap3A_2049 = vector.shape_cast %swap3A_2048 : vector<16xi32> to vector<16xi32>
      %swap3A_2050 = vector.shape_cast %rem3A_2046 : vector<16xi32> to vector<16xi32>
      tpu.vector_store %arg15[%swap3A_2047], %swap3A_2050 {strides = array<i32>} : memref<64xi32, #tpu.memory_space<vmem>>, vector<16xi32>,
      %div3A_2051 = arith.constant 128 : i32
      %div3A_2052 = vector.broadcast %div3A_2051 : i32 to vector<16xi32>
      %div3A_2053 = arith.divsi %get3A_2039, %div3A_2052 : vector<16xi32>
      %swap3A_2054 = arith.constant 0 : index
      %swap3A_2055 = tpu.vector_load %arg17[%swap3A_2054] {strides = array<i32>} : memref<64xi32, #tpu.memory_space<vmem>>, vector<16xi32>,
      %swap3A_2056 = vector.shape_cast %swap3A_2055 : vector<16xi32> to vector<16xi32>
      %swap3A_2057 = vector.shape_cast %div3A_2053 : vector<16xi32> to vector<16xi32>
      tpu.vector_store %arg17[%swap3A_2054], %swap3A_2057 {strides = array<i32>} : memref<64xi32, #tpu.memory_space<vmem>>, vector<16xi32>,
      %get3A_2058 = arith.constant 6 : i32
      %get3A_2059 = arith.index_cast %get3A_2058 : i32 to index
      %get3A_2060 = arith.constant 80 : index
      %get3A_2061 = tpu.vector_load %arg8[%get3A_2059, %get3A_2060] {strides = array<i32>} : memref<8x128xi32, #tpu.memory_space<vmem>>, vector<1x16xi32>,
      %get3A_2062 = vector.shape_cast %get3A_2061 : vector<1x16xi32> to vector<16xi32>
      %swap3A_2063 = arith.constant 16 : index
      %swap3A_2064 = tpu.vector_load %arg11[%swap3A_2063] {strides = array<i32>} : memref<64xi32, #tpu.memory_space<vmem>>, vector<16xi32>,
      %swap3A_2065 = vector.shape_cast %swap3A_2064 : vector<16xi32> to vector<16xi32>
      %swap3A_2066 = vector.shape_cast %get3A_2062 : vector<16xi32> to vector<16xi32>
      tpu.vector_store %arg11[%swap3A_2063], %swap3A_2066 {strides = array<i32>} : memref<64xi32, #tpu.memory_space<vmem>>, vector<16xi32>,
      %get3A_2067 = arith.constant 6 : i32
      %get3A_2068 = arith.index_cast %get3A_2067 : i32 to index
      %get3A_2069 = arith.constant 80 : index
      %get3A_2070 = tpu.vector_load %arg9[%get3A_2068, %get3A_2069] {strides = array<i32>} : memref<8x128xi32, #tpu.memory_space<vmem>>, vector<1x16xi32>,
      %get3A_2071 = vector.shape_cast %get3A_2070 : vector<1x16xi32> to vector<16xi32>
      %swap3A_2072 = arith.constant 16 : index
      %swap3A_2073 = tpu.vector_load %arg13[%swap3A_2072] {strides = array<i32>} : memref<64xi32, #tpu.memory_space<vmem>>, vector<16xi32>,
      %swap3A_2074 = vector.shape_cast %swap3A_2073 : vector<16xi32> to vector<16xi32>
      %swap3A_2075 = vector.shape_cast %get3A_2071 : vector<16xi32> to vector<16xi32>
      tpu.vector_store %arg13[%swap3A_2072], %swap3A_2075 {strides = array<i32>} : memref<64xi32, #tpu.memory_space<vmem>>, vector<16xi32>,
      %rem3A_2076 = arith.constant 128 : i32
      %rem3A_2077 = vector.broadcast %rem3A_2076 : i32 to vector<16xi32>
      %rem3A_2078 = arith.remsi %get3A_2071, %rem3A_2077 : vector<16xi32>
      %swap3A_2079 = arith.constant 16 : index
      %swap3A_2080 = tpu.vector_load %arg15[%swap3A_2079] {strides = array<i32>} : memref<64xi32, #tpu.memory_space<vmem>>, vector<16xi32>,
      %swap3A_2081 = vector.shape_cast %swap3A_2080 : vector<16xi32> to vector<16xi32>
      %swap3A_2082 = vector.shape_cast %rem3A_2078 : vector<16xi32> to vector<16xi32>
      tpu.vector_store %arg15[%swap3A_2079], %swap3A_2082 {strides = array<i32>} : memref<64xi32, #tpu.memory_space<vmem>>, vector<16xi32>,
      %div3A_2083 = arith.constant 128 : i32
      %div3A_2084 = vector.broadcast %div3A_2083 : i32 to vector<16xi32>
      %div3A_2085 = arith.divsi %get3A_2071, %div3A_2084 : vector<16xi32>
      %swap3A_2086 = arith.constant 16 : index
      %swap3A_2087 = tpu.vector_load %arg17[%swap3A_2086] {strides = array<i32>} : memref<64xi32, #tpu.memory_space<vmem>>, vector<16xi32>,
      %swap3A_2088 = vector.shape_cast %swap3A_2087 : vector<16xi32> to vector<16xi32>
      %swap3A_2089 = vector.shape_cast %div3A_2085 : vector<16xi32> to vector<16xi32>
      tpu.vector_store %arg17[%swap3A_2086], %swap3A_2089 {strides = array<i32>} : memref<64xi32, #tpu.memory_space<vmem>>, vector<16xi32>,
      %get3A_2090 = arith.constant 6 : i32
      %get3A_2091 = arith.index_cast %get3A_2090 : i32 to index
      %get3A_2092 = arith.constant 96 : index
      %get3A_2093 = tpu.vector_load %arg8[%get3A_2091, %get3A_2092] {strides = array<i32>} : memref<8x128xi32, #tpu.memory_space<vmem>>, vector<1x16xi32>,
      %get3A_2094 = vector.shape_cast %get3A_2093 : vector<1x16xi32> to vector<16xi32>
      %swap3A_2095 = arith.constant 32 : index
      %swap3A_2096 = tpu.vector_load %arg11[%swap3A_2095] {strides = array<i32>} : memref<64xi32, #tpu.memory_space<vmem>>, vector<16xi32>,
      %swap3A_2097 = vector.shape_cast %swap3A_2096 : vector<16xi32> to vector<16xi32>
      %swap3A_2098 = vector.shape_cast %get3A_2094 : vector<16xi32> to vector<16xi32>
      tpu.vector_store %arg11[%swap3A_2095], %swap3A_2098 {strides = array<i32>} : memref<64xi32, #tpu.memory_space<vmem>>, vector<16xi32>,
      %get3A_2099 = arith.constant 6 : i32
      %get3A_2100 = arith.index_cast %get3A_2099 : i32 to index
      %get3A_2101 = arith.constant 96 : index
      %get3A_2102 = tpu.vector_load %arg9[%get3A_2100, %get3A_2101] {strides = array<i32>} : memref<8x128xi32, #tpu.memory_space<vmem>>, vector<1x16xi32>,
      %get3A_2103 = vector.shape_cast %get3A_2102 : vector<1x16xi32> to vector<16xi32>
      %swap3A_2104 = arith.constant 32 : index
      %swap3A_2105 = tpu.vector_load %arg13[%swap3A_2104] {strides = array<i32>} : memref<64xi32, #tpu.memory_space<vmem>>, vector<16xi32>,
      %swap3A_2106 = vector.shape_cast %swap3A_2105 : vector<16xi32> to vector<16xi32>
      %swap3A_2107 = vector.shape_cast %get3A_2103 : vector<16xi32> to vector<16xi32>
      tpu.vector_store %arg13[%swap3A_2104], %swap3A_2107 {strides = array<i32>} : memref<64xi32, #tpu.memory_space<vmem>>, vector<16xi32>,
      %rem3A_2108 = arith.constant 128 : i32
      %rem3A_2109 = vector.broadcast %rem3A_2108 : i32 to vector<16xi32>
      %rem3A_2110 = arith.remsi %get3A_2103, %rem3A_2109 : vector<16xi32>
      %swap3A_2111 = arith.constant 32 : index
      %swap3A_2112 = tpu.vector_load %arg15[%swap3A_2111] {strides = array<i32>} : memref<64xi32, #tpu.memory_space<vmem>>, vector<16xi32>,
      %swap3A_2113 = vector.shape_cast %swap3A_2112 : vector<16xi32> to vector<16xi32>
      %swap3A_2114 = vector.shape_cast %rem3A_2110 : vector<16xi32> to vector<16xi32>
      tpu.vector_store %arg15[%swap3A_2111], %swap3A_2114 {strides = array<i32>} : memref<64xi32, #tpu.memory_space<vmem>>, vector<16xi32>,
      %div3A_2115 = arith.constant 128 : i32
      %div3A_2116 = vector.broadcast %div3A_2115 : i32 to vector<16xi32>
      %div3A_2117 = arith.divsi %get3A_2103, %div3A_2116 : vector<16xi32>
      %swap3A_2118 = arith.constant 32 : index
      %swap3A_2119 = tpu.vector_load %arg17[%swap3A_2118] {strides = array<i32>} : memref<64xi32, #tpu.memory_space<vmem>>, vector<16xi32>,
      %swap3A_2120 = vector.shape_cast %swap3A_2119 : vector<16xi32> to vector<16xi32>
      %swap3A_2121 = vector.shape_cast %div3A_2117 : vector<16xi32> to vector<16xi32>
      tpu.vector_store %arg17[%swap3A_2118], %swap3A_2121 {strides = array<i32>} : memref<64xi32, #tpu.memory_space<vmem>>, vector<16xi32>,
      %get3A_2122 = arith.constant 6 : i32
      %get3A_2123 = arith.index_cast %get3A_2122 : i32 to index
      %get3A_2124 = arith.constant 112 : index
      %get3A_2125 = tpu.vector_load %arg8[%get3A_2123, %get3A_2124] {strides = array<i32>} : memref<8x128xi32, #tpu.memory_space<vmem>>, vector<1x16xi32>,
      %get3A_2126 = vector.shape_cast %get3A_2125 : vector<1x16xi32> to vector<16xi32>
      %swap3A_2127 = arith.constant 48 : index
      %swap3A_2128 = tpu.vector_load %arg11[%swap3A_2127] {strides = array<i32>} : memref<64xi32, #tpu.memory_space<vmem>>, vector<16xi32>,
      %swap3A_2129 = vector.shape_cast %swap3A_2128 : vector<16xi32> to vector<16xi32>
      %swap3A_2130 = vector.shape_cast %get3A_2126 : vector<16xi32> to vector<16xi32>
      tpu.vector_store %arg11[%swap3A_2127], %swap3A_2130 {strides = array<i32>} : memref<64xi32, #tpu.memory_space<vmem>>, vector<16xi32>,
      %get3A_2131 = arith.constant 6 : i32
      %get3A_2132 = arith.index_cast %get3A_2131 : i32 to index
      %get3A_2133 = arith.constant 112 : index
      %get3A_2134 = tpu.vector_load %arg9[%get3A_2132, %get3A_2133] {strides = array<i32>} : memref<8x128xi32, #tpu.memory_space<vmem>>, vector<1x16xi32>,
      %get3A_2135 = vector.shape_cast %get3A_2134 : vector<1x16xi32> to vector<16xi32>
      %swap3A_2136 = arith.constant 48 : index
      %swap3A_2137 = tpu.vector_load %arg13[%swap3A_2136] {strides = array<i32>} : memref<64xi32, #tpu.memory_space<vmem>>, vector<16xi32>,
      %swap3A_2138 = vector.shape_cast %swap3A_2137 : vector<16xi32> to vector<16xi32>
      %swap3A_2139 = vector.shape_cast %get3A_2135 : vector<16xi32> to vector<16xi32>
      tpu.vector_store %arg13[%swap3A_2136], %swap3A_2139 {strides = array<i32>} : memref<64xi32, #tpu.memory_space<vmem>>, vector<16xi32>,
      %rem3A_2140 = arith.constant 128 : i32
      %rem3A_2141 = vector.broadcast %rem3A_2140 : i32 to vector<16xi32>
      %rem3A_2142 = arith.remsi %get3A_2135, %rem3A_2141 : vector<16xi32>
      %swap3A_2143 = arith.constant 48 : index
      %swap3A_2144 = tpu.vector_load %arg15[%swap3A_2143] {strides = array<i32>} : memref<64xi32, #tpu.memory_space<vmem>>, vector<16xi32>,
      %swap3A_2145 = vector.shape_cast %swap3A_2144 : vector<16xi32> to vector<16xi32>
      %swap3A_2146 = vector.shape_cast %rem3A_2142 : vector<16xi32> to vector<16xi32>
      tpu.vector_store %arg15[%swap3A_2143], %swap3A_2146 {strides = array<i32>} : memref<64xi32, #tpu.memory_space<vmem>>, vector<16xi32>,
      %div3A_2147 = arith.constant 128 : i32
      %div3A_2148 = vector.broadcast %div3A_2147 : i32 to vector<16xi32>
      %div3A_2149 = arith.divsi %get3A_2135, %div3A_2148 : vector<16xi32>
      %swap3A_2150 = arith.constant 48 : index
      %swap3A_2151 = tpu.vector_load %arg17[%swap3A_2150] {strides = array<i32>} : memref<64xi32, #tpu.memory_space<vmem>>, vector<16xi32>,
      %swap3A_2152 = vector.shape_cast %swap3A_2151 : vector<16xi32> to vector<16xi32>
      %swap3A_2153 = vector.shape_cast %div3A_2149 : vector<16xi32> to vector<16xi32>
      tpu.vector_store %arg17[%swap3A_2150], %swap3A_2153 {strides = array<i32>} : memref<64xi32, #tpu.memory_space<vmem>>, vector<16xi32>,
      %dma_start3A_2154 = arith.constant 0 : i32
      %dma_start3A_2155 = arith.constant 0 : i32
      %dma_start3A_2156 = tpu.memref_slice %arg2[%dma_start3A_2154, %dma_start3A_2155] : memref<10240x128xf32, #tpu.memory_space<hbm>> -> memref<10240x128xf32, #tpu.memory_space<hbm>>
      tpu.enqueue_indirect_dma source(%dma_start3A_2156 : memref<10240x128xf32, #tpu.memory_space<hbm>>) target(%arg19 : memref<64x128xf32, #tpu.memory_space<vmem>>) offsets(%arg11 : memref<64xi32, #tpu.memory_space<vmem>>) semaphore(%arg25 : memref<!tpu.dma_semaphore, #tpu.memory_space<semaphore_mem>>)
      %dma_start3A_2157 = arith.constant 0 : i32
      %dma_start3A_2158 = arith.constant 0 : i32
      %dma_start3A_2159 = tpu.memref_slice %arg24[%dma_start3A_2157, %dma_start3A_2158] : memref<128x128xf32, #tpu.memory_space<vmem_shared>> -> memref<128x128xf32, #tpu.memory_space<vmem_shared>>
      tpu.enqueue_indirect_dma source(%dma_start3A_2159 : memref<128x128xf32, #tpu.memory_space<vmem_shared>>) target(%arg21 : memref<64x128xf32, #tpu.memory_space<vmem>>) offsets(%arg15 : memref<64xi32, #tpu.memory_space<vmem>>) semaphore(%arg26 : memref<!tpu.dma_semaphore, #tpu.memory_space<semaphore_mem>>)
      %dma_start3A_2160 = arith.constant 0 : i32
      %dma_start3A_2161 = arith.constant 0 : i32
      %dma_start3A_2162 = tpu.memref_slice %arg22[%dma_start3A_2160, %dma_start3A_2161] : memref<10240x128xf32, #tpu.memory_space<vmem_shared>> -> memref<10240x128xf32, #tpu.memory_space<vmem_shared>>
      tpu.enqueue_indirect_dma source(%arg18 : memref<64x128xf32, #tpu.memory_space<vmem>>) target(%dma_start3A_2162 : memref<10240x128xf32, #tpu.memory_space<vmem_shared>>) offsets(%arg12 : memref<64xi32, #tpu.memory_space<vmem>>) semaphore(%arg27 : memref<!tpu.dma_semaphore, #tpu.memory_space<semaphore_mem>>) {add = true}
      %dma_start3A_2163 = arith.constant 0 : i32
      %dma_start3A_2164 = arith.constant 0 : i32
      %dma_start3A_2165 = tpu.memref_slice %arg23[%dma_start3A_2163, %dma_start3A_2164] : memref<80x128xf32, #tpu.memory_space<vmem_shared>> -> memref<80x128xf32, #tpu.memory_space<vmem_shared>>
      tpu.enqueue_indirect_dma source(%arg20 : memref<64x128xf32, #tpu.memory_space<vmem>>) target(%dma_start3A_2165 : memref<80x128xf32, #tpu.memory_space<vmem_shared>>) offsets(%arg16 : memref<64xi32, #tpu.memory_space<vmem>>) semaphore(%arg28 : memref<!tpu.dma_semaphore, #tpu.memory_space<semaphore_mem>>) {add = true}
      %dma_wait3A_2166 = arith.constant 0 : i32
      %dma_wait3A_2167 = arith.constant 0 : i32
      %dma_wait3A_2168 = tpu.memref_slice %arg2[%dma_wait3A_2166, %dma_wait3A_2167] : memref<10240x128xf32, #tpu.memory_space<hbm>> -> memref<10240x128xf32, #tpu.memory_space<hbm>>
      tpu.wait_indirect_dma semaphore(%arg25 : memref<!tpu.dma_semaphore, #tpu.memory_space<semaphore_mem>>) src(%dma_wait3A_2168 : memref<10240x128xf32, #tpu.memory_space<hbm>>) dst(%arg19 : memref<64x128xf32, #tpu.memory_space<vmem>>)
      %dma_wait3A_2169 = arith.constant 0 : i32
      %dma_wait3A_2170 = arith.constant 0 : i32
      %dma_wait3A_2171 = tpu.memref_slice %arg24[%dma_wait3A_2169, %dma_wait3A_2170] : memref<128x128xf32, #tpu.memory_space<vmem_shared>> -> memref<128x128xf32, #tpu.memory_space<vmem_shared>>
      tpu.wait_indirect_dma semaphore(%arg26 : memref<!tpu.dma_semaphore, #tpu.memory_space<semaphore_mem>>) src(%dma_wait3A_2171 : memref<128x128xf32, #tpu.memory_space<vmem_shared>>) dst(%arg21 : memref<64x128xf32, #tpu.memory_space<vmem>>)
      %dma_wait3A_2172 = arith.constant 0 : i32
      %dma_wait3A_2173 = arith.constant 0 : i32
      %dma_wait3A_2174 = tpu.memref_slice %arg22[%dma_wait3A_2172, %dma_wait3A_2173] : memref<10240x128xf32, #tpu.memory_space<vmem_shared>> -> memref<10240x128xf32, #tpu.memory_space<vmem_shared>>
      tpu.wait_indirect_dma semaphore(%arg27 : memref<!tpu.dma_semaphore, #tpu.memory_space<semaphore_mem>>) src(%arg18 : memref<64x128xf32, #tpu.memory_space<vmem>>) dst(%dma_wait3A_2174 : memref<10240x128xf32, #tpu.memory_space<vmem_shared>>)
      %dma_wait3A_2175 = arith.constant 0 : i32
      %dma_wait3A_2176 = arith.constant 0 : i32
      %dma_wait3A_2177 = tpu.memref_slice %arg23[%dma_wait3A_2175, %dma_wait3A_2176] : memref<80x128xf32, #tpu.memory_space<vmem_shared>> -> memref<80x128xf32, #tpu.memory_space<vmem_shared>>
      tpu.wait_indirect_dma semaphore(%arg28 : memref<!tpu.dma_semaphore, #tpu.memory_space<semaphore_mem>>) src(%arg20 : memref<64x128xf32, #tpu.memory_space<vmem>>) dst(%dma_wait3A_2177 : memref<80x128xf32, #tpu.memory_space<vmem_shared>>)
      %get3A_2178 = arith.constant 7 : i32
      %get3A_2179 = arith.index_cast %get3A_2178 : i32 to index
      %get3A_2180 = arith.constant 0 : index
      %get3A_2181 = tpu.vector_load %arg8[%get3A_2179, %get3A_2180] {strides = array<i32>} : memref<8x128xi32, #tpu.memory_space<vmem>>, vector<1x16xi32>,
      %get3A_2182 = vector.shape_cast %get3A_2181 : vector<1x16xi32> to vector<16xi32>
      %swap3A_2183 = arith.constant 0 : index
      %swap3A_2184 = tpu.vector_load %arg10[%swap3A_2183] {strides = array<i32>} : memref<64xi32, #tpu.memory_space<vmem>>, vector<16xi32>,
      %swap3A_2185 = vector.shape_cast %swap3A_2184 : vector<16xi32> to vector<16xi32>
      %swap3A_2186 = vector.shape_cast %get3A_2182 : vector<16xi32> to vector<16xi32>
      tpu.vector_store %arg10[%swap3A_2183], %swap3A_2186 {strides = array<i32>} : memref<64xi32, #tpu.memory_space<vmem>>, vector<16xi32>,
      %get3A_2187 = arith.constant 7 : i32
      %get3A_2188 = arith.index_cast %get3A_2187 : i32 to index
      %get3A_2189 = arith.constant 0 : index
      %get3A_2190 = tpu.vector_load %arg9[%get3A_2188, %get3A_2189] {strides = array<i32>} : memref<8x128xi32, #tpu.memory_space<vmem>>, vector<1x16xi32>,
      %get3A_2191 = vector.shape_cast %get3A_2190 : vector<1x16xi32> to vector<16xi32>
      %swap3A_2192 = arith.constant 0 : index
      %swap3A_2193 = tpu.vector_load %arg12[%swap3A_2192] {strides = array<i32>} : memref<64xi32, #tpu.memory_space<vmem>>, vector<16xi32>,
      %swap3A_2194 = vector.shape_cast %swap3A_2193 : vector<16xi32> to vector<16xi32>
      %swap3A_2195 = vector.shape_cast %get3A_2191 : vector<16xi32> to vector<16xi32>
      tpu.vector_store %arg12[%swap3A_2192], %swap3A_2195 {strides = array<i32>} : memref<64xi32, #tpu.memory_space<vmem>>, vector<16xi32>,
      %rem3A_2196 = arith.constant 128 : i32
      %rem3A_2197 = vector.broadcast %rem3A_2196 : i32 to vector<16xi32>
      %rem3A_2198 = arith.remsi %get3A_2191, %rem3A_2197 : vector<16xi32>
      %swap3A_2199 = arith.constant 0 : index
      %swap3A_2200 = tpu.vector_load %arg14[%swap3A_2199] {strides = array<i32>} : memref<64xi32, #tpu.memory_space<vmem>>, vector<16xi32>,
      %swap3A_2201 = vector.shape_cast %swap3A_2200 : vector<16xi32> to vector<16xi32>
      %swap3A_2202 = vector.shape_cast %rem3A_2198 : vector<16xi32> to vector<16xi32>
      tpu.vector_store %arg14[%swap3A_2199], %swap3A_2202 {strides = array<i32>} : memref<64xi32, #tpu.memory_space<vmem>>, vector<16xi32>,
      %div3A_2203 = arith.constant 128 : i32
      %div3A_2204 = vector.broadcast %div3A_2203 : i32 to vector<16xi32>
      %div3A_2205 = arith.divsi %get3A_2191, %div3A_2204 : vector<16xi32>
      %swap3A_2206 = arith.constant 0 : index
      %swap3A_2207 = tpu.vector_load %arg16[%swap3A_2206] {strides = array<i32>} : memref<64xi32, #tpu.memory_space<vmem>>, vector<16xi32>,
      %swap3A_2208 = vector.shape_cast %swap3A_2207 : vector<16xi32> to vector<16xi32>
      %swap3A_2209 = vector.shape_cast %div3A_2205 : vector<16xi32> to vector<16xi32>
      tpu.vector_store %arg16[%swap3A_2206], %swap3A_2209 {strides = array<i32>} : memref<64xi32, #tpu.memory_space<vmem>>, vector<16xi32>,
      %get3A_2210 = arith.constant 7 : i32
      %get3A_2211 = arith.index_cast %get3A_2210 : i32 to index
      %get3A_2212 = arith.constant 16 : index
      %get3A_2213 = tpu.vector_load %arg8[%get3A_2211, %get3A_2212] {strides = array<i32>} : memref<8x128xi32, #tpu.memory_space<vmem>>, vector<1x16xi32>,
      %get3A_2214 = vector.shape_cast %get3A_2213 : vector<1x16xi32> to vector<16xi32>
      %swap3A_2215 = arith.constant 16 : index
      %swap3A_2216 = tpu.vector_load %arg10[%swap3A_2215] {strides = array<i32>} : memref<64xi32, #tpu.memory_space<vmem>>, vector<16xi32>,
      %swap3A_2217 = vector.shape_cast %swap3A_2216 : vector<16xi32> to vector<16xi32>
      %swap3A_2218 = vector.shape_cast %get3A_2214 : vector<16xi32> to vector<16xi32>
      tpu.vector_store %arg10[%swap3A_2215], %swap3A_2218 {strides = array<i32>} : memref<64xi32, #tpu.memory_space<vmem>>, vector<16xi32>,
      %get3A_2219 = arith.constant 7 : i32
      %get3A_2220 = arith.index_cast %get3A_2219 : i32 to index
      %get3A_2221 = arith.constant 16 : index
      %get3A_2222 = tpu.vector_load %arg9[%get3A_2220, %get3A_2221] {strides = array<i32>} : memref<8x128xi32, #tpu.memory_space<vmem>>, vector<1x16xi32>,
      %get3A_2223 = vector.shape_cast %get3A_2222 : vector<1x16xi32> to vector<16xi32>
      %swap3A_2224 = arith.constant 16 : index
      %swap3A_2225 = tpu.vector_load %arg12[%swap3A_2224] {strides = array<i32>} : memref<64xi32, #tpu.memory_space<vmem>>, vector<16xi32>,
      %swap3A_2226 = vector.shape_cast %swap3A_2225 : vector<16xi32> to vector<16xi32>
      %swap3A_2227 = vector.shape_cast %get3A_2223 : vector<16xi32> to vector<16xi32>
      tpu.vector_store %arg12[%swap3A_2224], %swap3A_2227 {strides = array<i32>} : memref<64xi32, #tpu.memory_space<vmem>>, vector<16xi32>,
      %rem3A_2228 = arith.constant 128 : i32
      %rem3A_2229 = vector.broadcast %rem3A_2228 : i32 to vector<16xi32>
      %rem3A_2230 = arith.remsi %get3A_2223, %rem3A_2229 : vector<16xi32>
      %swap3A_2231 = arith.constant 16 : index
      %swap3A_2232 = tpu.vector_load %arg14[%swap3A_2231] {strides = array<i32>} : memref<64xi32, #tpu.memory_space<vmem>>, vector<16xi32>,
      %swap3A_2233 = vector.shape_cast %swap3A_2232 : vector<16xi32> to vector<16xi32>
      %swap3A_2234 = vector.shape_cast %rem3A_2230 : vector<16xi32> to vector<16xi32>
      tpu.vector_store %arg14[%swap3A_2231], %swap3A_2234 {strides = array<i32>} : memref<64xi32, #tpu.memory_space<vmem>>, vector<16xi32>,
      %div3A_2235 = arith.constant 128 : i32
      %div3A_2236 = vector.broadcast %div3A_2235 : i32 to vector<16xi32>
      %div3A_2237 = arith.divsi %get3A_2223, %div3A_2236 : vector<16xi32>
      %swap3A_2238 = arith.constant 16 : index
      %swap3A_2239 = tpu.vector_load %arg16[%swap3A_2238] {strides = array<i32>} : memref<64xi32, #tpu.memory_space<vmem>>, vector<16xi32>,
      %swap3A_2240 = vector.shape_cast %swap3A_2239 : vector<16xi32> to vector<16xi32>
      %swap3A_2241 = vector.shape_cast %div3A_2237 : vector<16xi32> to vector<16xi32>
      tpu.vector_store %arg16[%swap3A_2238], %swap3A_2241 {strides = array<i32>} : memref<64xi32, #tpu.memory_space<vmem>>, vector<16xi32>,
      %get3A_2242 = arith.constant 7 : i32
      %get3A_2243 = arith.index_cast %get3A_2242 : i32 to index
      %get3A_2244 = arith.constant 32 : index
      %get3A_2245 = tpu.vector_load %arg8[%get3A_2243, %get3A_2244] {strides = array<i32>} : memref<8x128xi32, #tpu.memory_space<vmem>>, vector<1x16xi32>,
      %get3A_2246 = vector.shape_cast %get3A_2245 : vector<1x16xi32> to vector<16xi32>
      %swap3A_2247 = arith.constant 32 : index
      %swap3A_2248 = tpu.vector_load %arg10[%swap3A_2247] {strides = array<i32>} : memref<64xi32, #tpu.memory_space<vmem>>, vector<16xi32>,
      %swap3A_2249 = vector.shape_cast %swap3A_2248 : vector<16xi32> to vector<16xi32>
      %swap3A_2250 = vector.shape_cast %get3A_2246 : vector<16xi32> to vector<16xi32>
      tpu.vector_store %arg10[%swap3A_2247], %swap3A_2250 {strides = array<i32>} : memref<64xi32, #tpu.memory_space<vmem>>, vector<16xi32>,
      %get3A_2251 = arith.constant 7 : i32
      %get3A_2252 = arith.index_cast %get3A_2251 : i32 to index
      %get3A_2253 = arith.constant 32 : index
      %get3A_2254 = tpu.vector_load %arg9[%get3A_2252, %get3A_2253] {strides = array<i32>} : memref<8x128xi32, #tpu.memory_space<vmem>>, vector<1x16xi32>,
      %get3A_2255 = vector.shape_cast %get3A_2254 : vector<1x16xi32> to vector<16xi32>
      %swap3A_2256 = arith.constant 32 : index
      %swap3A_2257 = tpu.vector_load %arg12[%swap3A_2256] {strides = array<i32>} : memref<64xi32, #tpu.memory_space<vmem>>, vector<16xi32>,
      %swap3A_2258 = vector.shape_cast %swap3A_2257 : vector<16xi32> to vector<16xi32>
      %swap3A_2259 = vector.shape_cast %get3A_2255 : vector<16xi32> to vector<16xi32>
      tpu.vector_store %arg12[%swap3A_2256], %swap3A_2259 {strides = array<i32>} : memref<64xi32, #tpu.memory_space<vmem>>, vector<16xi32>,
      %rem3A_2260 = arith.constant 128 : i32
      %rem3A_2261 = vector.broadcast %rem3A_2260 : i32 to vector<16xi32>
      %rem3A_2262 = arith.remsi %get3A_2255, %rem3A_2261 : vector<16xi32>
      %swap3A_2263 = arith.constant 32 : index
      %swap3A_2264 = tpu.vector_load %arg14[%swap3A_2263] {strides = array<i32>} : memref<64xi32, #tpu.memory_space<vmem>>, vector<16xi32>,
      %swap3A_2265 = vector.shape_cast %swap3A_2264 : vector<16xi32> to vector<16xi32>
      %swap3A_2266 = vector.shape_cast %rem3A_2262 : vector<16xi32> to vector<16xi32>
      tpu.vector_store %arg14[%swap3A_2263], %swap3A_2266 {strides = array<i32>} : memref<64xi32, #tpu.memory_space<vmem>>, vector<16xi32>,
      %div3A_2267 = arith.constant 128 : i32
      %div3A_2268 = vector.broadcast %div3A_2267 : i32 to vector<16xi32>
      %div3A_2269 = arith.divsi %get3A_2255, %div3A_2268 : vector<16xi32>
      %swap3A_2270 = arith.constant 32 : index
      %swap3A_2271 = tpu.vector_load %arg16[%swap3A_2270] {strides = array<i32>} : memref<64xi32, #tpu.memory_space<vmem>>, vector<16xi32>,
      %swap3A_2272 = vector.shape_cast %swap3A_2271 : vector<16xi32> to vector<16xi32>
      %swap3A_2273 = vector.shape_cast %div3A_2269 : vector<16xi32> to vector<16xi32>
      tpu.vector_store %arg16[%swap3A_2270], %swap3A_2273 {strides = array<i32>} : memref<64xi32, #tpu.memory_space<vmem>>, vector<16xi32>,
      %get3A_2274 = arith.constant 7 : i32
      %get3A_2275 = arith.index_cast %get3A_2274 : i32 to index
      %get3A_2276 = arith.constant 48 : index
      %get3A_2277 = tpu.vector_load %arg8[%get3A_2275, %get3A_2276] {strides = array<i32>} : memref<8x128xi32, #tpu.memory_space<vmem>>, vector<1x16xi32>,
      %get3A_2278 = vector.shape_cast %get3A_2277 : vector<1x16xi32> to vector<16xi32>
      %swap3A_2279 = arith.constant 48 : index
      %swap3A_2280 = tpu.vector_load %arg10[%swap3A_2279] {strides = array<i32>} : memref<64xi32, #tpu.memory_space<vmem>>, vector<16xi32>,
      %swap3A_2281 = vector.shape_cast %swap3A_2280 : vector<16xi32> to vector<16xi32>
      %swap3A_2282 = vector.shape_cast %get3A_2278 : vector<16xi32> to vector<16xi32>
      tpu.vector_store %arg10[%swap3A_2279], %swap3A_2282 {strides = array<i32>} : memref<64xi32, #tpu.memory_space<vmem>>, vector<16xi32>,
      %get3A_2283 = arith.constant 7 : i32
      %get3A_2284 = arith.index_cast %get3A_2283 : i32 to index
      %get3A_2285 = arith.constant 48 : index
      %get3A_2286 = tpu.vector_load %arg9[%get3A_2284, %get3A_2285] {strides = array<i32>} : memref<8x128xi32, #tpu.memory_space<vmem>>, vector<1x16xi32>,
      %get3A_2287 = vector.shape_cast %get3A_2286 : vector<1x16xi32> to vector<16xi32>
      %swap3A_2288 = arith.constant 48 : index
      %swap3A_2289 = tpu.vector_load %arg12[%swap3A_2288] {strides = array<i32>} : memref<64xi32, #tpu.memory_space<vmem>>, vector<16xi32>,
      %swap3A_2290 = vector.shape_cast %swap3A_2289 : vector<16xi32> to vector<16xi32>
      %swap3A_2291 = vector.shape_cast %get3A_2287 : vector<16xi32> to vector<16xi32>
      tpu.vector_store %arg12[%swap3A_2288], %swap3A_2291 {strides = array<i32>} : memref<64xi32, #tpu.memory_space<vmem>>, vector<16xi32>,
      %rem3A_2292 = arith.constant 128 : i32
      %rem3A_2293 = vector.broadcast %rem3A_2292 : i32 to vector<16xi32>
      %rem3A_2294 = arith.remsi %get3A_2287, %rem3A_2293 : vector<16xi32>
      %swap3A_2295 = arith.constant 48 : index
      %swap3A_2296 = tpu.vector_load %arg14[%swap3A_2295] {strides = array<i32>} : memref<64xi32, #tpu.memory_space<vmem>>, vector<16xi32>,
      %swap3A_2297 = vector.shape_cast %swap3A_2296 : vector<16xi32> to vector<16xi32>
      %swap3A_2298 = vector.shape_cast %rem3A_2294 : vector<16xi32> to vector<16xi32>
      tpu.vector_store %arg14[%swap3A_2295], %swap3A_2298 {strides = array<i32>} : memref<64xi32, #tpu.memory_space<vmem>>, vector<16xi32>,
      %div3A_2299 = arith.constant 128 : i32
      %div3A_2300 = vector.broadcast %div3A_2299 : i32 to vector<16xi32>
      %div3A_2301 = arith.divsi %get3A_2287, %div3A_2300 : vector<16xi32>
      %swap3A_2302 = arith.constant 48 : index
      %swap3A_2303 = tpu.vector_load %arg16[%swap3A_2302] {strides = array<i32>} : memref<64xi32, #tpu.memory_space<vmem>>, vector<16xi32>,
      %swap3A_2304 = vector.shape_cast %swap3A_2303 : vector<16xi32> to vector<16xi32>
      %swap3A_2305 = vector.shape_cast %div3A_2301 : vector<16xi32> to vector<16xi32>
      tpu.vector_store %arg16[%swap3A_2302], %swap3A_2305 {strides = array<i32>} : memref<64xi32, #tpu.memory_space<vmem>>, vector<16xi32>,
      %dma_start3A_2306 = arith.constant 0 : i32
      %dma_start3A_2307 = arith.constant 0 : i32
      %dma_start3A_2308 = tpu.memref_slice %arg2[%dma_start3A_2306, %dma_start3A_2307] : memref<10240x128xf32, #tpu.memory_space<hbm>> -> memref<10240x128xf32, #tpu.memory_space<hbm>>
      tpu.enqueue_indirect_dma source(%dma_start3A_2308 : memref<10240x128xf32, #tpu.memory_space<hbm>>) target(%arg18 : memref<64x128xf32, #tpu.memory_space<vmem>>) offsets(%arg10 : memref<64xi32, #tpu.memory_space<vmem>>) semaphore(%arg25 : memref<!tpu.dma_semaphore, #tpu.memory_space<semaphore_mem>>)
      %dma_start3A_2309 = arith.constant 0 : i32
      %dma_start3A_2310 = arith.constant 0 : i32
      %dma_start3A_2311 = tpu.memref_slice %arg24[%dma_start3A_2309, %dma_start3A_2310] : memref<128x128xf32, #tpu.memory_space<vmem_shared>> -> memref<128x128xf32, #tpu.memory_space<vmem_shared>>
      tpu.enqueue_indirect_dma source(%dma_start3A_2311 : memref<128x128xf32, #tpu.memory_space<vmem_shared>>) target(%arg20 : memref<64x128xf32, #tpu.memory_space<vmem>>) offsets(%arg14 : memref<64xi32, #tpu.memory_space<vmem>>) semaphore(%arg26 : memref<!tpu.dma_semaphore, #tpu.memory_space<semaphore_mem>>)
      %dma_start3A_2312 = arith.constant 0 : i32
      %dma_start3A_2313 = arith.constant 0 : i32
      %dma_start3A_2314 = tpu.memref_slice %arg22[%dma_start3A_2312, %dma_start3A_2313] : memref<10240x128xf32, #tpu.memory_space<vmem_shared>> -> memref<10240x128xf32, #tpu.memory_space<vmem_shared>>
      tpu.enqueue_indirect_dma source(%arg19 : memref<64x128xf32, #tpu.memory_space<vmem>>) target(%dma_start3A_2314 : memref<10240x128xf32, #tpu.memory_space<vmem_shared>>) offsets(%arg13 : memref<64xi32, #tpu.memory_space<vmem>>) semaphore(%arg27 : memref<!tpu.dma_semaphore, #tpu.memory_space<semaphore_mem>>) {add = true}
      %dma_start3A_2315 = arith.constant 0 : i32
      %dma_start3A_2316 = arith.constant 0 : i32
      %dma_start3A_2317 = tpu.memref_slice %arg23[%dma_start3A_2315, %dma_start3A_2316] : memref<80x128xf32, #tpu.memory_space<vmem_shared>> -> memref<80x128xf32, #tpu.memory_space<vmem_shared>>
      tpu.enqueue_indirect_dma source(%arg21 : memref<64x128xf32, #tpu.memory_space<vmem>>) target(%dma_start3A_2317 : memref<80x128xf32, #tpu.memory_space<vmem_shared>>) offsets(%arg17 : memref<64xi32, #tpu.memory_space<vmem>>) semaphore(%arg28 : memref<!tpu.dma_semaphore, #tpu.memory_space<semaphore_mem>>) {add = true}
      %dma_wait3A_2318 = arith.constant 0 : i32
      %dma_wait3A_2319 = arith.constant 0 : i32
      %dma_wait3A_2320 = tpu.memref_slice %arg2[%dma_wait3A_2318, %dma_wait3A_2319] : memref<10240x128xf32, #tpu.memory_space<hbm>> -> memref<10240x128xf32, #tpu.memory_space<hbm>>
      tpu.wait_indirect_dma semaphore(%arg25 : memref<!tpu.dma_semaphore, #tpu.memory_space<semaphore_mem>>) src(%dma_wait3A_2320 : memref<10240x128xf32, #tpu.memory_space<hbm>>) dst(%arg18 : memref<64x128xf32, #tpu.memory_space<vmem>>)
      %dma_wait3A_2321 = arith.constant 0 : i32
      %dma_wait3A_2322 = arith.constant 0 : i32
      %dma_wait3A_2323 = tpu.memref_slice %arg24[%dma_wait3A_2321, %dma_wait3A_2322] : memref<128x128xf32, #tpu.memory_space<vmem_shared>> -> memref<128x128xf32, #tpu.memory_space<vmem_shared>>
      tpu.wait_indirect_dma semaphore(%arg26 : memref<!tpu.dma_semaphore, #tpu.memory_space<semaphore_mem>>) src(%dma_wait3A_2323 : memref<128x128xf32, #tpu.memory_space<vmem_shared>>) dst(%arg20 : memref<64x128xf32, #tpu.memory_space<vmem>>)
      %dma_wait3A_2324 = arith.constant 0 : i32
      %dma_wait3A_2325 = arith.constant 0 : i32
      %dma_wait3A_2326 = tpu.memref_slice %arg22[%dma_wait3A_2324, %dma_wait3A_2325] : memref<10240x128xf32, #tpu.memory_space<vmem_shared>> -> memref<10240x128xf32, #tpu.memory_space<vmem_shared>>
      tpu.wait_indirect_dma semaphore(%arg27 : memref<!tpu.dma_semaphore, #tpu.memory_space<semaphore_mem>>) src(%arg19 : memref<64x128xf32, #tpu.memory_space<vmem>>) dst(%dma_wait3A_2326 : memref<10240x128xf32, #tpu.memory_space<vmem_shared>>)
      %dma_wait3A_2327 = arith.constant 0 : i32
      %dma_wait3A_2328 = arith.constant 0 : i32
      %dma_wait3A_2329 = tpu.memref_slice %arg23[%dma_wait3A_2327, %dma_wait3A_2328] : memref<80x128xf32, #tpu.memory_space<vmem_shared>> -> memref<80x128xf32, #tpu.memory_space<vmem_shared>>
      tpu.wait_indirect_dma semaphore(%arg28 : memref<!tpu.dma_semaphore, #tpu.memory_space<semaphore_mem>>) src(%arg21 : memref<64x128xf32, #tpu.memory_space<vmem>>) dst(%dma_wait3A_2329 : memref<80x128xf32, #tpu.memory_space<vmem_shared>>)
      %get3A_2330 = arith.constant 7 : i32
      %get3A_2331 = arith.index_cast %get3A_2330 : i32 to index
      %get3A_2332 = arith.constant 64 : index
      %get3A_2333 = tpu.vector_load %arg8[%get3A_2331, %get3A_2332] {strides = array<i32>} : memref<8x128xi32, #tpu.memory_space<vmem>>, vector<1x16xi32>,
      %get3A_2334 = vector.shape_cast %get3A_2333 : vector<1x16xi32> to vector<16xi32>
      %swap3A_2335 = arith.constant 0 : index
      %swap3A_2336 = tpu.vector_load %arg11[%swap3A_2335] {strides = array<i32>} : memref<64xi32, #tpu.memory_space<vmem>>, vector<16xi32>,
      %swap3A_2337 = vector.shape_cast %swap3A_2336 : vector<16xi32> to vector<16xi32>
      %swap3A_2338 = vector.shape_cast %get3A_2334 : vector<16xi32> to vector<16xi32>
      tpu.vector_store %arg11[%swap3A_2335], %swap3A_2338 {strides = array<i32>} : memref<64xi32, #tpu.memory_space<vmem>>, vector<16xi32>,
      %get3A_2339 = arith.constant 7 : i32
      %get3A_2340 = arith.index_cast %get3A_2339 : i32 to index
      %get3A_2341 = arith.constant 64 : index
      %get3A_2342 = tpu.vector_load %arg9[%get3A_2340, %get3A_2341] {strides = array<i32>} : memref<8x128xi32, #tpu.memory_space<vmem>>, vector<1x16xi32>,
      %get3A_2343 = vector.shape_cast %get3A_2342 : vector<1x16xi32> to vector<16xi32>
      %swap3A_2344 = arith.constant 0 : index
      %swap3A_2345 = tpu.vector_load %arg13[%swap3A_2344] {strides = array<i32>} : memref<64xi32, #tpu.memory_space<vmem>>, vector<16xi32>,
      %swap3A_2346 = vector.shape_cast %swap3A_2345 : vector<16xi32> to vector<16xi32>
      %swap3A_2347 = vector.shape_cast %get3A_2343 : vector<16xi32> to vector<16xi32>
      tpu.vector_store %arg13[%swap3A_2344], %swap3A_2347 {strides = array<i32>} : memref<64xi32, #tpu.memory_space<vmem>>, vector<16xi32>,
      %rem3A_2348 = arith.constant 128 : i32
      %rem3A_2349 = vector.broadcast %rem3A_2348 : i32 to vector<16xi32>
      %rem3A_2350 = arith.remsi %get3A_2343, %rem3A_2349 : vector<16xi32>
      %swap3A_2351 = arith.constant 0 : index
      %swap3A_2352 = tpu.vector_load %arg15[%swap3A_2351] {strides = array<i32>} : memref<64xi32, #tpu.memory_space<vmem>>, vector<16xi32>,
      %swap3A_2353 = vector.shape_cast %swap3A_2352 : vector<16xi32> to vector<16xi32>
      %swap3A_2354 = vector.shape_cast %rem3A_2350 : vector<16xi32> to vector<16xi32>
      tpu.vector_store %arg15[%swap3A_2351], %swap3A_2354 {strides = array<i32>} : memref<64xi32, #tpu.memory_space<vmem>>, vector<16xi32>,
      %div3A_2355 = arith.constant 128 : i32
      %div3A_2356 = vector.broadcast %div3A_2355 : i32 to vector<16xi32>
      %div3A_2357 = arith.divsi %get3A_2343, %div3A_2356 : vector<16xi32>
      %swap3A_2358 = arith.constant 0 : index
      %swap3A_2359 = tpu.vector_load %arg17[%swap3A_2358] {strides = array<i32>} : memref<64xi32, #tpu.memory_space<vmem>>, vector<16xi32>,
      %swap3A_2360 = vector.shape_cast %swap3A_2359 : vector<16xi32> to vector<16xi32>
      %swap3A_2361 = vector.shape_cast %div3A_2357 : vector<16xi32> to vector<16xi32>
      tpu.vector_store %arg17[%swap3A_2358], %swap3A_2361 {strides = array<i32>} : memref<64xi32, #tpu.memory_space<vmem>>, vector<16xi32>,
      %get3A_2362 = arith.constant 7 : i32
      %get3A_2363 = arith.index_cast %get3A_2362 : i32 to index
      %get3A_2364 = arith.constant 80 : index
      %get3A_2365 = tpu.vector_load %arg8[%get3A_2363, %get3A_2364] {strides = array<i32>} : memref<8x128xi32, #tpu.memory_space<vmem>>, vector<1x16xi32>,
      %get3A_2366 = vector.shape_cast %get3A_2365 : vector<1x16xi32> to vector<16xi32>
      %swap3A_2367 = arith.constant 16 : index
      %swap3A_2368 = tpu.vector_load %arg11[%swap3A_2367] {strides = array<i32>} : memref<64xi32, #tpu.memory_space<vmem>>, vector<16xi32>,
      %swap3A_2369 = vector.shape_cast %swap3A_2368 : vector<16xi32> to vector<16xi32>
      %swap3A_2370 = vector.shape_cast %get3A_2366 : vector<16xi32> to vector<16xi32>
      tpu.vector_store %arg11[%swap3A_2367], %swap3A_2370 {strides = array<i32>} : memref<64xi32, #tpu.memory_space<vmem>>, vector<16xi32>,
      %get3A_2371 = arith.constant 7 : i32
      %get3A_2372 = arith.index_cast %get3A_2371 : i32 to index
      %get3A_2373 = arith.constant 80 : index
      %get3A_2374 = tpu.vector_load %arg9[%get3A_2372, %get3A_2373] {strides = array<i32>} : memref<8x128xi32, #tpu.memory_space<vmem>>, vector<1x16xi32>,
      %get3A_2375 = vector.shape_cast %get3A_2374 : vector<1x16xi32> to vector<16xi32>
      %swap3A_2376 = arith.constant 16 : index
      %swap3A_2377 = tpu.vector_load %arg13[%swap3A_2376] {strides = array<i32>} : memref<64xi32, #tpu.memory_space<vmem>>, vector<16xi32>,
      %swap3A_2378 = vector.shape_cast %swap3A_2377 : vector<16xi32> to vector<16xi32>
      %swap3A_2379 = vector.shape_cast %get3A_2375 : vector<16xi32> to vector<16xi32>
      tpu.vector_store %arg13[%swap3A_2376], %swap3A_2379 {strides = array<i32>} : memref<64xi32, #tpu.memory_space<vmem>>, vector<16xi32>,
      %rem3A_2380 = arith.constant 128 : i32
      %rem3A_2381 = vector.broadcast %rem3A_2380 : i32 to vector<16xi32>
      %rem3A_2382 = arith.remsi %get3A_2375, %rem3A_2381 : vector<16xi32>
      %swap3A_2383 = arith.constant 16 : index
      %swap3A_2384 = tpu.vector_load %arg15[%swap3A_2383] {strides = array<i32>} : memref<64xi32, #tpu.memory_space<vmem>>, vector<16xi32>,
      %swap3A_2385 = vector.shape_cast %swap3A_2384 : vector<16xi32> to vector<16xi32>
      %swap3A_2386 = vector.shape_cast %rem3A_2382 : vector<16xi32> to vector<16xi32>
      tpu.vector_store %arg15[%swap3A_2383], %swap3A_2386 {strides = array<i32>} : memref<64xi32, #tpu.memory_space<vmem>>, vector<16xi32>,
      %div3A_2387 = arith.constant 128 : i32
      %div3A_2388 = vector.broadcast %div3A_2387 : i32 to vector<16xi32>
      %div3A_2389 = arith.divsi %get3A_2375, %div3A_2388 : vector<16xi32>
      %swap3A_2390 = arith.constant 16 : index
      %swap3A_2391 = tpu.vector_load %arg17[%swap3A_2390] {strides = array<i32>} : memref<64xi32, #tpu.memory_space<vmem>>, vector<16xi32>,
      %swap3A_2392 = vector.shape_cast %swap3A_2391 : vector<16xi32> to vector<16xi32>
      %swap3A_2393 = vector.shape_cast %div3A_2389 : vector<16xi32> to vector<16xi32>
      tpu.vector_store %arg17[%swap3A_2390], %swap3A_2393 {strides = array<i32>} : memref<64xi32, #tpu.memory_space<vmem>>, vector<16xi32>,
      %get3A_2394 = arith.constant 7 : i32
      %get3A_2395 = arith.index_cast %get3A_2394 : i32 to index
      %get3A_2396 = arith.constant 96 : index
      %get3A_2397 = tpu.vector_load %arg8[%get3A_2395, %get3A_2396] {strides = array<i32>} : memref<8x128xi32, #tpu.memory_space<vmem>>, vector<1x16xi32>,
      %get3A_2398 = vector.shape_cast %get3A_2397 : vector<1x16xi32> to vector<16xi32>
      %swap3A_2399 = arith.constant 32 : index
      %swap3A_2400 = tpu.vector_load %arg11[%swap3A_2399] {strides = array<i32>} : memref<64xi32, #tpu.memory_space<vmem>>, vector<16xi32>,
      %swap3A_2401 = vector.shape_cast %swap3A_2400 : vector<16xi32> to vector<16xi32>
      %swap3A_2402 = vector.shape_cast %get3A_2398 : vector<16xi32> to vector<16xi32>
      tpu.vector_store %arg11[%swap3A_2399], %swap3A_2402 {strides = array<i32>} : memref<64xi32, #tpu.memory_space<vmem>>, vector<16xi32>,
      %get3A_2403 = arith.constant 7 : i32
      %get3A_2404 = arith.index_cast %get3A_2403 : i32 to index
      %get3A_2405 = arith.constant 96 : index
      %get3A_2406 = tpu.vector_load %arg9[%get3A_2404, %get3A_2405] {strides = array<i32>} : memref<8x128xi32, #tpu.memory_space<vmem>>, vector<1x16xi32>,
      %get3A_2407 = vector.shape_cast %get3A_2406 : vector<1x16xi32> to vector<16xi32>
      %swap3A_2408 = arith.constant 32 : index
      %swap3A_2409 = tpu.vector_load %arg13[%swap3A_2408] {strides = array<i32>} : memref<64xi32, #tpu.memory_space<vmem>>, vector<16xi32>,
      %swap3A_2410 = vector.shape_cast %swap3A_2409 : vector<16xi32> to vector<16xi32>
      %swap3A_2411 = vector.shape_cast %get3A_2407 : vector<16xi32> to vector<16xi32>
      tpu.vector_store %arg13[%swap3A_2408], %swap3A_2411 {strides = array<i32>} : memref<64xi32, #tpu.memory_space<vmem>>, vector<16xi32>,
      %rem3A_2412 = arith.constant 128 : i32
      %rem3A_2413 = vector.broadcast %rem3A_2412 : i32 to vector<16xi32>
      %rem3A_2414 = arith.remsi %get3A_2407, %rem3A_2413 : vector<16xi32>
      %swap3A_2415 = arith.constant 32 : index
      %swap3A_2416 = tpu.vector_load %arg15[%swap3A_2415] {strides = array<i32>} : memref<64xi32, #tpu.memory_space<vmem>>, vector<16xi32>,
      %swap3A_2417 = vector.shape_cast %swap3A_2416 : vector<16xi32> to vector<16xi32>
      %swap3A_2418 = vector.shape_cast %rem3A_2414 : vector<16xi32> to vector<16xi32>
      tpu.vector_store %arg15[%swap3A_2415], %swap3A_2418 {strides = array<i32>} : memref<64xi32, #tpu.memory_space<vmem>>, vector<16xi32>,
      %div3A_2419 = arith.constant 128 : i32
      %div3A_2420 = vector.broadcast %div3A_2419 : i32 to vector<16xi32>
      %div3A_2421 = arith.divsi %get3A_2407, %div3A_2420 : vector<16xi32>
      %swap3A_2422 = arith.constant 32 : index
      %swap3A_2423 = tpu.vector_load %arg17[%swap3A_2422] {strides = array<i32>} : memref<64xi32, #tpu.memory_space<vmem>>, vector<16xi32>,
      %swap3A_2424 = vector.shape_cast %swap3A_2423 : vector<16xi32> to vector<16xi32>
      %swap3A_2425 = vector.shape_cast %div3A_2421 : vector<16xi32> to vector<16xi32>
      tpu.vector_store %arg17[%swap3A_2422], %swap3A_2425 {strides = array<i32>} : memref<64xi32, #tpu.memory_space<vmem>>, vector<16xi32>,
      %get3A_2426 = arith.constant 7 : i32
      %get3A_2427 = arith.index_cast %get3A_2426 : i32 to index
      %get3A_2428 = arith.constant 112 : index
      %get3A_2429 = tpu.vector_load %arg8[%get3A_2427, %get3A_2428] {strides = array<i32>} : memref<8x128xi32, #tpu.memory_space<vmem>>, vector<1x16xi32>,
      %get3A_2430 = vector.shape_cast %get3A_2429 : vector<1x16xi32> to vector<16xi32>
      %swap3A_2431 = arith.constant 48 : index
      %swap3A_2432 = tpu.vector_load %arg11[%swap3A_2431] {strides = array<i32>} : memref<64xi32, #tpu.memory_space<vmem>>, vector<16xi32>,
      %swap3A_2433 = vector.shape_cast %swap3A_2432 : vector<16xi32> to vector<16xi32>
      %swap3A_2434 = vector.shape_cast %get3A_2430 : vector<16xi32> to vector<16xi32>
      tpu.vector_store %arg11[%swap3A_2431], %swap3A_2434 {strides = array<i32>} : memref<64xi32, #tpu.memory_space<vmem>>, vector<16xi32>,
      %get3A_2435 = arith.constant 7 : i32
      %get3A_2436 = arith.index_cast %get3A_2435 : i32 to index
      %get3A_2437 = arith.constant 112 : index
      %get3A_2438 = tpu.vector_load %arg9[%get3A_2436, %get3A_2437] {strides = array<i32>} : memref<8x128xi32, #tpu.memory_space<vmem>>, vector<1x16xi32>,
      %get3A_2439 = vector.shape_cast %get3A_2438 : vector<1x16xi32> to vector<16xi32>
      %swap3A_2440 = arith.constant 48 : index
      %swap3A_2441 = tpu.vector_load %arg13[%swap3A_2440] {strides = array<i32>} : memref<64xi32, #tpu.memory_space<vmem>>, vector<16xi32>,
      %swap3A_2442 = vector.shape_cast %swap3A_2441 : vector<16xi32> to vector<16xi32>
      %swap3A_2443 = vector.shape_cast %get3A_2439 : vector<16xi32> to vector<16xi32>
      tpu.vector_store %arg13[%swap3A_2440], %swap3A_2443 {strides = array<i32>} : memref<64xi32, #tpu.memory_space<vmem>>, vector<16xi32>,
      %rem3A_2444 = arith.constant 128 : i32
      %rem3A_2445 = vector.broadcast %rem3A_2444 : i32 to vector<16xi32>
      %rem3A_2446 = arith.remsi %get3A_2439, %rem3A_2445 : vector<16xi32>
      %swap3A_2447 = arith.constant 48 : index
      %swap3A_2448 = tpu.vector_load %arg15[%swap3A_2447] {strides = array<i32>} : memref<64xi32, #tpu.memory_space<vmem>>, vector<16xi32>,
      %swap3A_2449 = vector.shape_cast %swap3A_2448 : vector<16xi32> to vector<16xi32>
      %swap3A_2450 = vector.shape_cast %rem3A_2446 : vector<16xi32> to vector<16xi32>
      tpu.vector_store %arg15[%swap3A_2447], %swap3A_2450 {strides = array<i32>} : memref<64xi32, #tpu.memory_space<vmem>>, vector<16xi32>,
      %div3A_2451 = arith.constant 128 : i32
      %div3A_2452 = vector.broadcast %div3A_2451 : i32 to vector<16xi32>
      %div3A_2453 = arith.divsi %get3A_2439, %div3A_2452 : vector<16xi32>
      %swap3A_2454 = arith.constant 48 : index
      %swap3A_2455 = tpu.vector_load %arg17[%swap3A_2454] {strides = array<i32>} : memref<64xi32, #tpu.memory_space<vmem>>, vector<16xi32>,
      %swap3A_2456 = vector.shape_cast %swap3A_2455 : vector<16xi32> to vector<16xi32>
      %swap3A_2457 = vector.shape_cast %div3A_2453 : vector<16xi32> to vector<16xi32>
      tpu.vector_store %arg17[%swap3A_2454], %swap3A_2457 {strides = array<i32>} : memref<64xi32, #tpu.memory_space<vmem>>, vector<16xi32>,
      %dma_start3A_2458 = arith.constant 0 : i32
      %dma_start3A_2459 = arith.constant 0 : i32
      %dma_start3A_2460 = tpu.memref_slice %arg2[%dma_start3A_2458, %dma_start3A_2459] : memref<10240x128xf32, #tpu.memory_space<hbm>> -> memref<10240x128xf32, #tpu.memory_space<hbm>>
      tpu.enqueue_indirect_dma source(%dma_start3A_2460 : memref<10240x128xf32, #tpu.memory_space<hbm>>) target(%arg19 : memref<64x128xf32, #tpu.memory_space<vmem>>) offsets(%arg11 : memref<64xi32, #tpu.memory_space<vmem>>) semaphore(%arg25 : memref<!tpu.dma_semaphore, #tpu.memory_space<semaphore_mem>>)
      %dma_start3A_2461 = arith.constant 0 : i32
      %dma_start3A_2462 = arith.constant 0 : i32
      %dma_start3A_2463 = tpu.memref_slice %arg24[%dma_start3A_2461, %dma_start3A_2462] : memref<128x128xf32, #tpu.memory_space<vmem_shared>> -> memref<128x128xf32, #tpu.memory_space<vmem_shared>>
      tpu.enqueue_indirect_dma source(%dma_start3A_2463 : memref<128x128xf32, #tpu.memory_space<vmem_shared>>) target(%arg21 : memref<64x128xf32, #tpu.memory_space<vmem>>) offsets(%arg15 : memref<64xi32, #tpu.memory_space<vmem>>) semaphore(%arg26 : memref<!tpu.dma_semaphore, #tpu.memory_space<semaphore_mem>>)
      %dma_start3A_2464 = arith.constant 0 : i32
      %dma_start3A_2465 = arith.constant 0 : i32
      %dma_start3A_2466 = tpu.memref_slice %arg22[%dma_start3A_2464, %dma_start3A_2465] : memref<10240x128xf32, #tpu.memory_space<vmem_shared>> -> memref<10240x128xf32, #tpu.memory_space<vmem_shared>>
      tpu.enqueue_indirect_dma source(%arg18 : memref<64x128xf32, #tpu.memory_space<vmem>>) target(%dma_start3A_2466 : memref<10240x128xf32, #tpu.memory_space<vmem_shared>>) offsets(%arg12 : memref<64xi32, #tpu.memory_space<vmem>>) semaphore(%arg27 : memref<!tpu.dma_semaphore, #tpu.memory_space<semaphore_mem>>) {add = true}
      %dma_start3A_2467 = arith.constant 0 : i32
      %dma_start3A_2468 = arith.constant 0 : i32
      %dma_start3A_2469 = tpu.memref_slice %arg23[%dma_start3A_2467, %dma_start3A_2468] : memref<80x128xf32, #tpu.memory_space<vmem_shared>> -> memref<80x128xf32, #tpu.memory_space<vmem_shared>>
      tpu.enqueue_indirect_dma source(%arg20 : memref<64x128xf32, #tpu.memory_space<vmem>>) target(%dma_start3A_2469 : memref<80x128xf32, #tpu.memory_space<vmem_shared>>) offsets(%arg16 : memref<64xi32, #tpu.memory_space<vmem>>) semaphore(%arg28 : memref<!tpu.dma_semaphore, #tpu.memory_space<semaphore_mem>>) {add = true}
      %dma_wait3A_2470 = arith.constant 0 : i32
      %dma_wait3A_2471 = arith.constant 0 : i32
      %dma_wait3A_2472 = tpu.memref_slice %arg2[%dma_wait3A_2470, %dma_wait3A_2471] : memref<10240x128xf32, #tpu.memory_space<hbm>> -> memref<10240x128xf32, #tpu.memory_space<hbm>>
      tpu.wait_indirect_dma semaphore(%arg25 : memref<!tpu.dma_semaphore, #tpu.memory_space<semaphore_mem>>) src(%dma_wait3A_2472 : memref<10240x128xf32, #tpu.memory_space<hbm>>) dst(%arg19 : memref<64x128xf32, #tpu.memory_space<vmem>>)
      %dma_wait3A_2473 = arith.constant 0 : i32
      %dma_wait3A_2474 = arith.constant 0 : i32
      %dma_wait3A_2475 = tpu.memref_slice %arg24[%dma_wait3A_2473, %dma_wait3A_2474] : memref<128x128xf32, #tpu.memory_space<vmem_shared>> -> memref<128x128xf32, #tpu.memory_space<vmem_shared>>
      tpu.wait_indirect_dma semaphore(%arg26 : memref<!tpu.dma_semaphore, #tpu.memory_space<semaphore_mem>>) src(%dma_wait3A_2475 : memref<128x128xf32, #tpu.memory_space<vmem_shared>>) dst(%arg21 : memref<64x128xf32, #tpu.memory_space<vmem>>)
      %dma_wait3A_2476 = arith.constant 0 : i32
      %dma_wait3A_2477 = arith.constant 0 : i32
      %dma_wait3A_2478 = tpu.memref_slice %arg22[%dma_wait3A_2476, %dma_wait3A_2477] : memref<10240x128xf32, #tpu.memory_space<vmem_shared>> -> memref<10240x128xf32, #tpu.memory_space<vmem_shared>>
      tpu.wait_indirect_dma semaphore(%arg27 : memref<!tpu.dma_semaphore, #tpu.memory_space<semaphore_mem>>) src(%arg18 : memref<64x128xf32, #tpu.memory_space<vmem>>) dst(%dma_wait3A_2478 : memref<10240x128xf32, #tpu.memory_space<vmem_shared>>)
      %dma_wait3A_2479 = arith.constant 0 : i32
      %dma_wait3A_2480 = arith.constant 0 : i32
      %dma_wait3A_2481 = tpu.memref_slice %arg23[%dma_wait3A_2479, %dma_wait3A_2480] : memref<80x128xf32, #tpu.memory_space<vmem_shared>> -> memref<80x128xf32, #tpu.memory_space<vmem_shared>>
      tpu.wait_indirect_dma semaphore(%arg28 : memref<!tpu.dma_semaphore, #tpu.memory_space<semaphore_mem>>) src(%arg20 : memref<64x128xf32, #tpu.memory_space<vmem>>) dst(%dma_wait3A_2481 : memref<80x128xf32, #tpu.memory_space<vmem_shared>>)
      %dma_start3A_2482 = arith.constant 0 : i32
      %dma_start3A_2483 = arith.constant 0 : i32
      %dma_start3A_2484 = tpu.memref_slice %arg22[%dma_start3A_2482, %dma_start3A_2483] : memref<10240x128xf32, #tpu.memory_space<vmem_shared>> -> memref<10240x128xf32, #tpu.memory_space<vmem_shared>>
      tpu.enqueue_indirect_dma source(%arg19 : memref<64x128xf32, #tpu.memory_space<vmem>>) target(%dma_start3A_2484 : memref<10240x128xf32, #tpu.memory_space<vmem_shared>>) offsets(%arg13 : memref<64xi32, #tpu.memory_space<vmem>>) semaphore(%arg27 : memref<!tpu.dma_semaphore, #tpu.memory_space<semaphore_mem>>) {add = true}
      %dma_start3A_2485 = arith.constant 0 : i32
      %dma_start3A_2486 = arith.constant 0 : i32
      %dma_start3A_2487 = tpu.memref_slice %arg23[%dma_start3A_2485, %dma_start3A_2486] : memref<80x128xf32, #tpu.memory_space<vmem_shared>> -> memref<80x128xf32, #tpu.memory_space<vmem_shared>>
      tpu.enqueue_indirect_dma source(%arg21 : memref<64x128xf32, #tpu.memory_space<vmem>>) target(%dma_start3A_2487 : memref<80x128xf32, #tpu.memory_space<vmem_shared>>) offsets(%arg17 : memref<64xi32, #tpu.memory_space<vmem>>) semaphore(%arg28 : memref<!tpu.dma_semaphore, #tpu.memory_space<semaphore_mem>>) {add = true}
      %dma_wait3A_2488 = arith.constant 0 : i32
      %dma_wait3A_2489 = arith.constant 0 : i32
      %dma_wait3A_2490 = tpu.memref_slice %arg22[%dma_wait3A_2488, %dma_wait3A_2489] : memref<10240x128xf32, #tpu.memory_space<vmem_shared>> -> memref<10240x128xf32, #tpu.memory_space<vmem_shared>>
      tpu.wait_indirect_dma semaphore(%arg27 : memref<!tpu.dma_semaphore, #tpu.memory_space<semaphore_mem>>) src(%arg19 : memref<64x128xf32, #tpu.memory_space<vmem>>) dst(%dma_wait3A_2490 : memref<10240x128xf32, #tpu.memory_space<vmem_shared>>)
      %dma_wait3A_2491 = arith.constant 0 : i32
      %dma_wait3A_2492 = arith.constant 0 : i32
      %dma_wait3A_2493 = tpu.memref_slice %arg23[%dma_wait3A_2491, %dma_wait3A_2492] : memref<80x128xf32, #tpu.memory_space<vmem_shared>> -> memref<80x128xf32, #tpu.memory_space<vmem_shared>>
      tpu.wait_indirect_dma semaphore(%arg28 : memref<!tpu.dma_semaphore, #tpu.memory_space<semaphore_mem>>) src(%arg21 : memref<64x128xf32, #tpu.memory_space<vmem>>) dst(%dma_wait3A_2493 : memref<80x128xf32, #tpu.memory_space<vmem_shared>>)
    }
    %scan3A_38 = arith.constant 10 : i32
    %barrier3A_39 = arith.constant 0 : index
    tpu.barrier barrier_id(%barrier3A_39)
    %add3A_40 = arith.constant 0 : i32
    %add3A_41 = arith.addi %mul3A_7, %add3A_40 : i32
    "tpu.region"() ({
      %run_scoped3A = tpu.sem_alloc : memref<!tpu.dma_semaphore, #tpu.memory_space<semaphore_mem>>
      %dma_start3A = arith.constant 0 : i32
      %dma_start3A_65 = tpu.memref_slice %arg22[%add3A_41, %dma_start3A] : memref<10240x128xf32, #tpu.memory_space<vmem_shared>> -> memref<64x128xf32, #tpu.memory_space<vmem_shared>>
      %dma_start3A_66 = arith.constant 0 : i32
      %dma_start3A_67 = tpu.memref_slice %arg22[%add3A_41, %dma_start3A_66] : memref<10240x128xf32, #tpu.memory_space<vmem_shared>> -> memref<64x128xf32, #tpu.memory_space<vmem_shared>>
      tpu.enqueue_dma source(%dma_start3A_67 : memref<64x128xf32, #tpu.memory_space<vmem_shared>>) target(%arg18 : memref<64x128xf32, #tpu.memory_space<vmem>>) target_semaphore(%run_scoped3A : memref<!tpu.dma_semaphore, #tpu.memory_space<semaphore_mem>>)
      %dma_wait3A = arith.constant 0 : i32
      %dma_wait3A_68 = tpu.memref_slice %arg22[%add3A_41, %dma_wait3A] : memref<10240x128xf32, #tpu.memory_space<vmem_shared>> -> memref<64x128xf32, #tpu.memory_space<vmem_shared>>
      %dma_wait3A_69 = arith.constant 0 : i32
      %dma_wait3A_70 = tpu.memref_slice %arg22[%add3A_41, %dma_wait3A_69] : memref<10240x128xf32, #tpu.memory_space<vmem_shared>> -> memref<64x128xf32, #tpu.memory_space<vmem_shared>>
      tpu.wait_dma2 semaphore(%run_scoped3A : memref<!tpu.dma_semaphore, #tpu.memory_space<semaphore_mem>>) src(%dma_wait3A_70 : memref<64x128xf32, #tpu.memory_space<vmem_shared>>) dst(%arg18 : memref<64x128xf32, #tpu.memory_space<vmem>>)
      tpu.yield
    }) : () -> ()
    "tpu.region"() ({
      %run_scoped3A = tpu.sem_alloc : memref<!tpu.dma_semaphore, #tpu.memory_space<semaphore_mem>>
      %dma_start3A = arith.constant 0 : i32
      %dma_start3A_65 = tpu.memref_slice %arg6[%arg0, %add3A_41, %dma_start3A] : memref<2x10240x128xf32, #tpu.memory_space<hbm>> -> memref<1x64x128xf32, #tpu.memory_space<hbm>>
      %dma_start3A_66 = tpu.memref_squeeze %dma_start3A_65 : memref<1x64x128xf32, #tpu.memory_space<hbm>> -> memref<64x128xf32, #tpu.memory_space<hbm>>
      %dma_start3A_67 = arith.constant 0 : i32
      %dma_start3A_68 = tpu.memref_slice %arg6[%arg0, %add3A_41, %dma_start3A_67] : memref<2x10240x128xf32, #tpu.memory_space<hbm>> -> memref<1x64x128xf32, #tpu.memory_space<hbm>>
      %dma_start3A_69 = tpu.memref_squeeze %dma_start3A_68 : memref<1x64x128xf32, #tpu.memory_space<hbm>> -> memref<64x128xf32, #tpu.memory_space<hbm>>
      tpu.enqueue_dma source(%arg18 : memref<64x128xf32, #tpu.memory_space<vmem>>) target(%dma_start3A_69 : memref<64x128xf32, #tpu.memory_space<hbm>>) target_semaphore(%run_scoped3A : memref<!tpu.dma_semaphore, #tpu.memory_space<semaphore_mem>>)
      %dma_wait3A = arith.constant 0 : i32
      %dma_wait3A_70 = tpu.memref_slice %arg6[%arg0, %add3A_41, %dma_wait3A] : memref<2x10240x128xf32, #tpu.memory_space<hbm>> -> memref<1x64x128xf32, #tpu.memory_space<hbm>>
      %dma_wait3A_71 = tpu.memref_squeeze %dma_wait3A_70 : memref<1x64x128xf32, #tpu.memory_space<hbm>> -> memref<64x128xf32, #tpu.memory_space<hbm>>
      %dma_wait3A_72 = arith.constant 0 : i32
      %dma_wait3A_73 = tpu.memref_slice %arg6[%arg0, %add3A_41, %dma_wait3A_72] : memref<2x10240x128xf32, #tpu.memory_space<hbm>> -> memref<1x64x128xf32, #tpu.memory_space<hbm>>
      %dma_wait3A_74 = tpu.memref_squeeze %dma_wait3A_73 : memref<1x64x128xf32, #tpu.memory_space<hbm>> -> memref<64x128xf32, #tpu.memory_space<hbm>>
      tpu.wait_dma2 semaphore(%run_scoped3A : memref<!tpu.dma_semaphore, #tpu.memory_space<semaphore_mem>>) src(%arg18 : memref<64x128xf32, #tpu.memory_space<vmem>>) dst(%dma_wait3A_74 : memref<64x128xf32, #tpu.memory_space<hbm>>)
      tpu.yield
    }) : () -> ()
    %add3A_42 = arith.constant 64 : i32
    %add3A_43 = arith.addi %mul3A_7, %add3A_42 : i32
    "tpu.region"() ({
      %run_scoped3A = tpu.sem_alloc : memref<!tpu.dma_semaphore, #tpu.memory_space<semaphore_mem>>
      %dma_start3A = arith.constant 0 : i32
      %dma_start3A_65 = tpu.memref_slice %arg22[%add3A_43, %dma_start3A] : memref<10240x128xf32, #tpu.memory_space<vmem_shared>> -> memref<64x128xf32, #tpu.memory_space<vmem_shared>>
      %dma_start3A_66 = arith.constant 0 : i32
      %dma_start3A_67 = tpu.memref_slice %arg22[%add3A_43, %dma_start3A_66] : memref<10240x128xf32, #tpu.memory_space<vmem_shared>> -> memref<64x128xf32, #tpu.memory_space<vmem_shared>>
      tpu.enqueue_dma source(%dma_start3A_67 : memref<64x128xf32, #tpu.memory_space<vmem_shared>>) target(%arg18 : memref<64x128xf32, #tpu.memory_space<vmem>>) target_semaphore(%run_scoped3A : memref<!tpu.dma_semaphore, #tpu.memory_space<semaphore_mem>>)
      %dma_wait3A = arith.constant 0 : i32
      %dma_wait3A_68 = tpu.memref_slice %arg22[%add3A_43, %dma_wait3A] : memref<10240x128xf32, #tpu.memory_space<vmem_shared>> -> memref<64x128xf32, #tpu.memory_space<vmem_shared>>
      %dma_wait3A_69 = arith.constant 0 : i32
      %dma_wait3A_70 = tpu.memref_slice %arg22[%add3A_43, %dma_wait3A_69] : memref<10240x128xf32, #tpu.memory_space<vmem_shared>> -> memref<64x128xf32, #tpu.memory_space<vmem_shared>>
      tpu.wait_dma2 semaphore(%run_scoped3A : memref<!tpu.dma_semaphore, #tpu.memory_space<semaphore_mem>>) src(%dma_wait3A_70 : memref<64x128xf32, #tpu.memory_space<vmem_shared>>) dst(%arg18 : memref<64x128xf32, #tpu.memory_space<vmem>>)
      tpu.yield
    }) : () -> ()
    "tpu.region"() ({
      %run_scoped3A = tpu.sem_alloc : memref<!tpu.dma_semaphore, #tpu.memory_space<semaphore_mem>>
      %dma_start3A = arith.constant 0 : i32
      %dma_start3A_65 = tpu.memref_slice %arg6[%arg0, %add3A_43, %dma_start3A] : memref<2x10240x128xf32, #tpu.memory_space<hbm>> -> memref<1x64x128xf32, #tpu.memory_space<hbm>>
      %dma_start3A_66 = tpu.memref_squeeze %dma_start3A_65 : memref<1x64x128xf32, #tpu.memory_space<hbm>> -> memref<64x128xf32, #tpu.memory_space<hbm>>
      %dma_start3A_67 = arith.constant 0 : i32
      %dma_start3A_68 = tpu.memref_slice %arg6[%arg0, %add3A_43, %dma_start3A_67] : memref<2x10240x128xf32, #tpu.memory_space<hbm>> -> memref<1x64x128xf32, #tpu.memory_space<hbm>>
      %dma_start3A_69 = tpu.memref_squeeze %dma_start3A_68 : memref<1x64x128xf32, #tpu.memory_space<hbm>> -> memref<64x128xf32, #tpu.memory_space<hbm>>
      tpu.enqueue_dma source(%arg18 : memref<64x128xf32, #tpu.memory_space<vmem>>) target(%dma_start3A_69 : memref<64x128xf32, #tpu.memory_space<hbm>>) target_semaphore(%run_scoped3A : memref<!tpu.dma_semaphore, #tpu.memory_space<semaphore_mem>>)
      %dma_wait3A = arith.constant 0 : i32
      %dma_wait3A_70 = tpu.memref_slice %arg6[%arg0, %add3A_43, %dma_wait3A] : memref<2x10240x128xf32, #tpu.memory_space<hbm>> -> memref<1x64x128xf32, #tpu.memory_space<hbm>>
      %dma_wait3A_71 = tpu.memref_squeeze %dma_wait3A_70 : memref<1x64x128xf32, #tpu.memory_space<hbm>> -> memref<64x128xf32, #tpu.memory_space<hbm>>
      %dma_wait3A_72 = arith.constant 0 : i32
      %dma_wait3A_73 = tpu.memref_slice %arg6[%arg0, %add3A_43, %dma_wait3A_72] : memref<2x10240x128xf32, #tpu.memory_space<hbm>> -> memref<1x64x128xf32, #tpu.memory_space<hbm>>
      %dma_wait3A_74 = tpu.memref_squeeze %dma_wait3A_73 : memref<1x64x128xf32, #tpu.memory_space<hbm>> -> memref<64x128xf32, #tpu.memory_space<hbm>>
      tpu.wait_dma2 semaphore(%run_scoped3A : memref<!tpu.dma_semaphore, #tpu.memory_space<semaphore_mem>>) src(%arg18 : memref<64x128xf32, #tpu.memory_space<vmem>>) dst(%dma_wait3A_74 : memref<64x128xf32, #tpu.memory_space<hbm>>)
      tpu.yield
    }) : () -> ()
    %add3A_44 = arith.constant 128 : i32
    %add3A_45 = arith.addi %mul3A_7, %add3A_44 : i32
    "tpu.region"() ({
      %run_scoped3A = tpu.sem_alloc : memref<!tpu.dma_semaphore, #tpu.memory_space<semaphore_mem>>
      %dma_start3A = arith.constant 0 : i32
      %dma_start3A_65 = tpu.memref_slice %arg22[%add3A_45, %dma_start3A] : memref<10240x128xf32, #tpu.memory_space<vmem_shared>> -> memref<64x128xf32, #tpu.memory_space<vmem_shared>>
      %dma_start3A_66 = arith.constant 0 : i32
      %dma_start3A_67 = tpu.memref_slice %arg22[%add3A_45, %dma_start3A_66] : memref<10240x128xf32, #tpu.memory_space<vmem_shared>> -> memref<64x128xf32, #tpu.memory_space<vmem_shared>>
      tpu.enqueue_dma source(%dma_start3A_67 : memref<64x128xf32, #tpu.memory_space<vmem_shared>>) target(%arg18 : memref<64x128xf32, #tpu.memory_space<vmem>>) target_semaphore(%run_scoped3A : memref<!tpu.dma_semaphore, #tpu.memory_space<semaphore_mem>>)
      %dma_wait3A = arith.constant 0 : i32
      %dma_wait3A_68 = tpu.memref_slice %arg22[%add3A_45, %dma_wait3A] : memref<10240x128xf32, #tpu.memory_space<vmem_shared>> -> memref<64x128xf32, #tpu.memory_space<vmem_shared>>
      %dma_wait3A_69 = arith.constant 0 : i32
      %dma_wait3A_70 = tpu.memref_slice %arg22[%add3A_45, %dma_wait3A_69] : memref<10240x128xf32, #tpu.memory_space<vmem_shared>> -> memref<64x128xf32, #tpu.memory_space<vmem_shared>>
      tpu.wait_dma2 semaphore(%run_scoped3A : memref<!tpu.dma_semaphore, #tpu.memory_space<semaphore_mem>>) src(%dma_wait3A_70 : memref<64x128xf32, #tpu.memory_space<vmem_shared>>) dst(%arg18 : memref<64x128xf32, #tpu.memory_space<vmem>>)
      tpu.yield
    }) : () -> ()
    "tpu.region"() ({
      %run_scoped3A = tpu.sem_alloc : memref<!tpu.dma_semaphore, #tpu.memory_space<semaphore_mem>>
      %dma_start3A = arith.constant 0 : i32
      %dma_start3A_65 = tpu.memref_slice %arg6[%arg0, %add3A_45, %dma_start3A] : memref<2x10240x128xf32, #tpu.memory_space<hbm>> -> memref<1x64x128xf32, #tpu.memory_space<hbm>>
      %dma_start3A_66 = tpu.memref_squeeze %dma_start3A_65 : memref<1x64x128xf32, #tpu.memory_space<hbm>> -> memref<64x128xf32, #tpu.memory_space<hbm>>
      %dma_start3A_67 = arith.constant 0 : i32
      %dma_start3A_68 = tpu.memref_slice %arg6[%arg0, %add3A_45, %dma_start3A_67] : memref<2x10240x128xf32, #tpu.memory_space<hbm>> -> memref<1x64x128xf32, #tpu.memory_space<hbm>>
      %dma_start3A_69 = tpu.memref_squeeze %dma_start3A_68 : memref<1x64x128xf32, #tpu.memory_space<hbm>> -> memref<64x128xf32, #tpu.memory_space<hbm>>
      tpu.enqueue_dma source(%arg18 : memref<64x128xf32, #tpu.memory_space<vmem>>) target(%dma_start3A_69 : memref<64x128xf32, #tpu.memory_space<hbm>>) target_semaphore(%run_scoped3A : memref<!tpu.dma_semaphore, #tpu.memory_space<semaphore_mem>>)
      %dma_wait3A = arith.constant 0 : i32
      %dma_wait3A_70 = tpu.memref_slice %arg6[%arg0, %add3A_45, %dma_wait3A] : memref<2x10240x128xf32, #tpu.memory_space<hbm>> -> memref<1x64x128xf32, #tpu.memory_space<hbm>>
      %dma_wait3A_71 = tpu.memref_squeeze %dma_wait3A_70 : memref<1x64x128xf32, #tpu.memory_space<hbm>> -> memref<64x128xf32, #tpu.memory_space<hbm>>
      %dma_wait3A_72 = arith.constant 0 : i32
      %dma_wait3A_73 = tpu.memref_slice %arg6[%arg0, %add3A_45, %dma_wait3A_72] : memref<2x10240x128xf32, #tpu.memory_space<hbm>> -> memref<1x64x128xf32, #tpu.memory_space<hbm>>
      %dma_wait3A_74 = tpu.memref_squeeze %dma_wait3A_73 : memref<1x64x128xf32, #tpu.memory_space<hbm>> -> memref<64x128xf32, #tpu.memory_space<hbm>>
      tpu.wait_dma2 semaphore(%run_scoped3A : memref<!tpu.dma_semaphore, #tpu.memory_space<semaphore_mem>>) src(%arg18 : memref<64x128xf32, #tpu.memory_space<vmem>>) dst(%dma_wait3A_74 : memref<64x128xf32, #tpu.memory_space<hbm>>)
      tpu.yield
    }) : () -> ()
    %add3A_46 = arith.constant 192 : i32
    %add3A_47 = arith.addi %mul3A_7, %add3A_46 : i32
    "tpu.region"() ({
      %run_scoped3A = tpu.sem_alloc : memref<!tpu.dma_semaphore, #tpu.memory_space<semaphore_mem>>
      %dma_start3A = arith.constant 0 : i32
      %dma_start3A_65 = tpu.memref_slice %arg22[%add3A_47, %dma_start3A] : memref<10240x128xf32, #tpu.memory_space<vmem_shared>> -> memref<64x128xf32, #tpu.memory_space<vmem_shared>>
      %dma_start3A_66 = arith.constant 0 : i32
      %dma_start3A_67 = tpu.memref_slice %arg22[%add3A_47, %dma_start3A_66] : memref<10240x128xf32, #tpu.memory_space<vmem_shared>> -> memref<64x128xf32, #tpu.memory_space<vmem_shared>>
      tpu.enqueue_dma source(%dma_start3A_67 : memref<64x128xf32, #tpu.memory_space<vmem_shared>>) target(%arg18 : memref<64x128xf32, #tpu.memory_space<vmem>>) target_semaphore(%run_scoped3A : memref<!tpu.dma_semaphore, #tpu.memory_space<semaphore_mem>>)
      %dma_wait3A = arith.constant 0 : i32
      %dma_wait3A_68 = tpu.memref_slice %arg22[%add3A_47, %dma_wait3A] : memref<10240x128xf32, #tpu.memory_space<vmem_shared>> -> memref<64x128xf32, #tpu.memory_space<vmem_shared>>
      %dma_wait3A_69 = arith.constant 0 : i32
      %dma_wait3A_70 = tpu.memref_slice %arg22[%add3A_47, %dma_wait3A_69] : memref<10240x128xf32, #tpu.memory_space<vmem_shared>> -> memref<64x128xf32, #tpu.memory_space<vmem_shared>>
      tpu.wait_dma2 semaphore(%run_scoped3A : memref<!tpu.dma_semaphore, #tpu.memory_space<semaphore_mem>>) src(%dma_wait3A_70 : memref<64x128xf32, #tpu.memory_space<vmem_shared>>) dst(%arg18 : memref<64x128xf32, #tpu.memory_space<vmem>>)
      tpu.yield
    }) : () -> ()
    "tpu.region"() ({
      %run_scoped3A = tpu.sem_alloc : memref<!tpu.dma_semaphore, #tpu.memory_space<semaphore_mem>>
      %dma_start3A = arith.constant 0 : i32
      %dma_start3A_65 = tpu.memref_slice %arg6[%arg0, %add3A_47, %dma_start3A] : memref<2x10240x128xf32, #tpu.memory_space<hbm>> -> memref<1x64x128xf32, #tpu.memory_space<hbm>>
      %dma_start3A_66 = tpu.memref_squeeze %dma_start3A_65 : memref<1x64x128xf32, #tpu.memory_space<hbm>> -> memref<64x128xf32, #tpu.memory_space<hbm>>
      %dma_start3A_67 = arith.constant 0 : i32
      %dma_start3A_68 = tpu.memref_slice %arg6[%arg0, %add3A_47, %dma_start3A_67] : memref<2x10240x128xf32, #tpu.memory_space<hbm>> -> memref<1x64x128xf32, #tpu.memory_space<hbm>>
      %dma_start3A_69 = tpu.memref_squeeze %dma_start3A_68 : memref<1x64x128xf32, #tpu.memory_space<hbm>> -> memref<64x128xf32, #tpu.memory_space<hbm>>
      tpu.enqueue_dma source(%arg18 : memref<64x128xf32, #tpu.memory_space<vmem>>) target(%dma_start3A_69 : memref<64x128xf32, #tpu.memory_space<hbm>>) target_semaphore(%run_scoped3A : memref<!tpu.dma_semaphore, #tpu.memory_space<semaphore_mem>>)
      %dma_wait3A = arith.constant 0 : i32
      %dma_wait3A_70 = tpu.memref_slice %arg6[%arg0, %add3A_47, %dma_wait3A] : memref<2x10240x128xf32, #tpu.memory_space<hbm>> -> memref<1x64x128xf32, #tpu.memory_space<hbm>>
      %dma_wait3A_71 = tpu.memref_squeeze %dma_wait3A_70 : memref<1x64x128xf32, #tpu.memory_space<hbm>> -> memref<64x128xf32, #tpu.memory_space<hbm>>
      %dma_wait3A_72 = arith.constant 0 : i32
      %dma_wait3A_73 = tpu.memref_slice %arg6[%arg0, %add3A_47, %dma_wait3A_72] : memref<2x10240x128xf32, #tpu.memory_space<hbm>> -> memref<1x64x128xf32, #tpu.memory_space<hbm>>
      %dma_wait3A_74 = tpu.memref_squeeze %dma_wait3A_73 : memref<1x64x128xf32, #tpu.memory_space<hbm>> -> memref<64x128xf32, #tpu.memory_space<hbm>>
      tpu.wait_dma2 semaphore(%run_scoped3A : memref<!tpu.dma_semaphore, #tpu.memory_space<semaphore_mem>>) src(%arg18 : memref<64x128xf32, #tpu.memory_space<vmem>>) dst(%dma_wait3A_74 : memref<64x128xf32, #tpu.memory_space<hbm>>)
      tpu.yield
    }) : () -> ()
    %add3A_48 = arith.constant 256 : i32
    %add3A_49 = arith.addi %mul3A_7, %add3A_48 : i32
    "tpu.region"() ({
      %run_scoped3A = tpu.sem_alloc : memref<!tpu.dma_semaphore, #tpu.memory_space<semaphore_mem>>
      %dma_start3A = arith.constant 0 : i32
      %dma_start3A_65 = tpu.memref_slice %arg22[%add3A_49, %dma_start3A] : memref<10240x128xf32, #tpu.memory_space<vmem_shared>> -> memref<64x128xf32, #tpu.memory_space<vmem_shared>>
      %dma_start3A_66 = arith.constant 0 : i32
      %dma_start3A_67 = tpu.memref_slice %arg22[%add3A_49, %dma_start3A_66] : memref<10240x128xf32, #tpu.memory_space<vmem_shared>> -> memref<64x128xf32, #tpu.memory_space<vmem_shared>>
      tpu.enqueue_dma source(%dma_start3A_67 : memref<64x128xf32, #tpu.memory_space<vmem_shared>>) target(%arg18 : memref<64x128xf32, #tpu.memory_space<vmem>>) target_semaphore(%run_scoped3A : memref<!tpu.dma_semaphore, #tpu.memory_space<semaphore_mem>>)
      %dma_wait3A = arith.constant 0 : i32
      %dma_wait3A_68 = tpu.memref_slice %arg22[%add3A_49, %dma_wait3A] : memref<10240x128xf32, #tpu.memory_space<vmem_shared>> -> memref<64x128xf32, #tpu.memory_space<vmem_shared>>
      %dma_wait3A_69 = arith.constant 0 : i32
      %dma_wait3A_70 = tpu.memref_slice %arg22[%add3A_49, %dma_wait3A_69] : memref<10240x128xf32, #tpu.memory_space<vmem_shared>> -> memref<64x128xf32, #tpu.memory_space<vmem_shared>>
      tpu.wait_dma2 semaphore(%run_scoped3A : memref<!tpu.dma_semaphore, #tpu.memory_space<semaphore_mem>>) src(%dma_wait3A_70 : memref<64x128xf32, #tpu.memory_space<vmem_shared>>) dst(%arg18 : memref<64x128xf32, #tpu.memory_space<vmem>>)
      tpu.yield
    }) : () -> ()
    "tpu.region"() ({
      %run_scoped3A = tpu.sem_alloc : memref<!tpu.dma_semaphore, #tpu.memory_space<semaphore_mem>>
      %dma_start3A = arith.constant 0 : i32
      %dma_start3A_65 = tpu.memref_slice %arg6[%arg0, %add3A_49, %dma_start3A] : memref<2x10240x128xf32, #tpu.memory_space<hbm>> -> memref<1x64x128xf32, #tpu.memory_space<hbm>>
      %dma_start3A_66 = tpu.memref_squeeze %dma_start3A_65 : memref<1x64x128xf32, #tpu.memory_space<hbm>> -> memref<64x128xf32, #tpu.memory_space<hbm>>
      %dma_start3A_67 = arith.constant 0 : i32
      %dma_start3A_68 = tpu.memref_slice %arg6[%arg0, %add3A_49, %dma_start3A_67] : memref<2x10240x128xf32, #tpu.memory_space<hbm>> -> memref<1x64x128xf32, #tpu.memory_space<hbm>>
      %dma_start3A_69 = tpu.memref_squeeze %dma_start3A_68 : memref<1x64x128xf32, #tpu.memory_space<hbm>> -> memref<64x128xf32, #tpu.memory_space<hbm>>
      tpu.enqueue_dma source(%arg18 : memref<64x128xf32, #tpu.memory_space<vmem>>) target(%dma_start3A_69 : memref<64x128xf32, #tpu.memory_space<hbm>>) target_semaphore(%run_scoped3A : memref<!tpu.dma_semaphore, #tpu.memory_space<semaphore_mem>>)
      %dma_wait3A = arith.constant 0 : i32
      %dma_wait3A_70 = tpu.memref_slice %arg6[%arg0, %add3A_49, %dma_wait3A] : memref<2x10240x128xf32, #tpu.memory_space<hbm>> -> memref<1x64x128xf32, #tpu.memory_space<hbm>>
      %dma_wait3A_71 = tpu.memref_squeeze %dma_wait3A_70 : memref<1x64x128xf32, #tpu.memory_space<hbm>> -> memref<64x128xf32, #tpu.memory_space<hbm>>
      %dma_wait3A_72 = arith.constant 0 : i32
      %dma_wait3A_73 = tpu.memref_slice %arg6[%arg0, %add3A_49, %dma_wait3A_72] : memref<2x10240x128xf32, #tpu.memory_space<hbm>> -> memref<1x64x128xf32, #tpu.memory_space<hbm>>
      %dma_wait3A_74 = tpu.memref_squeeze %dma_wait3A_73 : memref<1x64x128xf32, #tpu.memory_space<hbm>> -> memref<64x128xf32, #tpu.memory_space<hbm>>
      tpu.wait_dma2 semaphore(%run_scoped3A : memref<!tpu.dma_semaphore, #tpu.memory_space<semaphore_mem>>) src(%arg18 : memref<64x128xf32, #tpu.memory_space<vmem>>) dst(%dma_wait3A_74 : memref<64x128xf32, #tpu.memory_space<hbm>>)
      tpu.yield
    }) : () -> ()
    %add3A_50 = arith.constant 320 : i32
    %add3A_51 = arith.addi %mul3A_7, %add3A_50 : i32
    "tpu.region"() ({
      %run_scoped3A = tpu.sem_alloc : memref<!tpu.dma_semaphore, #tpu.memory_space<semaphore_mem>>
      %dma_start3A = arith.constant 0 : i32
      %dma_start3A_65 = tpu.memref_slice %arg22[%add3A_51, %dma_start3A] : memref<10240x128xf32, #tpu.memory_space<vmem_shared>> -> memref<64x128xf32, #tpu.memory_space<vmem_shared>>
      %dma_start3A_66 = arith.constant 0 : i32
      %dma_start3A_67 = tpu.memref_slice %arg22[%add3A_51, %dma_start3A_66] : memref<10240x128xf32, #tpu.memory_space<vmem_shared>> -> memref<64x128xf32, #tpu.memory_space<vmem_shared>>
      tpu.enqueue_dma source(%dma_start3A_67 : memref<64x128xf32, #tpu.memory_space<vmem_shared>>) target(%arg18 : memref<64x128xf32, #tpu.memory_space<vmem>>) target_semaphore(%run_scoped3A : memref<!tpu.dma_semaphore, #tpu.memory_space<semaphore_mem>>)
      %dma_wait3A = arith.constant 0 : i32
      %dma_wait3A_68 = tpu.memref_slice %arg22[%add3A_51, %dma_wait3A] : memref<10240x128xf32, #tpu.memory_space<vmem_shared>> -> memref<64x128xf32, #tpu.memory_space<vmem_shared>>
      %dma_wait3A_69 = arith.constant 0 : i32
      %dma_wait3A_70 = tpu.memref_slice %arg22[%add3A_51, %dma_wait3A_69] : memref<10240x128xf32, #tpu.memory_space<vmem_shared>> -> memref<64x128xf32, #tpu.memory_space<vmem_shared>>
      tpu.wait_dma2 semaphore(%run_scoped3A : memref<!tpu.dma_semaphore, #tpu.memory_space<semaphore_mem>>) src(%dma_wait3A_70 : memref<64x128xf32, #tpu.memory_space<vmem_shared>>) dst(%arg18 : memref<64x128xf32, #tpu.memory_space<vmem>>)
      tpu.yield
    }) : () -> ()
    "tpu.region"() ({
      %run_scoped3A = tpu.sem_alloc : memref<!tpu.dma_semaphore, #tpu.memory_space<semaphore_mem>>
      %dma_start3A = arith.constant 0 : i32
      %dma_start3A_65 = tpu.memref_slice %arg6[%arg0, %add3A_51, %dma_start3A] : memref<2x10240x128xf32, #tpu.memory_space<hbm>> -> memref<1x64x128xf32, #tpu.memory_space<hbm>>
      %dma_start3A_66 = tpu.memref_squeeze %dma_start3A_65 : memref<1x64x128xf32, #tpu.memory_space<hbm>> -> memref<64x128xf32, #tpu.memory_space<hbm>>
      %dma_start3A_67 = arith.constant 0 : i32
      %dma_start3A_68 = tpu.memref_slice %arg6[%arg0, %add3A_51, %dma_start3A_67] : memref<2x10240x128xf32, #tpu.memory_space<hbm>> -> memref<1x64x128xf32, #tpu.memory_space<hbm>>
      %dma_start3A_69 = tpu.memref_squeeze %dma_start3A_68 : memref<1x64x128xf32, #tpu.memory_space<hbm>> -> memref<64x128xf32, #tpu.memory_space<hbm>>
      tpu.enqueue_dma source(%arg18 : memref<64x128xf32, #tpu.memory_space<vmem>>) target(%dma_start3A_69 : memref<64x128xf32, #tpu.memory_space<hbm>>) target_semaphore(%run_scoped3A : memref<!tpu.dma_semaphore, #tpu.memory_space<semaphore_mem>>)
      %dma_wait3A = arith.constant 0 : i32
      %dma_wait3A_70 = tpu.memref_slice %arg6[%arg0, %add3A_51, %dma_wait3A] : memref<2x10240x128xf32, #tpu.memory_space<hbm>> -> memref<1x64x128xf32, #tpu.memory_space<hbm>>
      %dma_wait3A_71 = tpu.memref_squeeze %dma_wait3A_70 : memref<1x64x128xf32, #tpu.memory_space<hbm>> -> memref<64x128xf32, #tpu.memory_space<hbm>>
      %dma_wait3A_72 = arith.constant 0 : i32
      %dma_wait3A_73 = tpu.memref_slice %arg6[%arg0, %add3A_51, %dma_wait3A_72] : memref<2x10240x128xf32, #tpu.memory_space<hbm>> -> memref<1x64x128xf32, #tpu.memory_space<hbm>>
      %dma_wait3A_74 = tpu.memref_squeeze %dma_wait3A_73 : memref<1x64x128xf32, #tpu.memory_space<hbm>> -> memref<64x128xf32, #tpu.memory_space<hbm>>
      tpu.wait_dma2 semaphore(%run_scoped3A : memref<!tpu.dma_semaphore, #tpu.memory_space<semaphore_mem>>) src(%arg18 : memref<64x128xf32, #tpu.memory_space<vmem>>) dst(%dma_wait3A_74 : memref<64x128xf32, #tpu.memory_space<hbm>>)
      tpu.yield
    }) : () -> ()
    %add3A_52 = arith.constant 384 : i32
    %add3A_53 = arith.addi %mul3A_7, %add3A_52 : i32
    "tpu.region"() ({
      %run_scoped3A = tpu.sem_alloc : memref<!tpu.dma_semaphore, #tpu.memory_space<semaphore_mem>>
      %dma_start3A = arith.constant 0 : i32
      %dma_start3A_65 = tpu.memref_slice %arg22[%add3A_53, %dma_start3A] : memref<10240x128xf32, #tpu.memory_space<vmem_shared>> -> memref<64x128xf32, #tpu.memory_space<vmem_shared>>
      %dma_start3A_66 = arith.constant 0 : i32
      %dma_start3A_67 = tpu.memref_slice %arg22[%add3A_53, %dma_start3A_66] : memref<10240x128xf32, #tpu.memory_space<vmem_shared>> -> memref<64x128xf32, #tpu.memory_space<vmem_shared>>
      tpu.enqueue_dma source(%dma_start3A_67 : memref<64x128xf32, #tpu.memory_space<vmem_shared>>) target(%arg18 : memref<64x128xf32, #tpu.memory_space<vmem>>) target_semaphore(%run_scoped3A : memref<!tpu.dma_semaphore, #tpu.memory_space<semaphore_mem>>)
      %dma_wait3A = arith.constant 0 : i32
      %dma_wait3A_68 = tpu.memref_slice %arg22[%add3A_53, %dma_wait3A] : memref<10240x128xf32, #tpu.memory_space<vmem_shared>> -> memref<64x128xf32, #tpu.memory_space<vmem_shared>>
      %dma_wait3A_69 = arith.constant 0 : i32
      %dma_wait3A_70 = tpu.memref_slice %arg22[%add3A_53, %dma_wait3A_69] : memref<10240x128xf32, #tpu.memory_space<vmem_shared>> -> memref<64x128xf32, #tpu.memory_space<vmem_shared>>
      tpu.wait_dma2 semaphore(%run_scoped3A : memref<!tpu.dma_semaphore, #tpu.memory_space<semaphore_mem>>) src(%dma_wait3A_70 : memref<64x128xf32, #tpu.memory_space<vmem_shared>>) dst(%arg18 : memref<64x128xf32, #tpu.memory_space<vmem>>)
      tpu.yield
    }) : () -> ()
    "tpu.region"() ({
      %run_scoped3A = tpu.sem_alloc : memref<!tpu.dma_semaphore, #tpu.memory_space<semaphore_mem>>
      %dma_start3A = arith.constant 0 : i32
      %dma_start3A_65 = tpu.memref_slice %arg6[%arg0, %add3A_53, %dma_start3A] : memref<2x10240x128xf32, #tpu.memory_space<hbm>> -> memref<1x64x128xf32, #tpu.memory_space<hbm>>
      %dma_start3A_66 = tpu.memref_squeeze %dma_start3A_65 : memref<1x64x128xf32, #tpu.memory_space<hbm>> -> memref<64x128xf32, #tpu.memory_space<hbm>>
      %dma_start3A_67 = arith.constant 0 : i32
      %dma_start3A_68 = tpu.memref_slice %arg6[%arg0, %add3A_53, %dma_start3A_67] : memref<2x10240x128xf32, #tpu.memory_space<hbm>> -> memref<1x64x128xf32, #tpu.memory_space<hbm>>
      %dma_start3A_69 = tpu.memref_squeeze %dma_start3A_68 : memref<1x64x128xf32, #tpu.memory_space<hbm>> -> memref<64x128xf32, #tpu.memory_space<hbm>>
      tpu.enqueue_dma source(%arg18 : memref<64x128xf32, #tpu.memory_space<vmem>>) target(%dma_start3A_69 : memref<64x128xf32, #tpu.memory_space<hbm>>) target_semaphore(%run_scoped3A : memref<!tpu.dma_semaphore, #tpu.memory_space<semaphore_mem>>)
      %dma_wait3A = arith.constant 0 : i32
      %dma_wait3A_70 = tpu.memref_slice %arg6[%arg0, %add3A_53, %dma_wait3A] : memref<2x10240x128xf32, #tpu.memory_space<hbm>> -> memref<1x64x128xf32, #tpu.memory_space<hbm>>
      %dma_wait3A_71 = tpu.memref_squeeze %dma_wait3A_70 : memref<1x64x128xf32, #tpu.memory_space<hbm>> -> memref<64x128xf32, #tpu.memory_space<hbm>>
      %dma_wait3A_72 = arith.constant 0 : i32
      %dma_wait3A_73 = tpu.memref_slice %arg6[%arg0, %add3A_53, %dma_wait3A_72] : memref<2x10240x128xf32, #tpu.memory_space<hbm>> -> memref<1x64x128xf32, #tpu.memory_space<hbm>>
      %dma_wait3A_74 = tpu.memref_squeeze %dma_wait3A_73 : memref<1x64x128xf32, #tpu.memory_space<hbm>> -> memref<64x128xf32, #tpu.memory_space<hbm>>
      tpu.wait_dma2 semaphore(%run_scoped3A : memref<!tpu.dma_semaphore, #tpu.memory_space<semaphore_mem>>) src(%arg18 : memref<64x128xf32, #tpu.memory_space<vmem>>) dst(%dma_wait3A_74 : memref<64x128xf32, #tpu.memory_space<hbm>>)
      tpu.yield
    }) : () -> ()
    %add3A_54 = arith.constant 448 : i32
    %add3A_55 = arith.addi %mul3A_7, %add3A_54 : i32
    "tpu.region"() ({
      %run_scoped3A = tpu.sem_alloc : memref<!tpu.dma_semaphore, #tpu.memory_space<semaphore_mem>>
      %dma_start3A = arith.constant 0 : i32
      %dma_start3A_65 = tpu.memref_slice %arg22[%add3A_55, %dma_start3A] : memref<10240x128xf32, #tpu.memory_space<vmem_shared>> -> memref<64x128xf32, #tpu.memory_space<vmem_shared>>
      %dma_start3A_66 = arith.constant 0 : i32
      %dma_start3A_67 = tpu.memref_slice %arg22[%add3A_55, %dma_start3A_66] : memref<10240x128xf32, #tpu.memory_space<vmem_shared>> -> memref<64x128xf32, #tpu.memory_space<vmem_shared>>
      tpu.enqueue_dma source(%dma_start3A_67 : memref<64x128xf32, #tpu.memory_space<vmem_shared>>) target(%arg18 : memref<64x128xf32, #tpu.memory_space<vmem>>) target_semaphore(%run_scoped3A : memref<!tpu.dma_semaphore, #tpu.memory_space<semaphore_mem>>)
      %dma_wait3A = arith.constant 0 : i32
      %dma_wait3A_68 = tpu.memref_slice %arg22[%add3A_55, %dma_wait3A] : memref<10240x128xf32, #tpu.memory_space<vmem_shared>> -> memref<64x128xf32, #tpu.memory_space<vmem_shared>>
      %dma_wait3A_69 = arith.constant 0 : i32
      %dma_wait3A_70 = tpu.memref_slice %arg22[%add3A_55, %dma_wait3A_69] : memref<10240x128xf32, #tpu.memory_space<vmem_shared>> -> memref<64x128xf32, #tpu.memory_space<vmem_shared>>
      tpu.wait_dma2 semaphore(%run_scoped3A : memref<!tpu.dma_semaphore, #tpu.memory_space<semaphore_mem>>) src(%dma_wait3A_70 : memref<64x128xf32, #tpu.memory_space<vmem_shared>>) dst(%arg18 : memref<64x128xf32, #tpu.memory_space<vmem>>)
      tpu.yield
    }) : () -> ()
    "tpu.region"() ({
      %run_scoped3A = tpu.sem_alloc : memref<!tpu.dma_semaphore, #tpu.memory_space<semaphore_mem>>
      %dma_start3A = arith.constant 0 : i32
      %dma_start3A_65 = tpu.memref_slice %arg6[%arg0, %add3A_55, %dma_start3A] : memref<2x10240x128xf32, #tpu.memory_space<hbm>> -> memref<1x64x128xf32, #tpu.memory_space<hbm>>
      %dma_start3A_66 = tpu.memref_squeeze %dma_start3A_65 : memref<1x64x128xf32, #tpu.memory_space<hbm>> -> memref<64x128xf32, #tpu.memory_space<hbm>>
      %dma_start3A_67 = arith.constant 0 : i32
      %dma_start3A_68 = tpu.memref_slice %arg6[%arg0, %add3A_55, %dma_start3A_67] : memref<2x10240x128xf32, #tpu.memory_space<hbm>> -> memref<1x64x128xf32, #tpu.memory_space<hbm>>
      %dma_start3A_69 = tpu.memref_squeeze %dma_start3A_68 : memref<1x64x128xf32, #tpu.memory_space<hbm>> -> memref<64x128xf32, #tpu.memory_space<hbm>>
      tpu.enqueue_dma source(%arg18 : memref<64x128xf32, #tpu.memory_space<vmem>>) target(%dma_start3A_69 : memref<64x128xf32, #tpu.memory_space<hbm>>) target_semaphore(%run_scoped3A : memref<!tpu.dma_semaphore, #tpu.memory_space<semaphore_mem>>)
      %dma_wait3A = arith.constant 0 : i32
      %dma_wait3A_70 = tpu.memref_slice %arg6[%arg0, %add3A_55, %dma_wait3A] : memref<2x10240x128xf32, #tpu.memory_space<hbm>> -> memref<1x64x128xf32, #tpu.memory_space<hbm>>
      %dma_wait3A_71 = tpu.memref_squeeze %dma_wait3A_70 : memref<1x64x128xf32, #tpu.memory_space<hbm>> -> memref<64x128xf32, #tpu.memory_space<hbm>>
      %dma_wait3A_72 = arith.constant 0 : i32
      %dma_wait3A_73 = tpu.memref_slice %arg6[%arg0, %add3A_55, %dma_wait3A_72] : memref<2x10240x128xf32, #tpu.memory_space<hbm>> -> memref<1x64x128xf32, #tpu.memory_space<hbm>>
      %dma_wait3A_74 = tpu.memref_squeeze %dma_wait3A_73 : memref<1x64x128xf32, #tpu.memory_space<hbm>> -> memref<64x128xf32, #tpu.memory_space<hbm>>
      tpu.wait_dma2 semaphore(%run_scoped3A : memref<!tpu.dma_semaphore, #tpu.memory_space<semaphore_mem>>) src(%arg18 : memref<64x128xf32, #tpu.memory_space<vmem>>) dst(%dma_wait3A_74 : memref<64x128xf32, #tpu.memory_space<hbm>>)
      tpu.yield
    }) : () -> ()
    %add3A_56 = arith.constant 512 : i32
    %add3A_57 = arith.addi %mul3A_7, %add3A_56 : i32
    "tpu.region"() ({
      %run_scoped3A = tpu.sem_alloc : memref<!tpu.dma_semaphore, #tpu.memory_space<semaphore_mem>>
      %dma_start3A = arith.constant 0 : i32
      %dma_start3A_65 = tpu.memref_slice %arg22[%add3A_57, %dma_start3A] : memref<10240x128xf32, #tpu.memory_space<vmem_shared>> -> memref<64x128xf32, #tpu.memory_space<vmem_shared>>
      %dma_start3A_66 = arith.constant 0 : i32
      %dma_start3A_67 = tpu.memref_slice %arg22[%add3A_57, %dma_start3A_66] : memref<10240x128xf32, #tpu.memory_space<vmem_shared>> -> memref<64x128xf32, #tpu.memory_space<vmem_shared>>
      tpu.enqueue_dma source(%dma_start3A_67 : memref<64x128xf32, #tpu.memory_space<vmem_shared>>) target(%arg18 : memref<64x128xf32, #tpu.memory_space<vmem>>) target_semaphore(%run_scoped3A : memref<!tpu.dma_semaphore, #tpu.memory_space<semaphore_mem>>)
      %dma_wait3A = arith.constant 0 : i32
      %dma_wait3A_68 = tpu.memref_slice %arg22[%add3A_57, %dma_wait3A] : memref<10240x128xf32, #tpu.memory_space<vmem_shared>> -> memref<64x128xf32, #tpu.memory_space<vmem_shared>>
      %dma_wait3A_69 = arith.constant 0 : i32
      %dma_wait3A_70 = tpu.memref_slice %arg22[%add3A_57, %dma_wait3A_69] : memref<10240x128xf32, #tpu.memory_space<vmem_shared>> -> memref<64x128xf32, #tpu.memory_space<vmem_shared>>
      tpu.wait_dma2 semaphore(%run_scoped3A : memref<!tpu.dma_semaphore, #tpu.memory_space<semaphore_mem>>) src(%dma_wait3A_70 : memref<64x128xf32, #tpu.memory_space<vmem_shared>>) dst(%arg18 : memref<64x128xf32, #tpu.memory_space<vmem>>)
      tpu.yield
    }) : () -> ()
    "tpu.region"() ({
      %run_scoped3A = tpu.sem_alloc : memref<!tpu.dma_semaphore, #tpu.memory_space<semaphore_mem>>
      %dma_start3A = arith.constant 0 : i32
      %dma_start3A_65 = tpu.memref_slice %arg6[%arg0, %add3A_57, %dma_start3A] : memref<2x10240x128xf32, #tpu.memory_space<hbm>> -> memref<1x64x128xf32, #tpu.memory_space<hbm>>
      %dma_start3A_66 = tpu.memref_squeeze %dma_start3A_65 : memref<1x64x128xf32, #tpu.memory_space<hbm>> -> memref<64x128xf32, #tpu.memory_space<hbm>>
      %dma_start3A_67 = arith.constant 0 : i32
      %dma_start3A_68 = tpu.memref_slice %arg6[%arg0, %add3A_57, %dma_start3A_67] : memref<2x10240x128xf32, #tpu.memory_space<hbm>> -> memref<1x64x128xf32, #tpu.memory_space<hbm>>
      %dma_start3A_69 = tpu.memref_squeeze %dma_start3A_68 : memref<1x64x128xf32, #tpu.memory_space<hbm>> -> memref<64x128xf32, #tpu.memory_space<hbm>>
      tpu.enqueue_dma source(%arg18 : memref<64x128xf32, #tpu.memory_space<vmem>>) target(%dma_start3A_69 : memref<64x128xf32, #tpu.memory_space<hbm>>) target_semaphore(%run_scoped3A : memref<!tpu.dma_semaphore, #tpu.memory_space<semaphore_mem>>)
      %dma_wait3A = arith.constant 0 : i32
      %dma_wait3A_70 = tpu.memref_slice %arg6[%arg0, %add3A_57, %dma_wait3A] : memref<2x10240x128xf32, #tpu.memory_space<hbm>> -> memref<1x64x128xf32, #tpu.memory_space<hbm>>
      %dma_wait3A_71 = tpu.memref_squeeze %dma_wait3A_70 : memref<1x64x128xf32, #tpu.memory_space<hbm>> -> memref<64x128xf32, #tpu.memory_space<hbm>>
      %dma_wait3A_72 = arith.constant 0 : i32
      %dma_wait3A_73 = tpu.memref_slice %arg6[%arg0, %add3A_57, %dma_wait3A_72] : memref<2x10240x128xf32, #tpu.memory_space<hbm>> -> memref<1x64x128xf32, #tpu.memory_space<hbm>>
      %dma_wait3A_74 = tpu.memref_squeeze %dma_wait3A_73 : memref<1x64x128xf32, #tpu.memory_space<hbm>> -> memref<64x128xf32, #tpu.memory_space<hbm>>
      tpu.wait_dma2 semaphore(%run_scoped3A : memref<!tpu.dma_semaphore, #tpu.memory_space<semaphore_mem>>) src(%arg18 : memref<64x128xf32, #tpu.memory_space<vmem>>) dst(%dma_wait3A_74 : memref<64x128xf32, #tpu.memory_space<hbm>>)
      tpu.yield
    }) : () -> ()
    %add3A_58 = arith.constant 576 : i32
    %add3A_59 = arith.addi %mul3A_7, %add3A_58 : i32
    "tpu.region"() ({
      %run_scoped3A = tpu.sem_alloc : memref<!tpu.dma_semaphore, #tpu.memory_space<semaphore_mem>>
      %dma_start3A = arith.constant 0 : i32
      %dma_start3A_65 = tpu.memref_slice %arg22[%add3A_59, %dma_start3A] : memref<10240x128xf32, #tpu.memory_space<vmem_shared>> -> memref<64x128xf32, #tpu.memory_space<vmem_shared>>
      %dma_start3A_66 = arith.constant 0 : i32
      %dma_start3A_67 = tpu.memref_slice %arg22[%add3A_59, %dma_start3A_66] : memref<10240x128xf32, #tpu.memory_space<vmem_shared>> -> memref<64x128xf32, #tpu.memory_space<vmem_shared>>
      tpu.enqueue_dma source(%dma_start3A_67 : memref<64x128xf32, #tpu.memory_space<vmem_shared>>) target(%arg18 : memref<64x128xf32, #tpu.memory_space<vmem>>) target_semaphore(%run_scoped3A : memref<!tpu.dma_semaphore, #tpu.memory_space<semaphore_mem>>)
      %dma_wait3A = arith.constant 0 : i32
      %dma_wait3A_68 = tpu.memref_slice %arg22[%add3A_59, %dma_wait3A] : memref<10240x128xf32, #tpu.memory_space<vmem_shared>> -> memref<64x128xf32, #tpu.memory_space<vmem_shared>>
      %dma_wait3A_69 = arith.constant 0 : i32
      %dma_wait3A_70 = tpu.memref_slice %arg22[%add3A_59, %dma_wait3A_69] : memref<10240x128xf32, #tpu.memory_space<vmem_shared>> -> memref<64x128xf32, #tpu.memory_space<vmem_shared>>
      tpu.wait_dma2 semaphore(%run_scoped3A : memref<!tpu.dma_semaphore, #tpu.memory_space<semaphore_mem>>) src(%dma_wait3A_70 : memref<64x128xf32, #tpu.memory_space<vmem_shared>>) dst(%arg18 : memref<64x128xf32, #tpu.memory_space<vmem>>)
      tpu.yield
    }) : () -> ()
    "tpu.region"() ({
      %run_scoped3A = tpu.sem_alloc : memref<!tpu.dma_semaphore, #tpu.memory_space<semaphore_mem>>
      %dma_start3A = arith.constant 0 : i32
      %dma_start3A_65 = tpu.memref_slice %arg6[%arg0, %add3A_59, %dma_start3A] : memref<2x10240x128xf32, #tpu.memory_space<hbm>> -> memref<1x64x128xf32, #tpu.memory_space<hbm>>
      %dma_start3A_66 = tpu.memref_squeeze %dma_start3A_65 : memref<1x64x128xf32, #tpu.memory_space<hbm>> -> memref<64x128xf32, #tpu.memory_space<hbm>>
      %dma_start3A_67 = arith.constant 0 : i32
      %dma_start3A_68 = tpu.memref_slice %arg6[%arg0, %add3A_59, %dma_start3A_67] : memref<2x10240x128xf32, #tpu.memory_space<hbm>> -> memref<1x64x128xf32, #tpu.memory_space<hbm>>
      %dma_start3A_69 = tpu.memref_squeeze %dma_start3A_68 : memref<1x64x128xf32, #tpu.memory_space<hbm>> -> memref<64x128xf32, #tpu.memory_space<hbm>>
      tpu.enqueue_dma source(%arg18 : memref<64x128xf32, #tpu.memory_space<vmem>>) target(%dma_start3A_69 : memref<64x128xf32, #tpu.memory_space<hbm>>) target_semaphore(%run_scoped3A : memref<!tpu.dma_semaphore, #tpu.memory_space<semaphore_mem>>)
      %dma_wait3A = arith.constant 0 : i32
      %dma_wait3A_70 = tpu.memref_slice %arg6[%arg0, %add3A_59, %dma_wait3A] : memref<2x10240x128xf32, #tpu.memory_space<hbm>> -> memref<1x64x128xf32, #tpu.memory_space<hbm>>
      %dma_wait3A_71 = tpu.memref_squeeze %dma_wait3A_70 : memref<1x64x128xf32, #tpu.memory_space<hbm>> -> memref<64x128xf32, #tpu.memory_space<hbm>>
      %dma_wait3A_72 = arith.constant 0 : i32
      %dma_wait3A_73 = tpu.memref_slice %arg6[%arg0, %add3A_59, %dma_wait3A_72] : memref<2x10240x128xf32, #tpu.memory_space<hbm>> -> memref<1x64x128xf32, #tpu.memory_space<hbm>>
      %dma_wait3A_74 = tpu.memref_squeeze %dma_wait3A_73 : memref<1x64x128xf32, #tpu.memory_space<hbm>> -> memref<64x128xf32, #tpu.memory_space<hbm>>
      tpu.wait_dma2 semaphore(%run_scoped3A : memref<!tpu.dma_semaphore, #tpu.memory_space<semaphore_mem>>) src(%arg18 : memref<64x128xf32, #tpu.memory_space<vmem>>) dst(%dma_wait3A_74 : memref<64x128xf32, #tpu.memory_space<hbm>>)
      tpu.yield
    }) : () -> ()
    %lt3A_60 = arith.constant 10 : i32
    %lt3A_61 = arith.cmpi slt, %arg1, %lt3A_60 : i32
    %convert_element_type3A_62 = arith.extui %lt3A_61 : i1 to i32
    %cond3A_63 = arith.constant 0 : i32
    %cond3A_64 = arith.cmpi ne, %convert_element_type3A_62, %cond3A_63 : i32
    scf.if %cond3A_64 {
      %mul3A_65 = arith.constant 8 : i32
      %mul3A_66 = arith.muli %arg1, %mul3A_65 : i32
      "tpu.region"() ({
        %run_scoped3A = tpu.sem_alloc : memref<!tpu.dma_semaphore, #tpu.memory_space<semaphore_mem>>
        %dma_start3A = arith.constant 0 : i32
        %dma_start3A_69 = arith.constant 0 : i32
        %dma_start3A_70 = tpu.memref_slice %arg20[%dma_start3A, %dma_start3A_69] : memref<64x128xf32, #tpu.memory_space<vmem>> -> memref<8x128xf32, #tpu.memory_space<vmem>>
        %dma_start3A_71 = arith.constant 0 : i32
        %dma_start3A_72 = tpu.memref_slice %arg23[%mul3A_66, %dma_start3A_71] : memref<80x128xf32, #tpu.memory_space<vmem_shared>> -> memref<8x128xf32, #tpu.memory_space<vmem_shared>>
        %dma_start3A_73 = arith.constant 0 : i32
        %dma_start3A_74 = arith.constant 0 : i32
        %dma_start3A_75 = tpu.memref_slice %arg20[%dma_start3A_73, %dma_start3A_74] : memref<64x128xf32, #tpu.memory_space<vmem>> -> memref<8x128xf32, #tpu.memory_space<vmem>>
        %dma_start3A_76 = arith.constant 0 : i32
        %dma_start3A_77 = tpu.memref_slice %arg23[%mul3A_66, %dma_start3A_76] : memref<80x128xf32, #tpu.memory_space<vmem_shared>> -> memref<8x128xf32, #tpu.memory_space<vmem_shared>>
        tpu.enqueue_dma source(%dma_start3A_77 : memref<8x128xf32, #tpu.memory_space<vmem_shared>>) target(%dma_start3A_75 : memref<8x128xf32, #tpu.memory_space<vmem>>) target_semaphore(%run_scoped3A : memref<!tpu.dma_semaphore, #tpu.memory_space<semaphore_mem>>)
        %dma_wait3A = arith.constant 0 : i32
        %dma_wait3A_78 = arith.constant 0 : i32
        %dma_wait3A_79 = tpu.memref_slice %arg20[%dma_wait3A, %dma_wait3A_78] : memref<64x128xf32, #tpu.memory_space<vmem>> -> memref<8x128xf32, #tpu.memory_space<vmem>>
        %dma_wait3A_80 = arith.constant 0 : i32
        %dma_wait3A_81 = tpu.memref_slice %arg23[%mul3A_66, %dma_wait3A_80] : memref<80x128xf32, #tpu.memory_space<vmem_shared>> -> memref<8x128xf32, #tpu.memory_space<vmem_shared>>
        %dma_wait3A_82 = arith.constant 0 : i32
        %dma_wait3A_83 = arith.constant 0 : i32
        %dma_wait3A_84 = tpu.memref_slice %arg20[%dma_wait3A_82, %dma_wait3A_83] : memref<64x128xf32, #tpu.memory_space<vmem>> -> memref<8x128xf32, #tpu.memory_space<vmem>>
        %dma_wait3A_85 = arith.constant 0 : i32
        %dma_wait3A_86 = tpu.memref_slice %arg23[%mul3A_66, %dma_wait3A_85] : memref<80x128xf32, #tpu.memory_space<vmem_shared>> -> memref<8x128xf32, #tpu.memory_space<vmem_shared>>
        tpu.wait_dma2 semaphore(%run_scoped3A : memref<!tpu.dma_semaphore, #tpu.memory_space<semaphore_mem>>) src(%dma_wait3A_86 : memref<8x128xf32, #tpu.memory_space<vmem_shared>>) dst(%dma_wait3A_84 : memref<8x128xf32, #tpu.memory_space<vmem>>)
        tpu.yield
      }) : () -> ()
      %mul3A_67 = arith.constant 8 : i32
      %mul3A_68 = arith.muli %arg1, %mul3A_67 : i32
      "tpu.region"() ({
        %run_scoped3A = tpu.sem_alloc : memref<!tpu.dma_semaphore, #tpu.memory_space<semaphore_mem>>
        %dma_start3A = arith.constant 0 : i32
        %dma_start3A_69 = arith.constant 0 : i32
        %dma_start3A_70 = tpu.memref_slice %arg20[%dma_start3A, %dma_start3A_69] : memref<64x128xf32, #tpu.memory_space<vmem>> -> memref<8x128xf32, #tpu.memory_space<vmem>>
        %dma_start3A_71 = arith.constant 0 : i32
        %dma_start3A_72 = tpu.memref_slice %arg7[%arg0, %mul3A_68, %dma_start3A_71] : memref<2x80x128xf32, #tpu.memory_space<hbm>> -> memref<1x8x128xf32, #tpu.memory_space<hbm>>
        %dma_start3A_73 = tpu.memref_squeeze %dma_start3A_72 : memref<1x8x128xf32, #tpu.memory_space<hbm>> -> memref<8x128xf32, #tpu.memory_space<hbm>>
        %dma_start3A_74 = arith.constant 0 : i32
        %dma_start3A_75 = tpu.memref_slice %arg7[%arg0, %mul3A_68, %dma_start3A_74] : memref<2x80x128xf32, #tpu.memory_space<hbm>> -> memref<1x8x128xf32, #tpu.memory_space<hbm>>
        %dma_start3A_76 = tpu.memref_squeeze %dma_start3A_75 : memref<1x8x128xf32, #tpu.memory_space<hbm>> -> memref<8x128xf32, #tpu.memory_space<hbm>>
        %dma_start3A_77 = arith.constant 0 : i32
        %dma_start3A_78 = arith.constant 0 : i32
        %dma_start3A_79 = tpu.memref_slice %arg20[%dma_start3A_77, %dma_start3A_78] : memref<64x128xf32, #tpu.memory_space<vmem>> -> memref<8x128xf32, #tpu.memory_space<vmem>>
        tpu.enqueue_dma source(%dma_start3A_79 : memref<8x128xf32, #tpu.memory_space<vmem>>) target(%dma_start3A_76 : memref<8x128xf32, #tpu.memory_space<hbm>>) target_semaphore(%run_scoped3A : memref<!tpu.dma_semaphore, #tpu.memory_space<semaphore_mem>>)
        %dma_wait3A = arith.constant 0 : i32
        %dma_wait3A_80 = arith.constant 0 : i32
        %dma_wait3A_81 = tpu.memref_slice %arg20[%dma_wait3A, %dma_wait3A_80] : memref<64x128xf32, #tpu.memory_space<vmem>> -> memref<8x128xf32, #tpu.memory_space<vmem>>
        %dma_wait3A_82 = arith.constant 0 : i32
        %dma_wait3A_83 = tpu.memref_slice %arg7[%arg0, %mul3A_68, %dma_wait3A_82] : memref<2x80x128xf32, #tpu.memory_space<hbm>> -> memref<1x8x128xf32, #tpu.memory_space<hbm>>
        %dma_wait3A_84 = tpu.memref_squeeze %dma_wait3A_83 : memref<1x8x128xf32, #tpu.memory_space<hbm>> -> memref<8x128xf32, #tpu.memory_space<hbm>>
        %dma_wait3A_85 = arith.constant 0 : i32
        %dma_wait3A_86 = tpu.memref_slice %arg7[%arg0, %mul3A_68, %dma_wait3A_85] : memref<2x80x128xf32, #tpu.memory_space<hbm>> -> memref<1x8x128xf32, #tpu.memory_space<hbm>>
        %dma_wait3A_87 = tpu.memref_squeeze %dma_wait3A_86 : memref<1x8x128xf32, #tpu.memory_space<hbm>> -> memref<8x128xf32, #tpu.memory_space<hbm>>
        %dma_wait3A_88 = arith.constant 0 : i32
        %dma_wait3A_89 = arith.constant 0 : i32
        %dma_wait3A_90 = tpu.memref_slice %arg20[%dma_wait3A_88, %dma_wait3A_89] : memref<64x128xf32, #tpu.memory_space<vmem>> -> memref<8x128xf32, #tpu.memory_space<vmem>>
        tpu.wait_dma2 semaphore(%run_scoped3A : memref<!tpu.dma_semaphore, #tpu.memory_space<semaphore_mem>>) src(%dma_wait3A_90 : memref<8x128xf32, #tpu.memory_space<vmem>>) dst(%dma_wait3A_87 : memref<8x128xf32, #tpu.memory_space<hbm>>)
        tpu.yield
      }) : () -> ()
    } else {
    }
    return
  }
}

module attributes {stable_mosaic.version = 14 : i64} {
  func.func @_tc_body(%arg0: memref<2x10240x128xf32, #tpu.memory_space<vmem>>, %arg1: memref<2x80x128xf32, #tpu.memory_space<vmem>>, %arg2: memref<10240x128xf32, #tpu.memory_space<vmem>>, %arg3: memref<128x128xf32, #tpu.memory_space<vmem>>, %arg4: memref<128x128xf32, #tpu.memory_space<vmem>>, %arg5: memref<1x128xf32, #tpu.memory_space<vmem>>, %arg6: memref<1x128xf32, #tpu.memory_space<vmem>>, %arg7: memref<1x1xf32, #tpu.memory_space<vmem>>, %arg8: memref<10240x1xf32, #tpu.memory_space<vmem>>, %arg9: memref<1x1xf32, #tpu.memory_space<vmem>>, %arg10: memref<10240x1xf32, #tpu.memory_space<vmem>>) attributes {dimension_semantics = [], scalar_prefetch = 0 : i64, scratch_operands = 0 : i64, tpu.core_type = #tpu.core_type<tc>} {
    %get3A = arith.constant 0 : index
    %get3A_0 = arith.constant 0 : index
    %get3A_1 = arith.constant 0 : index
    %get3A_2 = vector.load %arg0[%get3A, %get3A_0, %get3A_1] : memref<2x10240x128xf32, #tpu.memory_space<vmem>>, vector<1x10240x128xf32>
    %get3A_3 = vector.shape_cast %get3A_2 : vector<1x10240x128xf32> to vector<10240x128xf32>
    %get3A_4 = arith.constant 1 : index
    %get3A_5 = arith.constant 0 : index
    %get3A_6 = arith.constant 0 : index
    %get3A_7 = vector.load %arg0[%get3A_4, %get3A_5, %get3A_6] : memref<2x10240x128xf32, #tpu.memory_space<vmem>>, vector<1x10240x128xf32>
    %get3A_8 = vector.shape_cast %get3A_7 : vector<1x10240x128xf32> to vector<10240x128xf32>
    %add3A = arith.addf %get3A_3, %get3A_8 : vector<10240x128xf32>
    %get3A_9 = arith.constant 0 : index
    %get3A_10 = arith.constant 0 : index
    %get3A_11 = arith.constant 0 : index
    %get3A_12 = vector.load %arg1[%get3A_9, %get3A_10, %get3A_11] : memref<2x80x128xf32, #tpu.memory_space<vmem>>, vector<1x80x128xf32>
    %get3A_13 = vector.shape_cast %get3A_12 : vector<1x80x128xf32> to vector<80x128xf32>
    %get3A_14 = arith.constant 1 : index
    %get3A_15 = arith.constant 0 : index
    %get3A_16 = arith.constant 0 : index
    %get3A_17 = vector.load %arg1[%get3A_14, %get3A_15, %get3A_16] : memref<2x80x128xf32, #tpu.memory_space<vmem>>, vector<1x80x128xf32>
    %get3A_18 = vector.shape_cast %get3A_17 : vector<1x80x128xf32> to vector<80x128xf32>
    %add3A_19 = arith.addf %get3A_13, %get3A_18 : vector<80x128xf32>
    %iota3A = tpu.iota {dimensions = array<i32: 0>} : vector<10240x80xi32>
    %iota3A_20 = tpu.iota {dimensions = array<i32: 1>} : vector<10240x80xi32>
    %jit3A = arith.constant 128 : i32
    %div3A = vector.broadcast %jit3A : i32 to vector<10240x80xi32>
    %div3A_21 = arith.divsi %iota3A, %div3A : vector<10240x80xi32>
    %sign3A = arith.constant 0 : i32
    %sign3A_22 = vector.broadcast %sign3A : i32 to vector<10240x80xi32>
    %sign3A_23 = arith.cmpi sgt, %iota3A, %sign3A_22 : vector<10240x80xi32>
    %sign3A_24 = arith.extui %sign3A_23 : vector<10240x80xi1> to vector<10240x80xi32>
    %sign3A_25 = arith.constant 0 : i32
    %sign3A_26 = vector.broadcast %sign3A_25 : i32 to vector<10240x80xi32>
    %sign3A_27 = arith.cmpi slt, %iota3A, %sign3A_26 : vector<10240x80xi32>
    %sign3A_28 = arith.extui %sign3A_27 : vector<10240x80xi1> to vector<10240x80xi32>
    %sign3A_29 = arith.subi %sign3A_24, %sign3A_28 : vector<10240x80xi32>
    %sign3A_30 = arith.constant 0 : i32
    %sign3A_31 = arith.cmpi sgt, %jit3A, %sign3A_30 : i32
    %sign3A_32 = arith.extui %sign3A_31 : i1 to i32
    %sign3A_33 = arith.constant 0 : i32
    %sign3A_34 = arith.cmpi slt, %jit3A, %sign3A_33 : i32
    %sign3A_35 = arith.extui %sign3A_34 : i1 to i32
    %sign3A_36 = arith.subi %sign3A_32, %sign3A_35 : i32
    %ne3A = vector.broadcast %sign3A_36 : i32 to vector<10240x80xi32>
    %ne3A_37 = arith.cmpi ne, %sign3A_29, %ne3A : vector<10240x80xi32>
    %rem3A = vector.broadcast %jit3A : i32 to vector<10240x80xi32>
    %rem3A_38 = arith.remsi %iota3A, %rem3A : vector<10240x80xi32>
    %ne3A_39 = arith.constant 0 : i32
    %ne3A_40 = vector.broadcast %ne3A_39 : i32 to vector<10240x80xi32>
    %ne3A_41 = arith.cmpi ne, %rem3A_38, %ne3A_40 : vector<10240x80xi32>
    %and3A = arith.andi %ne3A_37, %ne3A_41 : vector<10240x80xi1>
    %sub3A = arith.constant 1 : i32
    %sub3A_42 = vector.broadcast %sub3A : i32 to vector<10240x80xi32>
    %sub3A_43 = arith.subi %div3A_21, %sub3A_42 : vector<10240x80xi32>
    %select_n3A = arith.select %and3A, %sub3A_43, %div3A_21 : vector<10240x80xi1>, vector<10240x80xi32>
    %eq3A = arith.cmpi eq, %iota3A_20, %select_n3A : vector<10240x80xi32>
    %jit3A_44 = arith.constant 1.000000e+00 : f32
    %jit3A_45 = arith.constant 0.000000e+00 : f32
    %broadcast_in_dim3A = vector.broadcast %jit3A_44 : f32 to vector<10240x80xf32>
    %broadcast_in_dim3A_46 = vector.broadcast %jit3A_45 : f32 to vector<10240x80xf32>
    %select_n3A_47 = arith.select %eq3A, %broadcast_in_dim3A, %broadcast_in_dim3A_46 : vector<10240x80xi1>, vector<10240x80xf32>
    %dot_general3A = arith.constant dense<0.000000e+00> : vector<10240x128xf32>
    %dot_general3A_48 = tpu.matmul %select_n3A_47, %add3A_19, %dot_general3A {dimension_numbers = #tpu.dot_dimension_numbers<[1], [0], [0], [1], [0, 0, 1, 1], [], []>, transpose_lhs_hint = false} : vector<10240x80xf32>, vector<80x128xf32>, vector<10240x128xf32> -> vector<10240x128xf32>
    %iota3A_49 = tpu.iota {dimensions = array<i32: 1>} : vector<10240x128xi32>
    %iota3A_50 = tpu.iota {dimensions = array<i32: 0>} : vector<10240x128xi32>
    %rem3A_51 = arith.constant 128 : i32
    %rem3A_52 = vector.broadcast %rem3A_51 : i32 to vector<10240x128xi32>
    %rem3A_53 = arith.remsi %iota3A_50, %rem3A_52 : vector<10240x128xi32>
    %eq3A_54 = arith.cmpi eq, %iota3A_49, %rem3A_53 : vector<10240x128xi32>
    %jit3A_55 = arith.constant 0.000000e+00 : f32
    %broadcast_in_dim3A_56 = vector.broadcast %jit3A_55 : f32 to vector<10240x128xf32>
    %select_n3A_57 = arith.select %eq3A_54, %dot_general3A_48, %broadcast_in_dim3A_56 : vector<10240x128xi1>, vector<10240x128xf32>
    %reduce_sum3A = arith.constant dense<0.000000e+00> : vector<10240xf32>
    %reduce_sum3A_58 = vector.multi_reduction <add>, %select_n3A_57, %reduce_sum3A [1] : vector<10240x128xf32> to vector<10240xf32>
    %broadcast_in_dim3A_59 = vector.shape_cast %reduce_sum3A_58 : vector<10240xf32> to vector<10240x1xf32>
    %jit3A_60 = arith.constant 1.000000e+00 : f32
    %max3A = vector.broadcast %jit3A_60 : f32 to vector<10240x1xf32>
    %max3A_61 = arith.maximumf %max3A, %broadcast_in_dim3A_59 : vector<10240x1xf32>
    %div3A_62 = vector.broadcast %max3A_61 : vector<10240x1xf32> to vector<10240x128xf32>
    %div3A_63 = arith.divf %add3A, %div3A_62 : vector<10240x128xf32>
    %get3A_64 = arith.constant 0 : index
    %get3A_65 = arith.constant 0 : index
    %get3A_66 = vector.load %arg3[%get3A_64, %get3A_65] : memref<128x128xf32, #tpu.memory_space<vmem>>, vector<128x128xf32>
    %dot_general3A_67 = arith.constant dense<0.000000e+00> : vector<10240x128xf32>
    %dot_general3A_68 = tpu.matmul %div3A_63, %get3A_66, %dot_general3A_67 {dimension_numbers = #tpu.dot_dimension_numbers<[1], [1], [0], [0], [0, 0, 1, 0], [], []>, transpose_lhs_hint = false} : vector<10240x128xf32>, vector<128x128xf32>, vector<10240x128xf32> -> vector<10240x128xf32>
    %get3A_69 = arith.constant 0 : index
    %get3A_70 = arith.constant 0 : index
    %get3A_71 = vector.load %arg2[%get3A_69, %get3A_70] : memref<10240x128xf32, #tpu.memory_space<vmem>>, vector<10240x128xf32>
    %get3A_72 = arith.constant 0 : index
    %get3A_73 = arith.constant 0 : index
    %get3A_74 = vector.load %arg4[%get3A_72, %get3A_73] : memref<128x128xf32, #tpu.memory_space<vmem>>, vector<128x128xf32>
    %dot_general3A_75 = arith.constant dense<0.000000e+00> : vector<10240x128xf32>
    %dot_general3A_76 = tpu.matmul %get3A_71, %get3A_74, %dot_general3A_75 {dimension_numbers = #tpu.dot_dimension_numbers<[1], [1], [0], [0], [0, 0, 1, 0], [], []>, transpose_lhs_hint = false} : vector<10240x128xf32>, vector<128x128xf32>, vector<10240x128xf32> -> vector<10240x128xf32>
    %add3A_77 = arith.addf %dot_general3A_68, %dot_general3A_76 : vector<10240x128xf32>
    %get3A_78 = arith.constant 0 : index
    %get3A_79 = arith.constant 0 : index
    %get3A_80 = vector.load %arg6[%get3A_78, %get3A_79] : memref<1x128xf32, #tpu.memory_space<vmem>>, vector<1x128xf32>
    %add3A_81 = vector.broadcast %get3A_80 : vector<1x128xf32> to vector<10240x128xf32>
    %add3A_82 = arith.addf %add3A_77, %add3A_81 : vector<10240x128xf32>
    %max3A_83 = arith.constant 0.000000e+00 : f32
    %max3A_84 = vector.broadcast %max3A_83 : f32 to vector<10240x128xf32>
    %max3A_85 = arith.maximumf %add3A_82, %max3A_84 : vector<10240x128xf32>
    %get3A_86 = arith.constant 0 : index
    %get3A_87 = arith.constant 0 : index
    %get3A_88 = vector.load %arg5[%get3A_86, %get3A_87] : memref<1x128xf32, #tpu.memory_space<vmem>>, vector<1x128xf32>
    %mul3A = vector.broadcast %get3A_88 : vector<1x128xf32> to vector<10240x128xf32>
    %mul3A_89 = arith.mulf %max3A_85, %mul3A : vector<10240x128xf32>
    %reduce_sum3A_90 = arith.constant dense<0.000000e+00> : vector<10240xf32>
    %reduce_sum3A_91 = vector.multi_reduction <add>, %mul3A_89, %reduce_sum3A_90 [1] : vector<10240x128xf32> to vector<10240xf32>
    %broadcast_in_dim3A_92 = vector.shape_cast %reduce_sum3A_91 : vector<10240xf32> to vector<10240x1xf32>
    %get3A_93 = arith.constant 0 : index
    %get3A_94 = arith.constant 0 : index
    %get3A_95 = vector.load %arg7[%get3A_93, %get3A_94] : memref<1x1xf32, #tpu.memory_space<vmem>>, vector<1x1xf32>
    %get3A_96 = vector.extract %get3A_95[0, 0] : f32 from vector<1x1xf32>
    %add3A_97 = vector.broadcast %get3A_96 : f32 to vector<10240x1xf32>
    %add3A_98 = arith.addf %broadcast_in_dim3A_92, %add3A_97 : vector<10240x1xf32>
    %get3A_99 = arith.constant 0 : index
    %get3A_100 = arith.constant 0 : index
    %get3A_101 = vector.load %arg9[%get3A_99, %get3A_100] : memref<1x1xf32, #tpu.memory_space<vmem>>, vector<1x1xf32>
    %get3A_102 = vector.extract %get3A_101[0, 0] : f32 from vector<1x1xf32>
    %neg3A = arith.constant 0.000000e+00 : f32
    %neg3A_103 = arith.subf %neg3A, %get3A_102 : f32
    %exp3A = math.exp %neg3A_103 : f32
    %add3A_104 = arith.constant 1.000000e+00 : f32
    %add3A_105 = arith.addf %add3A_104, %exp3A : f32
    %div3A_106 = arith.constant 1.000000e+00 : f32
    %div3A_107 = arith.divf %div3A_106, %add3A_105 : f32
    %get3A_108 = arith.constant 0 : index
    %get3A_109 = arith.constant 0 : index
    %get3A_110 = vector.load %arg8[%get3A_108, %get3A_109] : memref<10240x1xf32, #tpu.memory_space<vmem>>, vector<10240x1xf32>
    %mul3A_111 = vector.broadcast %div3A_107 : f32 to vector<10240x1xf32>
    %mul3A_112 = arith.mulf %mul3A_111, %get3A_110 : vector<10240x1xf32>
    %sub3A_113 = arith.constant 1.000000e+00 : f32
    %sub3A_114 = arith.subf %sub3A_113, %div3A_107 : f32
    %mul3A_115 = vector.broadcast %sub3A_114 : f32 to vector<10240x1xf32>
    %mul3A_116 = arith.mulf %mul3A_115, %add3A_98 : vector<10240x1xf32>
    %add3A_117 = arith.addf %mul3A_112, %mul3A_116 : vector<10240x1xf32>
    %swap3A = arith.constant 0 : index
    %swap3A_118 = arith.constant 0 : index
    %swap3A_119 = vector.load %arg10[%swap3A, %swap3A_118] : memref<10240x1xf32, #tpu.memory_space<vmem>>, vector<10240x1xf32>
    tpu.vector_store %arg10[%swap3A, %swap3A_118], %add3A_117 {strides = array<i32>} : memref<10240x1xf32, #tpu.memory_space<vmem>>, vector<10240x1xf32>,
    return
  }
}

</mosaic_0001>

<sc_bundles>
// kernel: kernel.4.cloned.1.call-start
scs
__scs_entry_jumppad:
0x0: {  	(pc) =	sbr.rel $0x88, $3  }
0x1: {  	(tag) =	ssettag $0x0;
	lr =	simm.s32 $0x1  }
0x2: {  	[smem:$0x3F98] =	sst lr;
	_ =	strace $0xD0000000  }
0x3: {  	_ = 	snop  }
0x4: {  	_ = 	snop  }
0x5: {  	_ = 	snop  }
0x6: {  	_ = 	snop  }
0x7: {  	_ = 	snop  }
__scs_overlays_trampoline_lowered:
0x8: {  	[smem:$0x3FA7] =	sst s0  }
0x9: {  	[smem:$0x3FA8] =	sst s1  }
0xa: {  	[smem:$0x3FA9] =	sst s2  }
0xb: {  	[smem:$0x3FAA] =	sst s3  }
0xc: {  	[smem:$0x3FAB] =	sst s4  }
0xd: {  	[smem:$0x3FAC] =	sst s5  }
0xe: {  	[smem:$0x3FAD] =	sst s6  }
0xf: {  	[smem:$0x3FAE] =	sst s7  }
0x10: {  	[smem:$0x3FAF] =	sst s8  }
0x11: {  	[smem:$0x3FB0] =	sst s9;
	s0 =	simm.s32 @!p0 $0x0  }
0x12: {  	s1 =	sld [smem:$0x3F96];
	s0 =	simm.s32 @p0 $0x1  }
0x13: {  	[smem:$0x3FB1] =	sst s0;
	s0 =	simm.s32 @!p1 $0x0  }
0x14: {  	s2 =	sld [smem:$0x3F95];
	s0 =	simm.s32 @p1 $0x1  }
0x15: {  	[smem:$0x3FB2] =	sst s0;
	s0 =	simm.s32 @!p2 $0x0  }
0x16: {  	s3 =	sld [smem:$0x3FDB];
	s0 =	simm.s32 @p2 $0x1  }
0x17: {  	s4 =	simm.s32 $0x1BF5;
	[smem:$0x3FB4] =	sst s0  }
0x18: {  	s0 =	sld [smem:$0x3F97];
	_ =	swait.ge [sflag:s4], $0x0  }
0x19: {  	s7 =	sld [smem:$0x3F98]  }
0x1a: {  	s8 =	sadd.s32 $0xFFFFE003, lr  }
0x1b: {  	s9 =	sadd.s32 $0xFFFFFEF7, lr;
	s5 =	simm.s32 $0xFFFFFFFF;
	p2 =	slt.u32 s8, $0xFFFFF086  }
0x1c: {  	p1 =	slt.u32 s9, $0xF7A;
	s5 =	simm.s32 @!p2 $0x0  }
0x1d: {  	s5 =	simm.s32 @p1 $0x1;
	p0 =	seq.s32 s7, s2  }
0x1e: {  	s7 =	smul.u32 @!p0 $0xF7A, s2;
	p2 =	seq.s32 @!p0 s5, $0x0  }
0x1f: {  	s9 =	smul.u32 $0xF7A, s1;
	s8 =	simm.s32 @!p0 $0x1BF5;
	p2 =	por !p2, p0  }
0x20: {  	[sflag:s8] =	ssyncset.s32 @!p0 $0xFFFFF086;
	s6 =	sadd.s32 @!p0 s3, s7;
	s7 =	simm.s32 @!p0 $0x108  }
0x21: {  	s3 =	sadd.s32 s3, s9;
	s6 =	sadd.s32 @!p0 $0x88, s6;
	s7 =	simm.s32 @p2 $0x1082  }
0x22: {  	[simem:s7], [sflag:s8] =	dma.local @!p0 [hbm:s6], $0xF7A  }
0x23: {  	s9 =	sor.u32 $0xD0000000, s2;
	s6 =	simm.s32 $0x108;
	_ =	swait.ge @!p0 [sflag:s8], $0x0  }
0x24: {  	s3 =	sadd.s32 $0x88, s3;
	s6 =	simm.s32 @!p1 $0x1082;
	[sflag:s4] =	ssyncset.s32 $0xFFFFF086  }
0x25: {  	[simem:s6], [sflag:s4] =	dma.local [hbm:s3], $0xF7A  }
0x26: {  	[smem:$0x3F98] =	sst s1;
	(tag) =	ssettag s2;
	_ =	strace s9  }
0x27: {  	s1 =	sld [smem:$0x3FA8]  }
0x28: {  	s2 =	sld [smem:$0x3FA9]  }
0x29: {  	s4 =	sld [smem:$0x3FAB]  }
0x2a: {  	p0 =	seq.s32 s5, $0x0;
	s5 =	sld [smem:$0x3FAC]  }
0x2b: {  	s6 =	sld [smem:$0x3FAD]  }
0x2c: {  	s7 =	sld [smem:$0x3FAE]  }
0x2d: {  	s3 =	simm.s32 $0x108;
	s8 =	sld [smem:$0x3FAF]  }
0x2e: {  	s3 =	simm.s32 @!p0 $0x1082;
	s9 =	sld [smem:$0x3FB0]  }
0x2f: {  	lr =	sadd.s32 s0, s3;
	s0 =	sld [smem:$0x3FA7]  }
0x30: {  	s3 =	sld [smem:$0x3FAA]  }
0x31: {  	[smem:$0x3FB3] =	sst s10  }
0x32: {  	s10 =	sld [smem:$0x3FB1];
	_ =	sdelay $0x3  }
0x33: {  	p0 =	seq.s32 s10, $0x1;
	s10 =	sld [smem:$0x3FB3];
	_ =	sdelay $0x3  }
0x34: {  	[smem:$0x3FB3] =	sst s10  }
0x35: {  	s10 =	sld [smem:$0x3FB2];
	_ =	sdelay $0x3  }
0x36: {  	p1 =	seq.s32 s10, $0x1;
	s10 =	sld [smem:$0x3FB3];
	_ =	sdelay $0x3  }
0x37: {  	[smem:$0x3FB3] =	sst s10  }
0x38: {  	s10 =	sld [smem:$0x3FB4]  }
0x39: {  	_ = 	snop;
	(pc) =	sbr.ind lr, $3  }
0x3a: {  	_ = 	snop  }
0x3b: {  	_ = 	snop  }
0x3c: {  	p2 =	seq.s32 s10, $0x1;
	s10 =	sld [smem:$0x3FB3]  }
0x3d: {  	_ =	shalt  }
0x3e: {  	_ =	shalt  }
0x3f: {  	_ =	shalt  }
0x40: {  	_ =	shalt  }
0x41: {  	_ =	shalt  }
0x42: {  	_ =	shalt  }
0x43: {  	_ =	shalt  }
0x44: {  	_ =	shalt  }
0x45: {  	_ =	shalt  }
0x46: {  	_ =	shalt  }
0x47: {  	_ =	shalt  }
0x48: {  	_ =	shalt  }
0x49: {  	_ =	shalt  }
0x4a: {  	_ =	shalt  }
0x4b: {  	_ =	shalt  }
0x4c: {  	_ =	shalt  }
0x4d: {  	_ =	shalt  }
0x4e: {  	_ =	shalt  }
0x4f: {  	_ =	shalt  }
0x50: {  	_ =	shalt  }
0x51: {  	_ =	shalt  }
0x52: {  	_ =	shalt  }
0x53: {  	_ =	shalt  }
0x54: {  	_ =	shalt  }
0x55: {  	_ =	shalt  }
0x56: {  	_ =	shalt  }
0x57: {  	_ =	shalt  }
0x58: {  	_ =	shalt  }
0x59: {  	_ =	shalt  }
0x5a: {  	_ =	shalt  }
0x5b: {  	_ =	shalt  }
0x5c: {  	_ =	shalt  }
0x5d: {  	_ =	shalt  }
0x5e: {  	_ =	shalt  }
0x5f: {  	_ =	shalt  }
0x60: {  	_ =	shalt  }
0x61: {  	_ =	shalt  }
0x62: {  	_ =	shalt  }
0x63: {  	_ =	shalt  }
0x64: {  	_ =	shalt  }
0x65: {  	_ =	shalt  }
0x66: {  	_ =	shalt  }
0x67: {  	_ =	shalt  }
0x68: {  	_ =	shalt  }
0x69: {  	_ =	shalt  }
0x6a: {  	_ =	shalt  }
0x6b: {  	_ =	shalt  }
0x6c: {  	_ =	shalt  }
0x6d: {  	_ =	shalt  }
0x6e: {  	_ =	shalt  }
0x6f: {  	_ =	shalt  }
0x70: {  	_ =	shalt  }
0x71: {  	_ =	shalt  }
0x72: {  	_ =	shalt  }
0x73: {  	_ =	shalt  }
0x74: {  	_ =	shalt  }
0x75: {  	_ =	shalt  }
0x76: {  	_ =	shalt  }
0x77: {  	_ =	shalt  }
0x78: {  	_ =	shalt  }
0x79: {  	_ =	shalt  }
0x7a: {  	_ =	shalt  }
0x7b: {  	_ =	shalt  }
0x7c: {  	_ =	shalt  }
0x7d: {  	_ =	shalt  }
0x7e: {  	_ =	shalt  }
0x7f: {  	_ =	shalt  }
0x80: {  	_ =	shalt  }
0x81: {  	_ =	shalt  }
0x82: {  	_ =	shalt  }
0x83: {  	_ =	shalt  }
0x84: {  	_ =	shalt  }
0x85: {  	_ =	shalt  }
0x86: {  	_ =	shalt  }
0x87: {  	_ =	shalt  }
.Lfunc_end0:
.L_simem_size_0:
called_computation_lowered:
.L_overlay_start_0:
0x88: {  	s2 =	sld [smem:$0x3FD9]  }
0x89: {  	s3 =	sld [smem:$0x3FFE];
	_ =	sdelay $0x1  }
0x8a: {  	s1 =	srdreg.scid  }
0x8b: {  	s0 =	sand.u32 $0x1, s1  }
0x8c: {  	s16 =	sshll.u32 s0, $0xA;
	s2 =	sadd.s32 s3, s2  }
0x8d: {  	s2 =	sadd.s32 s2, s16  }
0x8e: {  	[smem:$0x3FBF] =	sst s2  }
0x8f: {  	_ = 	snop  }
0x90: {  	(tm) =	ssettm $0x1  }
0x91: {  	s17 =	sld [smem:$0x3FFB];
	_ =	sdelay $0x3  }
0x92: {  	_ =	strace s17  }
0x93: {  	s2 =	sld [smem:$0x3FFC];
	_ =	sdelay $0x3  }
0x94: {  	_ =	strace s2  }
0x95: {  	s2 =	sld [smem:$0x3FFD];
	_ =	sdelay $0x3  }
0x96: {  	_ =	strace s2  }
0x97: {  	_ =	strace $0x8FFFFFFF  }
0x98: {  	s18 =	sld [smem:$0x3FDB];
	_ =	sdelay $0x1  }
0x99: {  	s19 =	simm.s32 $_scs_section_size  }
0x9a: {  	s4 =	simm.s32 $_size__tile_overlayer_lowered;
	s5 =	simm.s32 $_tile_overlayer_lowered  }
0x9b: {  	s22 =	simm.s32 $0x1BFF;
	s21 =	sshll.u32 s5, $0x1;
	s2 =	sadd.s32 s19, s18  }
0x9c: {  	s6 =	simm.s32 $0x0;
	s20 =	sshll.u32 s4, $0x1;
	s4 =	sadd.s32 s21, s2  }
0x9d: {  	[timem:s6], [sflag:s22] =	dma.local [hbm:s4], s20  }
0x9e: {  	_ =	swait.ge [sflag:s22], s20  }
0x9f: {  	s3 =	ssub.s32 $0x0, s20;
	[sflag:s22] =	ssyncset.done $0x0  }
0xa0: {  	[sflag:s22] =	ssyncadd.s32 s3;
	_ =	sdelay $0x1  }
0xa1: {  	s23 =	simm.s32 $0x1B8B  }
0xa2: {  	_ =	swait.ge [sflag:s23], $0x1  }
0xa3: {  	[sflag:s23] =	ssyncset.done $0x0  }
0xa4: {  	s25 =	simm.s32 $0x1B8E;
	s24 =	sld [smem:$0x3FFE];
	[sflag:s23] =	ssyncadd.s32 $0xFFFFFFFF  }
0xa5: {  	s26 =	simm.s32 $execute0_lowered;
	[smem:$0x3FD2] =	sst s25  }
0xa6: {  	s4 =	sshll.u32 s26, $0x1;
	_ =	strace $0x80000046;
	[dreg:$0x1] =	wrdreg $0xFFFFFFFF  }
0xa7: {  	s28 =	simm.s32 $_size_execute0_lowered;
	s2 =	sadd.s32 s2, s4;
	[dreg:$0x0] =	wrdreg $0x0  }
0xa8: {  	s4 =	sshll.u32 s28, $0x1;
	[dreg:$0x2] =	wrdreg s2  }
0xa9: {  	[dreg:$0x3] =	wrdreg s4  }
0xaa: {  	[dreg:$0x4] =	wrdreg $0xC0  }
0xab: {  	_ =	task [dreg:s6], $0x5FFFF  }
0xac: {  	[dreg:$0x1] =	wrdreg $0xFFFFFFFF  }
0xad: {  	[dreg:$0x0] =	wrdreg $0x60  }
0xae: {  	[dreg:$0x2] =	wrdreg s24  }
0xaf: {  	[dreg:$0x3] =	wrdreg $0x8C000  }
0xb0: {  	[dreg:$0x4] =	wrdreg $0x1CC000  }
0xb1: {  	[dreg:$0x5] =	wrdreg $0x1CE800  }
0xb2: {  	[dreg:$0x6] =	wrdreg $0x9  }
0xb3: {  	_ =	task.clear_ibuf [dreg:s6], $0x7FFFF;
	_ =	strace $0x90000046  }
0xb4: {  	s29 =	simm.s32 $0x9;
	_ =	strace $0x80000048  }
0xb5: {  	_ =	swait.ge [sflag:s29], $0x1  }
0xb6: {  	[sflag:s29] =	ssyncadd.s32 $0xFFFFFFFF  }
0xb7: {  	_ =	strace $0x90000048  }
0xb8: {  	_ =	sfence  }
0xb9: {  	s30 =	sld [smem:$0x0];
	_ =	sdelay $0x2  }
0xba: {  	s31 =	sshll.u32 s1, $0xD;
	s1 =	sshrl.u32 s1, $0x2  }
0xbb: {  	s3 =	sand.u32 $0x4000, s31;
	s1 =	sadd.s32 s1, s30  }
0xbc: {  	s0 =	sor.u32 s3, s0;
	s1 =	sshll.u32 s1, $0x11  }
0xbd: {  	s0 =	sor.u32 s1, s0  }
0xbe: {  	s0 =	sadd.s32 $0x8F2B, s0  }
0xbf: {  	[sflag:s0] =	ssyncadd.remote.s32 $0x1  }
0xc0: {  	_ =	sfence.sel $0xFFFF  }
0xc1: {  	[dreg:$0x0] =	wrdreg $0xFFFFFFFF;
	(pc) =	sbr.abs _section_cstart, $3  }
0xc2: {  	[dreg:$0x1] =	wrdreg $0xFFFFFFFF  }
0xc3: {  	_ =	task.clear_ibuf [dreg:s6], $0x2FFFF;
	_ =	strace $0x9FFFFFFF  }
0xc4: {  	(tm) =	ssettm $0x7FFFFFFF  }
0xc5: {  	_ =	shalt  }
tec
execute0_lowered:
.L_overlay_start_1:
0x0: {  	(tag) =	ssettag $0x1  }
0x1: {  	s0 =	rddreg [dreg:$0x0];
	s2 =	srdreg.scid  }
0x2: {  	s1 =	rddreg [dreg:$0x1];
	s19 =	stileid.u32  }
0x3: {  	s28 =	simm.s32 $0x2;
	s29 =	simm.s32 $0x880;
	s31 =	simm.s32 $0x2C00  }
0x4: {  	s4 =	sand.u32 $0x1, s2;
	s2 =	simm.s32 $0x0;
	s6 =	smul.u32 $0x14000, s19  }
0x5: {  	s8 =	sadd.s32 $0x3E200, s0;
	p0 =	sgt.u32 s19, $0x9;
	s7 =	smul.u32 $0x2800, s4  }
0x6: {  	s3 =	ssub.s32 $0x2, s4;
	[smem:$0x7FF] =	sst s2;
	s4 =	smul.u32 $0x140000, s4  }
0x7: {  	p1 =	sne.s32 @p0 s19, $0xF;
	s5 =	sshrl.u32 s3, $0x1;
	s9 =	sadd.s32 $0x4000, s6  }
0x8: {  	s10 =	sadd.s32 $0x6000, s6;
	s11 =	sadd.s32 $0x8000, s6;
	s12 =	sadd.s32 $0xA000, s6  }
0x9: {  	s13 =	sadd.s32 $0xC000, s6;
	s16 =	sadd.s32 $0xE000, s6;
	s17 =	sadd.s32 $0x10000, s6  }
0xa: {  	p1 =	por p1, !p0;
	s3 =	ssub.s32 s3, s5;
	s5 =	sor.u32 $0x2000, s6  }
0xb: {  	s14 =	sadd.s32 s6, s4;
	s6 =	sadd.s32 $0x12000, s6;
	s20 =	sadd.s32 s4, s9  }
0xc: {  	s21 =	sadd.s32 s4, s10;
	s24 =	sadd.s32 s4, s12;
	s25 =	sadd.s32 s4, s13  }
0xd: {  	s26 =	sadd.s32 s4, s16;
	s9 =	sadd.s32 s9, s1;
	s14 =	sshrl.u32 s14, $0x3  }
0xe: {  	s10 =	sadd.s32 s10, s1;
	s15 =	sadd.s32 s4, s5;
	s14 =	sadd.s32 s8, s14  }
0xf: {  	s18 =	sshrl.u32 s15, $0x3;
	s15 =	sshrl.u32 s21, $0x3;
	s21 =	sshrl.u32 s26, $0x3  }
0x10: {  	[dreg:$0x5] =	wrdreg s14;
	s14 =	sadd.s32 s8, s18;
	s18 =	sadd.s32 s4, s11  }
0x11: {  	s22 =	sadd.s32 s8, s15;
	s15 =	sshrl.u32 s25, $0x3;
	[dreg:$0x6] =	wrdreg s14  }
0x12: {  	s14 =	sshrl.u32 s20, $0x3;
	[dreg:$0x8] =	wrdreg s22;
	s23 =	sshrl.u32 s18, $0x3  }
0x13: {  	s20 =	sadd.s32 s8, s15;
	s15 =	rddreg [dreg:$0x3];
	s14 =	sadd.s32 s8, s14  }
0x14: {  	s26 =	smul.u32 $0x50000, s19;
	[dreg:$0x7] =	wrdreg s14;
	s14 =	sadd.s32 s8, s23  }
0x15: {  	s22 =	sadd.s32 s4, s17;
	[dreg:$0x9] =	wrdreg s14;
	s14 =	sshrl.u32 s24, $0x3  }
0x16: {  	s4 =	sadd.s32 s4, s6;
	[dreg:$0xb] =	wrdreg s20;
	s14 =	sadd.s32 s8, s14  }
0x17: {  	s4 =	sshrl.u32 s4, $0x3;
	[dreg:$0xa] =	wrdreg s14;
	s14 =	sadd.s32 s8, s21  }
0x18: {  	s4 =	sadd.s32 s8, s4;
	[dreg:$0xc] =	wrdreg s14;
	s14 =	sshrl.u32 s22, $0x3  }
0x19: {  	s12 =	sadd.s32 s12, s1;
	[dreg:$0xe] =	wrdreg s4;
	s14 =	sadd.s32 s8, s14  }
0x1a: {  	s13 =	sadd.s32 s13, s1;
	s18 =	sshrl.u32 s26, $0x2;
	[dreg:$0xd] =	wrdreg s14  }
0x1b: {  	s5 =	sadd.s32 s5, s1;
	s18 =	sadd.s32 s18, s1;
	s14 =	rddreg [dreg:$0x2]  }
0x1c: {  	s25 =	sshll.u32 s19, $0xA;
	_ =	strace $0x80000047;
	[dreg:$0xf] =	wrdreg s18  }
0x1d: {  	s11 =	sadd.s32 s11, s1;
	s26 =	sadd.s32 $0x15800, s0;
	[dreg:$0x10] =	wrdreg s5  }
0x1e: {  	s20 =	sadd.s32 s17, s1;
	s23 =	smul.u32 $0x5000, s19;
	[dreg:$0x11] =	wrdreg s9  }
0x1f: {  	s17 =	simm.s32 $0xB00;
	s19 =	simm.s32 $0x4;
	[dreg:$0x12] =	wrdreg s10  }
0x20: {  	s24 =	sadd.s32 s7, s23;
	s7 =	sadd.s32 s25, s7;
	[dreg:$0x13] =	wrdreg s11  }
0x21: {  	s4 =	sshrl.u32 s24, $0x3;
	s7 =	sshrl.u32 s7, $0x3;
	[dreg:$0x14] =	wrdreg s12  }
0x22: {  	s21 =	sadd.s32 s6, s1;
	s24 =	smax.u32 s3, $0x1;
	[dreg:$0x15] =	wrdreg s13  }
0x23: {  	s6 =	simm.s32 $0x5;
	s4 =	sadd.s32 s4, s0;
	[dreg:$0x17] =	wrdreg s20  }
0x24: {  	s7 =	sadd.s32 s7, s0;
	s22 =	sadd.s32 $0x1000, s0;
	[dreg:$0x18] =	wrdreg s21  }
0x25: {  	s0 =	sadd.s32 $0x1400, s0;
	s23 =	sadd.s32 $0x3D800, s7;
	[dreg:$0x19] =	wrdreg s22  }
0x26: {  	s3 =	sadd.s32 $0xB800, s4;
	s7 =	simm.s32 $0x400;
	[dreg:$0x1a] =	wrdreg s0  }
0x27: {  	s8 =	simm.s32 $0x40;
	s18 =	sadd.s32 s16, s1;
	[dreg:$0x1b] =	wrdreg s23  }
0x28: {  	s30 =	sadd.s32 s25, s14;
	[dreg:$0x1c] =	wrdreg s24;
	s0 =	sadd.s32 $0x1800, s4  }
0x29: {  	s25 =	sadd.s32 $0x2000, s15;
	s5 =	simm.s32 $0xC00;
	s9 =	simm.s32 $0x800  }
0x2a: {  	s10 =	simm.s32 $0xA00;
	s11 =	simm.s32 $0x4C00;
	s13 =	simm.s32 $0x1  }
0x2b: {  	s12 =	simm.s32 $0xA80;
	s4 =	simm.s32 $0x6C00;
	s16 =	simm.s32 $0x900  }
0x2c: {  	s20 =	simm.s32 $0x980;
	s21 =	simm.s32 $0xB80;
	[dreg:$0x16] =	wrdreg s18  }
0x2d: {  	v0 =	vimm.f32 $0.0e+00;
	s23 =	simm.s32 $0x0;
	[dreg:$0x1d] =	wrdreg s25;
	s18 =	simm.s32 $0x3  }
.LBB2_1:
0x2e: {  	[dreg:$0x1e] =	wrdreg s23  }
0x2f: {  	s22 =	smov.u32 s30;
	s23 =	simm.s32 $0x0;
	s24 =	simm.s32 $0x200  }
.LBB2_2:
0x30: {  	p2 =	sne.s32 s24, $0x7E00;
	[tilespmem:s23+$0xC70] =	vst v0  }
0x31: {  	[tilespmem:s23+$0xC00] =	vst v0  }
0x32: {  	[tilespmem:s23+$0xC10] =	vst v0  }
.Ltmp0:
0x33: {  	[tilespmem:s23+$0xC20] =	vst v0;
	(pc) =	sbr.rel @p2 .LBB2_2-.Ltmp0, $4  }
0x34: {  	[tilespmem:s23+$0xC30] =	vst v0  }
0x35: {  	[tilespmem:s23+$0xC40] =	vst v0  }
0x36: {  	[tilespmem:s23+$0xC50] =	vst v0  }
0x37: {  	[tilespmem:s23+$0xC60] =	vst v0;
	s23 =	sshra.s32 s24, $0x2;
	s24 =	sadd.s32 $0x200, s24  }
0x38: {  	[tilespmem:s23+$0xC70] =	vst v0  }
0x39: {  	[tilespmem:s23+$0xC00] =	vst v0  }
0x3a: {  	[tilespmem:s23+$0xC10] =	vst v0  }
0x3b: {  	[tilespmem:s23+$0xC20] =	vst v0  }
0x3c: {  	[tilespmem:s23+$0xC30] =	vst v0  }
0x3d: {  	[tilespmem:s23+$0xC40] =	vst v0  }
0x3e: {  	[tilespmem:s23+$0xC50] =	vst v0  }
0x3f: {  	[tilespmem:s23+$0xC60] =	vst v0;
	s24 =	rddreg [dreg:$0xf]  }
0x40: {  	[spmem:s24] =	stream.linear.scatter [tilespmem:s5], [sflag:$0x5], $0x2000, $0x38;
	[tilespmem:$0x1D280] =	vst v63  }
0x41: {  	_ =	swait.ge [sflag:s6], $0x2000  }
0x42: {  	[sflag:s6] =	ssyncset.done $0x0  }
0x43: {  	s25 =	rddreg [dreg:$0x10];
	[sflag:s6] =	ssyncadd.s32 $0xFFFFE000  }
0x44: {  	[spmem:s25] =	stream.linear.scatter [tilespmem:s5], [sflag:$0x5], $0x2000, $0x38;
	[tilespmem:$0x1D280] =	vst v63  }
0x45: {  	_ =	swait.ge [sflag:s6], $0x2000  }
0x46: {  	[sflag:s6] =	ssyncset.done $0x0  }
0x47: {  	s24 =	rddreg [dreg:$0x11];
	[sflag:s6] =	ssyncadd.s32 $0xFFFFE000  }
0x48: {  	[spmem:s24] =	stream.linear.scatter [tilespmem:s5], [sflag:$0x5], $0x2000, $0x38;
	[tilespmem:$0x1D280] =	vst v63  }
0x49: {  	_ =	swait.ge [sflag:s6], $0x2000  }
0x4a: {  	[sflag:s6] =	ssyncset.done $0x0  }
0x4b: {  	s25 =	rddreg [dreg:$0x12];
	[sflag:s6] =	ssyncadd.s32 $0xFFFFE000  }
0x4c: {  	[spmem:s25] =	stream.linear.scatter [tilespmem:s5], [sflag:$0x5], $0x2000, $0x38;
	[tilespmem:$0x1D280] =	vst v63  }
0x4d: {  	_ =	swait.ge [sflag:s6], $0x2000  }
0x4e: {  	[sflag:s6] =	ssyncset.done $0x0  }
0x4f: {  	s24 =	rddreg [dreg:$0x13];
	[sflag:s6] =	ssyncadd.s32 $0xFFFFE000  }
0x50: {  	[spmem:s24] =	stream.linear.scatter [tilespmem:s5], [sflag:$0x5], $0x2000, $0x38;
	[tilespmem:$0x1D280] =	vst v63  }
0x51: {  	_ =	swait.ge [sflag:s6], $0x2000  }
0x52: {  	[sflag:s6] =	ssyncset.done $0x0  }
0x53: {  	s25 =	rddreg [dreg:$0x14];
	[sflag:s6] =	ssyncadd.s32 $0xFFFFE000  }
0x54: {  	[spmem:s25] =	stream.linear.scatter [tilespmem:s5], [sflag:$0x5], $0x2000, $0x38;
	[tilespmem:$0x1D280] =	vst v63  }
0x55: {  	_ =	swait.ge [sflag:s6], $0x2000  }
0x56: {  	[sflag:s6] =	ssyncset.done $0x0  }
0x57: {  	s24 =	rddreg [dreg:$0x15];
	[sflag:s6] =	ssyncadd.s32 $0xFFFFE000  }
0x58: {  	[spmem:s24] =	stream.linear.scatter [tilespmem:s5], [sflag:$0x5], $0x2000, $0x38;
	[tilespmem:$0x1D280] =	vst v63  }
0x59: {  	_ =	swait.ge [sflag:s6], $0x2000  }
0x5a: {  	[sflag:s6] =	ssyncset.done $0x0  }
0x5b: {  	s25 =	rddreg [dreg:$0x16];
	[sflag:s6] =	ssyncadd.s32 $0xFFFFE000  }
0x5c: {  	[spmem:s25] =	stream.linear.scatter [tilespmem:s5], [sflag:$0x5], $0x2000, $0x38;
	[tilespmem:$0x1D280] =	vst v63  }
0x5d: {  	_ =	swait.ge [sflag:s6], $0x2000  }
0x5e: {  	[sflag:s6] =	ssyncset.done $0x0  }
0x5f: {  	s24 =	rddreg [dreg:$0x17];
	[sflag:s6] =	ssyncadd.s32 $0xFFFFE000  }
0x60: {  	[spmem:s24] =	stream.linear.scatter [tilespmem:s5], [sflag:$0x5], $0x2000, $0x38;
	[tilespmem:$0x1D280] =	vst v63  }
0x61: {  	_ =	swait.ge [sflag:s6], $0x2000  }
0x62: {  	[sflag:s6] =	ssyncset.done $0x0  }
0x63: {  	s25 =	rddreg [dreg:$0x18];
	[sflag:s6] =	ssyncadd.s32 $0xFFFFE000  }
0x64: {  	[spmem:s25] =	stream.linear.scatter [tilespmem:s5], [sflag:$0x5], $0x2000, $0x38;
	[tilespmem:$0x1D280] =	vst v63  }
0x65: {  	_ =	swait.ge [sflag:s6], $0x2000  }
0x66: {  	s23 =	simm.s32 @!p1 $0x0;
	[sflag:s6] =	ssyncset.done $0x0  }
0x67: {  	s24 =	simm.s32 @!p1 $0x4C00;
	s25 =	rddreg [dreg:$0x19];
	[sflag:s6] =	ssyncadd.s32 $0xFFFFE000  }
0x68: {  	[tilespmem:s24], [sflag:$0x5] =	stream.linear.gather @!p1 [hbm4b:s25+s23], $0x2000, $0x38;
	[tilespmem:$0x1D280] =	vst v63  }
0x69: {  	s25 =	simm.s32 @!p1 $0x5  }
0x6a: {  	_ =	swait.ge @!p1 [sflag:s25], $0x2000  }
0x6b: {  	[sflag:s25] =	ssyncset.done @!p1 $0x0  }
0x6c: {  	[sflag:s25] =	ssyncadd.s32 @!p1 $0xFFFFE000  }
0x6d: {  	[spmem:s15] =	stream.linear.scatter @!p1 [tilespmem:s24], [sflag:$0x5], $0x2000, $0x38;
	[tilespmem:$0x1D280] =	vst v63  }
0x6e: {  	_ =	swait.ge @!p1 [sflag:s25], $0x2000  }
0x6f: {  	[sflag:s25] =	ssyncset.done @!p1 $0x0  }
0x70: {  	s24 =	simm.s32 @!p1 $0x6C00;
	s30 =	rddreg [dreg:$0x1a];
	[sflag:s25] =	ssyncadd.s32 @!p1 $0xFFFFE000  }
0x71: {  	[tilespmem:s24], [sflag:$0x5] =	stream.linear.gather @!p1 [hbm4b:s30+s23], $0x2000, $0x38;
	[tilespmem:$0x1D280] =	vst v63  }
0x72: {  	_ =	swait.ge @!p1 [sflag:s25], $0x2000  }
0x73: {  	[sflag:s25] =	ssyncset.done @!p1 $0x0  }
0x74: {  	s23 =	rddreg [dreg:$0x1d];
	[sflag:s25] =	ssyncadd.s32 @!p1 $0xFFFFE000  }
0x75: {  	[spmem:s23] =	stream.linear.scatter @!p1 [tilespmem:s24], [sflag:$0x5], $0x2000, $0x38;
	[tilespmem:$0x1D280] =	vst v63  }
0x76: {  	_ =	swait.ge @!p1 [sflag:s25], $0x2000  }
0x77: {  	[sflag:s25] =	ssyncset.done @!p1 $0x0  }
0x78: {  	s23 =	simm.s32 @!p0 $0xC00;
	[sflag:s25] =	ssyncadd.s32 @!p1 $0xFFFFE000  }
0x79: {  	[spmem:s22] =	stream.linear.scatter @!p0 [tilespmem:s23], [sflag:$0x5], $0x400, $0x38;
	[tilespmem:$0x1D280] =	vst v63  }
0x7a: {  	s23 =	simm.s32 @!p0 $0x5  }
0x7b: {  	_ =	swait.ge @!p0 [sflag:s23], $0x400  }
0x7c: {  	[sflag:s23] =	ssyncset.done @!p0 $0x0  }
0x7d: {  	[sflag:s23] =	ssyncadd.s32 @!p0 $0xFFFFFC00  }
0x7e: {  	s30 =	smov.u32 s22;
	s23 =	simm.s32 $0x0;
	[bflag:$0x0] =	sbarrier.arrive $0xFFFF  }
.LBB2_4:
0x7f: {  	s24 =	sadd.s32 s23, s3  }
0x80: {  	[tilespmem:s2], [sflag:$0x5] =	stream.linear.gather [hbm4b:s24+s2], $0x400, $0x38;
	[tilespmem:$0x1D280] =	vst v63  }
0x81: {  	_ =	swait.ge [sflag:s6], $0x400  }
0x82: {  	[sflag:s6] =	ssyncset.done $0x0  }
0x83: {  	s25 =	sadd.s32 s23, s0;
	[sflag:s6] =	ssyncadd.s32 $0xFFFFFC00  }
0x84: {  	[tilespmem:s7], [sflag:$0x5] =	stream.linear.gather [hbm4b:s25+s2], $0x400, $0x38;
	[tilespmem:$0x1D280] =	vst v63  }
0x85: {  	_ =	swait.ge [sflag:s6], $0x400  }
0x86: {  	[sflag:s6] =	ssyncset.done $0x0  }
0x87: {  	[sflag:s6] =	ssyncadd.s32 $0xFFFFFC00  }
0x88: {  	v1 =	vld [tilespmem:$0x400];
	_ =	sdelay $0x2  }
0x89: {  	v2 =	vld [tilespmem:$0x0]  }
0x8a: {  	v4 =	vld [tilespmem:$0x410]  }
0x8b: {  	v5 =	vld [tilespmem:$0x10];
	v3 =	vshra.s32 v1, $0x1F  }
0x8c: {  	v3 =	vshrl.u32 v3, $0x19  }
0x8d: {  	v3 =	vadd.s32 v3, v1  }
0x8e: {  	[tilespmem:$0x800] =	vst v2;
	v3 =	vshra.s32 v3, $0x7  }
0x8f: {  	v6 =	vld [tilespmem:$0x420];
	[tilespmem:$0x900] =	vst v1;
	v2 =	vshll.u32 v3, $0x7  }
0x90: {  	[tilespmem:$0x810] =	vst v5;
	v1 =	vsub.s32 v1, v2;
	v2 =	vshra.s32 v4, $0x1F  }
0x91: {  	[tilespmem:$0xA00] =	vst v1;
	v1 =	vshrl.u32 v2, $0x19  }
0x92: {  	[tilespmem:$0x910] =	vst v4;
	v2 =	vld [tilespmem:$0x20];
	v1 =	vadd.s32 v1, v4  }
0x93: {  	v14 =	vld [tilespmem:$0x430];
	[tilespmem:$0xB00] =	vst v3;
	v3 =	vand.u32 $0xFFFFFF80, v1  }
0x94: {  	v15 =	vshra.s32 v6, $0x1F;
	[tilespmem:$0x920] =	vst v6;
	v3 =	vsub.s32 v4, v3  }
0x95: {  	v1 =	vshra.s32 v1, $0x7;
	[tilespmem:$0xA10] =	vst v3;
	v3 =	vshrl.u32 v15, $0x19  }
0x96: {  	[tilespmem:$0xB10] =	vst v1;
	v1 =	vadd.s32 v3, v6;
	v3 =	vld [tilespmem:$0x30]  }
0x97: {  	[tilespmem:$0x820] =	vst v2;
	v2 =	vand.u32 $0xFFFFFF80, v1  }
0x98: {  	v16 =	vshra.s32 v14, $0x1F;
	[tilespmem:$0x930] =	vst v14;
	v2 =	vsub.s32 v6, v2  }
0x99: {  	v1 =	vshra.s32 v1, $0x7;
	[tilespmem:$0xA20] =	vst v2;
	v2 =	vshrl.u32 v16, $0x19  }
0x9a: {  	[tilespmem:$0xB20] =	vst v1;
	v1 =	vadd.s32 v2, v14  }
0x9b: {  	[tilespmem:$0x830] =	vst v3;
	v2 =	vand.u32 $0xFFFFFF80, v1;
	v1 =	vshra.s32 v1, $0x7  }
0x9c: {  	v2 =	vsub.s32 v14, v2;
	[tilespmem:$0xB30] =	vst v1  }
0x9d: {  	[tilespmem:$0xA30] =	vst v2  }
0x9e: {  	[tilespmem:s5], [sflag:$0x1] =	stream.indirect.gather [hbm4b:s26+s8], $0x80, s9, s8, $0xb8;
	[tilespmem:$0x1D280] =	vst v63  }
0x9f: {  	_ = 	snop  }
0xa0: {  	[tilespmem:s11], [sflag:$0x2] =	stream.indirect.gather [spmem:s15], $0x80, s10, s8, $0xb8;
	[tilespmem:$0x1D280] =	vst v63  }
0xa1: {  	_ =	swait.ge [sflag:s13], $0x2000  }
0xa2: {  	[sflag:s13] =	ssyncset.done $0x0  }
0xa3: {  	[sflag:s13] =	ssyncadd.s32 $0xFFFFE000  }
0xa4: {  	_ =	swait.ge [sflag:s28], $0x2000  }
0xa5: {  	[sflag:s28] =	ssyncset.done $0x0  }
0xa6: {  	[sflag:s28] =	ssyncadd.s32 $0xFFFFE000  }
0xa7: {  	v1 =	vld [tilespmem:$0x440];
	_ =	sdelay $0x1  }
0xa8: {  	v2 =	vld [tilespmem:$0x40]  }
0xa9: {  	v3 =	vld [tilespmem:$0x450]  }
0xaa: {  	v18 =	vld [tilespmem:$0x50]  }
0xab: {  	v17 =	vshra.s32 v1, $0x1F  }
0xac: {  	v4 =	vshrl.u32 v17, $0x19  }
0xad: {  	v19 =	vld [tilespmem:$0x460];
	[tilespmem:$0x880] =	vst v2;
	v4 =	vadd.s32 v4, v1  }
0xae: {  	v21 =	vld [tilespmem:$0x470];
	[tilespmem:$0x980] =	vst v1;
	v2 =	vand.u32 $0xFFFFFF80, v4  }
0xaf: {  	[tilespmem:$0x890] =	vst v18;
	v1 =	vsub.s32 v1, v2;
	v2 =	vshra.s32 v3, $0x1F  }
0xb0: {  	[tilespmem:$0xA80] =	vst v1;
	v1 =	vshrl.u32 v2, $0x19  }
0xb1: {  	[tilespmem:$0x990] =	vst v3;
	v2 =	vld [tilespmem:$0x60];
	v1 =	vadd.s32 v1, v3  }
0xb2: {  	[tilespmem:$0x9A0] =	vst v19;
	v20 =	vand.u32 $0xFFFFFF80, v1  }
0xb3: {  	v22 =	vshra.s32 v19, $0x1F;
	[tilespmem:$0x9B0] =	vst v21;
	v3 =	vsub.s32 v3, v20  }
0xb4: {  	v1 =	vshra.s32 v1, $0x7;
	[tilespmem:$0xA90] =	vst v3;
	v3 =	vshrl.u32 v22, $0x19  }
0xb5: {  	[tilespmem:$0xB90] =	vst v1;
	v1 =	vadd.s32 v3, v19;
	v3 =	vld [tilespmem:$0x70]  }
0xb6: {  	v4 =	vshra.s32 v4, $0x7;
	[tilespmem:$0x8A0] =	vst v2;
	v2 =	vand.u32 $0xFFFFFF80, v1  }
0xb7: {  	v23 =	vshra.s32 v21, $0x1F;
	[tilespmem:$0xB80] =	vst v4;
	v2 =	vsub.s32 v19, v2  }
0xb8: {  	v1 =	vshra.s32 v1, $0x7;
	[tilespmem:$0xAA0] =	vst v2;
	v2 =	vshrl.u32 v23, $0x19  }
0xb9: {  	[tilespmem:$0xBA0] =	vst v1;
	v1 =	vadd.s32 v2, v21  }
0xba: {  	[tilespmem:$0x8B0] =	vst v3;
	v2 =	vand.u32 $0xFFFFFF80, v1;
	v1 =	vshra.s32 v1, $0x7  }
0xbb: {  	v2 =	vsub.s32 v21, v2;
	[tilespmem:$0xBB0] =	vst v1  }
0xbc: {  	[tilespmem:$0xAB0] =	vst v2  }
0xbd: {  	[tilespmem:s31], [sflag:$0x1] =	stream.indirect.gather [hbm4b:s26+s8], $0x80, s29, s8, $0xb8;
	[tilespmem:$0x1D280] =	vst v63  }
0xbe: {  	_ = 	snop  }
0xbf: {  	[tilespmem:s4], [sflag:$0x2] =	stream.indirect.gather [spmem:s15], $0x80, s12, s8, $0xb8;
	[tilespmem:$0x1D280] =	vst v63  }
0xc0: {  	_ = 	snop  }
0xc1: {  	[spmem:s1] =	stream.indirect.scatter.add.f32 [tilespmem:s5], [sflag:$0x3], $0x80, s16, s8, $0xb8;
	[tilespmem:$0x1D280] =	vst v63  }
0xc2: {  	_ = 	snop  }
0xc3: {  	[spmem:s14] =	stream.indirect.scatter.add.f32 [tilespmem:s11], [sflag:$0x4], $0x80, s17, s8, $0xb8;
	[tilespmem:$0x1D280] =	vst v63  }
0xc4: {  	_ =	swait.ge [sflag:s13], $0x2000  }
0xc5: {  	[sflag:s13] =	ssyncset.done $0x0  }
0xc6: {  	[sflag:s13] =	ssyncadd.s32 $0xFFFFE000  }
0xc7: {  	_ =	swait.ge [sflag:s28], $0x2000  }
0xc8: {  	[sflag:s28] =	ssyncset.done $0x0  }
0xc9: {  	[sflag:s28] =	ssyncadd.s32 $0xFFFFE000  }
0xca: {  	_ =	swait.ge [sflag:s18], $0x2000  }
0xcb: {  	[sflag:s18] =	ssyncset.done $0x0  }
0xcc: {  	[sflag:s18] =	ssyncadd.s32 $0xFFFFE000  }
0xcd: {  	_ =	swait.ge [sflag:s19], $0x2000  }
0xce: {  	[sflag:s19] =	ssyncset.done $0x0  }
0xcf: {  	[sflag:s19] =	ssyncadd.s32 $0xFFFFE000  }
0xd0: {  	v1 =	vld [tilespmem:$0x480];
	_ =	sdelay $0x2  }
0xd1: {  	v2 =	vld [tilespmem:$0x80]  }
0xd2: {  	v3 =	vld [tilespmem:$0x490]  }
0xd3: {  	v24 =	vshra.s32 v1, $0x1F  }
0xd4: {  	v25 =	vld [tilespmem:$0x90];
	v4 =	vshrl.u32 v24, $0x19  }
0xd5: {  	v4 =	vadd.s32 v4, v1  }
0xd6: {  	[tilespmem:$0x800] =	vst v2;
	v2 =	vand.u32 $0xFFFFFF80, v4  }
0xd7: {  	[tilespmem:$0x900] =	vst v1;
	v1 =	vsub.s32 v1, v2;
	v2 =	vshra.s32 v3, $0x1F  }
0xd8: {  	[tilespmem:$0xA00] =	vst v1;
	v1 =	vshrl.u32 v2, $0x19  }
0xd9: {  	[tilespmem:$0x810] =	vst v25;
	v1 =	vadd.s32 v1, v3  }
0xda: {  	[tilespmem:$0x910] =	vst v3;
	v4 =	vshra.s32 v4, $0x7;
	v2 =	vand.u32 $0xFFFFFF80, v1  }
0xdb: {  	[tilespmem:$0xB00] =	vst v4;
	v2 =	vsub.s32 v3, v2  }
0xdc: {  	[tilespmem:$0xA10] =	vst v2  }
0xdd: {  	v2 =	vld [tilespmem:$0x4A0];
	_ =	sdelay $0x1  }
0xde: {  	v3 =	vld [tilespmem:$0xA0]  }
0xdf: {  	v26 =	vld [tilespmem:$0x4B0]  }
0xe0: {  	v28 =	vld [tilespmem:$0xB0]  }
0xe1: {  	v1 =	vshra.s32 v1, $0x7;
	v27 =	vshra.s32 v2, $0x1F  }
0xe2: {  	[tilespmem:$0xB10] =	vst v1;
	v5 =	vshrl.u32 v27, $0x19  }
0xe3: {  	[tilespmem:$0x820] =	vst v3;
	v1 =	vadd.s32 v5, v2  }
0xe4: {  	[tilespmem:$0x920] =	vst v2;
	v3 =	vand.u32 $0xFFFFFF80, v1  }
0xe5: {  	[tilespmem:$0x830] =	vst v28;
	v2 =	vsub.s32 v2, v3;
	v3 =	vshra.s32 v26, $0x1F  }
0xe6: {  	v1 =	vshra.s32 v1, $0x7;
	[tilespmem:$0xA20] =	vst v2;
	v2 =	vshrl.u32 v3, $0x19  }
0xe7: {  	[tilespmem:$0xB20] =	vst v1;
	v1 =	vadd.s32 v2, v26  }
0xe8: {  	[tilespmem:$0x930] =	vst v26;
	v2 =	vand.u32 $0xFFFFFF80, v1;
	v1 =	vshra.s32 v1, $0x7  }
0xe9: {  	v2 =	vsub.s32 v26, v2;
	[tilespmem:$0xB30] =	vst v1  }
0xea: {  	[tilespmem:$0xA30] =	vst v2  }
0xeb: {  	[tilespmem:s5], [sflag:$0x1] =	stream.indirect.gather [hbm4b:s26+s8], $0x80, s9, s8, $0xb8;
	[tilespmem:$0x1D280] =	vst v63  }
0xec: {  	_ = 	snop  }
0xed: {  	[tilespmem:s11], [sflag:$0x2] =	stream.indirect.gather [spmem:s15], $0x80, s10, s8, $0xb8;
	[tilespmem:$0x1D280] =	vst v63  }
0xee: {  	_ = 	snop  }
0xef: {  	[spmem:s1] =	stream.indirect.scatter.add.f32 [tilespmem:s31], [sflag:$0x3], $0x80, s20, s8, $0xb8;
	[tilespmem:$0x1D280] =	vst v63  }
0xf0: {  	_ = 	snop  }
0xf1: {  	[spmem:s14] =	stream.indirect.scatter.add.f32 [tilespmem:s4], [sflag:$0x4], $0x80, s21, s8, $0xb8;
	[tilespmem:$0x1D280] =	vst v63  }
0xf2: {  	_ =	swait.ge [sflag:s13], $0x2000  }
0xf3: {  	[sflag:s13] =	ssyncset.done $0x0  }
0xf4: {  	[sflag:s13] =	ssyncadd.s32 $0xFFFFE000  }
0xf5: {  	_ =	swait.ge [sflag:s28], $0x2000  }
0xf6: {  	[sflag:s28] =	ssyncset.done $0x0  }
0xf7: {  	[sflag:s28] =	ssyncadd.s32 $0xFFFFE000  }
0xf8: {  	_ =	swait.ge [sflag:s18], $0x2000  }
0xf9: {  	[sflag:s18] =	ssyncset.done $0x0  }
0xfa: {  	[sflag:s18] =	ssyncadd.s32 $0xFFFFE000  }
0xfb: {  	_ =	swait.ge [sflag:s19], $0x2000  }
0xfc: {  	[sflag:s19] =	ssyncset.done $0x0  }
0xfd: {  	[sflag:s19] =	ssyncadd.s32 $0xFFFFE000  }
0xfe: {  	v1 =	vld [tilespmem:$0x4C0];
	_ =	sdelay $0x1  }
0xff: {  	v2 =	vld [tilespmem:$0xC0]  }
0x100: {  	v3 =	vld [tilespmem:$0x4D0]  }
0x101: {  	v30 =	vld [tilespmem:$0xD0]  }
0x102: {  	v29 =	vshra.s32 v1, $0x1F  }
0x103: {  	v4 =	vshrl.u32 v29, $0x19  }
0x104: {  	v31 =	vld [tilespmem:$0x4E0];
	[tilespmem:$0x880] =	vst v2;
	v4 =	vadd.s32 v4, v1  }
0x105: {  	v33 =	vld [tilespmem:$0x4F0];
	[tilespmem:$0x980] =	vst v1;
	v2 =	vand.u32 $0xFFFFFF80, v4  }
0x106: {  	[tilespmem:$0x890] =	vst v30;
	v1 =	vsub.s32 v1, v2;
	v2 =	vshra.s32 v3, $0x1F  }
0x107: {  	[tilespmem:$0xA80] =	vst v1;
	v1 =	vshrl.u32 v2, $0x19  }
0x108: {  	[tilespmem:$0x990] =	vst v3;
	v2 =	vld [tilespmem:$0xE0];
	v1 =	vadd.s32 v1, v3  }
0x109: {  	[tilespmem:$0x9A0] =	vst v31;
	v32 =	vand.u32 $0xFFFFFF80, v1  }
0x10a: {  	v34 =	vshra.s32 v31, $0x1F;
	[tilespmem:$0x9B0] =	vst v33;
	v3 =	vsub.s32 v3, v32  }
0x10b: {  	v1 =	vshra.s32 v1, $0x7;
	[tilespmem:$0xA90] =	vst v3;
	v3 =	vshrl.u32 v34, $0x19  }
0x10c: {  	[tilespmem:$0xB90] =	vst v1;
	v1 =	vadd.s32 v3, v31;
	v3 =	vld [tilespmem:$0xF0]  }
0x10d: {  	v4 =	vshra.s32 v4, $0x7;
	[tilespmem:$0x8A0] =	vst v2;
	v2 =	vand.u32 $0xFFFFFF80, v1  }
0x10e: {  	v35 =	vshra.s32 v33, $0x1F;
	[tilespmem:$0xB80] =	vst v4;
	v2 =	vsub.s32 v31, v2  }
0x10f: {  	v1 =	vshra.s32 v1, $0x7;
	[tilespmem:$0xAA0] =	vst v2;
	v2 =	vshrl.u32 v35, $0x19  }
0x110: {  	[tilespmem:$0xBA0] =	vst v1;
	v1 =	vadd.s32 v2, v33  }
0x111: {  	[tilespmem:$0x8B0] =	vst v3;
	v2 =	vand.u32 $0xFFFFFF80, v1;
	v1 =	vshra.s32 v1, $0x7  }
0x112: {  	v2 =	vsub.s32 v33, v2;
	[tilespmem:$0xBB0] =	vst v1  }
0x113: {  	[tilespmem:$0xAB0] =	vst v2  }
0x114: {  	[tilespmem:s31], [sflag:$0x1] =	stream.indirect.gather [hbm4b:s26+s8], $0x80, s29, s8, $0xb8;
	[tilespmem:$0x1D280] =	vst v63  }
0x115: {  	_ = 	snop  }
0x116: {  	[tilespmem:s4], [sflag:$0x2] =	stream.indirect.gather [spmem:s15], $0x80, s12, s8, $0xb8;
	[tilespmem:$0x1D280] =	vst v63  }
0x117: {  	_ = 	snop  }
0x118: {  	[spmem:s1] =	stream.indirect.scatter.add.f32 [tilespmem:s5], [sflag:$0x3], $0x80, s16, s8, $0xb8;
	[tilespmem:$0x1D280] =	vst v63  }
0x119: {  	_ = 	snop  }
0x11a: {  	[spmem:s14] =	stream.indirect.scatter.add.f32 [tilespmem:s11], [sflag:$0x4], $0x80, s17, s8, $0xb8;
	[tilespmem:$0x1D280] =	vst v63  }
0x11b: {  	_ =	swait.ge [sflag:s13], $0x2000  }
0x11c: {  	[sflag:s13] =	ssyncset.done $0x0  }
0x11d: {  	[sflag:s13] =	ssyncadd.s32 $0xFFFFE000  }
0x11e: {  	_ =	swait.ge [sflag:s28], $0x2000  }
0x11f: {  	[sflag:s28] =	ssyncset.done $0x0  }
0x120: {  	[sflag:s28] =	ssyncadd.s32 $0xFFFFE000  }
0x121: {  	_ =	swait.ge [sflag:s18], $0x2000  }
0x122: {  	[sflag:s18] =	ssyncset.done $0x0  }
0x123: {  	[sflag:s18] =	ssyncadd.s32 $0xFFFFE000  }
0x124: {  	_ =	swait.ge [sflag:s19], $0x2000  }
0x125: {  	[sflag:s19] =	ssyncset.done $0x0  }
0x126: {  	[sflag:s19] =	ssyncadd.s32 $0xFFFFE000  }
0x127: {  	v1 =	vld [tilespmem:$0x500];
	_ =	sdelay $0x1  }
0x128: {  	v2 =	vld [tilespmem:$0x100]  }
0x129: {  	v3 =	vld [tilespmem:$0x510]  }
0x12a: {  	v37 =	vld [tilespmem:$0x110]  }
0x12b: {  	v36 =	vshra.s32 v1, $0x1F  }
0x12c: {  	v4 =	vshrl.u32 v36, $0x19  }
0x12d: {  	v38 =	vld [tilespmem:$0x520];
	[tilespmem:$0x800] =	vst v2;
	v4 =	vadd.s32 v4, v1  }
0x12e: {  	v40 =	vld [tilespmem:$0x530];
	[tilespmem:$0x900] =	vst v1;
	v2 =	vand.u32 $0xFFFFFF80, v4  }
0x12f: {  	[tilespmem:$0x810] =	vst v37;
	v1 =	vsub.s32 v1, v2;
	v2 =	vshra.s32 v3, $0x1F  }
0x130: {  	[tilespmem:$0xA00] =	vst v1;
	v1 =	vshrl.u32 v2, $0x19  }
0x131: {  	[tilespmem:$0x910] =	vst v3;
	v2 =	vld [tilespmem:$0x120];
	v1 =	vadd.s32 v1, v3  }
0x132: {  	[tilespmem:$0x920] =	vst v38;
	v39 =	vand.u32 $0xFFFFFF80, v1  }
0x133: {  	v41 =	vshra.s32 v38, $0x1F;
	[tilespmem:$0x930] =	vst v40;
	v3 =	vsub.s32 v3, v39  }
0x134: {  	v1 =	vshra.s32 v1, $0x7;
	[tilespmem:$0xA10] =	vst v3;
	v3 =	vshrl.u32 v41, $0x19  }
0x135: {  	[tilespmem:$0xB10] =	vst v1;
	v1 =	vadd.s32 v3, v38;
	v3 =	vld [tilespmem:$0x130]  }
0x136: {  	v4 =	vshra.s32 v4, $0x7;
	[tilespmem:$0x820] =	vst v2;
	v2 =	vand.u32 $0xFFFFFF80, v1  }
0x137: {  	v42 =	vshra.s32 v40, $0x1F;
	[tilespmem:$0xB00] =	vst v4;
	v2 =	vsub.s32 v38, v2  }
0x138: {  	v1 =	vshra.s32 v1, $0x7;
	[tilespmem:$0xA20] =	vst v2;
	v2 =	vshrl.u32 v42, $0x19  }
0x139: {  	[tilespmem:$0xB20] =	vst v1;
	v1 =	vadd.s32 v2, v40  }
0x13a: {  	[tilespmem:$0x830] =	vst v3;
	v2 =	vand.u32 $0xFFFFFF80, v1;
	v1 =	vshra.s32 v1, $0x7  }
0x13b: {  	v2 =	vsub.s32 v40, v2;
	[tilespmem:$0xB30] =	vst v1  }
0x13c: {  	[tilespmem:$0xA30] =	vst v2  }
0x13d: {  	[tilespmem:s5], [sflag:$0x1] =	stream.indirect.gather [hbm4b:s26+s8], $0x80, s9, s8, $0xb8;
	[tilespmem:$0x1D280] =	vst v63  }
0x13e: {  	_ = 	snop  }
0x13f: {  	[tilespmem:s11], [sflag:$0x2] =	stream.indirect.gather [spmem:s15], $0x80, s10, s8, $0xb8;
	[tilespmem:$0x1D280] =	vst v63  }
0x140: {  	_ = 	snop  }
0x141: {  	[spmem:s1] =	stream.indirect.scatter.add.f32 [tilespmem:s31], [sflag:$0x3], $0x80, s20, s8, $0xb8;
	[tilespmem:$0x1D280] =	vst v63  }
0x142: {  	_ = 	snop  }
0x143: {  	[spmem:s14] =	stream.indirect.scatter.add.f32 [tilespmem:s4], [sflag:$0x4], $0x80, s21, s8, $0xb8;
	[tilespmem:$0x1D280] =	vst v63  }
0x144: {  	_ =	swait.ge [sflag:s13], $0x2000  }
0x145: {  	[sflag:s13] =	ssyncset.done $0x0  }
0x146: {  	[sflag:s13] =	ssyncadd.s32 $0xFFFFE000  }
0x147: {  	_ =	swait.ge [sflag:s28], $0x2000  }
0x148: {  	[sflag:s28] =	ssyncset.done $0x0  }
0x149: {  	[sflag:s28] =	ssyncadd.s32 $0xFFFFE000  }
0x14a: {  	_ =	swait.ge [sflag:s18], $0x2000  }
0x14b: {  	[sflag:s18] =	ssyncset.done $0x0  }
0x14c: {  	[sflag:s18] =	ssyncadd.s32 $0xFFFFE000  }
0x14d: {  	_ =	swait.ge [sflag:s19], $0x2000  }
0x14e: {  	[sflag:s19] =	ssyncset.done $0x0  }
0x14f: {  	[sflag:s19] =	ssyncadd.s32 $0xFFFFE000  }
0x150: {  	v1 =	vld [tilespmem:$0x540];
	_ =	sdelay $0x1  }
0x151: {  	v2 =	vld [tilespmem:$0x140]  }
0x152: {  	v3 =	vld [tilespmem:$0x550]  }
0x153: {  	v44 =	vld [tilespmem:$0x150]  }
0x154: {  	v43 =	vshra.s32 v1, $0x1F  }
0x155: {  	v4 =	vshrl.u32 v43, $0x19  }
0x156: {  	v45 =	vld [tilespmem:$0x560];
	[tilespmem:$0x880] =	vst v2;
	v4 =	vadd.s32 v4, v1  }
0x157: {  	v47 =	vld [tilespmem:$0x570];
	[tilespmem:$0x980] =	vst v1;
	v2 =	vand.u32 $0xFFFFFF80, v4  }
0x158: {  	[tilespmem:$0x890] =	vst v44;
	v1 =	vsub.s32 v1, v2;
	v2 =	vshra.s32 v3, $0x1F  }
0x159: {  	[tilespmem:$0xA80] =	vst v1;
	v1 =	vshrl.u32 v2, $0x19  }
0x15a: {  	[tilespmem:$0x990] =	vst v3;
	v2 =	vld [tilespmem:$0x160];
	v1 =	vadd.s32 v1, v3  }
0x15b: {  	[tilespmem:$0x9A0] =	vst v45;
	v46 =	vand.u32 $0xFFFFFF80, v1  }
0x15c: {  	v48 =	vshra.s32 v45, $0x1F;
	[tilespmem:$0x9B0] =	vst v47;
	v3 =	vsub.s32 v3, v46  }
0x15d: {  	v1 =	vshra.s32 v1, $0x7;
	[tilespmem:$0xA90] =	vst v3;
	v3 =	vshrl.u32 v48, $0x19  }
0x15e: {  	[tilespmem:$0xB90] =	vst v1;
	v1 =	vadd.s32 v3, v45;
	v3 =	vld [tilespmem:$0x170]  }
0x15f: {  	v4 =	vshra.s32 v4, $0x7;
	[tilespmem:$0x8A0] =	vst v2;
	v2 =	vand.u32 $0xFFFFFF80, v1  }
0x160: {  	v49 =	vshra.s32 v47, $0x1F;
	[tilespmem:$0xB80] =	vst v4;
	v2 =	vsub.s32 v45, v2  }
0x161: {  	v1 =	vshra.s32 v1, $0x7;
	[tilespmem:$0xAA0] =	vst v2;
	v2 =	vshrl.u32 v49, $0x19  }
0x162: {  	[tilespmem:$0xBA0] =	vst v1;
	v1 =	vadd.s32 v2, v47  }
0x163: {  	[tilespmem:$0x8B0] =	vst v3;
	v2 =	vand.u32 $0xFFFFFF80, v1;
	v1 =	vshra.s32 v1, $0x7  }
0x164: {  	v2 =	vsub.s32 v47, v2;
	[tilespmem:$0xBB0] =	vst v1  }
0x165: {  	[tilespmem:$0xAB0] =	vst v2  }
0x166: {  	[tilespmem:s31], [sflag:$0x1] =	stream.indirect.gather [hbm4b:s26+s8], $0x80, s29, s8, $0xb8;
	[tilespmem:$0x1D280] =	vst v63  }
0x167: {  	_ = 	snop  }
0x168: {  	[tilespmem:s4], [sflag:$0x2] =	stream.indirect.gather [spmem:s15], $0x80, s12, s8, $0xb8;
	[tilespmem:$0x1D280] =	vst v63  }
0x169: {  	_ = 	snop  }
0x16a: {  	[spmem:s1] =	stream.indirect.scatter.add.f32 [tilespmem:s5], [sflag:$0x3], $0x80, s16, s8, $0xb8;
	[tilespmem:$0x1D280] =	vst v63  }
0x16b: {  	_ = 	snop  }
0x16c: {  	[spmem:s14] =	stream.indirect.scatter.add.f32 [tilespmem:s11], [sflag:$0x4], $0x80, s17, s8, $0xb8;
	[tilespmem:$0x1D280] =	vst v63  }
0x16d: {  	_ =	swait.ge [sflag:s13], $0x2000  }
0x16e: {  	[sflag:s13] =	ssyncset.done $0x0  }
0x16f: {  	[sflag:s13] =	ssyncadd.s32 $0xFFFFE000  }
0x170: {  	_ =	swait.ge [sflag:s28], $0x2000  }
0x171: {  	[sflag:s28] =	ssyncset.done $0x0  }
0x172: {  	[sflag:s28] =	ssyncadd.s32 $0xFFFFE000  }
0x173: {  	_ =	swait.ge [sflag:s18], $0x2000  }
0x174: {  	[sflag:s18] =	ssyncset.done $0x0  }
0x175: {  	[sflag:s18] =	ssyncadd.s32 $0xFFFFE000  }
0x176: {  	_ =	swait.ge [sflag:s19], $0x2000  }
0x177: {  	[sflag:s19] =	ssyncset.done $0x0  }
0x178: {  	[sflag:s19] =	ssyncadd.s32 $0xFFFFE000  }
0x179: {  	v1 =	vld [tilespmem:$0x580];
	_ =	sdelay $0x1  }
0x17a: {  	v2 =	vld [tilespmem:$0x180]  }
0x17b: {  	v3 =	vld [tilespmem:$0x590]  }
0x17c: {  	v51 =	vld [tilespmem:$0x190]  }
0x17d: {  	v50 =	vshra.s32 v1, $0x1F  }
0x17e: {  	v4 =	vshrl.u32 v50, $0x19  }
0x17f: {  	v52 =	vld [tilespmem:$0x5A0];
	[tilespmem:$0x800] =	vst v2;
	v4 =	vadd.s32 v4, v1  }
0x180: {  	v54 =	vld [tilespmem:$0x5B0];
	[tilespmem:$0x900] =	vst v1;
	v2 =	vand.u32 $0xFFFFFF80, v4  }
0x181: {  	[tilespmem:$0x810] =	vst v51;
	v1 =	vsub.s32 v1, v2;
	v2 =	vshra.s32 v3, $0x1F  }
0x182: {  	[tilespmem:$0xA00] =	vst v1;
	v1 =	vshrl.u32 v2, $0x19  }
0x183: {  	[tilespmem:$0x910] =	vst v3;
	v2 =	vld [tilespmem:$0x1A0];
	v1 =	vadd.s32 v1, v3  }
0x184: {  	[tilespmem:$0x920] =	vst v52;
	v53 =	vand.u32 $0xFFFFFF80, v1  }
0x185: {  	v55 =	vshra.s32 v52, $0x1F;
	[tilespmem:$0x930] =	vst v54;
	v3 =	vsub.s32 v3, v53  }
0x186: {  	v1 =	vshra.s32 v1, $0x7;
	[tilespmem:$0xA10] =	vst v3;
	v3 =	vshrl.u32 v55, $0x19  }
0x187: {  	[tilespmem:$0xB10] =	vst v1;
	v1 =	vadd.s32 v3, v52;
	v3 =	vld [tilespmem:$0x1B0]  }
0x188: {  	v4 =	vshra.s32 v4, $0x7;
	[tilespmem:$0x820] =	vst v2;
	v2 =	vand.u32 $0xFFFFFF80, v1  }
0x189: {  	v56 =	vshra.s32 v54, $0x1F;
	[tilespmem:$0xB00] =	vst v4;
	v2 =	vsub.s32 v52, v2  }
0x18a: {  	v1 =	vshra.s32 v1, $0x7;
	[tilespmem:$0xA20] =	vst v2;
	v2 =	vshrl.u32 v56, $0x19  }
0x18b: {  	[tilespmem:$0xB20] =	vst v1;
	v1 =	vadd.s32 v2, v54  }
0x18c: {  	[tilespmem:$0x830] =	vst v3;
	v2 =	vand.u32 $0xFFFFFF80, v1;
	v1 =	vshra.s32 v1, $0x7  }
0x18d: {  	v2 =	vsub.s32 v54, v2;
	[tilespmem:$0xB30] =	vst v1  }
0x18e: {  	[tilespmem:$0xA30] =	vst v2  }
0x18f: {  	[tilespmem:s5], [sflag:$0x1] =	stream.indirect.gather [hbm4b:s26+s8], $0x80, s9, s8, $0xb8;
	[tilespmem:$0x1D280] =	vst v63  }
0x190: {  	_ = 	snop  }
0x191: {  	[tilespmem:s11], [sflag:$0x2] =	stream.indirect.gather [spmem:s15], $0x80, s10, s8, $0xb8;
	[tilespmem:$0x1D280] =	vst v63  }
0x192: {  	_ = 	snop  }
0x193: {  	[spmem:s1] =	stream.indirect.scatter.add.f32 [tilespmem:s31], [sflag:$0x3], $0x80, s20, s8, $0xb8;
	[tilespmem:$0x1D280] =	vst v63  }
0x194: {  	_ = 	snop  }
0x195: {  	[spmem:s14] =	stream.indirect.scatter.add.f32 [tilespmem:s4], [sflag:$0x4], $0x80, s21, s8, $0xb8;
	[tilespmem:$0x1D280] =	vst v63  }
0x196: {  	_ =	swait.ge [sflag:s13], $0x2000  }
0x197: {  	[sflag:s13] =	ssyncset.done $0x0  }
0x198: {  	[sflag:s13] =	ssyncadd.s32 $0xFFFFE000  }
0x199: {  	_ =	swait.ge [sflag:s28], $0x2000  }
0x19a: {  	[sflag:s28] =	ssyncset.done $0x0  }
0x19b: {  	[sflag:s28] =	ssyncadd.s32 $0xFFFFE000  }
0x19c: {  	_ =	swait.ge [sflag:s18], $0x2000  }
0x19d: {  	[sflag:s18] =	ssyncset.done $0x0  }
0x19e: {  	[sflag:s18] =	ssyncadd.s32 $0xFFFFE000  }
0x19f: {  	_ =	swait.ge [sflag:s19], $0x2000  }
0x1a0: {  	[sflag:s19] =	ssyncset.done $0x0  }
0x1a1: {  	[sflag:s19] =	ssyncadd.s32 $0xFFFFE000  }
0x1a2: {  	v1 =	vld [tilespmem:$0x5C0];
	_ =	sdelay $0x1  }
0x1a3: {  	v2 =	vld [tilespmem:$0x1C0]  }
0x1a4: {  	v3 =	vld [tilespmem:$0x5D0]  }
0x1a5: {  	v58 =	vld [tilespmem:$0x1D0]  }
0x1a6: {  	v57 =	vshra.s32 v1, $0x1F  }
0x1a7: {  	v4 =	vshrl.u32 v57, $0x19  }
0x1a8: {  	v59 =	vld [tilespmem:$0x5E0];
	[tilespmem:$0x880] =	vst v2;
	v4 =	vadd.s32 v4, v1  }
0x1a9: {  	v61 =	vld [tilespmem:$0x5F0];
	[tilespmem:$0x980] =	vst v1;
	v2 =	vand.u32 $0xFFFFFF80, v4  }
0x1aa: {  	[tilespmem:$0x890] =	vst v58;
	v1 =	vsub.s32 v1, v2;
	v2 =	vshra.s32 v3, $0x1F  }
0x1ab: {  	[tilespmem:$0xA80] =	vst v1;
	v1 =	vshrl.u32 v2, $0x19  }
0x1ac: {  	[tilespmem:$0x990] =	vst v3;
	v2 =	vld [tilespmem:$0x1E0];
	v1 =	vadd.s32 v1, v3  }
0x1ad: {  	[tilespmem:$0x9A0] =	vst v59;
	v60 =	vand.u32 $0xFFFFFF80, v1  }
0x1ae: {  	v62 =	vshra.s32 v59, $0x1F;
	[tilespmem:$0x9B0] =	vst v61;
	v3 =	vsub.s32 v3, v60  }
0x1af: {  	v1 =	vshra.s32 v1, $0x7;
	[tilespmem:$0xA90] =	vst v3;
	v3 =	vshrl.u32 v62, $0x19  }
0x1b0: {  	[tilespmem:$0xB90] =	vst v1;
	v1 =	vadd.s32 v3, v59;
	v3 =	vld [tilespmem:$0x1F0]  }
0x1b1: {  	v4 =	vshra.s32 v4, $0x7;
	[tilespmem:$0x8A0] =	vst v2;
	v2 =	vand.u32 $0xFFFFFF80, v1  }
0x1b2: {  	v63 =	vshra.s32 v61, $0x1F;
	[tilespmem:$0xB80] =	vst v4;
	v2 =	vsub.s32 v59, v2  }
0x1b3: {  	v1 =	vshra.s32 v1, $0x7;
	[tilespmem:$0xAA0] =	vst v2;
	v2 =	vshrl.u32 v63, $0x19  }
0x1b4: {  	[tilespmem:$0xBA0] =	vst v1;
	v1 =	vadd.s32 v2, v61  }
0x1b5: {  	[tilespmem:$0x8B0] =	vst v3;
	v2 =	vand.u32 $0xFFFFFF80, v1;
	v1 =	vshra.s32 v1, $0x7  }
0x1b6: {  	v2 =	vsub.s32 v61, v2;
	[tilespmem:$0xBB0] =	vst v1  }
0x1b7: {  	[tilespmem:$0xAB0] =	vst v2  }
0x1b8: {  	[tilespmem:s31], [sflag:$0x1] =	stream.indirect.gather [hbm4b:s26+s8], $0x80, s29, s8, $0xb8;
	[tilespmem:$0x1D280] =	vst v63  }
0x1b9: {  	_ = 	snop  }
0x1ba: {  	[tilespmem:s4], [sflag:$0x2] =	stream.indirect.gather [spmem:s15], $0x80, s12, s8, $0xb8;
	[tilespmem:$0x1D280] =	vst v63  }
0x1bb: {  	_ = 	snop  }
0x1bc: {  	[spmem:s1] =	stream.indirect.scatter.add.f32 [tilespmem:s5], [sflag:$0x3], $0x80, s16, s8, $0xb8;
	[tilespmem:$0x1D280] =	vst v63  }
0x1bd: {  	_ = 	snop  }
0x1be: {  	[spmem:s14] =	stream.indirect.scatter.add.f32 [tilespmem:s11], [sflag:$0x4], $0x80, s17, s8, $0xb8;
	[tilespmem:$0x1D280] =	vst v63  }
0x1bf: {  	_ =	swait.ge [sflag:s13], $0x2000  }
0x1c0: {  	[sflag:s13] =	ssyncset.done $0x0  }
0x1c1: {  	[sflag:s13] =	ssyncadd.s32 $0xFFFFE000  }
0x1c2: {  	_ =	swait.ge [sflag:s28], $0x2000  }
0x1c3: {  	[sflag:s28] =	ssyncset.done $0x0  }
0x1c4: {  	[sflag:s28] =	ssyncadd.s32 $0xFFFFE000  }
0x1c5: {  	_ =	swait.ge [sflag:s18], $0x2000  }
0x1c6: {  	[sflag:s18] =	ssyncset.done $0x0  }
0x1c7: {  	[sflag:s18] =	ssyncadd.s32 $0xFFFFE000  }
0x1c8: {  	_ =	swait.ge [sflag:s19], $0x2000  }
0x1c9: {  	[sflag:s19] =	ssyncset.done $0x0  }
0x1ca: {  	[sflag:s19] =	ssyncadd.s32 $0xFFFFE000  }
0x1cb: {  	v1 =	vld [tilespmem:$0x600];
	_ =	sdelay $0x1  }
0x1cc: {  	v2 =	vld [tilespmem:$0x200]  }
0x1cd: {  	v3 =	vld [tilespmem:$0x610]  }
0x1ce: {  	v9 =	vld [tilespmem:$0x210]  }
0x1cf: {  	v8 =	vshra.s32 v1, $0x1F  }
0x1d0: {  	v4 =	vshrl.u32 v8, $0x19  }
0x1d1: {  	v10 =	vld [tilespmem:$0x620];
	[tilespmem:$0x800] =	vst v2;
	v4 =	vadd.s32 v4, v1  }
0x1d2: {  	v12 =	vld [tilespmem:$0x630];
	[tilespmem:$0x900] =	vst v1;
	v2 =	vand.u32 $0xFFFFFF80, v4  }
0x1d3: {  	[tilespmem:$0x810] =	vst v9;
	v1 =	vsub.s32 v1, v2;
	v2 =	vshra.s32 v3, $0x1F  }
0x1d4: {  	[tilespmem:$0xA00] =	vst v1;
	v1 =	vshrl.u32 v2, $0x19  }
0x1d5: {  	[tilespmem:$0x910] =	vst v3;
	v2 =	vld [tilespmem:$0x220];
	v1 =	vadd.s32 v1, v3  }
0x1d6: {  	[tilespmem:$0x920] =	vst v10;
	v11 =	vand.u32 $0xFFFFFF80, v1  }
0x1d7: {  	v13 =	vshra.s32 v10, $0x1F;
	[tilespmem:$0x930] =	vst v12;
	v3 =	vsub.s32 v3, v11  }
0x1d8: {  	v1 =	vshra.s32 v1, $0x7;
	[tilespmem:$0xA10] =	vst v3;
	v3 =	vshrl.u32 v13, $0x19  }
0x1d9: {  	[tilespmem:$0xB10] =	vst v1;
	v1 =	vadd.s32 v3, v10;
	v3 =	vld [tilespmem:$0x230]  }
0x1da: {  	v4 =	vshra.s32 v4, $0x7;
	[tilespmem:$0x820] =	vst v2;
	v2 =	vand.u32 $0xFFFFFF80, v1  }
0x1db: {  	v14 =	vshra.s32 v12, $0x1F;
	[tilespmem:$0xB00] =	vst v4;
	v2 =	vsub.s32 v10, v2  }
0x1dc: {  	v1 =	vshra.s32 v1, $0x7;
	[tilespmem:$0xA20] =	vst v2;
	v2 =	vshrl.u32 v14, $0x19  }
0x1dd: {  	[tilespmem:$0xB20] =	vst v1;
	v1 =	vadd.s32 v2, v12  }
0x1de: {  	[tilespmem:$0x830] =	vst v3;
	v2 =	vand.u32 $0xFFFFFF80, v1;
	v1 =	vshra.s32 v1, $0x7  }
0x1df: {  	v2 =	vsub.s32 v12, v2;
	[tilespmem:$0xB30] =	vst v1  }
0x1e0: {  	[tilespmem:$0xA30] =	vst v2  }
0x1e1: {  	[tilespmem:s5], [sflag:$0x1] =	stream.indirect.gather [hbm4b:s26+s8], $0x80, s9, s8, $0xb8;
	[tilespmem:$0x1D280] =	vst v63  }
0x1e2: {  	_ = 	snop  }
0x1e3: {  	[tilespmem:s11], [sflag:$0x2] =	stream.indirect.gather [spmem:s15], $0x80, s10, s8, $0xb8;
	[tilespmem:$0x1D280] =	vst v63  }
0x1e4: {  	_ = 	snop  }
0x1e5: {  	[spmem:s1] =	stream.indirect.scatter.add.f32 [tilespmem:s31], [sflag:$0x3], $0x80, s20, s8, $0xb8;
	[tilespmem:$0x1D280] =	vst v63  }
0x1e6: {  	_ = 	snop  }
0x1e7: {  	[spmem:s14] =	stream.indirect.scatter.add.f32 [tilespmem:s4], [sflag:$0x4], $0x80, s21, s8, $0xb8;
	[tilespmem:$0x1D280] =	vst v63  }
0x1e8: {  	_ =	swait.ge [sflag:s13], $0x2000  }
0x1e9: {  	[sflag:s13] =	ssyncset.done $0x0  }
0x1ea: {  	[sflag:s13] =	ssyncadd.s32 $0xFFFFE000  }
0x1eb: {  	_ =	swait.ge [sflag:s28], $0x2000  }
0x1ec: {  	[sflag:s28] =	ssyncset.done $0x0  }
0x1ed: {  	[sflag:s28] =	ssyncadd.s32 $0xFFFFE000  }
0x1ee: {  	_ =	swait.ge [sflag:s18], $0x2000  }
0x1ef: {  	[sflag:s18] =	ssyncset.done $0x0  }
0x1f0: {  	[sflag:s18] =	ssyncadd.s32 $0xFFFFE000  }
0x1f1: {  	_ =	swait.ge [sflag:s19], $0x2000  }
0x1f2: {  	[sflag:s19] =	ssyncset.done $0x0  }
0x1f3: {  	[sflag:s19] =	ssyncadd.s32 $0xFFFFE000  }
0x1f4: {  	v1 =	vld [tilespmem:$0x640];
	_ =	sdelay $0x1  }
0x1f5: {  	v2 =	vld [tilespmem:$0x240]  }
0x1f6: {  	v3 =	vld [tilespmem:$0x650]  }
0x1f7: {  	v16 =	vld [tilespmem:$0x250]  }
0x1f8: {  	v15 =	vshra.s32 v1, $0x1F  }
0x1f9: {  	v4 =	vshrl.u32 v15, $0x19  }
0x1fa: {  	v17 =	vld [tilespmem:$0x660];
	[tilespmem:$0x880] =	vst v2;
	v4 =	vadd.s32 v4, v1  }
0x1fb: {  	v19 =	vld [tilespmem:$0x670];
	[tilespmem:$0x980] =	vst v1;
	v2 =	vand.u32 $0xFFFFFF80, v4  }
0x1fc: {  	[tilespmem:$0x890] =	vst v16;
	v1 =	vsub.s32 v1, v2;
	v2 =	vshra.s32 v3, $0x1F  }
0x1fd: {  	[tilespmem:$0xA80] =	vst v1;
	v1 =	vshrl.u32 v2, $0x19  }
0x1fe: {  	[tilespmem:$0x990] =	vst v3;
	v2 =	vld [tilespmem:$0x260];
	v1 =	vadd.s32 v1, v3  }
0x1ff: {  	[tilespmem:$0x9A0] =	vst v17;
	v18 =	vand.u32 $0xFFFFFF80, v1  }
0x200: {  	v20 =	vshra.s32 v17, $0x1F;
	[tilespmem:$0x9B0] =	vst v19;
	v3 =	vsub.s32 v3, v18  }
0x201: {  	v1 =	vshra.s32 v1, $0x7;
	[tilespmem:$0xA90] =	vst v3;
	v3 =	vshrl.u32 v20, $0x19  }
0x202: {  	[tilespmem:$0xB90] =	vst v1;
	v1 =	vadd.s32 v3, v17;
	v3 =	vld [tilespmem:$0x270]  }
0x203: {  	v4 =	vshra.s32 v4, $0x7;
	[tilespmem:$0x8A0] =	vst v2;
	v2 =	vand.u32 $0xFFFFFF80, v1  }
0x204: {  	v21 =	vshra.s32 v19, $0x1F;
	[tilespmem:$0xB80] =	vst v4;
	v2 =	vsub.s32 v17, v2  }
0x205: {  	v1 =	vshra.s32 v1, $0x7;
	[tilespmem:$0xAA0] =	vst v2;
	v2 =	vshrl.u32 v21, $0x19  }
0x206: {  	[tilespmem:$0xBA0] =	vst v1;
	v1 =	vadd.s32 v2, v19  }
0x207: {  	[tilespmem:$0x8B0] =	vst v3;
	v2 =	vand.u32 $0xFFFFFF80, v1;
	v1 =	vshra.s32 v1, $0x7  }
0x208: {  	v2 =	vsub.s32 v19, v2;
	[tilespmem:$0xBB0] =	vst v1  }
0x209: {  	[tilespmem:$0xAB0] =	vst v2  }
0x20a: {  	[tilespmem:s31], [sflag:$0x1] =	stream.indirect.gather [hbm4b:s26+s8], $0x80, s29, s8, $0xb8;
	[tilespmem:$0x1D280] =	vst v63  }
0x20b: {  	_ = 	snop  }
0x20c: {  	[tilespmem:s4], [sflag:$0x2] =	stream.indirect.gather [spmem:s15], $0x80, s12, s8, $0xb8;
	[tilespmem:$0x1D280] =	vst v63  }
0x20d: {  	_ = 	snop  }
0x20e: {  	[spmem:s1] =	stream.indirect.scatter.add.f32 [tilespmem:s5], [sflag:$0x3], $0x80, s16, s8, $0xb8;
	[tilespmem:$0x1D280] =	vst v63  }
0x20f: {  	_ = 	snop  }
0x210: {  	[spmem:s14] =	stream.indirect.scatter.add.f32 [tilespmem:s11], [sflag:$0x4], $0x80, s17, s8, $0xb8;
	[tilespmem:$0x1D280] =	vst v63  }
0x211: {  	_ =	swait.ge [sflag:s13], $0x2000  }
0x212: {  	[sflag:s13] =	ssyncset.done $0x0  }
0x213: {  	[sflag:s13] =	ssyncadd.s32 $0xFFFFE000  }
0x214: {  	_ =	swait.ge [sflag:s28], $0x2000  }
0x215: {  	[sflag:s28] =	ssyncset.done $0x0  }
0x216: {  	[sflag:s28] =	ssyncadd.s32 $0xFFFFE000  }
0x217: {  	_ =	swait.ge [sflag:s18], $0x2000  }
0x218: {  	[sflag:s18] =	ssyncset.done $0x0  }
0x219: {  	[sflag:s18] =	ssyncadd.s32 $0xFFFFE000  }
0x21a: {  	_ =	swait.ge [sflag:s19], $0x2000  }
0x21b: {  	[sflag:s19] =	ssyncset.done $0x0  }
0x21c: {  	[sflag:s19] =	ssyncadd.s32 $0xFFFFE000  }
0x21d: {  	v1 =	vld [tilespmem:$0x680];
	_ =	sdelay $0x1  }
0x21e: {  	v2 =	vld [tilespmem:$0x280]  }
0x21f: {  	v3 =	vld [tilespmem:$0x690]  }
0x220: {  	v23 =	vld [tilespmem:$0x290]  }
0x221: {  	v22 =	vshra.s32 v1, $0x1F  }
0x222: {  	v4 =	vshrl.u32 v22, $0x19  }
0x223: {  	v24 =	vld [tilespmem:$0x6A0];
	[tilespmem:$0x800] =	vst v2;
	v4 =	vadd.s32 v4, v1  }
0x224: {  	v26 =	vld [tilespmem:$0x6B0];
	[tilespmem:$0x900] =	vst v1;
	v2 =	vand.u32 $0xFFFFFF80, v4  }
0x225: {  	[tilespmem:$0x810] =	vst v23;
	v1 =	vsub.s32 v1, v2;
	v2 =	vshra.s32 v3, $0x1F  }
0x226: {  	[tilespmem:$0xA00] =	vst v1;
	v1 =	vshrl.u32 v2, $0x19  }
0x227: {  	[tilespmem:$0x910] =	vst v3;
	v2 =	vld [tilespmem:$0x2A0];
	v1 =	vadd.s32 v1, v3  }
0x228: {  	[tilespmem:$0x920] =	vst v24;
	v25 =	vand.u32 $0xFFFFFF80, v1  }
0x229: {  	v27 =	vshra.s32 v24, $0x1F;
	[tilespmem:$0x930] =	vst v26;
	v3 =	vsub.s32 v3, v25  }
0x22a: {  	v1 =	vshra.s32 v1, $0x7;
	[tilespmem:$0xA10] =	vst v3;
	v3 =	vshrl.u32 v27, $0x19  }
0x22b: {  	[tilespmem:$0xB10] =	vst v1;
	v1 =	vadd.s32 v3, v24;
	v3 =	vld [tilespmem:$0x2B0]  }
0x22c: {  	v4 =	vshra.s32 v4, $0x7;
	[tilespmem:$0x820] =	vst v2;
	v2 =	vand.u32 $0xFFFFFF80, v1  }
0x22d: {  	v28 =	vshra.s32 v26, $0x1F;
	[tilespmem:$0xB00] =	vst v4;
	v2 =	vsub.s32 v24, v2  }
0x22e: {  	v1 =	vshra.s32 v1, $0x7;
	[tilespmem:$0xA20] =	vst v2;
	v2 =	vshrl.u32 v28, $0x19  }
0x22f: {  	[tilespmem:$0xB20] =	vst v1;
	v1 =	vadd.s32 v2, v26  }
0x230: {  	[tilespmem:$0x830] =	vst v3;
	v2 =	vand.u32 $0xFFFFFF80, v1;
	v1 =	vshra.s32 v1, $0x7  }
0x231: {  	v2 =	vsub.s32 v26, v2;
	[tilespmem:$0xB30] =	vst v1  }
0x232: {  	[tilespmem:$0xA30] =	vst v2  }
0x233: {  	[tilespmem:s5], [sflag:$0x1] =	stream.indirect.gather [hbm4b:s26+s8], $0x80, s9, s8, $0xb8;
	[tilespmem:$0x1D280] =	vst v63  }
0x234: {  	_ = 	snop  }
0x235: {  	[tilespmem:s11], [sflag:$0x2] =	stream.indirect.gather [spmem:s15], $0x80, s10, s8, $0xb8;
	[tilespmem:$0x1D280] =	vst v63  }
0x236: {  	_ = 	snop  }
0x237: {  	[spmem:s1] =	stream.indirect.scatter.add.f32 [tilespmem:s31], [sflag:$0x3], $0x80, s20, s8, $0xb8;
	[tilespmem:$0x1D280] =	vst v63  }
0x238: {  	_ = 	snop  }
0x239: {  	[spmem:s14] =	stream.indirect.scatter.add.f32 [tilespmem:s4], [sflag:$0x4], $0x80, s21, s8, $0xb8;
	[tilespmem:$0x1D280] =	vst v63  }
0x23a: {  	_ =	swait.ge [sflag:s13], $0x2000  }
0x23b: {  	[sflag:s13] =	ssyncset.done $0x0  }
0x23c: {  	[sflag:s13] =	ssyncadd.s32 $0xFFFFE000  }
0x23d: {  	_ =	swait.ge [sflag:s28], $0x2000  }
0x23e: {  	[sflag:s28] =	ssyncset.done $0x0  }
0x23f: {  	[sflag:s28] =	ssyncadd.s32 $0xFFFFE000  }
0x240: {  	_ =	swait.ge [sflag:s18], $0x2000  }
0x241: {  	[sflag:s18] =	ssyncset.done $0x0  }
0x242: {  	[sflag:s18] =	ssyncadd.s32 $0xFFFFE000  }
0x243: {  	_ =	swait.ge [sflag:s19], $0x2000  }
0x244: {  	[sflag:s19] =	ssyncset.done $0x0  }
0x245: {  	[sflag:s19] =	ssyncadd.s32 $0xFFFFE000  }
0x246: {  	v1 =	vld [tilespmem:$0x6C0];
	_ =	sdelay $0x1  }
0x247: {  	v2 =	vld [tilespmem:$0x2C0]  }
0x248: {  	v3 =	vld [tilespmem:$0x6D0]  }
0x249: {  	v30 =	vld [tilespmem:$0x2D0]  }
0x24a: {  	v29 =	vshra.s32 v1, $0x1F  }
0x24b: {  	v4 =	vshrl.u32 v29, $0x19  }
0x24c: {  	v31 =	vld [tilespmem:$0x6E0];
	[tilespmem:$0x880] =	vst v2;
	v4 =	vadd.s32 v4, v1  }
0x24d: {  	v33 =	vld [tilespmem:$0x6F0];
	[tilespmem:$0x980] =	vst v1;
	v2 =	vand.u32 $0xFFFFFF80, v4  }
0x24e: {  	[tilespmem:$0x890] =	vst v30;
	v1 =	vsub.s32 v1, v2;
	v2 =	vshra.s32 v3, $0x1F  }
0x24f: {  	[tilespmem:$0xA80] =	vst v1;
	v1 =	vshrl.u32 v2, $0x19  }
0x250: {  	[tilespmem:$0x990] =	vst v3;
	v2 =	vld [tilespmem:$0x2E0];
	v1 =	vadd.s32 v1, v3  }
0x251: {  	[tilespmem:$0x9A0] =	vst v31;
	v32 =	vand.u32 $0xFFFFFF80, v1  }
0x252: {  	v34 =	vshra.s32 v31, $0x1F;
	[tilespmem:$0x9B0] =	vst v33;
	v3 =	vsub.s32 v3, v32  }
0x253: {  	v1 =	vshra.s32 v1, $0x7;
	[tilespmem:$0xA90] =	vst v3;
	v3 =	vshrl.u32 v34, $0x19  }
0x254: {  	[tilespmem:$0xB90] =	vst v1;
	v1 =	vadd.s32 v3, v31;
	v3 =	vld [tilespmem:$0x2F0]  }
0x255: {  	v4 =	vshra.s32 v4, $0x7;
	[tilespmem:$0x8A0] =	vst v2;
	v2 =	vand.u32 $0xFFFFFF80, v1  }
0x256: {  	v35 =	vshra.s32 v33, $0x1F;
	[tilespmem:$0xB80] =	vst v4;
	v2 =	vsub.s32 v31, v2  }
0x257: {  	v1 =	vshra.s32 v1, $0x7;
	[tilespmem:$0xAA0] =	vst v2;
	v2 =	vshrl.u32 v35, $0x19  }
0x258: {  	[tilespmem:$0xBA0] =	vst v1;
	v1 =	vadd.s32 v2, v33  }
0x259: {  	[tilespmem:$0x8B0] =	vst v3;
	v2 =	vand.u32 $0xFFFFFF80, v1;
	v1 =	vshra.s32 v1, $0x7  }
0x25a: {  	v2 =	vsub.s32 v33, v2;
	[tilespmem:$0xBB0] =	vst v1  }
0x25b: {  	[tilespmem:$0xAB0] =	vst v2  }
0x25c: {  	[tilespmem:s31], [sflag:$0x1] =	stream.indirect.gather [hbm4b:s26+s8], $0x80, s29, s8, $0xb8;
	[tilespmem:$0x1D280] =	vst v63  }
0x25d: {  	_ = 	snop  }
0x25e: {  	[tilespmem:s4], [sflag:$0x2] =	stream.indirect.gather [spmem:s15], $0x80, s12, s8, $0xb8;
	[tilespmem:$0x1D280] =	vst v63  }
0x25f: {  	_ = 	snop  }
0x260: {  	[spmem:s1] =	stream.indirect.scatter.add.f32 [tilespmem:s5], [sflag:$0x3], $0x80, s16, s8, $0xb8;
	[tilespmem:$0x1D280] =	vst v63  }
0x261: {  	_ = 	snop  }
0x262: {  	[spmem:s14] =	stream.indirect.scatter.add.f32 [tilespmem:s11], [sflag:$0x4], $0x80, s17, s8, $0xb8;
	[tilespmem:$0x1D280] =	vst v63  }
0x263: {  	_ =	swait.ge [sflag:s13], $0x2000  }
0x264: {  	[sflag:s13] =	ssyncset.done $0x0  }
0x265: {  	[sflag:s13] =	ssyncadd.s32 $0xFFFFE000  }
0x266: {  	_ =	swait.ge [sflag:s28], $0x2000  }
0x267: {  	[sflag:s28] =	ssyncset.done $0x0  }
0x268: {  	[sflag:s28] =	ssyncadd.s32 $0xFFFFE000  }
0x269: {  	_ =	swait.ge [sflag:s18], $0x2000  }
0x26a: {  	[sflag:s18] =	ssyncset.done $0x0  }
0x26b: {  	[sflag:s18] =	ssyncadd.s32 $0xFFFFE000  }
0x26c: {  	_ =	swait.ge [sflag:s19], $0x2000  }
0x26d: {  	[sflag:s19] =	ssyncset.done $0x0  }
0x26e: {  	[sflag:s19] =	ssyncadd.s32 $0xFFFFE000  }
0x26f: {  	v1 =	vld [tilespmem:$0x700];
	_ =	sdelay $0x1  }
0x270: {  	v2 =	vld [tilespmem:$0x300]  }
0x271: {  	v3 =	vld [tilespmem:$0x710]  }
0x272: {  	v37 =	vld [tilespmem:$0x310]  }
0x273: {  	v36 =	vshra.s32 v1, $0x1F  }
0x274: {  	v4 =	vshrl.u32 v36, $0x19  }
0x275: {  	v38 =	vld [tilespmem:$0x720];
	[tilespmem:$0x800] =	vst v2;
	v4 =	vadd.s32 v4, v1  }
0x276: {  	v40 =	vld [tilespmem:$0x730];
	[tilespmem:$0x900] =	vst v1;
	v2 =	vand.u32 $0xFFFFFF80, v4  }
0x277: {  	[tilespmem:$0x810] =	vst v37;
	v1 =	vsub.s32 v1, v2;
	v2 =	vshra.s32 v3, $0x1F  }
0x278: {  	[tilespmem:$0xA00] =	vst v1;
	v1 =	vshrl.u32 v2, $0x19  }
0x279: {  	[tilespmem:$0x910] =	vst v3;
	v2 =	vld [tilespmem:$0x320];
	v1 =	vadd.s32 v1, v3  }
0x27a: {  	[tilespmem:$0x920] =	vst v38;
	v39 =	vand.u32 $0xFFFFFF80, v1  }
0x27b: {  	v41 =	vshra.s32 v38, $0x1F;
	[tilespmem:$0x930] =	vst v40;
	v3 =	vsub.s32 v3, v39  }
0x27c: {  	v1 =	vshra.s32 v1, $0x7;
	[tilespmem:$0xA10] =	vst v3;
	v3 =	vshrl.u32 v41, $0x19  }
0x27d: {  	[tilespmem:$0xB10] =	vst v1;
	v1 =	vadd.s32 v3, v38;
	v3 =	vld [tilespmem:$0x330]  }
0x27e: {  	v4 =	vshra.s32 v4, $0x7;
	[tilespmem:$0x820] =	vst v2;
	v2 =	vand.u32 $0xFFFFFF80, v1  }
0x27f: {  	v42 =	vshra.s32 v40, $0x1F;
	[tilespmem:$0xB00] =	vst v4;
	v2 =	vsub.s32 v38, v2  }
0x280: {  	v1 =	vshra.s32 v1, $0x7;
	[tilespmem:$0xA20] =	vst v2;
	v2 =	vshrl.u32 v42, $0x19  }
0x281: {  	[tilespmem:$0xB20] =	vst v1;
	v1 =	vadd.s32 v2, v40  }
0x282: {  	[tilespmem:$0x830] =	vst v3;
	v2 =	vand.u32 $0xFFFFFF80, v1;
	v1 =	vshra.s32 v1, $0x7  }
0x283: {  	v2 =	vsub.s32 v40, v2;
	[tilespmem:$0xB30] =	vst v1  }
0x284: {  	[tilespmem:$0xA30] =	vst v2  }
0x285: {  	[tilespmem:s5], [sflag:$0x1] =	stream.indirect.gather [hbm4b:s26+s8], $0x80, s9, s8, $0xb8;
	[tilespmem:$0x1D280] =	vst v63  }
0x286: {  	_ = 	snop  }
0x287: {  	[tilespmem:s11], [sflag:$0x2] =	stream.indirect.gather [spmem:s15], $0x80, s10, s8, $0xb8;
	[tilespmem:$0x1D280] =	vst v63  }
0x288: {  	_ = 	snop  }
0x289: {  	[spmem:s1] =	stream.indirect.scatter.add.f32 [tilespmem:s31], [sflag:$0x3], $0x80, s20, s8, $0xb8;
	[tilespmem:$0x1D280] =	vst v63  }
0x28a: {  	_ = 	snop  }
0x28b: {  	[spmem:s14] =	stream.indirect.scatter.add.f32 [tilespmem:s4], [sflag:$0x4], $0x80, s21, s8, $0xb8;
	[tilespmem:$0x1D280] =	vst v63  }
0x28c: {  	_ =	swait.ge [sflag:s13], $0x2000  }
0x28d: {  	[sflag:s13] =	ssyncset.done $0x0  }
0x28e: {  	[sflag:s13] =	ssyncadd.s32 $0xFFFFE000  }
0x28f: {  	_ =	swait.ge [sflag:s28], $0x2000  }
0x290: {  	[sflag:s28] =	ssyncset.done $0x0  }
0x291: {  	[sflag:s28] =	ssyncadd.s32 $0xFFFFE000  }
0x292: {  	_ =	swait.ge [sflag:s18], $0x2000  }
0x293: {  	[sflag:s18] =	ssyncset.done $0x0  }
0x294: {  	[sflag:s18] =	ssyncadd.s32 $0xFFFFE000  }
0x295: {  	_ =	swait.ge [sflag:s19], $0x2000  }
0x296: {  	[sflag:s19] =	ssyncset.done $0x0  }
0x297: {  	[sflag:s19] =	ssyncadd.s32 $0xFFFFE000  }
0x298: {  	v1 =	vld [tilespmem:$0x740];
	_ =	sdelay $0x1  }
0x299: {  	v2 =	vld [tilespmem:$0x340]  }
0x29a: {  	v3 =	vld [tilespmem:$0x750]  }
0x29b: {  	v44 =	vld [tilespmem:$0x350]  }
0x29c: {  	v43 =	vshra.s32 v1, $0x1F  }
0x29d: {  	v4 =	vshrl.u32 v43, $0x19  }
0x29e: {  	v45 =	vld [tilespmem:$0x760];
	[tilespmem:$0x880] =	vst v2;
	v4 =	vadd.s32 v4, v1  }
0x29f: {  	v47 =	vld [tilespmem:$0x770];
	[tilespmem:$0x980] =	vst v1;
	v2 =	vand.u32 $0xFFFFFF80, v4  }
0x2a0: {  	[tilespmem:$0x890] =	vst v44;
	v1 =	vsub.s32 v1, v2;
	v2 =	vshra.s32 v3, $0x1F  }
0x2a1: {  	[tilespmem:$0xA80] =	vst v1;
	v1 =	vshrl.u32 v2, $0x19  }
0x2a2: {  	[tilespmem:$0x990] =	vst v3;
	v2 =	vld [tilespmem:$0x360];
	v1 =	vadd.s32 v1, v3  }
0x2a3: {  	[tilespmem:$0x9A0] =	vst v45;
	v46 =	vand.u32 $0xFFFFFF80, v1  }
0x2a4: {  	v48 =	vshra.s32 v45, $0x1F;
	[tilespmem:$0x9B0] =	vst v47;
	v3 =	vsub.s32 v3, v46  }
0x2a5: {  	v1 =	vshra.s32 v1, $0x7;
	[tilespmem:$0xA90] =	vst v3;
	v3 =	vshrl.u32 v48, $0x19  }
0x2a6: {  	[tilespmem:$0xB90] =	vst v1;
	v1 =	vadd.s32 v3, v45;
	v3 =	vld [tilespmem:$0x370]  }
0x2a7: {  	v4 =	vshra.s32 v4, $0x7;
	[tilespmem:$0x8A0] =	vst v2;
	v2 =	vand.u32 $0xFFFFFF80, v1  }
0x2a8: {  	v49 =	vshra.s32 v47, $0x1F;
	[tilespmem:$0xB80] =	vst v4;
	v2 =	vsub.s32 v45, v2  }
0x2a9: {  	v1 =	vshra.s32 v1, $0x7;
	[tilespmem:$0xAA0] =	vst v2;
	v2 =	vshrl.u32 v49, $0x19  }
0x2aa: {  	[tilespmem:$0xBA0] =	vst v1;
	v1 =	vadd.s32 v2, v47  }
0x2ab: {  	[tilespmem:$0x8B0] =	vst v3;
	v2 =	vand.u32 $0xFFFFFF80, v1;
	v1 =	vshra.s32 v1, $0x7  }
0x2ac: {  	v2 =	vsub.s32 v47, v2;
	[tilespmem:$0xBB0] =	vst v1  }
0x2ad: {  	[tilespmem:$0xAB0] =	vst v2  }
0x2ae: {  	[tilespmem:s31], [sflag:$0x1] =	stream.indirect.gather [hbm4b:s26+s8], $0x80, s29, s8, $0xb8;
	[tilespmem:$0x1D280] =	vst v63  }
0x2af: {  	_ = 	snop  }
0x2b0: {  	[tilespmem:s4], [sflag:$0x2] =	stream.indirect.gather [spmem:s15], $0x80, s12, s8, $0xb8;
	[tilespmem:$0x1D280] =	vst v63  }
0x2b1: {  	_ = 	snop  }
0x2b2: {  	[spmem:s1] =	stream.indirect.scatter.add.f32 [tilespmem:s5], [sflag:$0x3], $0x80, s16, s8, $0xb8;
	[tilespmem:$0x1D280] =	vst v63  }
0x2b3: {  	_ = 	snop  }
0x2b4: {  	[spmem:s14] =	stream.indirect.scatter.add.f32 [tilespmem:s11], [sflag:$0x4], $0x80, s17, s8, $0xb8;
	[tilespmem:$0x1D280] =	vst v63  }
0x2b5: {  	_ =	swait.ge [sflag:s13], $0x2000  }
0x2b6: {  	[sflag:s13] =	ssyncset.done $0x0  }
0x2b7: {  	[sflag:s13] =	ssyncadd.s32 $0xFFFFE000  }
0x2b8: {  	_ =	swait.ge [sflag:s28], $0x2000  }
0x2b9: {  	[sflag:s28] =	ssyncset.done $0x0  }
0x2ba: {  	[sflag:s28] =	ssyncadd.s32 $0xFFFFE000  }
0x2bb: {  	_ =	swait.ge [sflag:s18], $0x2000  }
0x2bc: {  	[sflag:s18] =	ssyncset.done $0x0  }
0x2bd: {  	[sflag:s18] =	ssyncadd.s32 $0xFFFFE000  }
0x2be: {  	_ =	swait.ge [sflag:s19], $0x2000  }
0x2bf: {  	[sflag:s19] =	ssyncset.done $0x0  }
0x2c0: {  	[sflag:s19] =	ssyncadd.s32 $0xFFFFE000  }
0x2c1: {  	v1 =	vld [tilespmem:$0x780];
	_ =	sdelay $0x1  }
0x2c2: {  	v2 =	vld [tilespmem:$0x380]  }
0x2c3: {  	v3 =	vld [tilespmem:$0x790]  }
0x2c4: {  	v51 =	vld [tilespmem:$0x390]  }
0x2c5: {  	v50 =	vshra.s32 v1, $0x1F  }
0x2c6: {  	v4 =	vshrl.u32 v50, $0x19  }
0x2c7: {  	v52 =	vld [tilespmem:$0x7A0];
	[tilespmem:$0x800] =	vst v2;
	v4 =	vadd.s32 v4, v1  }
0x2c8: {  	v54 =	vld [tilespmem:$0x7B0];
	[tilespmem:$0x900] =	vst v1;
	v2 =	vand.u32 $0xFFFFFF80, v4  }
0x2c9: {  	[tilespmem:$0x810] =	vst v51;
	v1 =	vsub.s32 v1, v2;
	v2 =	vshra.s32 v3, $0x1F  }
0x2ca: {  	[tilespmem:$0xA00] =	vst v1;
	v1 =	vshrl.u32 v2, $0x19  }
0x2cb: {  	[tilespmem:$0x910] =	vst v3;
	v2 =	vld [tilespmem:$0x3A0];
	v1 =	vadd.s32 v1, v3  }
0x2cc: {  	[tilespmem:$0x920] =	vst v52;
	v53 =	vand.u32 $0xFFFFFF80, v1  }
0x2cd: {  	v55 =	vshra.s32 v52, $0x1F;
	[tilespmem:$0x930] =	vst v54;
	v3 =	vsub.s32 v3, v53  }
0x2ce: {  	v1 =	vshra.s32 v1, $0x7;
	[tilespmem:$0xA10] =	vst v3;
	v3 =	vshrl.u32 v55, $0x19  }
0x2cf: {  	[tilespmem:$0xB10] =	vst v1;
	v1 =	vadd.s32 v3, v52;
	v3 =	vld [tilespmem:$0x3B0]  }
0x2d0: {  	v4 =	vshra.s32 v4, $0x7;
	[tilespmem:$0x820] =	vst v2;
	v2 =	vand.u32 $0xFFFFFF80, v1  }
0x2d1: {  	v56 =	vshra.s32 v54, $0x1F;
	[tilespmem:$0xB00] =	vst v4;
	v2 =	vsub.s32 v52, v2  }
0x2d2: {  	v1 =	vshra.s32 v1, $0x7;
	[tilespmem:$0xA20] =	vst v2;
	v2 =	vshrl.u32 v56, $0x19  }
0x2d3: {  	[tilespmem:$0xB20] =	vst v1;
	v1 =	vadd.s32 v2, v54  }
0x2d4: {  	[tilespmem:$0x830] =	vst v3;
	v2 =	vand.u32 $0xFFFFFF80, v1;
	v1 =	vshra.s32 v1, $0x7  }
0x2d5: {  	v2 =	vsub.s32 v54, v2;
	[tilespmem:$0xB30] =	vst v1  }
0x2d6: {  	[tilespmem:$0xA30] =	vst v2  }
0x2d7: {  	[tilespmem:s5], [sflag:$0x1] =	stream.indirect.gather [hbm4b:s26+s8], $0x80, s9, s8, $0xb8;
	[tilespmem:$0x1D280] =	vst v63  }
0x2d8: {  	_ = 	snop  }
0x2d9: {  	[tilespmem:s11], [sflag:$0x2] =	stream.indirect.gather [spmem:s15], $0x80, s10, s8, $0xb8;
	[tilespmem:$0x1D280] =	vst v63  }
0x2da: {  	_ = 	snop  }
0x2db: {  	[spmem:s1] =	stream.indirect.scatter.add.f32 [tilespmem:s31], [sflag:$0x3], $0x80, s20, s8, $0xb8;
	[tilespmem:$0x1D280] =	vst v63  }
0x2dc: {  	_ = 	snop  }
0x2dd: {  	[spmem:s14] =	stream.indirect.scatter.add.f32 [tilespmem:s4], [sflag:$0x4], $0x80, s21, s8, $0xb8;
	[tilespmem:$0x1D280] =	vst v63  }
0x2de: {  	_ =	swait.ge [sflag:s13], $0x2000  }
0x2df: {  	[sflag:s13] =	ssyncset.done $0x0  }
0x2e0: {  	[sflag:s13] =	ssyncadd.s32 $0xFFFFE000  }
0x2e1: {  	_ =	swait.ge [sflag:s28], $0x2000  }
0x2e2: {  	[sflag:s28] =	ssyncset.done $0x0  }
0x2e3: {  	[sflag:s28] =	ssyncadd.s32 $0xFFFFE000  }
0x2e4: {  	_ =	swait.ge [sflag:s18], $0x2000  }
0x2e5: {  	[sflag:s18] =	ssyncset.done $0x0  }
0x2e6: {  	[sflag:s18] =	ssyncadd.s32 $0xFFFFE000  }
0x2e7: {  	_ =	swait.ge [sflag:s19], $0x2000  }
0x2e8: {  	[sflag:s19] =	ssyncset.done $0x0  }
0x2e9: {  	[sflag:s19] =	ssyncadd.s32 $0xFFFFE000  }
0x2ea: {  	v1 =	vld [tilespmem:$0x7C0];
	_ =	sdelay $0x1  }
0x2eb: {  	v2 =	vld [tilespmem:$0x3C0]  }
0x2ec: {  	v3 =	vld [tilespmem:$0x7D0]  }
0x2ed: {  	v58 =	vld [tilespmem:$0x3D0]  }
0x2ee: {  	v57 =	vshra.s32 v1, $0x1F  }
0x2ef: {  	v4 =	vshrl.u32 v57, $0x19  }
0x2f0: {  	v59 =	vld [tilespmem:$0x7E0];
	[tilespmem:$0x880] =	vst v2;
	v4 =	vadd.s32 v4, v1  }
0x2f1: {  	v61 =	vld [tilespmem:$0x7F0];
	[tilespmem:$0x980] =	vst v1;
	v2 =	vand.u32 $0xFFFFFF80, v4  }
0x2f2: {  	[tilespmem:$0x890] =	vst v58;
	v1 =	vsub.s32 v1, v2;
	v2 =	vshra.s32 v3, $0x1F  }
0x2f3: {  	[tilespmem:$0xA80] =	vst v1;
	v1 =	vshrl.u32 v2, $0x19  }
0x2f4: {  	[tilespmem:$0x990] =	vst v3;
	v2 =	vld [tilespmem:$0x3E0];
	v1 =	vadd.s32 v1, v3  }
0x2f5: {  	[tilespmem:$0x9A0] =	vst v59;
	v60 =	vand.u32 $0xFFFFFF80, v1  }
0x2f6: {  	v62 =	vshra.s32 v59, $0x1F;
	[tilespmem:$0x9B0] =	vst v61;
	v3 =	vsub.s32 v3, v60  }
0x2f7: {  	v1 =	vshra.s32 v1, $0x7;
	[tilespmem:$0xA90] =	vst v3;
	v3 =	vshrl.u32 v62, $0x19  }
0x2f8: {  	[tilespmem:$0xB90] =	vst v1;
	v1 =	vadd.s32 v3, v59;
	v3 =	vld [tilespmem:$0x3F0]  }
0x2f9: {  	v4 =	vshra.s32 v4, $0x7;
	[tilespmem:$0x8A0] =	vst v2;
	v2 =	vand.u32 $0xFFFFFF80, v1  }
0x2fa: {  	v63 =	vshra.s32 v61, $0x1F;
	[tilespmem:$0xB80] =	vst v4;
	v2 =	vsub.s32 v59, v2  }
0x2fb: {  	v1 =	vshra.s32 v1, $0x7;
	[tilespmem:$0xAA0] =	vst v2;
	v2 =	vshrl.u32 v63, $0x19  }
0x2fc: {  	[tilespmem:$0xBA0] =	vst v1;
	v1 =	vadd.s32 v2, v61  }
0x2fd: {  	[tilespmem:$0x8B0] =	vst v3;
	v2 =	vand.u32 $0xFFFFFF80, v1;
	v1 =	vshra.s32 v1, $0x7  }
0x2fe: {  	v2 =	vsub.s32 v61, v2;
	[tilespmem:$0xBB0] =	vst v1  }
0x2ff: {  	[tilespmem:$0xAB0] =	vst v2  }
0x300: {  	[tilespmem:s31], [sflag:$0x1] =	stream.indirect.gather [hbm4b:s26+s8], $0x80, s29, s8, $0xb8;
	[tilespmem:$0x1D280] =	vst v63  }
0x301: {  	_ = 	snop  }
0x302: {  	[tilespmem:s4], [sflag:$0x2] =	stream.indirect.gather [spmem:s15], $0x80, s12, s8, $0xb8;
	[tilespmem:$0x1D280] =	vst v63  }
0x303: {  	_ = 	snop  }
0x304: {  	[spmem:s1] =	stream.indirect.scatter.add.f32 [tilespmem:s5], [sflag:$0x3], $0x80, s16, s8, $0xb8;
	[tilespmem:$0x1D280] =	vst v63  }
0x305: {  	_ = 	snop  }
0x306: {  	[spmem:s14] =	stream.indirect.scatter.add.f32 [tilespmem:s11], [sflag:$0x4], $0x80, s17, s8, $0xb8;
	[tilespmem:$0x1D280] =	vst v63  }
0x307: {  	_ =	swait.ge [sflag:s13], $0x2000  }
0x308: {  	[sflag:s13] =	ssyncset.done $0x0  }
0x309: {  	[sflag:s13] =	ssyncadd.s32 $0xFFFFE000  }
0x30a: {  	_ =	swait.ge [sflag:s28], $0x2000  }
0x30b: {  	[sflag:s28] =	ssyncset.done $0x0  }
0x30c: {  	[sflag:s28] =	ssyncadd.s32 $0xFFFFE000  }
0x30d: {  	_ =	swait.ge [sflag:s18], $0x2000  }
0x30e: {  	[sflag:s18] =	ssyncset.done $0x0  }
0x30f: {  	[sflag:s18] =	ssyncadd.s32 $0xFFFFE000  }
0x310: {  	_ =	swait.ge [sflag:s19], $0x2000  }
0x311: {  	[sflag:s19] =	ssyncset.done $0x0  }
0x312: {  	[sflag:s19] =	ssyncadd.s32 $0xFFFFE000  }
0x313: {  	[spmem:s1] =	stream.indirect.scatter.add.f32 [tilespmem:s31], [sflag:$0x3], $0x80, s20, s8, $0xb8;
	[tilespmem:$0x1D280] =	vst v63  }
0x314: {  	_ = 	snop  }
0x315: {  	[spmem:s14] =	stream.indirect.scatter.add.f32 [tilespmem:s4], [sflag:$0x4], $0x80, s21, s8, $0xb8;
	[tilespmem:$0x1D280] =	vst v63  }
0x316: {  	p2 =	sne.s32 s23, $0x480;
	_ =	swait.ge [sflag:s18], $0x2000  }
.Ltmp1:
0x317: {  	[sflag:s18] =	ssyncset.done $0x0;
	(pc) =	sbr.rel @p2 .LBB2_4-.Ltmp1, $4  }
0x318: {  	[sflag:s18] =	ssyncadd.s32 $0xFFFFE000  }
0x319: {  	_ =	swait.ge [sflag:s19], $0x2000  }
0x31a: {  	[sflag:s19] =	ssyncset.done $0x0  }
0x31b: {  	s23 =	sadd.s32 $0x80, s23;
	[sflag:s19] =	ssyncadd.s32 $0xFFFFE000  }
0x31c: {  	[bflag:$0x0] =	sbarrier.arrive $0xFFFF  }
0x31d: {  	s23 =	rddreg [dreg:$0xf]  }
0x31e: {  	[tilespmem:s5], [sflag:$0x5] =	stream.linear.gather [spmem:s23], $0x2000, $0x38;
	[tilespmem:$0x1D280] =	vst v63  }
0x31f: {  	_ =	swait.ge [sflag:s6], $0x2000  }
0x320: {  	[sflag:s6] =	ssyncset.done $0x0  }
0x321: {  	s25 =	rddreg [dreg:$0x5];
	[sflag:s6] =	ssyncadd.s32 $0xFFFFE000  }
0x322: {  	[hbm4b:s25+s2] =	stream.linear.scatter [tilespmem:s5], [sflag:$0x5], $0x2000, $0x38;
	[tilespmem:$0x1D280] =	vst v63  }
0x323: {  	_ =	swait.ge [sflag:s6], $0x2000  }
0x324: {  	[sflag:s6] =	ssyncset.done $0x0  }
0x325: {  	s22 =	rddreg [dreg:$0x10];
	[sflag:s6] =	ssyncadd.s32 $0xFFFFE000  }
0x326: {  	[tilespmem:s5], [sflag:$0x5] =	stream.linear.gather [spmem:s22], $0x2000, $0x38;
	[tilespmem:$0x1D280] =	vst v63  }
0x327: {  	_ =	swait.ge [sflag:s6], $0x2000  }
0x328: {  	[sflag:s6] =	ssyncset.done $0x0  }
0x329: {  	s24 =	rddreg [dreg:$0x6];
	[sflag:s6] =	ssyncadd.s32 $0xFFFFE000  }
0x32a: {  	[hbm4b:s24+s2] =	stream.linear.scatter [tilespmem:s5], [sflag:$0x5], $0x2000, $0x38;
	[tilespmem:$0x1D280] =	vst v63  }
0x32b: {  	_ =	swait.ge [sflag:s6], $0x2000  }
0x32c: {  	[sflag:s6] =	ssyncset.done $0x0  }
0x32d: {  	s25 =	rddreg [dreg:$0x11];
	[sflag:s6] =	ssyncadd.s32 $0xFFFFE000  }
0x32e: {  	[tilespmem:s5], [sflag:$0x5] =	stream.linear.gather [spmem:s25], $0x2000, $0x38;
	[tilespmem:$0x1D280] =	vst v63  }
0x32f: {  	_ =	swait.ge [sflag:s6], $0x2000  }
0x330: {  	[sflag:s6] =	ssyncset.done $0x0  }
0x331: {  	s22 =	rddreg [dreg:$0x7];
	[sflag:s6] =	ssyncadd.s32 $0xFFFFE000  }
0x332: {  	[hbm4b:s22+s2] =	stream.linear.scatter [tilespmem:s5], [sflag:$0x5], $0x2000, $0x38;
	[tilespmem:$0x1D280] =	vst v63  }
0x333: {  	_ =	swait.ge [sflag:s6], $0x2000  }
0x334: {  	[sflag:s6] =	ssyncset.done $0x0  }
0x335: {  	s24 =	rddreg [dreg:$0x12];
	[sflag:s6] =	ssyncadd.s32 $0xFFFFE000  }
0x336: {  	[tilespmem:s5], [sflag:$0x5] =	stream.linear.gather [spmem:s24], $0x2000, $0x38;
	[tilespmem:$0x1D280] =	vst v63  }
0x337: {  	_ =	swait.ge [sflag:s6], $0x2000  }
0x338: {  	[sflag:s6] =	ssyncset.done $0x0  }
0x339: {  	s25 =	rddreg [dreg:$0x8];
	[sflag:s6] =	ssyncadd.s32 $0xFFFFE000  }
0x33a: {  	[hbm4b:s25+s2] =	stream.linear.scatter [tilespmem:s5], [sflag:$0x5], $0x2000, $0x38;
	[tilespmem:$0x1D280] =	vst v63  }
0x33b: {  	_ =	swait.ge [sflag:s6], $0x2000  }
0x33c: {  	[sflag:s6] =	ssyncset.done $0x0  }
0x33d: {  	s22 =	rddreg [dreg:$0x13];
	[sflag:s6] =	ssyncadd.s32 $0xFFFFE000  }
0x33e: {  	[tilespmem:s5], [sflag:$0x5] =	stream.linear.gather [spmem:s22], $0x2000, $0x38;
	[tilespmem:$0x1D280] =	vst v63  }
0x33f: {  	_ =	swait.ge [sflag:s6], $0x2000  }
0x340: {  	[sflag:s6] =	ssyncset.done $0x0  }
0x341: {  	s24 =	rddreg [dreg:$0x9];
	[sflag:s6] =	ssyncadd.s32 $0xFFFFE000  }
0x342: {  	[hbm4b:s24+s2] =	stream.linear.scatter [tilespmem:s5], [sflag:$0x5], $0x2000, $0x38;
	[tilespmem:$0x1D280] =	vst v63  }
0x343: {  	_ =	swait.ge [sflag:s6], $0x2000  }
0x344: {  	[sflag:s6] =	ssyncset.done $0x0  }
0x345: {  	s25 =	rddreg [dreg:$0x14];
	[sflag:s6] =	ssyncadd.s32 $0xFFFFE000  }
0x346: {  	[tilespmem:s5], [sflag:$0x5] =	stream.linear.gather [spmem:s25], $0x2000, $0x38;
	[tilespmem:$0x1D280] =	vst v63  }
0x347: {  	_ =	swait.ge [sflag:s6], $0x2000  }
0x348: {  	[sflag:s6] =	ssyncset.done $0x0  }
0x349: {  	s22 =	rddreg [dreg:$0xa];
	[sflag:s6] =	ssyncadd.s32 $0xFFFFE000  }
0x34a: {  	[hbm4b:s22+s2] =	stream.linear.scatter [tilespmem:s5], [sflag:$0x5], $0x2000, $0x38;
	[tilespmem:$0x1D280] =	vst v63  }
0x34b: {  	_ =	swait.ge [sflag:s6], $0x2000  }
0x34c: {  	[sflag:s6] =	ssyncset.done $0x0  }
0x34d: {  	s24 =	rddreg [dreg:$0x15];
	[sflag:s6] =	ssyncadd.s32 $0xFFFFE000  }
0x34e: {  	[tilespmem:s5], [sflag:$0x5] =	stream.linear.gather [spmem:s24], $0x2000, $0x38;
	[tilespmem:$0x1D280] =	vst v63  }
0x34f: {  	_ =	swait.ge [sflag:s6], $0x2000  }
0x350: {  	[sflag:s6] =	ssyncset.done $0x0  }
0x351: {  	s25 =	rddreg [dreg:$0xb];
	[sflag:s6] =	ssyncadd.s32 $0xFFFFE000  }
0x352: {  	[hbm4b:s25+s2] =	stream.linear.scatter [tilespmem:s5], [sflag:$0x5], $0x2000, $0x38;
	[tilespmem:$0x1D280] =	vst v63  }
0x353: {  	_ =	swait.ge [sflag:s6], $0x2000  }
0x354: {  	[sflag:s6] =	ssyncset.done $0x0  }
0x355: {  	s22 =	rddreg [dreg:$0x16];
	[sflag:s6] =	ssyncadd.s32 $0xFFFFE000  }
0x356: {  	[tilespmem:s5], [sflag:$0x5] =	stream.linear.gather [spmem:s22], $0x2000, $0x38;
	[tilespmem:$0x1D280] =	vst v63  }
0x357: {  	_ =	swait.ge [sflag:s6], $0x2000  }
0x358: {  	[sflag:s6] =	ssyncset.done $0x0  }
0x359: {  	s24 =	rddreg [dreg:$0xc];
	[sflag:s6] =	ssyncadd.s32 $0xFFFFE000  }
0x35a: {  	[hbm4b:s24+s2] =	stream.linear.scatter [tilespmem:s5], [sflag:$0x5], $0x2000, $0x38;
	[tilespmem:$0x1D280] =	vst v63  }
0x35b: {  	_ =	swait.ge [sflag:s6], $0x2000  }
0x35c: {  	[sflag:s6] =	ssyncset.done $0x0  }
0x35d: {  	s25 =	rddreg [dreg:$0x17];
	[sflag:s6] =	ssyncadd.s32 $0xFFFFE000  }
0x35e: {  	[tilespmem:s5], [sflag:$0x5] =	stream.linear.gather [spmem:s25], $0x2000, $0x38;
	[tilespmem:$0x1D280] =	vst v63  }
0x35f: {  	_ =	swait.ge [sflag:s6], $0x2000  }
0x360: {  	[sflag:s6] =	ssyncset.done $0x0  }
0x361: {  	s22 =	rddreg [dreg:$0xd];
	[sflag:s6] =	ssyncadd.s32 $0xFFFFE000  }
0x362: {  	[hbm4b:s22+s2] =	stream.linear.scatter [tilespmem:s5], [sflag:$0x5], $0x2000, $0x38;
	[tilespmem:$0x1D280] =	vst v63  }
0x363: {  	_ =	swait.ge [sflag:s6], $0x2000  }
0x364: {  	[sflag:s6] =	ssyncset.done $0x0  }
0x365: {  	s24 =	rddreg [dreg:$0x18];
	[sflag:s6] =	ssyncadd.s32 $0xFFFFE000  }
0x366: {  	[tilespmem:s5], [sflag:$0x5] =	stream.linear.gather [spmem:s24], $0x2000, $0x38;
	[tilespmem:$0x1D280] =	vst v63  }
0x367: {  	_ =	swait.ge [sflag:s6], $0x2000  }
0x368: {  	[sflag:s6] =	ssyncset.done $0x0  }
0x369: {  	s25 =	rddreg [dreg:$0xe];
	[sflag:s6] =	ssyncadd.s32 $0xFFFFE000  }
0x36a: {  	[hbm4b:s25+s2] =	stream.linear.scatter [tilespmem:s5], [sflag:$0x5], $0x2000, $0x38;
	[tilespmem:$0x1D280] =	vst v63  }
0x36b: {  	_ =	swait.ge [sflag:s6], $0x2000  }
0x36c: {  	[sflag:s6] =	ssyncset.done $0x0  }
0x36d: {  	s23 =	simm.s32 @!p0 $0x4C00;
	s24 =	simm.s32 @!p0 $0x5;
	[sflag:s6] =	ssyncadd.s32 $0xFFFFE000  }
0x36e: {  	[tilespmem:s23], [sflag:$0x5] =	stream.linear.gather @!p0 [spmem:s30], $0x400, $0x38;
	[tilespmem:$0x1D280] =	vst v63  }
0x36f: {  	_ =	swait.ge @!p0 [sflag:s24], $0x400  }
0x370: {  	[sflag:s24] =	ssyncset.done @!p0 $0x0  }
0x371: {  	s25 =	simm.s32 @!p0 $0x0;
	s22 =	rddreg [dreg:$0x1b];
	[sflag:s24] =	ssyncadd.s32 @!p0 $0xFFFFFC00  }
0x372: {  	[hbm4b:s22+s25] =	stream.linear.scatter @!p0 [tilespmem:s23], [sflag:$0x5], $0x400, $0x38;
	[tilespmem:$0x1D280] =	vst v63  }
0x373: {  	_ =	swait.ge @!p0 [sflag:s24], $0x400  }
0x374: {  	s22 =	rddreg [dreg:$0x1e]  }
0x375: {  	s25 =	rddreg [dreg:$0x1c];
	s23 =	sadd.s32 $0x1, s22  }
0x376: {  	p2 =	sne.s32 s23, s25  }
.Ltmp2:
0x377: {  	_ = 	snop;
	(pc) =	sbr.rel @p2 .LBB2_1-.Ltmp2, $3  }
0x378: {  	_ =	sdelay $0x1  }
0x379: {  	[sflag:s24] =	ssyncset.done @!p0 $0x0  }
0x37a: {  	[sflag:s24] =	ssyncadd.s32 @!p0 $0xFFFFFC00  }
0x37b: {  	_ =	sfence.sel $0x180000  }
0x37c: {  	[bflag:$0x0] =	sbarrier.arrive $0xFFFF  }
0x37d: {  	_ =	strace $0x90000047  }
0x37e: {  	s0 =	stileid.u32;
	[bflag:$0x2] =	sbarrier.arrive $0xFFFF  }
0x37f: {  	p0 =	sne.s32 s0, $0x0;
	s0 =	rddreg [dreg:$0x4]  }
0x380: {  	s0 =	sadd.s32 @!p0 $0x100000, s0  }
0x381: {  	[sflag:s0] =	ssyncadd.tile.s32 @!p0 $0x1;
	_ =	shalt  }
.Lfunc_end2:
_tile_overlayer_lowered:
.L_overlay_start_2:
0x382: {  	(tag) =	ssettag $0x2  }
0x383: {  	s0 =	rddreg [dreg:$0x0];
	s2 =	stileid.u32  }
0x384: {  	s1 =	rddreg [dreg:$0x1];
	p0 =	sne.s32 s2, $0x0  }
0x385: {  	s3 =	rddreg [dreg:$0x2];
	[bflag:$0x3] =	sbarrier.arrive $0xFFFF;
	s2 =	simm.s32 @!p0 $0x1C05  }
0x386: {  	[timem:s3], [sflag:s2] =	dma.local @!p0 [hbm:s0], s1  }
0x387: {  	s0 =	simm.s32 @!p0 $0x5  }
0x388: {  	_ =	swait.ge @!p0 [sflag:s0], s1  }
0x389: {  	s1 =	ssub.s32 @!p0 $0x0, s1;
	[sflag:s0] =	ssyncset.done @!p0 $0x0  }
0x38a: {  	[sflag:s0] =	ssyncadd.s32 @!p0 s1  }
0x38b: {  	[bflag:$0x3] =	sbarrier.arrive $0xFFFF  }
0x38c: {  	_ =	shalt  }

</sc_bundles>
